<compile_context>
chip_gen: v7x
topology: tpu7x:2x2x1
jax: 0.10.2.dev20260603
libtpu: 0.0.44.dev20260713+nightly
codegen_flags: <defaults>
</compile_context>

<pallas_src>
import functools

import jax
import jax.numpy as jnp
from jax import lax
from jax.experimental import pallas as pl
from jax.experimental.pallas import tpu as pltpu
from jax.experimental.pallas import tpu_sc as plsc

N = 10000
E = 320000
D = 128
G = 64

NC = 2
NS = 16
CHUNK = 125
EROWS = E // CHUNK
EROWS_PER_SC = EROWS // NC
EROWS_PER_TILE = EROWS_PER_SC // NS
STAGE = 40
NP = 10240
NROWS_PER_TILE = NP // NS
ZCH = 32
R = 2000
GRID = N // R


def _zero2d(ref, nrows, ncols):
  z = jnp.zeros((16,), jnp.float32)

  def body(i, c):
    for k in range(ncols // 16):
      ref[i, pl.ds(k * 16, 16)] = z
    return c

  lax.fori_loop(0, nrows, body, 0)


def _deg_body(dst_hbm, out_hbm, didx_v, ones_v, zeros_v, sem0, zsem, acc_sh):
  cid = lax.axis_index("c")
  sid = lax.axis_index("s")
  nbase = pl.multiple_of(sid * NROWS_PER_TILE, NROWS_PER_TILE)
  wid = cid * NS + sid

  pltpu.async_copy(dst_hbm.at[wid], didx_v, sem0)

  one = jnp.full((16,), 1.0, jnp.float32)
  zero = jnp.zeros((16,), jnp.float32)

  def init(i, c):
    ones_v[i, :] = one
    return c

  lax.fori_loop(0, CHUNK, init, 0)

  def initz(i, c):
    zeros_v[i, :] = zero
    return c

  lax.fori_loop(0, ZCH, initz, 0)

  for k in range(NROWS_PER_TILE // ZCH):
    pltpu.async_copy(zeros_v, acc_sh.at[pl.ds(nbase + k * ZCH, ZCH)], zsem)
  for k in range(NROWS_PER_TILE // ZCH):
    pltpu.make_async_copy(zeros_v, acc_sh.at[pl.ds(nbase + k * ZCH, ZCH)],
                          zsem).wait()
  pltpu.make_async_copy(dst_hbm.at[wid], didx_v, sem0).wait()
  plsc.subcore_barrier()

  PIPE = 16

  def fire(j, c):
    pltpu.async_copy(ones_v, acc_sh.at[didx_v.at[j]], zsem, add=True)
    return c

  def fire_drain(j, c):
    pltpu.async_copy(ones_v, acc_sh.at[didx_v.at[j]], zsem, add=True)
    pltpu.make_async_copy(ones_v, acc_sh.at[didx_v.at[j - PIPE]], zsem).wait()
    return c

  def drain(j, c):
    pltpu.make_async_copy(ones_v, acc_sh.at[didx_v.at[j]], zsem).wait()
    return c

  lax.fori_loop(0, PIPE, fire, 0)
  lax.fori_loop(PIPE, EROWS_PER_TILE, fire_drain, 0)
  lax.fori_loop(EROWS_PER_TILE - PIPE, EROWS_PER_TILE, drain, 0)
  plsc.subcore_barrier()

  pltpu.sync_copy(
      acc_sh.at[pl.ds(nbase, NROWS_PER_TILE)],
      out_hbm.at[cid, pl.ds(nbase, NROWS_PER_TILE), :],
  )


@functools.cache
def _deg_call():
  return pl.kernel(
      _deg_body,
      out_type=jax.ShapeDtypeStruct((NC, NP, 16), jnp.float32),
      mesh=plsc.VectorSubcoreMesh(core_axis_name="c", subcore_axis_name="s",
                                  num_cores=NC, num_subcores=NS),
      scratch_types=[
          pltpu.VMEM((EROWS_PER_TILE, CHUNK), jnp.int32),
          pltpu.VMEM((CHUNK, 16), jnp.float32),
          pltpu.VMEM((ZCH, 16), jnp.float32),
          pltpu.SemaphoreType.DMA,
          pltpu.SemaphoreType.DMA,
          pltpu.VMEM_SHARED((NP, 16), jnp.float32),
      ],
  )


def _scatter_body(g_hbm, src_hbm, dst_hbm, out_hbm, sidx_v, didx_v,
                  rows0_v, rows1_v, zeros_v, sem0, sem1, zsem, acc_sh):
  cid = lax.axis_index("c")
  sid = lax.axis_index("s")
  wid = cid * NS + sid
  nbase = pl.multiple_of(sid * NROWS_PER_TILE, NROWS_PER_TILE)

  _zero2d(zeros_v, ZCH, D)
  for k in range(NROWS_PER_TILE // ZCH):
    pltpu.async_copy(zeros_v, acc_sh.at[pl.ds(nbase + k * ZCH, ZCH)], zsem)
  for k in range(NROWS_PER_TILE // ZCH):
    pltpu.make_async_copy(zeros_v, acc_sh.at[pl.ds(nbase + k * ZCH, ZCH)],
                          zsem).wait()
  plsc.subcore_barrier()

  for s in range(EROWS_PER_TILE // STAGE):
    pltpu.async_copy(src_hbm.at[wid, pl.ds(s * STAGE, STAGE)], sidx_v, sem0)
    pltpu.async_copy(dst_hbm.at[wid, pl.ds(s * STAGE, STAGE)], didx_v, sem1)
    pltpu.make_async_copy(src_hbm.at[wid, pl.ds(s * STAGE, STAGE)], sidx_v,
                          sem0).wait()
    pltpu.make_async_copy(dst_hbm.at[wid, pl.ds(s * STAGE, STAGE)], didx_v,
                          sem1).wait()
    pltpu.async_copy(g_hbm.at[sidx_v.at[0]], rows0_v, sem0)

    def body(g, c):
      j0 = 2 * g
      pltpu.async_copy(g_hbm.at[sidx_v.at[j0 + 1]], rows1_v, sem1)
      pltpu.make_async_copy(g_hbm.at[sidx_v.at[j0]], rows0_v, sem0).wait()
      pltpu.sync_copy(rows0_v, acc_sh.at[didx_v.at[j0]], add=True)

      @pl.when(g < STAGE // 2 - 1)
      def _():
        pltpu.async_copy(g_hbm.at[sidx_v.at[j0 + 2]], rows0_v, sem0)

      pltpu.make_async_copy(g_hbm.at[sidx_v.at[j0 + 1]], rows1_v, sem1).wait()
      pltpu.sync_copy(rows1_v, acc_sh.at[didx_v.at[j0 + 1]], add=True)
      return c

    lax.fori_loop(0, STAGE // 2, body, 0)
  plsc.subcore_barrier()

  pltpu.sync_copy(
      acc_sh.at[pl.ds(nbase, NROWS_PER_TILE)],
      out_hbm.at[cid, pl.ds(nbase, NROWS_PER_TILE), :],
  )


@functools.cache
def _scatter_call():
  return pl.kernel(
      _scatter_body,
      out_type=jax.ShapeDtypeStruct((NC, NP, D), jnp.float32),
      mesh=plsc.VectorSubcoreMesh(core_axis_name="c", subcore_axis_name="s",
                                  num_cores=NC, num_subcores=NS),
      scratch_types=[
          pltpu.VMEM((STAGE, CHUNK), jnp.int32),
          pltpu.VMEM((STAGE, CHUNK), jnp.int32),
          pltpu.VMEM((CHUNK, D), jnp.float32),
          pltpu.VMEM((CHUNK, D), jnp.float32),
          pltpu.VMEM((ZCH, D), jnp.float32),
          pltpu.SemaphoreType.DMA,
          pltpu.SemaphoreType.DMA,
          pltpu.SemaphoreType.DMA,
          pltpu.VMEM_SHARED((NP, D), jnp.float32),
      ],
  )


def _dinv_block(degp_ref):
  deg = degp_ref[0, :, 0:1] + degp_ref[1, :, 0:1] + 1.0
  return lax.rsqrt(deg)


def _tc_first_body(x_ref, degp_ref, w_ref, g_ref):
  dinv = _dinv_block(degp_ref)
  g_ref[...] = jnp.dot(x_ref[...] * dinv, w_ref[...],
                       preferred_element_type=jnp.float32)


def _tc_mid_body(sp_ref, g_ref, degp_ref, b_ref, w_ref, gout_ref):
  dinv = _dinv_block(degp_ref)
  h = jax.nn.relu(dinv * (sp_ref[0] + sp_ref[1] + g_ref[...]) + b_ref[...])
  gout_ref[...] = jnp.dot(h * dinv, w_ref[...],
                          preferred_element_type=jnp.float32)


def _tc_pool_body(sp_ref, g_ref, degp_ref, b_ref, batch_ref, out_ref, cnt_ref):
  i = pl.program_id(0)
  dinv = _dinv_block(degp_ref)
  h = dinv * (sp_ref[0] + sp_ref[1] + g_ref[...]) + b_ref[...]
  ids = batch_ref[0, 0, :]
  onehot = (ids[:, None] == lax.broadcasted_iota(jnp.int32, (R, G), 1))
  p = onehot.astype(jnp.float32)
  contrib = lax.dot_general(p, h, (((0,), (0,)), ((), ())),
                            preferred_element_type=jnp.float32)
  c = jnp.broadcast_to(jnp.sum(p, axis=0)[:, None], (G, D))

  @pl.when(i == 0)
  def _():
    out_ref[...] = contrib
    cnt_ref[...] = c

  @pl.when(i > 0)
  def _():
    out_ref[...] += contrib
    cnt_ref[...] += c

  @pl.when(i == pl.num_programs(0) - 1)
  def _():
    out_ref[...] = out_ref[...] / jnp.maximum(cnt_ref[...], 1.0)


_spec_rows = pl.BlockSpec((R, D), lambda i: (i, 0))
_spec_parts = pl.BlockSpec((NC, R, D), lambda i: (0, i, 0))
_spec_deg = pl.BlockSpec((NC, R, 16), lambda i: (0, i, 0))
_spec_w = pl.BlockSpec((D, D), lambda i: (0, 0))
_spec_b = pl.BlockSpec((1, D), lambda i: (0, 0))

_tc_first = pl.pallas_call(
    _tc_first_body,
    grid=(GRID,),
    in_specs=[_spec_rows, _spec_deg, _spec_w],
    out_specs=_spec_rows,
    out_shape=jax.ShapeDtypeStruct((N, D), jnp.float32),
)

_tc_mid = pl.pallas_call(
    _tc_mid_body,
    grid=(GRID,),
    in_specs=[_spec_parts, _spec_rows, _spec_deg, _spec_b, _spec_w],
    out_specs=_spec_rows,
    out_shape=jax.ShapeDtypeStruct((N, D), jnp.float32),
)

_tc_pool = pl.pallas_call(
    _tc_pool_body,
    grid=(GRID,),
    in_specs=[_spec_parts, _spec_rows, _spec_deg, _spec_b,
              pl.BlockSpec((1, 1, R), lambda i: (i, 0, 0))],
    out_specs=pl.BlockSpec((G, D), lambda i: (0, 0)),
    out_shape=jax.ShapeDtypeStruct((G, D), jnp.float32),
    scratch_shapes=[pltpu.VMEM((G, D), jnp.float32)],
)


def kernel(x, edge_index, batch, W1, b1, W2, b2, W3, b3):
  src2d = edge_index[0].reshape(NC * NS, EROWS_PER_TILE, CHUNK)
  dst2d = edge_index[1].reshape(NC * NS, EROWS_PER_TILE, CHUNK)
  batch3d = batch.reshape(GRID, 1, R)

  degp = _deg_call()(dst2d)
  g1 = _tc_first(x, degp, W1)
  s1 = _scatter_call()(g1, src2d, dst2d)
  g2 = _tc_mid(s1, g1, degp, b1.reshape(1, D), W2)
  s2 = _scatter_call()(g2, src2d, dst2d)
  g3 = _tc_mid(s2, g2, degp, b2.reshape(1, D), W3)
  s3 = _scatter_call()(g3, src2d, dst2d)
  return _tc_pool(s3, g3, degp, b3.reshape(1, D), batch3d)

# --- scband reference (transcript-rebuilt; emitter-appended) ---
"""Pipeline reference for scband-recipe-gnn-61838939128118 (READ-ONLY COPY).

The authoritative reference and input builder live on the scoring server;
editing this copy changes nothing except your own understanding.
"""

import jax, jax.numpy as jnp
import numpy as np

N = 10000
E = 320000
D_IN = 128
D_H = 128
D_OUT = 128
G = 64


def setup_inputs(seed: int = 0) -> dict:
    key = jax.random.key(seed)
    ks = jax.random.split(key, 10)
    x = jax.random.normal(ks[0], (N, D_IN), dtype=jnp.float32)
    edge_index = jax.random.randint(ks[1], (2, E), 0, N, dtype=jnp.int32)
    batch = jnp.sort(jax.random.randint(ks[2], (N,), 0, G, dtype=jnp.int32))
    # GCNConv params: linear weight [in, out] (no bias in lin), bias added after aggregation
    W1 = jax.random.normal(ks[3], (D_IN, D_H), dtype=jnp.float32) * (1.0 / np.sqrt(D_IN))
    b1 = jnp.zeros((D_H,), dtype=jnp.float32)
    W2 = jax.random.normal(ks[4], (D_H, D_H), dtype=jnp.float32) * (1.0 / np.sqrt(D_H))
    b2 = jnp.zeros((D_H,), dtype=jnp.float32)
    W3 = jax.random.normal(ks[5], (D_H, D_OUT), dtype=jnp.float32) * (1.0 / np.sqrt(D_H))
    b3 = jnp.zeros((D_OUT,), dtype=jnp.float32)
    return {"x": x, "edge_index": edge_index, "batch": batch,
            "W1": W1, "b1": b1, "W2": W2, "b2": b2, "W3": W3, "b3": b3}


def _gcn_conv(x, W, b, src, dst, n_nodes):
    # PyG GCNConv: add self-loops, symmetric normalization deg^-1/2 A deg^-1/2
    h = x @ W
    deg = jnp.zeros((n_nodes,), dtype=h.dtype).at[dst].add(1.0)
    dinv = jnp.where(deg > 0, jax.lax.rsqrt(deg), 0.0)
    norm = dinv[src] * dinv[dst]
    msg = h[src] * norm[:, None]
    out = jnp.zeros((n_nodes, h.shape[1]), dtype=h.dtype).at[dst].add(msg)
    return out + b


def reference(x, edge_index, batch, W1, b1, W2, b2, W3, b3):
    n = x.shape[0]
    loop = jnp.arange(n, dtype=edge_index.dtype)
    src = jnp.concatenate([edge_index[0], loop])
    dst = jnp.concatenate([edge_index[1], loop])
    h = jax.nn.relu(_gcn_conv(x, W1, b1, src, dst, n))
    # dropout is identity in eval mode
    h = jax.nn.relu(_gcn_conv(h, W2, b2, src, dst, n))
    h = _gcn_conv(h, W3, b3, src, dst, n)
    # global_mean_pool over batch ids
    sums = jax.ops.segment_sum(h, batch, num_segments=G)
    counts = jax.ops.segment_sum(jnp.ones((n,), dtype=h.dtype), batch, num_segments=G)
    counts = jnp.maximum(counts, 1.0)
    return sums / counts[:, None]

if __name__ == "__main__":
    import jax
    _d = setup_inputs()
    print(jax.jit(kernel)(*tuple(_d.values())))

</pallas_src>

<mosaic_0001>
#map = affine_map<(d0, d1) -> (0, 0)>
#map1 = affine_map<(d0, d1) -> (0, 0, 0)>
module attributes {stable_mosaic.version = 14 : i64} {
  func.func @_scatter_body(%arg0: i32, %arg1: i32, %arg2: memref<10000x128xf32, #tpu.memory_space<hbm>>, %arg3: memref<32x80x125xi32, #tpu.memory_space<hbm>>, %arg4: memref<32x80x125xi32, #tpu.memory_space<hbm>>, %arg5: memref<2x10240x128xf32, #tpu.memory_space<hbm>>, %arg6: memref<40x125xi32, #tpu.memory_space<vmem>>, %arg7: memref<40x125xi32, #tpu.memory_space<vmem>>, %arg8: memref<125x128xf32, #tpu.memory_space<vmem>>, %arg9: memref<125x128xf32, #tpu.memory_space<vmem>>, %arg10: memref<32x128xf32, #tpu.memory_space<vmem>>, %arg11: memref<!tpu.dma_semaphore, #tpu.memory_space<semaphore_mem>>, %arg12: memref<!tpu.dma_semaphore, #tpu.memory_space<semaphore_mem>>, %arg13: memref<!tpu.dma_semaphore, #tpu.memory_space<semaphore_mem>>, %arg14: memref<10240x128xf32, #tpu.memory_space<vmem_shared>>) attributes {dimension_semantics = [#tpu.dimension_semantics<core_parallel>, #tpu.dimension_semantics<subcore_parallel>], iteration_bounds = array<i64: 2, 16>, scalar_prefetch = 0 : i64, scratch_operands = 9 : i64, tpu.core_type = #tpu.core_type<sc_vector_subcore>, window_params = [{transform_indices = #map}, {transform_indices = #map1}, {transform_indices = #map1}, {transform_indices = #map1}]} {
    %mul3A = arith.constant 16 : i32
    %mul3A_0 = arith.muli %arg0, %mul3A : i32
    %add3A = arith.addi %mul3A_0, %arg1 : i32
    %mul3A_1 = arith.constant 640 : i32
    %mul3A_2 = arith.muli %arg1, %mul3A_1 : i32
    %multiple_of3A = tpu.assume_multiple %mul3A_2, 640 : i32
    %broadcast_in_dim3A = arith.constant 0.000000e+00 : f32
    %broadcast_in_dim3A_3 = vector.broadcast %broadcast_in_dim3A : f32 to vector<16xf32>
    %scan3A = arith.constant 0 : i32
    %scan3A_4 = arith.constant 0 : i32
    %scan3A_5 = arith.constant 32 : i32
    %scan3A_6 = arith.addi %scan3A_4, %scan3A_5 : i32
    %scan3A_7 = arith.constant 1 : i32
    scf.for %scan3A_338 = %scan3A_4 to %scan3A_6 step %scan3A_7  : i32 {
      %swap3A = arith.index_cast %scan3A_338 : i32 to index
      %swap3A_339 = arith.constant 0 : index
      %swap3A_340 = tpu.vector_load %arg10[%swap3A, %swap3A_339] {strides = array<i32>} : memref<32x128xf32, #tpu.memory_space<vmem>>, vector<1x16xf32>,
      %swap3A_341 = vector.shape_cast %swap3A_340 : vector<1x16xf32> to vector<16xf32>
      %swap3A_342 = vector.shape_cast %broadcast_in_dim3A_3 : vector<16xf32> to vector<1x16xf32>
      tpu.vector_store %arg10[%swap3A, %swap3A_339], %swap3A_342 {strides = array<i32>} : memref<32x128xf32, #tpu.memory_space<vmem>>, vector<1x16xf32>,
      %swap3A_343 = arith.index_cast %scan3A_338 : i32 to index
      %swap3A_344 = arith.constant 16 : index
      %swap3A_345 = tpu.vector_load %arg10[%swap3A_343, %swap3A_344] {strides = array<i32>} : memref<32x128xf32, #tpu.memory_space<vmem>>, vector<1x16xf32>,
      %swap3A_346 = vector.shape_cast %swap3A_345 : vector<1x16xf32> to vector<16xf32>
      %swap3A_347 = vector.shape_cast %broadcast_in_dim3A_3 : vector<16xf32> to vector<1x16xf32>
      tpu.vector_store %arg10[%swap3A_343, %swap3A_344], %swap3A_347 {strides = array<i32>} : memref<32x128xf32, #tpu.memory_space<vmem>>, vector<1x16xf32>,
      %swap3A_348 = arith.index_cast %scan3A_338 : i32 to index
      %swap3A_349 = arith.constant 32 : index
      %swap3A_350 = tpu.vector_load %arg10[%swap3A_348, %swap3A_349] {strides = array<i32>} : memref<32x128xf32, #tpu.memory_space<vmem>>, vector<1x16xf32>,
      %swap3A_351 = vector.shape_cast %swap3A_350 : vector<1x16xf32> to vector<16xf32>
      %swap3A_352 = vector.shape_cast %broadcast_in_dim3A_3 : vector<16xf32> to vector<1x16xf32>
      tpu.vector_store %arg10[%swap3A_348, %swap3A_349], %swap3A_352 {strides = array<i32>} : memref<32x128xf32, #tpu.memory_space<vmem>>, vector<1x16xf32>,
      %swap3A_353 = arith.index_cast %scan3A_338 : i32 to index
      %swap3A_354 = arith.constant 48 : index
      %swap3A_355 = tpu.vector_load %arg10[%swap3A_353, %swap3A_354] {strides = array<i32>} : memref<32x128xf32, #tpu.memory_space<vmem>>, vector<1x16xf32>,
      %swap3A_356 = vector.shape_cast %swap3A_355 : vector<1x16xf32> to vector<16xf32>
      %swap3A_357 = vector.shape_cast %broadcast_in_dim3A_3 : vector<16xf32> to vector<1x16xf32>
      tpu.vector_store %arg10[%swap3A_353, %swap3A_354], %swap3A_357 {strides = array<i32>} : memref<32x128xf32, #tpu.memory_space<vmem>>, vector<1x16xf32>,
      %swap3A_358 = arith.index_cast %scan3A_338 : i32 to index
      %swap3A_359 = arith.constant 64 : index
      %swap3A_360 = tpu.vector_load %arg10[%swap3A_358, %swap3A_359] {strides = array<i32>} : memref<32x128xf32, #tpu.memory_space<vmem>>, vector<1x16xf32>,
      %swap3A_361 = vector.shape_cast %swap3A_360 : vector<1x16xf32> to vector<16xf32>
      %swap3A_362 = vector.shape_cast %broadcast_in_dim3A_3 : vector<16xf32> to vector<1x16xf32>
      tpu.vector_store %arg10[%swap3A_358, %swap3A_359], %swap3A_362 {strides = array<i32>} : memref<32x128xf32, #tpu.memory_space<vmem>>, vector<1x16xf32>,
      %swap3A_363 = arith.index_cast %scan3A_338 : i32 to index
      %swap3A_364 = arith.constant 80 : index
      %swap3A_365 = tpu.vector_load %arg10[%swap3A_363, %swap3A_364] {strides = array<i32>} : memref<32x128xf32, #tpu.memory_space<vmem>>, vector<1x16xf32>,
      %swap3A_366 = vector.shape_cast %swap3A_365 : vector<1x16xf32> to vector<16xf32>
      %swap3A_367 = vector.shape_cast %broadcast_in_dim3A_3 : vector<16xf32> to vector<1x16xf32>
      tpu.vector_store %arg10[%swap3A_363, %swap3A_364], %swap3A_367 {strides = array<i32>} : memref<32x128xf32, #tpu.memory_space<vmem>>, vector<1x16xf32>,
      %swap3A_368 = arith.index_cast %scan3A_338 : i32 to index
      %swap3A_369 = arith.constant 96 : index
      %swap3A_370 = tpu.vector_load %arg10[%swap3A_368, %swap3A_369] {strides = array<i32>} : memref<32x128xf32, #tpu.memory_space<vmem>>, vector<1x16xf32>,
      %swap3A_371 = vector.shape_cast %swap3A_370 : vector<1x16xf32> to vector<16xf32>
      %swap3A_372 = vector.shape_cast %broadcast_in_dim3A_3 : vector<16xf32> to vector<1x16xf32>
      tpu.vector_store %arg10[%swap3A_368, %swap3A_369], %swap3A_372 {strides = array<i32>} : memref<32x128xf32, #tpu.memory_space<vmem>>, vector<1x16xf32>,
      %swap3A_373 = arith.index_cast %scan3A_338 : i32 to index
      %swap3A_374 = arith.constant 112 : index
      %swap3A_375 = tpu.vector_load %arg10[%swap3A_373, %swap3A_374] {strides = array<i32>} : memref<32x128xf32, #tpu.memory_space<vmem>>, vector<1x16xf32>,
      %swap3A_376 = vector.shape_cast %swap3A_375 : vector<1x16xf32> to vector<16xf32>
      %swap3A_377 = vector.shape_cast %broadcast_in_dim3A_3 : vector<16xf32> to vector<1x16xf32>
      tpu.vector_store %arg10[%swap3A_373, %swap3A_374], %swap3A_377 {strides = array<i32>} : memref<32x128xf32, #tpu.memory_space<vmem>>, vector<1x16xf32>,
    }
    %scan3A_8 = arith.constant 32 : i32
    %add3A_9 = arith.constant 0 : i32
    %add3A_10 = arith.addi %multiple_of3A, %add3A_9 : i32
    %dma_start3A = arith.constant 0 : i32
    %dma_start3A_11 = tpu.memref_slice %arg14[%add3A_10, %dma_start3A] : memref<10240x128xf32, #tpu.memory_space<vmem_shared>> -> memref<32x128xf32, #tpu.memory_space<vmem_shared>>
    %dma_start3A_12 = arith.constant 0 : i32
    %dma_start3A_13 = tpu.memref_slice %arg14[%add3A_10, %dma_start3A_12] : memref<10240x128xf32, #tpu.memory_space<vmem_shared>> -> memref<32x128xf32, #tpu.memory_space<vmem_shared>>
    tpu.enqueue_dma source(%arg10 : memref<32x128xf32, #tpu.memory_space<vmem>>) target(%dma_start3A_13 : memref<32x128xf32, #tpu.memory_space<vmem_shared>>) target_semaphore(%arg13 : memref<!tpu.dma_semaphore, #tpu.memory_space<semaphore_mem>>)
    %add3A_14 = arith.constant 32 : i32
    %add3A_15 = arith.addi %multiple_of3A, %add3A_14 : i32
    %dma_start3A_16 = arith.constant 0 : i32
    %dma_start3A_17 = tpu.memref_slice %arg14[%add3A_15, %dma_start3A_16] : memref<10240x128xf32, #tpu.memory_space<vmem_shared>> -> memref<32x128xf32, #tpu.memory_space<vmem_shared>>
    %dma_start3A_18 = arith.constant 0 : i32
    %dma_start3A_19 = tpu.memref_slice %arg14[%add3A_15, %dma_start3A_18] : memref<10240x128xf32, #tpu.memory_space<vmem_shared>> -> memref<32x128xf32, #tpu.memory_space<vmem_shared>>
    tpu.enqueue_dma source(%arg10 : memref<32x128xf32, #tpu.memory_space<vmem>>) target(%dma_start3A_19 : memref<32x128xf32, #tpu.memory_space<vmem_shared>>) target_semaphore(%arg13 : memref<!tpu.dma_semaphore, #tpu.memory_space<semaphore_mem>>)
    %add3A_20 = arith.constant 64 : i32
    %add3A_21 = arith.addi %multiple_of3A, %add3A_20 : i32
    %dma_start3A_22 = arith.constant 0 : i32
    %dma_start3A_23 = tpu.memref_slice %arg14[%add3A_21, %dma_start3A_22] : memref<10240x128xf32, #tpu.memory_space<vmem_shared>> -> memref<32x128xf32, #tpu.memory_space<vmem_shared>>
    %dma_start3A_24 = arith.constant 0 : i32
    %dma_start3A_25 = tpu.memref_slice %arg14[%add3A_21, %dma_start3A_24] : memref<10240x128xf32, #tpu.memory_space<vmem_shared>> -> memref<32x128xf32, #tpu.memory_space<vmem_shared>>
    tpu.enqueue_dma source(%arg10 : memref<32x128xf32, #tpu.memory_space<vmem>>) target(%dma_start3A_25 : memref<32x128xf32, #tpu.memory_space<vmem_shared>>) target_semaphore(%arg13 : memref<!tpu.dma_semaphore, #tpu.memory_space<semaphore_mem>>)
    %add3A_26 = arith.constant 96 : i32
    %add3A_27 = arith.addi %multiple_of3A, %add3A_26 : i32
    %dma_start3A_28 = arith.constant 0 : i32
    %dma_start3A_29 = tpu.memref_slice %arg14[%add3A_27, %dma_start3A_28] : memref<10240x128xf32, #tpu.memory_space<vmem_shared>> -> memref<32x128xf32, #tpu.memory_space<vmem_shared>>
    %dma_start3A_30 = arith.constant 0 : i32
    %dma_start3A_31 = tpu.memref_slice %arg14[%add3A_27, %dma_start3A_30] : memref<10240x128xf32, #tpu.memory_space<vmem_shared>> -> memref<32x128xf32, #tpu.memory_space<vmem_shared>>
    tpu.enqueue_dma source(%arg10 : memref<32x128xf32, #tpu.memory_space<vmem>>) target(%dma_start3A_31 : memref<32x128xf32, #tpu.memory_space<vmem_shared>>) target_semaphore(%arg13 : memref<!tpu.dma_semaphore, #tpu.memory_space<semaphore_mem>>)
    %add3A_32 = arith.constant 128 : i32
    %add3A_33 = arith.addi %multiple_of3A, %add3A_32 : i32
    %dma_start3A_34 = arith.constant 0 : i32
    %dma_start3A_35 = tpu.memref_slice %arg14[%add3A_33, %dma_start3A_34] : memref<10240x128xf32, #tpu.memory_space<vmem_shared>> -> memref<32x128xf32, #tpu.memory_space<vmem_shared>>
    %dma_start3A_36 = arith.constant 0 : i32
    %dma_start3A_37 = tpu.memref_slice %arg14[%add3A_33, %dma_start3A_36] : memref<10240x128xf32, #tpu.memory_space<vmem_shared>> -> memref<32x128xf32, #tpu.memory_space<vmem_shared>>
    tpu.enqueue_dma source(%arg10 : memref<32x128xf32, #tpu.memory_space<vmem>>) target(%dma_start3A_37 : memref<32x128xf32, #tpu.memory_space<vmem_shared>>) target_semaphore(%arg13 : memref<!tpu.dma_semaphore, #tpu.memory_space<semaphore_mem>>)
    %add3A_38 = arith.constant 160 : i32
    %add3A_39 = arith.addi %multiple_of3A, %add3A_38 : i32
    %dma_start3A_40 = arith.constant 0 : i32
    %dma_start3A_41 = tpu.memref_slice %arg14[%add3A_39, %dma_start3A_40] : memref<10240x128xf32, #tpu.memory_space<vmem_shared>> -> memref<32x128xf32, #tpu.memory_space<vmem_shared>>
    %dma_start3A_42 = arith.constant 0 : i32
    %dma_start3A_43 = tpu.memref_slice %arg14[%add3A_39, %dma_start3A_42] : memref<10240x128xf32, #tpu.memory_space<vmem_shared>> -> memref<32x128xf32, #tpu.memory_space<vmem_shared>>
    tpu.enqueue_dma source(%arg10 : memref<32x128xf32, #tpu.memory_space<vmem>>) target(%dma_start3A_43 : memref<32x128xf32, #tpu.memory_space<vmem_shared>>) target_semaphore(%arg13 : memref<!tpu.dma_semaphore, #tpu.memory_space<semaphore_mem>>)
    %add3A_44 = arith.constant 192 : i32
    %add3A_45 = arith.addi %multiple_of3A, %add3A_44 : i32
    %dma_start3A_46 = arith.constant 0 : i32
    %dma_start3A_47 = tpu.memref_slice %arg14[%add3A_45, %dma_start3A_46] : memref<10240x128xf32, #tpu.memory_space<vmem_shared>> -> memref<32x128xf32, #tpu.memory_space<vmem_shared>>
    %dma_start3A_48 = arith.constant 0 : i32
    %dma_start3A_49 = tpu.memref_slice %arg14[%add3A_45, %dma_start3A_48] : memref<10240x128xf32, #tpu.memory_space<vmem_shared>> -> memref<32x128xf32, #tpu.memory_space<vmem_shared>>
    tpu.enqueue_dma source(%arg10 : memref<32x128xf32, #tpu.memory_space<vmem>>) target(%dma_start3A_49 : memref<32x128xf32, #tpu.memory_space<vmem_shared>>) target_semaphore(%arg13 : memref<!tpu.dma_semaphore, #tpu.memory_space<semaphore_mem>>)
    %add3A_50 = arith.constant 224 : i32
    %add3A_51 = arith.addi %multiple_of3A, %add3A_50 : i32
    %dma_start3A_52 = arith.constant 0 : i32
    %dma_start3A_53 = tpu.memref_slice %arg14[%add3A_51, %dma_start3A_52] : memref<10240x128xf32, #tpu.memory_space<vmem_shared>> -> memref<32x128xf32, #tpu.memory_space<vmem_shared>>
    %dma_start3A_54 = arith.constant 0 : i32
    %dma_start3A_55 = tpu.memref_slice %arg14[%add3A_51, %dma_start3A_54] : memref<10240x128xf32, #tpu.memory_space<vmem_shared>> -> memref<32x128xf32, #tpu.memory_space<vmem_shared>>
    tpu.enqueue_dma source(%arg10 : memref<32x128xf32, #tpu.memory_space<vmem>>) target(%dma_start3A_55 : memref<32x128xf32, #tpu.memory_space<vmem_shared>>) target_semaphore(%arg13 : memref<!tpu.dma_semaphore, #tpu.memory_space<semaphore_mem>>)
    %add3A_56 = arith.constant 256 : i32
    %add3A_57 = arith.addi %multiple_of3A, %add3A_56 : i32
    %dma_start3A_58 = arith.constant 0 : i32
    %dma_start3A_59 = tpu.memref_slice %arg14[%add3A_57, %dma_start3A_58] : memref<10240x128xf32, #tpu.memory_space<vmem_shared>> -> memref<32x128xf32, #tpu.memory_space<vmem_shared>>
    %dma_start3A_60 = arith.constant 0 : i32
    %dma_start3A_61 = tpu.memref_slice %arg14[%add3A_57, %dma_start3A_60] : memref<10240x128xf32, #tpu.memory_space<vmem_shared>> -> memref<32x128xf32, #tpu.memory_space<vmem_shared>>
    tpu.enqueue_dma source(%arg10 : memref<32x128xf32, #tpu.memory_space<vmem>>) target(%dma_start3A_61 : memref<32x128xf32, #tpu.memory_space<vmem_shared>>) target_semaphore(%arg13 : memref<!tpu.dma_semaphore, #tpu.memory_space<semaphore_mem>>)
    %add3A_62 = arith.constant 288 : i32
    %add3A_63 = arith.addi %multiple_of3A, %add3A_62 : i32
    %dma_start3A_64 = arith.constant 0 : i32
    %dma_start3A_65 = tpu.memref_slice %arg14[%add3A_63, %dma_start3A_64] : memref<10240x128xf32, #tpu.memory_space<vmem_shared>> -> memref<32x128xf32, #tpu.memory_space<vmem_shared>>
    %dma_start3A_66 = arith.constant 0 : i32
    %dma_start3A_67 = tpu.memref_slice %arg14[%add3A_63, %dma_start3A_66] : memref<10240x128xf32, #tpu.memory_space<vmem_shared>> -> memref<32x128xf32, #tpu.memory_space<vmem_shared>>
    tpu.enqueue_dma source(%arg10 : memref<32x128xf32, #tpu.memory_space<vmem>>) target(%dma_start3A_67 : memref<32x128xf32, #tpu.memory_space<vmem_shared>>) target_semaphore(%arg13 : memref<!tpu.dma_semaphore, #tpu.memory_space<semaphore_mem>>)
    %add3A_68 = arith.constant 320 : i32
    %add3A_69 = arith.addi %multiple_of3A, %add3A_68 : i32
    %dma_start3A_70 = arith.constant 0 : i32
    %dma_start3A_71 = tpu.memref_slice %arg14[%add3A_69, %dma_start3A_70] : memref<10240x128xf32, #tpu.memory_space<vmem_shared>> -> memref<32x128xf32, #tpu.memory_space<vmem_shared>>
    %dma_start3A_72 = arith.constant 0 : i32
    %dma_start3A_73 = tpu.memref_slice %arg14[%add3A_69, %dma_start3A_72] : memref<10240x128xf32, #tpu.memory_space<vmem_shared>> -> memref<32x128xf32, #tpu.memory_space<vmem_shared>>
    tpu.enqueue_dma source(%arg10 : memref<32x128xf32, #tpu.memory_space<vmem>>) target(%dma_start3A_73 : memref<32x128xf32, #tpu.memory_space<vmem_shared>>) target_semaphore(%arg13 : memref<!tpu.dma_semaphore, #tpu.memory_space<semaphore_mem>>)
    %add3A_74 = arith.constant 352 : i32
    %add3A_75 = arith.addi %multiple_of3A, %add3A_74 : i32
    %dma_start3A_76 = arith.constant 0 : i32
    %dma_start3A_77 = tpu.memref_slice %arg14[%add3A_75, %dma_start3A_76] : memref<10240x128xf32, #tpu.memory_space<vmem_shared>> -> memref<32x128xf32, #tpu.memory_space<vmem_shared>>
    %dma_start3A_78 = arith.constant 0 : i32
    %dma_start3A_79 = tpu.memref_slice %arg14[%add3A_75, %dma_start3A_78] : memref<10240x128xf32, #tpu.memory_space<vmem_shared>> -> memref<32x128xf32, #tpu.memory_space<vmem_shared>>
    tpu.enqueue_dma source(%arg10 : memref<32x128xf32, #tpu.memory_space<vmem>>) target(%dma_start3A_79 : memref<32x128xf32, #tpu.memory_space<vmem_shared>>) target_semaphore(%arg13 : memref<!tpu.dma_semaphore, #tpu.memory_space<semaphore_mem>>)
    %add3A_80 = arith.constant 384 : i32
    %add3A_81 = arith.addi %multiple_of3A, %add3A_80 : i32
    %dma_start3A_82 = arith.constant 0 : i32
    %dma_start3A_83 = tpu.memref_slice %arg14[%add3A_81, %dma_start3A_82] : memref<10240x128xf32, #tpu.memory_space<vmem_shared>> -> memref<32x128xf32, #tpu.memory_space<vmem_shared>>
    %dma_start3A_84 = arith.constant 0 : i32
    %dma_start3A_85 = tpu.memref_slice %arg14[%add3A_81, %dma_start3A_84] : memref<10240x128xf32, #tpu.memory_space<vmem_shared>> -> memref<32x128xf32, #tpu.memory_space<vmem_shared>>
    tpu.enqueue_dma source(%arg10 : memref<32x128xf32, #tpu.memory_space<vmem>>) target(%dma_start3A_85 : memref<32x128xf32, #tpu.memory_space<vmem_shared>>) target_semaphore(%arg13 : memref<!tpu.dma_semaphore, #tpu.memory_space<semaphore_mem>>)
    %add3A_86 = arith.constant 416 : i32
    %add3A_87 = arith.addi %multiple_of3A, %add3A_86 : i32
    %dma_start3A_88 = arith.constant 0 : i32
    %dma_start3A_89 = tpu.memref_slice %arg14[%add3A_87, %dma_start3A_88] : memref<10240x128xf32, #tpu.memory_space<vmem_shared>> -> memref<32x128xf32, #tpu.memory_space<vmem_shared>>
    %dma_start3A_90 = arith.constant 0 : i32
    %dma_start3A_91 = tpu.memref_slice %arg14[%add3A_87, %dma_start3A_90] : memref<10240x128xf32, #tpu.memory_space<vmem_shared>> -> memref<32x128xf32, #tpu.memory_space<vmem_shared>>
    tpu.enqueue_dma source(%arg10 : memref<32x128xf32, #tpu.memory_space<vmem>>) target(%dma_start3A_91 : memref<32x128xf32, #tpu.memory_space<vmem_shared>>) target_semaphore(%arg13 : memref<!tpu.dma_semaphore, #tpu.memory_space<semaphore_mem>>)
    %add3A_92 = arith.constant 448 : i32
    %add3A_93 = arith.addi %multiple_of3A, %add3A_92 : i32
    %dma_start3A_94 = arith.constant 0 : i32
    %dma_start3A_95 = tpu.memref_slice %arg14[%add3A_93, %dma_start3A_94] : memref<10240x128xf32, #tpu.memory_space<vmem_shared>> -> memref<32x128xf32, #tpu.memory_space<vmem_shared>>
    %dma_start3A_96 = arith.constant 0 : i32
    %dma_start3A_97 = tpu.memref_slice %arg14[%add3A_93, %dma_start3A_96] : memref<10240x128xf32, #tpu.memory_space<vmem_shared>> -> memref<32x128xf32, #tpu.memory_space<vmem_shared>>
    tpu.enqueue_dma source(%arg10 : memref<32x128xf32, #tpu.memory_space<vmem>>) target(%dma_start3A_97 : memref<32x128xf32, #tpu.memory_space<vmem_shared>>) target_semaphore(%arg13 : memref<!tpu.dma_semaphore, #tpu.memory_space<semaphore_mem>>)
    %add3A_98 = arith.constant 480 : i32
    %add3A_99 = arith.addi %multiple_of3A, %add3A_98 : i32
    %dma_start3A_100 = arith.constant 0 : i32
    %dma_start3A_101 = tpu.memref_slice %arg14[%add3A_99, %dma_start3A_100] : memref<10240x128xf32, #tpu.memory_space<vmem_shared>> -> memref<32x128xf32, #tpu.memory_space<vmem_shared>>
    %dma_start3A_102 = arith.constant 0 : i32
    %dma_start3A_103 = tpu.memref_slice %arg14[%add3A_99, %dma_start3A_102] : memref<10240x128xf32, #tpu.memory_space<vmem_shared>> -> memref<32x128xf32, #tpu.memory_space<vmem_shared>>
    tpu.enqueue_dma source(%arg10 : memref<32x128xf32, #tpu.memory_space<vmem>>) target(%dma_start3A_103 : memref<32x128xf32, #tpu.memory_space<vmem_shared>>) target_semaphore(%arg13 : memref<!tpu.dma_semaphore, #tpu.memory_space<semaphore_mem>>)
    %add3A_104 = arith.constant 512 : i32
    %add3A_105 = arith.addi %multiple_of3A, %add3A_104 : i32
    %dma_start3A_106 = arith.constant 0 : i32
    %dma_start3A_107 = tpu.memref_slice %arg14[%add3A_105, %dma_start3A_106] : memref<10240x128xf32, #tpu.memory_space<vmem_shared>> -> memref<32x128xf32, #tpu.memory_space<vmem_shared>>
    %dma_start3A_108 = arith.constant 0 : i32
    %dma_start3A_109 = tpu.memref_slice %arg14[%add3A_105, %dma_start3A_108] : memref<10240x128xf32, #tpu.memory_space<vmem_shared>> -> memref<32x128xf32, #tpu.memory_space<vmem_shared>>
    tpu.enqueue_dma source(%arg10 : memref<32x128xf32, #tpu.memory_space<vmem>>) target(%dma_start3A_109 : memref<32x128xf32, #tpu.memory_space<vmem_shared>>) target_semaphore(%arg13 : memref<!tpu.dma_semaphore, #tpu.memory_space<semaphore_mem>>)
    %add3A_110 = arith.constant 544 : i32
    %add3A_111 = arith.addi %multiple_of3A, %add3A_110 : i32
    %dma_start3A_112 = arith.constant 0 : i32
    %dma_start3A_113 = tpu.memref_slice %arg14[%add3A_111, %dma_start3A_112] : memref<10240x128xf32, #tpu.memory_space<vmem_shared>> -> memref<32x128xf32, #tpu.memory_space<vmem_shared>>
    %dma_start3A_114 = arith.constant 0 : i32
    %dma_start3A_115 = tpu.memref_slice %arg14[%add3A_111, %dma_start3A_114] : memref<10240x128xf32, #tpu.memory_space<vmem_shared>> -> memref<32x128xf32, #tpu.memory_space<vmem_shared>>
    tpu.enqueue_dma source(%arg10 : memref<32x128xf32, #tpu.memory_space<vmem>>) target(%dma_start3A_115 : memref<32x128xf32, #tpu.memory_space<vmem_shared>>) target_semaphore(%arg13 : memref<!tpu.dma_semaphore, #tpu.memory_space<semaphore_mem>>)
    %add3A_116 = arith.constant 576 : i32
    %add3A_117 = arith.addi %multiple_of3A, %add3A_116 : i32
    %dma_start3A_118 = arith.constant 0 : i32
    %dma_start3A_119 = tpu.memref_slice %arg14[%add3A_117, %dma_start3A_118] : memref<10240x128xf32, #tpu.memory_space<vmem_shared>> -> memref<32x128xf32, #tpu.memory_space<vmem_shared>>
    %dma_start3A_120 = arith.constant 0 : i32
    %dma_start3A_121 = tpu.memref_slice %arg14[%add3A_117, %dma_start3A_120] : memref<10240x128xf32, #tpu.memory_space<vmem_shared>> -> memref<32x128xf32, #tpu.memory_space<vmem_shared>>
    tpu.enqueue_dma source(%arg10 : memref<32x128xf32, #tpu.memory_space<vmem>>) target(%dma_start3A_121 : memref<32x128xf32, #tpu.memory_space<vmem_shared>>) target_semaphore(%arg13 : memref<!tpu.dma_semaphore, #tpu.memory_space<semaphore_mem>>)
    %add3A_122 = arith.constant 608 : i32
    %add3A_123 = arith.addi %multiple_of3A, %add3A_122 : i32
    %dma_start3A_124 = arith.constant 0 : i32
    %dma_start3A_125 = tpu.memref_slice %arg14[%add3A_123, %dma_start3A_124] : memref<10240x128xf32, #tpu.memory_space<vmem_shared>> -> memref<32x128xf32, #tpu.memory_space<vmem_shared>>
    %dma_start3A_126 = arith.constant 0 : i32
    %dma_start3A_127 = tpu.memref_slice %arg14[%add3A_123, %dma_start3A_126] : memref<10240x128xf32, #tpu.memory_space<vmem_shared>> -> memref<32x128xf32, #tpu.memory_space<vmem_shared>>
    tpu.enqueue_dma source(%arg10 : memref<32x128xf32, #tpu.memory_space<vmem>>) target(%dma_start3A_127 : memref<32x128xf32, #tpu.memory_space<vmem_shared>>) target_semaphore(%arg13 : memref<!tpu.dma_semaphore, #tpu.memory_space<semaphore_mem>>)
    %add3A_128 = arith.constant 0 : i32
    %add3A_129 = arith.addi %multiple_of3A, %add3A_128 : i32
    %dma_wait3A = arith.constant 0 : i32
    %dma_wait3A_130 = tpu.memref_slice %arg14[%add3A_129, %dma_wait3A] : memref<10240x128xf32, #tpu.memory_space<vmem_shared>> -> memref<32x128xf32, #tpu.memory_space<vmem_shared>>
    %dma_wait3A_131 = arith.constant 0 : i32
    %dma_wait3A_132 = tpu.memref_slice %arg14[%add3A_129, %dma_wait3A_131] : memref<10240x128xf32, #tpu.memory_space<vmem_shared>> -> memref<32x128xf32, #tpu.memory_space<vmem_shared>>
    tpu.wait_dma2 semaphore(%arg13 : memref<!tpu.dma_semaphore, #tpu.memory_space<semaphore_mem>>) src(%arg10 : memref<32x128xf32, #tpu.memory_space<vmem>>) dst(%dma_wait3A_132 : memref<32x128xf32, #tpu.memory_space<vmem_shared>>)
    %add3A_133 = arith.constant 32 : i32
    %add3A_134 = arith.addi %multiple_of3A, %add3A_133 : i32
    %dma_wait3A_135 = arith.constant 0 : i32
    %dma_wait3A_136 = tpu.memref_slice %arg14[%add3A_134, %dma_wait3A_135] : memref<10240x128xf32, #tpu.memory_space<vmem_shared>> -> memref<32x128xf32, #tpu.memory_space<vmem_shared>>
    %dma_wait3A_137 = arith.constant 0 : i32
    %dma_wait3A_138 = tpu.memref_slice %arg14[%add3A_134, %dma_wait3A_137] : memref<10240x128xf32, #tpu.memory_space<vmem_shared>> -> memref<32x128xf32, #tpu.memory_space<vmem_shared>>
    tpu.wait_dma2 semaphore(%arg13 : memref<!tpu.dma_semaphore, #tpu.memory_space<semaphore_mem>>) src(%arg10 : memref<32x128xf32, #tpu.memory_space<vmem>>) dst(%dma_wait3A_138 : memref<32x128xf32, #tpu.memory_space<vmem_shared>>)
    %add3A_139 = arith.constant 64 : i32
    %add3A_140 = arith.addi %multiple_of3A, %add3A_139 : i32
    %dma_wait3A_141 = arith.constant 0 : i32
    %dma_wait3A_142 = tpu.memref_slice %arg14[%add3A_140, %dma_wait3A_141] : memref<10240x128xf32, #tpu.memory_space<vmem_shared>> -> memref<32x128xf32, #tpu.memory_space<vmem_shared>>
    %dma_wait3A_143 = arith.constant 0 : i32
    %dma_wait3A_144 = tpu.memref_slice %arg14[%add3A_140, %dma_wait3A_143] : memref<10240x128xf32, #tpu.memory_space<vmem_shared>> -> memref<32x128xf32, #tpu.memory_space<vmem_shared>>
    tpu.wait_dma2 semaphore(%arg13 : memref<!tpu.dma_semaphore, #tpu.memory_space<semaphore_mem>>) src(%arg10 : memref<32x128xf32, #tpu.memory_space<vmem>>) dst(%dma_wait3A_144 : memref<32x128xf32, #tpu.memory_space<vmem_shared>>)
    %add3A_145 = arith.constant 96 : i32
    %add3A_146 = arith.addi %multiple_of3A, %add3A_145 : i32
    %dma_wait3A_147 = arith.constant 0 : i32
    %dma_wait3A_148 = tpu.memref_slice %arg14[%add3A_146, %dma_wait3A_147] : memref<10240x128xf32, #tpu.memory_space<vmem_shared>> -> memref<32x128xf32, #tpu.memory_space<vmem_shared>>
    %dma_wait3A_149 = arith.constant 0 : i32
    %dma_wait3A_150 = tpu.memref_slice %arg14[%add3A_146, %dma_wait3A_149] : memref<10240x128xf32, #tpu.memory_space<vmem_shared>> -> memref<32x128xf32, #tpu.memory_space<vmem_shared>>
    tpu.wait_dma2 semaphore(%arg13 : memref<!tpu.dma_semaphore, #tpu.memory_space<semaphore_mem>>) src(%arg10 : memref<32x128xf32, #tpu.memory_space<vmem>>) dst(%dma_wait3A_150 : memref<32x128xf32, #tpu.memory_space<vmem_shared>>)
    %add3A_151 = arith.constant 128 : i32
    %add3A_152 = arith.addi %multiple_of3A, %add3A_151 : i32
    %dma_wait3A_153 = arith.constant 0 : i32
    %dma_wait3A_154 = tpu.memref_slice %arg14[%add3A_152, %dma_wait3A_153] : memref<10240x128xf32, #tpu.memory_space<vmem_shared>> -> memref<32x128xf32, #tpu.memory_space<vmem_shared>>
    %dma_wait3A_155 = arith.constant 0 : i32
    %dma_wait3A_156 = tpu.memref_slice %arg14[%add3A_152, %dma_wait3A_155] : memref<10240x128xf32, #tpu.memory_space<vmem_shared>> -> memref<32x128xf32, #tpu.memory_space<vmem_shared>>
    tpu.wait_dma2 semaphore(%arg13 : memref<!tpu.dma_semaphore, #tpu.memory_space<semaphore_mem>>) src(%arg10 : memref<32x128xf32, #tpu.memory_space<vmem>>) dst(%dma_wait3A_156 : memref<32x128xf32, #tpu.memory_space<vmem_shared>>)
    %add3A_157 = arith.constant 160 : i32
    %add3A_158 = arith.addi %multiple_of3A, %add3A_157 : i32
    %dma_wait3A_159 = arith.constant 0 : i32
    %dma_wait3A_160 = tpu.memref_slice %arg14[%add3A_158, %dma_wait3A_159] : memref<10240x128xf32, #tpu.memory_space<vmem_shared>> -> memref<32x128xf32, #tpu.memory_space<vmem_shared>>
    %dma_wait3A_161 = arith.constant 0 : i32
    %dma_wait3A_162 = tpu.memref_slice %arg14[%add3A_158, %dma_wait3A_161] : memref<10240x128xf32, #tpu.memory_space<vmem_shared>> -> memref<32x128xf32, #tpu.memory_space<vmem_shared>>
    tpu.wait_dma2 semaphore(%arg13 : memref<!tpu.dma_semaphore, #tpu.memory_space<semaphore_mem>>) src(%arg10 : memref<32x128xf32, #tpu.memory_space<vmem>>) dst(%dma_wait3A_162 : memref<32x128xf32, #tpu.memory_space<vmem_shared>>)
    %add3A_163 = arith.constant 192 : i32
    %add3A_164 = arith.addi %multiple_of3A, %add3A_163 : i32
    %dma_wait3A_165 = arith.constant 0 : i32
    %dma_wait3A_166 = tpu.memref_slice %arg14[%add3A_164, %dma_wait3A_165] : memref<10240x128xf32, #tpu.memory_space<vmem_shared>> -> memref<32x128xf32, #tpu.memory_space<vmem_shared>>
    %dma_wait3A_167 = arith.constant 0 : i32
    %dma_wait3A_168 = tpu.memref_slice %arg14[%add3A_164, %dma_wait3A_167] : memref<10240x128xf32, #tpu.memory_space<vmem_shared>> -> memref<32x128xf32, #tpu.memory_space<vmem_shared>>
    tpu.wait_dma2 semaphore(%arg13 : memref<!tpu.dma_semaphore, #tpu.memory_space<semaphore_mem>>) src(%arg10 : memref<32x128xf32, #tpu.memory_space<vmem>>) dst(%dma_wait3A_168 : memref<32x128xf32, #tpu.memory_space<vmem_shared>>)
    %add3A_169 = arith.constant 224 : i32
    %add3A_170 = arith.addi %multiple_of3A, %add3A_169 : i32
    %dma_wait3A_171 = arith.constant 0 : i32
    %dma_wait3A_172 = tpu.memref_slice %arg14[%add3A_170, %dma_wait3A_171] : memref<10240x128xf32, #tpu.memory_space<vmem_shared>> -> memref<32x128xf32, #tpu.memory_space<vmem_shared>>
    %dma_wait3A_173 = arith.constant 0 : i32
    %dma_wait3A_174 = tpu.memref_slice %arg14[%add3A_170, %dma_wait3A_173] : memref<10240x128xf32, #tpu.memory_space<vmem_shared>> -> memref<32x128xf32, #tpu.memory_space<vmem_shared>>
    tpu.wait_dma2 semaphore(%arg13 : memref<!tpu.dma_semaphore, #tpu.memory_space<semaphore_mem>>) src(%arg10 : memref<32x128xf32, #tpu.memory_space<vmem>>) dst(%dma_wait3A_174 : memref<32x128xf32, #tpu.memory_space<vmem_shared>>)
    %add3A_175 = arith.constant 256 : i32
    %add3A_176 = arith.addi %multiple_of3A, %add3A_175 : i32
    %dma_wait3A_177 = arith.constant 0 : i32
    %dma_wait3A_178 = tpu.memref_slice %arg14[%add3A_176, %dma_wait3A_177] : memref<10240x128xf32, #tpu.memory_space<vmem_shared>> -> memref<32x128xf32, #tpu.memory_space<vmem_shared>>
    %dma_wait3A_179 = arith.constant 0 : i32
    %dma_wait3A_180 = tpu.memref_slice %arg14[%add3A_176, %dma_wait3A_179] : memref<10240x128xf32, #tpu.memory_space<vmem_shared>> -> memref<32x128xf32, #tpu.memory_space<vmem_shared>>
    tpu.wait_dma2 semaphore(%arg13 : memref<!tpu.dma_semaphore, #tpu.memory_space<semaphore_mem>>) src(%arg10 : memref<32x128xf32, #tpu.memory_space<vmem>>) dst(%dma_wait3A_180 : memref<32x128xf32, #tpu.memory_space<vmem_shared>>)
    %add3A_181 = arith.constant 288 : i32
    %add3A_182 = arith.addi %multiple_of3A, %add3A_181 : i32
    %dma_wait3A_183 = arith.constant 0 : i32
    %dma_wait3A_184 = tpu.memref_slice %arg14[%add3A_182, %dma_wait3A_183] : memref<10240x128xf32, #tpu.memory_space<vmem_shared>> -> memref<32x128xf32, #tpu.memory_space<vmem_shared>>
    %dma_wait3A_185 = arith.constant 0 : i32
    %dma_wait3A_186 = tpu.memref_slice %arg14[%add3A_182, %dma_wait3A_185] : memref<10240x128xf32, #tpu.memory_space<vmem_shared>> -> memref<32x128xf32, #tpu.memory_space<vmem_shared>>
    tpu.wait_dma2 semaphore(%arg13 : memref<!tpu.dma_semaphore, #tpu.memory_space<semaphore_mem>>) src(%arg10 : memref<32x128xf32, #tpu.memory_space<vmem>>) dst(%dma_wait3A_186 : memref<32x128xf32, #tpu.memory_space<vmem_shared>>)
    %add3A_187 = arith.constant 320 : i32
    %add3A_188 = arith.addi %multiple_of3A, %add3A_187 : i32
    %dma_wait3A_189 = arith.constant 0 : i32
    %dma_wait3A_190 = tpu.memref_slice %arg14[%add3A_188, %dma_wait3A_189] : memref<10240x128xf32, #tpu.memory_space<vmem_shared>> -> memref<32x128xf32, #tpu.memory_space<vmem_shared>>
    %dma_wait3A_191 = arith.constant 0 : i32
    %dma_wait3A_192 = tpu.memref_slice %arg14[%add3A_188, %dma_wait3A_191] : memref<10240x128xf32, #tpu.memory_space<vmem_shared>> -> memref<32x128xf32, #tpu.memory_space<vmem_shared>>
    tpu.wait_dma2 semaphore(%arg13 : memref<!tpu.dma_semaphore, #tpu.memory_space<semaphore_mem>>) src(%arg10 : memref<32x128xf32, #tpu.memory_space<vmem>>) dst(%dma_wait3A_192 : memref<32x128xf32, #tpu.memory_space<vmem_shared>>)
    %add3A_193 = arith.constant 352 : i32
    %add3A_194 = arith.addi %multiple_of3A, %add3A_193 : i32
    %dma_wait3A_195 = arith.constant 0 : i32
    %dma_wait3A_196 = tpu.memref_slice %arg14[%add3A_194, %dma_wait3A_195] : memref<10240x128xf32, #tpu.memory_space<vmem_shared>> -> memref<32x128xf32, #tpu.memory_space<vmem_shared>>
    %dma_wait3A_197 = arith.constant 0 : i32
    %dma_wait3A_198 = tpu.memref_slice %arg14[%add3A_194, %dma_wait3A_197] : memref<10240x128xf32, #tpu.memory_space<vmem_shared>> -> memref<32x128xf32, #tpu.memory_space<vmem_shared>>
    tpu.wait_dma2 semaphore(%arg13 : memref<!tpu.dma_semaphore, #tpu.memory_space<semaphore_mem>>) src(%arg10 : memref<32x128xf32, #tpu.memory_space<vmem>>) dst(%dma_wait3A_198 : memref<32x128xf32, #tpu.memory_space<vmem_shared>>)
    %add3A_199 = arith.constant 384 : i32
    %add3A_200 = arith.addi %multiple_of3A, %add3A_199 : i32
    %dma_wait3A_201 = arith.constant 0 : i32
    %dma_wait3A_202 = tpu.memref_slice %arg14[%add3A_200, %dma_wait3A_201] : memref<10240x128xf32, #tpu.memory_space<vmem_shared>> -> memref<32x128xf32, #tpu.memory_space<vmem_shared>>
    %dma_wait3A_203 = arith.constant 0 : i32
    %dma_wait3A_204 = tpu.memref_slice %arg14[%add3A_200, %dma_wait3A_203] : memref<10240x128xf32, #tpu.memory_space<vmem_shared>> -> memref<32x128xf32, #tpu.memory_space<vmem_shared>>
    tpu.wait_dma2 semaphore(%arg13 : memref<!tpu.dma_semaphore, #tpu.memory_space<semaphore_mem>>) src(%arg10 : memref<32x128xf32, #tpu.memory_space<vmem>>) dst(%dma_wait3A_204 : memref<32x128xf32, #tpu.memory_space<vmem_shared>>)
    %add3A_205 = arith.constant 416 : i32
    %add3A_206 = arith.addi %multiple_of3A, %add3A_205 : i32
    %dma_wait3A_207 = arith.constant 0 : i32
    %dma_wait3A_208 = tpu.memref_slice %arg14[%add3A_206, %dma_wait3A_207] : memref<10240x128xf32, #tpu.memory_space<vmem_shared>> -> memref<32x128xf32, #tpu.memory_space<vmem_shared>>
    %dma_wait3A_209 = arith.constant 0 : i32
    %dma_wait3A_210 = tpu.memref_slice %arg14[%add3A_206, %dma_wait3A_209] : memref<10240x128xf32, #tpu.memory_space<vmem_shared>> -> memref<32x128xf32, #tpu.memory_space<vmem_shared>>
    tpu.wait_dma2 semaphore(%arg13 : memref<!tpu.dma_semaphore, #tpu.memory_space<semaphore_mem>>) src(%arg10 : memref<32x128xf32, #tpu.memory_space<vmem>>) dst(%dma_wait3A_210 : memref<32x128xf32, #tpu.memory_space<vmem_shared>>)
    %add3A_211 = arith.constant 448 : i32
    %add3A_212 = arith.addi %multiple_of3A, %add3A_211 : i32
    %dma_wait3A_213 = arith.constant 0 : i32
    %dma_wait3A_214 = tpu.memref_slice %arg14[%add3A_212, %dma_wait3A_213] : memref<10240x128xf32, #tpu.memory_space<vmem_shared>> -> memref<32x128xf32, #tpu.memory_space<vmem_shared>>
    %dma_wait3A_215 = arith.constant 0 : i32
    %dma_wait3A_216 = tpu.memref_slice %arg14[%add3A_212, %dma_wait3A_215] : memref<10240x128xf32, #tpu.memory_space<vmem_shared>> -> memref<32x128xf32, #tpu.memory_space<vmem_shared>>
    tpu.wait_dma2 semaphore(%arg13 : memref<!tpu.dma_semaphore, #tpu.memory_space<semaphore_mem>>) src(%arg10 : memref<32x128xf32, #tpu.memory_space<vmem>>) dst(%dma_wait3A_216 : memref<32x128xf32, #tpu.memory_space<vmem_shared>>)
    %add3A_217 = arith.constant 480 : i32
    %add3A_218 = arith.addi %multiple_of3A, %add3A_217 : i32
    %dma_wait3A_219 = arith.constant 0 : i32
    %dma_wait3A_220 = tpu.memref_slice %arg14[%add3A_218, %dma_wait3A_219] : memref<10240x128xf32, #tpu.memory_space<vmem_shared>> -> memref<32x128xf32, #tpu.memory_space<vmem_shared>>
    %dma_wait3A_221 = arith.constant 0 : i32
    %dma_wait3A_222 = tpu.memref_slice %arg14[%add3A_218, %dma_wait3A_221] : memref<10240x128xf32, #tpu.memory_space<vmem_shared>> -> memref<32x128xf32, #tpu.memory_space<vmem_shared>>
    tpu.wait_dma2 semaphore(%arg13 : memref<!tpu.dma_semaphore, #tpu.memory_space<semaphore_mem>>) src(%arg10 : memref<32x128xf32, #tpu.memory_space<vmem>>) dst(%dma_wait3A_222 : memref<32x128xf32, #tpu.memory_space<vmem_shared>>)
    %add3A_223 = arith.constant 512 : i32
    %add3A_224 = arith.addi %multiple_of3A, %add3A_223 : i32
    %dma_wait3A_225 = arith.constant 0 : i32
    %dma_wait3A_226 = tpu.memref_slice %arg14[%add3A_224, %dma_wait3A_225] : memref<10240x128xf32, #tpu.memory_space<vmem_shared>> -> memref<32x128xf32, #tpu.memory_space<vmem_shared>>
    %dma_wait3A_227 = arith.constant 0 : i32
    %dma_wait3A_228 = tpu.memref_slice %arg14[%add3A_224, %dma_wait3A_227] : memref<10240x128xf32, #tpu.memory_space<vmem_shared>> -> memref<32x128xf32, #tpu.memory_space<vmem_shared>>
    tpu.wait_dma2 semaphore(%arg13 : memref<!tpu.dma_semaphore, #tpu.memory_space<semaphore_mem>>) src(%arg10 : memref<32x128xf32, #tpu.memory_space<vmem>>) dst(%dma_wait3A_228 : memref<32x128xf32, #tpu.memory_space<vmem_shared>>)
    %add3A_229 = arith.constant 544 : i32
    %add3A_230 = arith.addi %multiple_of3A, %add3A_229 : i32
    %dma_wait3A_231 = arith.constant 0 : i32
    %dma_wait3A_232 = tpu.memref_slice %arg14[%add3A_230, %dma_wait3A_231] : memref<10240x128xf32, #tpu.memory_space<vmem_shared>> -> memref<32x128xf32, #tpu.memory_space<vmem_shared>>
    %dma_wait3A_233 = arith.constant 0 : i32
    %dma_wait3A_234 = tpu.memref_slice %arg14[%add3A_230, %dma_wait3A_233] : memref<10240x128xf32, #tpu.memory_space<vmem_shared>> -> memref<32x128xf32, #tpu.memory_space<vmem_shared>>
    tpu.wait_dma2 semaphore(%arg13 : memref<!tpu.dma_semaphore, #tpu.memory_space<semaphore_mem>>) src(%arg10 : memref<32x128xf32, #tpu.memory_space<vmem>>) dst(%dma_wait3A_234 : memref<32x128xf32, #tpu.memory_space<vmem_shared>>)
    %add3A_235 = arith.constant 576 : i32
    %add3A_236 = arith.addi %multiple_of3A, %add3A_235 : i32
    %dma_wait3A_237 = arith.constant 0 : i32
    %dma_wait3A_238 = tpu.memref_slice %arg14[%add3A_236, %dma_wait3A_237] : memref<10240x128xf32, #tpu.memory_space<vmem_shared>> -> memref<32x128xf32, #tpu.memory_space<vmem_shared>>
    %dma_wait3A_239 = arith.constant 0 : i32
    %dma_wait3A_240 = tpu.memref_slice %arg14[%add3A_236, %dma_wait3A_239] : memref<10240x128xf32, #tpu.memory_space<vmem_shared>> -> memref<32x128xf32, #tpu.memory_space<vmem_shared>>
    tpu.wait_dma2 semaphore(%arg13 : memref<!tpu.dma_semaphore, #tpu.memory_space<semaphore_mem>>) src(%arg10 : memref<32x128xf32, #tpu.memory_space<vmem>>) dst(%dma_wait3A_240 : memref<32x128xf32, #tpu.memory_space<vmem_shared>>)
    %add3A_241 = arith.constant 608 : i32
    %add3A_242 = arith.addi %multiple_of3A, %add3A_241 : i32
    %dma_wait3A_243 = arith.constant 0 : i32
    %dma_wait3A_244 = tpu.memref_slice %arg14[%add3A_242, %dma_wait3A_243] : memref<10240x128xf32, #tpu.memory_space<vmem_shared>> -> memref<32x128xf32, #tpu.memory_space<vmem_shared>>
    %dma_wait3A_245 = arith.constant 0 : i32
    %dma_wait3A_246 = tpu.memref_slice %arg14[%add3A_242, %dma_wait3A_245] : memref<10240x128xf32, #tpu.memory_space<vmem_shared>> -> memref<32x128xf32, #tpu.memory_space<vmem_shared>>
    tpu.wait_dma2 semaphore(%arg13 : memref<!tpu.dma_semaphore, #tpu.memory_space<semaphore_mem>>) src(%arg10 : memref<32x128xf32, #tpu.memory_space<vmem>>) dst(%dma_wait3A_246 : memref<32x128xf32, #tpu.memory_space<vmem_shared>>)
    %barrier3A = arith.constant 0 : index
    tpu.barrier barrier_id(%barrier3A)
    %dma_start3A_247 = arith.constant 0 : i32
    %dma_start3A_248 = arith.constant 0 : i32
    %dma_start3A_249 = tpu.memref_slice %arg3[%add3A, %dma_start3A_247, %dma_start3A_248] : memref<32x80x125xi32, #tpu.memory_space<hbm>> -> memref<1x40x125xi32, #tpu.memory_space<hbm>>
    %dma_start3A_250 = tpu.memref_squeeze %dma_start3A_249 : memref<1x40x125xi32, #tpu.memory_space<hbm>> -> memref<40x125xi32, #tpu.memory_space<hbm>>
    %dma_start3A_251 = arith.constant 0 : i32
    %dma_start3A_252 = arith.constant 0 : i32
    %dma_start3A_253 = tpu.memref_slice %arg3[%add3A, %dma_start3A_251, %dma_start3A_252] : memref<32x80x125xi32, #tpu.memory_space<hbm>> -> memref<1x40x125xi32, #tpu.memory_space<hbm>>
    %dma_start3A_254 = tpu.memref_squeeze %dma_start3A_253 : memref<1x40x125xi32, #tpu.memory_space<hbm>> -> memref<40x125xi32, #tpu.memory_space<hbm>>
    tpu.enqueue_dma source(%dma_start3A_254 : memref<40x125xi32, #tpu.memory_space<hbm>>) target(%arg6 : memref<40x125xi32, #tpu.memory_space<vmem>>) target_semaphore(%arg11 : memref<!tpu.dma_semaphore, #tpu.memory_space<semaphore_mem>>)
    %dma_start3A_255 = arith.constant 0 : i32
    %dma_start3A_256 = arith.constant 0 : i32
    %dma_start3A_257 = tpu.memref_slice %arg4[%add3A, %dma_start3A_255, %dma_start3A_256] : memref<32x80x125xi32, #tpu.memory_space<hbm>> -> memref<1x40x125xi32, #tpu.memory_space<hbm>>
    %dma_start3A_258 = tpu.memref_squeeze %dma_start3A_257 : memref<1x40x125xi32, #tpu.memory_space<hbm>> -> memref<40x125xi32, #tpu.memory_space<hbm>>
    %dma_start3A_259 = arith.constant 0 : i32
    %dma_start3A_260 = arith.constant 0 : i32
    %dma_start3A_261 = tpu.memref_slice %arg4[%add3A, %dma_start3A_259, %dma_start3A_260] : memref<32x80x125xi32, #tpu.memory_space<hbm>> -> memref<1x40x125xi32, #tpu.memory_space<hbm>>
    %dma_start3A_262 = tpu.memref_squeeze %dma_start3A_261 : memref<1x40x125xi32, #tpu.memory_space<hbm>> -> memref<40x125xi32, #tpu.memory_space<hbm>>
    tpu.enqueue_dma source(%dma_start3A_262 : memref<40x125xi32, #tpu.memory_space<hbm>>) target(%arg7 : memref<40x125xi32, #tpu.memory_space<vmem>>) target_semaphore(%arg12 : memref<!tpu.dma_semaphore, #tpu.memory_space<semaphore_mem>>)
    %dma_wait3A_263 = arith.constant 0 : i32
    %dma_wait3A_264 = arith.constant 0 : i32
    %dma_wait3A_265 = tpu.memref_slice %arg3[%add3A, %dma_wait3A_263, %dma_wait3A_264] : memref<32x80x125xi32, #tpu.memory_space<hbm>> -> memref<1x40x125xi32, #tpu.memory_space<hbm>>
    %dma_wait3A_266 = tpu.memref_squeeze %dma_wait3A_265 : memref<1x40x125xi32, #tpu.memory_space<hbm>> -> memref<40x125xi32, #tpu.memory_space<hbm>>
    %dma_wait3A_267 = arith.constant 0 : i32
    %dma_wait3A_268 = arith.constant 0 : i32
    %dma_wait3A_269 = tpu.memref_slice %arg3[%add3A, %dma_wait3A_267, %dma_wait3A_268] : memref<32x80x125xi32, #tpu.memory_space<hbm>> -> memref<1x40x125xi32, #tpu.memory_space<hbm>>
    %dma_wait3A_270 = tpu.memref_squeeze %dma_wait3A_269 : memref<1x40x125xi32, #tpu.memory_space<hbm>> -> memref<40x125xi32, #tpu.memory_space<hbm>>
    tpu.wait_dma2 semaphore(%arg11 : memref<!tpu.dma_semaphore, #tpu.memory_space<semaphore_mem>>) src(%dma_wait3A_270 : memref<40x125xi32, #tpu.memory_space<hbm>>) dst(%arg6 : memref<40x125xi32, #tpu.memory_space<vmem>>)
    %dma_wait3A_271 = arith.constant 0 : i32
    %dma_wait3A_272 = arith.constant 0 : i32
    %dma_wait3A_273 = tpu.memref_slice %arg4[%add3A, %dma_wait3A_271, %dma_wait3A_272] : memref<32x80x125xi32, #tpu.memory_space<hbm>> -> memref<1x40x125xi32, #tpu.memory_space<hbm>>
    %dma_wait3A_274 = tpu.memref_squeeze %dma_wait3A_273 : memref<1x40x125xi32, #tpu.memory_space<hbm>> -> memref<40x125xi32, #tpu.memory_space<hbm>>
    %dma_wait3A_275 = arith.constant 0 : i32
    %dma_wait3A_276 = arith.constant 0 : i32
    %dma_wait3A_277 = tpu.memref_slice %arg4[%add3A, %dma_wait3A_275, %dma_wait3A_276] : memref<32x80x125xi32, #tpu.memory_space<hbm>> -> memref<1x40x125xi32, #tpu.memory_space<hbm>>
    %dma_wait3A_278 = tpu.memref_squeeze %dma_wait3A_277 : memref<1x40x125xi32, #tpu.memory_space<hbm>> -> memref<40x125xi32, #tpu.memory_space<hbm>>
    tpu.wait_dma2 semaphore(%arg12 : memref<!tpu.dma_semaphore, #tpu.memory_space<semaphore_mem>>) src(%dma_wait3A_278 : memref<40x125xi32, #tpu.memory_space<hbm>>) dst(%arg7 : memref<40x125xi32, #tpu.memory_space<vmem>>)
    %dma_start3A_279 = arith.constant 0 : i32
    %dma_start3A_280 = arith.constant 0 : i32
    %dma_start3A_281 = tpu.memref_slice %arg6[%dma_start3A_279, %dma_start3A_280] : memref<40x125xi32, #tpu.memory_space<vmem>> -> memref<1x125xi32, #tpu.memory_space<vmem>>
    %dma_start3A_282 = tpu.memref_squeeze %dma_start3A_281 : memref<1x125xi32, #tpu.memory_space<vmem>> -> memref<125xi32, #tpu.memory_space<vmem>>
    %dma_start3A_283 = arith.constant 0 : i32
    %dma_start3A_284 = arith.constant 0 : i32
    %dma_start3A_285 = tpu.memref_slice %arg2[%dma_start3A_283, %dma_start3A_284] : memref<10000x128xf32, #tpu.memory_space<hbm>> -> memref<10000x128xf32, #tpu.memory_space<hbm>>
    tpu.enqueue_indirect_dma source(%dma_start3A_285 : memref<10000x128xf32, #tpu.memory_space<hbm>>) target(%arg8 : memref<125x128xf32, #tpu.memory_space<vmem>>) offsets(%dma_start3A_282 : memref<125xi32, #tpu.memory_space<vmem>>) semaphore(%arg11 : memref<!tpu.dma_semaphore, #tpu.memory_space<semaphore_mem>>)
    %scan3A_286 = arith.constant 0 : i32
    %scan3A_287 = arith.constant 0 : i32
    %scan3A_288 = arith.constant 20 : i32
    %scan3A_289 = arith.addi %scan3A_287, %scan3A_288 : i32
    %scan3A_290 = arith.constant 1 : i32
    scf.for %scan3A_338 = %scan3A_287 to %scan3A_289 step %scan3A_290  : i32 {
      %mul3A_339 = arith.constant 2 : i32
      %mul3A_340 = arith.muli %mul3A_339, %scan3A_338 : i32
      %add3A_341 = arith.constant 1 : i32
      %add3A_342 = arith.addi %mul3A_340, %add3A_341 : i32
      %dma_start3A_343 = arith.constant 0 : i32
      %dma_start3A_344 = tpu.memref_slice %arg6[%add3A_342, %dma_start3A_343] : memref<40x125xi32, #tpu.memory_space<vmem>> -> memref<1x125xi32, #tpu.memory_space<vmem>>
      %dma_start3A_345 = tpu.memref_squeeze %dma_start3A_344 : memref<1x125xi32, #tpu.memory_space<vmem>> -> memref<125xi32, #tpu.memory_space<vmem>>
      %dma_start3A_346 = arith.constant 0 : i32
      %dma_start3A_347 = arith.constant 0 : i32
      %dma_start3A_348 = tpu.memref_slice %arg2[%dma_start3A_346, %dma_start3A_347] : memref<10000x128xf32, #tpu.memory_space<hbm>> -> memref<10000x128xf32, #tpu.memory_space<hbm>>
      tpu.enqueue_indirect_dma source(%dma_start3A_348 : memref<10000x128xf32, #tpu.memory_space<hbm>>) target(%arg9 : memref<125x128xf32, #tpu.memory_space<vmem>>) offsets(%dma_start3A_345 : memref<125xi32, #tpu.memory_space<vmem>>) semaphore(%arg12 : memref<!tpu.dma_semaphore, #tpu.memory_space<semaphore_mem>>)
      %dma_wait3A_349 = arith.constant 0 : i32
      %dma_wait3A_350 = tpu.memref_slice %arg6[%mul3A_340, %dma_wait3A_349] : memref<40x125xi32, #tpu.memory_space<vmem>> -> memref<1x125xi32, #tpu.memory_space<vmem>>
      %dma_wait3A_351 = tpu.memref_squeeze %dma_wait3A_350 : memref<1x125xi32, #tpu.memory_space<vmem>> -> memref<125xi32, #tpu.memory_space<vmem>>
      %dma_wait3A_352 = arith.constant 0 : i32
      %dma_wait3A_353 = arith.constant 0 : i32
      %dma_wait3A_354 = tpu.memref_slice %arg2[%dma_wait3A_352, %dma_wait3A_353] : memref<10000x128xf32, #tpu.memory_space<hbm>> -> memref<10000x128xf32, #tpu.memory_space<hbm>>
      tpu.wait_indirect_dma semaphore(%arg11 : memref<!tpu.dma_semaphore, #tpu.memory_space<semaphore_mem>>) src(%dma_wait3A_354 : memref<10000x128xf32, #tpu.memory_space<hbm>>) dst(%arg8 : memref<125x128xf32, #tpu.memory_space<vmem>>)
      "tpu.region"() ({
        %run_scoped3A = tpu.sem_alloc : memref<!tpu.dma_semaphore, #tpu.memory_space<semaphore_mem>>
        %dma_start3A_367 = arith.constant 0 : i32
        %dma_start3A_368 = tpu.memref_slice %arg7[%mul3A_340, %dma_start3A_367] : memref<40x125xi32, #tpu.memory_space<vmem>> -> memref<1x125xi32, #tpu.memory_space<vmem>>
        %dma_start3A_369 = tpu.memref_squeeze %dma_start3A_368 : memref<1x125xi32, #tpu.memory_space<vmem>> -> memref<125xi32, #tpu.memory_space<vmem>>
        %dma_start3A_370 = arith.constant 0 : i32
        %dma_start3A_371 = arith.constant 0 : i32
        %dma_start3A_372 = tpu.memref_slice %arg14[%dma_start3A_370, %dma_start3A_371] : memref<10240x128xf32, #tpu.memory_space<vmem_shared>> -> memref<10240x128xf32, #tpu.memory_space<vmem_shared>>
        tpu.enqueue_indirect_dma source(%arg8 : memref<125x128xf32, #tpu.memory_space<vmem>>) target(%dma_start3A_372 : memref<10240x128xf32, #tpu.memory_space<vmem_shared>>) offsets(%dma_start3A_369 : memref<125xi32, #tpu.memory_space<vmem>>) semaphore(%run_scoped3A : memref<!tpu.dma_semaphore, #tpu.memory_space<semaphore_mem>>) {add = true}
        %dma_wait3A_373 = arith.constant 0 : i32
        %dma_wait3A_374 = tpu.memref_slice %arg7[%mul3A_340, %dma_wait3A_373] : memref<40x125xi32, #tpu.memory_space<vmem>> -> memref<1x125xi32, #tpu.memory_space<vmem>>
        %dma_wait3A_375 = tpu.memref_squeeze %dma_wait3A_374 : memref<1x125xi32, #tpu.memory_space<vmem>> -> memref<125xi32, #tpu.memory_space<vmem>>
        %dma_wait3A_376 = arith.constant 0 : i32
        %dma_wait3A_377 = arith.constant 0 : i32
        %dma_wait3A_378 = tpu.memref_slice %arg14[%dma_wait3A_376, %dma_wait3A_377] : memref<10240x128xf32, #tpu.memory_space<vmem_shared>> -> memref<10240x128xf32, #tpu.memory_space<vmem_shared>>
        tpu.wait_indirect_dma semaphore(%run_scoped3A : memref<!tpu.dma_semaphore, #tpu.memory_space<semaphore_mem>>) src(%arg8 : memref<125x128xf32, #tpu.memory_space<vmem>>) dst(%dma_wait3A_378 : memref<10240x128xf32, #tpu.memory_space<vmem_shared>>)
        tpu.yield
      }) : () -> ()
      %lt3A = arith.constant 19 : i32
      %lt3A_355 = arith.cmpi slt, %scan3A_338, %lt3A : i32
      %convert_element_type3A = arith.extui %lt3A_355 : i1 to i32
      %cond3A = arith.constant 0 : i32
      %cond3A_356 = arith.cmpi ne, %convert_element_type3A, %cond3A : i32
      scf.if %cond3A_356 {
        %add3A_367 = arith.constant 2 : i32
        %add3A_368 = arith.addi %mul3A_340, %add3A_367 : i32
        %dma_start3A_369 = arith.constant 0 : i32
        %dma_start3A_370 = tpu.memref_slice %arg6[%add3A_368, %dma_start3A_369] : memref<40x125xi32, #tpu.memory_space<vmem>> -> memref<1x125xi32, #tpu.memory_space<vmem>>
        %dma_start3A_371 = tpu.memref_squeeze %dma_start3A_370 : memref<1x125xi32, #tpu.memory_space<vmem>> -> memref<125xi32, #tpu.memory_space<vmem>>
        %dma_start3A_372 = arith.constant 0 : i32
        %dma_start3A_373 = arith.constant 0 : i32
        %dma_start3A_374 = tpu.memref_slice %arg2[%dma_start3A_372, %dma_start3A_373] : memref<10000x128xf32, #tpu.memory_space<hbm>> -> memref<10000x128xf32, #tpu.memory_space<hbm>>
        tpu.enqueue_indirect_dma source(%dma_start3A_374 : memref<10000x128xf32, #tpu.memory_space<hbm>>) target(%arg8 : memref<125x128xf32, #tpu.memory_space<vmem>>) offsets(%dma_start3A_371 : memref<125xi32, #tpu.memory_space<vmem>>) semaphore(%arg11 : memref<!tpu.dma_semaphore, #tpu.memory_space<semaphore_mem>>)
      } else {
      }
      %add3A_357 = arith.constant 1 : i32
      %add3A_358 = arith.addi %mul3A_340, %add3A_357 : i32
      %dma_wait3A_359 = arith.constant 0 : i32
      %dma_wait3A_360 = tpu.memref_slice %arg6[%add3A_358, %dma_wait3A_359] : memref<40x125xi32, #tpu.memory_space<vmem>> -> memref<1x125xi32, #tpu.memory_space<vmem>>
      %dma_wait3A_361 = tpu.memref_squeeze %dma_wait3A_360 : memref<1x125xi32, #tpu.memory_space<vmem>> -> memref<125xi32, #tpu.memory_space<vmem>>
      %dma_wait3A_362 = arith.constant 0 : i32
      %dma_wait3A_363 = arith.constant 0 : i32
      %dma_wait3A_364 = tpu.memref_slice %arg2[%dma_wait3A_362, %dma_wait3A_363] : memref<10000x128xf32, #tpu.memory_space<hbm>> -> memref<10000x128xf32, #tpu.memory_space<hbm>>
      tpu.wait_indirect_dma semaphore(%arg12 : memref<!tpu.dma_semaphore, #tpu.memory_space<semaphore_mem>>) src(%dma_wait3A_364 : memref<10000x128xf32, #tpu.memory_space<hbm>>) dst(%arg9 : memref<125x128xf32, #tpu.memory_space<vmem>>)
      %add3A_365 = arith.constant 1 : i32
      %add3A_366 = arith.addi %mul3A_340, %add3A_365 : i32
      "tpu.region"() ({
        %run_scoped3A = tpu.sem_alloc : memref<!tpu.dma_semaphore, #tpu.memory_space<semaphore_mem>>
        %dma_start3A_367 = arith.constant 0 : i32
        %dma_start3A_368 = tpu.memref_slice %arg7[%add3A_366, %dma_start3A_367] : memref<40x125xi32, #tpu.memory_space<vmem>> -> memref<1x125xi32, #tpu.memory_space<vmem>>
        %dma_start3A_369 = tpu.memref_squeeze %dma_start3A_368 : memref<1x125xi32, #tpu.memory_space<vmem>> -> memref<125xi32, #tpu.memory_space<vmem>>
        %dma_start3A_370 = arith.constant 0 : i32
        %dma_start3A_371 = arith.constant 0 : i32
        %dma_start3A_372 = tpu.memref_slice %arg14[%dma_start3A_370, %dma_start3A_371] : memref<10240x128xf32, #tpu.memory_space<vmem_shared>> -> memref<10240x128xf32, #tpu.memory_space<vmem_shared>>
        tpu.enqueue_indirect_dma source(%arg9 : memref<125x128xf32, #tpu.memory_space<vmem>>) target(%dma_start3A_372 : memref<10240x128xf32, #tpu.memory_space<vmem_shared>>) offsets(%dma_start3A_369 : memref<125xi32, #tpu.memory_space<vmem>>) semaphore(%run_scoped3A : memref<!tpu.dma_semaphore, #tpu.memory_space<semaphore_mem>>) {add = true}
        %dma_wait3A_373 = arith.constant 0 : i32
        %dma_wait3A_374 = tpu.memref_slice %arg7[%add3A_366, %dma_wait3A_373] : memref<40x125xi32, #tpu.memory_space<vmem>> -> memref<1x125xi32, #tpu.memory_space<vmem>>
        %dma_wait3A_375 = tpu.memref_squeeze %dma_wait3A_374 : memref<1x125xi32, #tpu.memory_space<vmem>> -> memref<125xi32, #tpu.memory_space<vmem>>
        %dma_wait3A_376 = arith.constant 0 : i32
        %dma_wait3A_377 = arith.constant 0 : i32
        %dma_wait3A_378 = tpu.memref_slice %arg14[%dma_wait3A_376, %dma_wait3A_377] : memref<10240x128xf32, #tpu.memory_space<vmem_shared>> -> memref<10240x128xf32, #tpu.memory_space<vmem_shared>>
        tpu.wait_indirect_dma semaphore(%run_scoped3A : memref<!tpu.dma_semaphore, #tpu.memory_space<semaphore_mem>>) src(%arg9 : memref<125x128xf32, #tpu.memory_space<vmem>>) dst(%dma_wait3A_378 : memref<10240x128xf32, #tpu.memory_space<vmem_shared>>)
        tpu.yield
      }) : () -> ()
    }
    %scan3A_291 = arith.constant 20 : i32
    %dma_start3A_292 = arith.constant 40 : i32
    %dma_start3A_293 = arith.constant 0 : i32
    %dma_start3A_294 = tpu.memref_slice %arg3[%add3A, %dma_start3A_292, %dma_start3A_293] : memref<32x80x125xi32, #tpu.memory_space<hbm>> -> memref<1x40x125xi32, #tpu.memory_space<hbm>>
    %dma_start3A_295 = tpu.memref_squeeze %dma_start3A_294 : memref<1x40x125xi32, #tpu.memory_space<hbm>> -> memref<40x125xi32, #tpu.memory_space<hbm>>
    %dma_start3A_296 = arith.constant 40 : i32
    %dma_start3A_297 = arith.constant 0 : i32
    %dma_start3A_298 = tpu.memref_slice %arg3[%add3A, %dma_start3A_296, %dma_start3A_297] : memref<32x80x125xi32, #tpu.memory_space<hbm>> -> memref<1x40x125xi32, #tpu.memory_space<hbm>>
    %dma_start3A_299 = tpu.memref_squeeze %dma_start3A_298 : memref<1x40x125xi32, #tpu.memory_space<hbm>> -> memref<40x125xi32, #tpu.memory_space<hbm>>
    tpu.enqueue_dma source(%dma_start3A_299 : memref<40x125xi32, #tpu.memory_space<hbm>>) target(%arg6 : memref<40x125xi32, #tpu.memory_space<vmem>>) target_semaphore(%arg11 : memref<!tpu.dma_semaphore, #tpu.memory_space<semaphore_mem>>)
    %dma_start3A_300 = arith.constant 40 : i32
    %dma_start3A_301 = arith.constant 0 : i32
    %dma_start3A_302 = tpu.memref_slice %arg4[%add3A, %dma_start3A_300, %dma_start3A_301] : memref<32x80x125xi32, #tpu.memory_space<hbm>> -> memref<1x40x125xi32, #tpu.memory_space<hbm>>
    %dma_start3A_303 = tpu.memref_squeeze %dma_start3A_302 : memref<1x40x125xi32, #tpu.memory_space<hbm>> -> memref<40x125xi32, #tpu.memory_space<hbm>>
    %dma_start3A_304 = arith.constant 40 : i32
    %dma_start3A_305 = arith.constant 0 : i32
    %dma_start3A_306 = tpu.memref_slice %arg4[%add3A, %dma_start3A_304, %dma_start3A_305] : memref<32x80x125xi32, #tpu.memory_space<hbm>> -> memref<1x40x125xi32, #tpu.memory_space<hbm>>
    %dma_start3A_307 = tpu.memref_squeeze %dma_start3A_306 : memref<1x40x125xi32, #tpu.memory_space<hbm>> -> memref<40x125xi32, #tpu.memory_space<hbm>>
    tpu.enqueue_dma source(%dma_start3A_307 : memref<40x125xi32, #tpu.memory_space<hbm>>) target(%arg7 : memref<40x125xi32, #tpu.memory_space<vmem>>) target_semaphore(%arg12 : memref<!tpu.dma_semaphore, #tpu.memory_space<semaphore_mem>>)
    %dma_wait3A_308 = arith.constant 40 : i32
    %dma_wait3A_309 = arith.constant 0 : i32
    %dma_wait3A_310 = tpu.memref_slice %arg3[%add3A, %dma_wait3A_308, %dma_wait3A_309] : memref<32x80x125xi32, #tpu.memory_space<hbm>> -> memref<1x40x125xi32, #tpu.memory_space<hbm>>
    %dma_wait3A_311 = tpu.memref_squeeze %dma_wait3A_310 : memref<1x40x125xi32, #tpu.memory_space<hbm>> -> memref<40x125xi32, #tpu.memory_space<hbm>>
    %dma_wait3A_312 = arith.constant 40 : i32
    %dma_wait3A_313 = arith.constant 0 : i32
    %dma_wait3A_314 = tpu.memref_slice %arg3[%add3A, %dma_wait3A_312, %dma_wait3A_313] : memref<32x80x125xi32, #tpu.memory_space<hbm>> -> memref<1x40x125xi32, #tpu.memory_space<hbm>>
    %dma_wait3A_315 = tpu.memref_squeeze %dma_wait3A_314 : memref<1x40x125xi32, #tpu.memory_space<hbm>> -> memref<40x125xi32, #tpu.memory_space<hbm>>
    tpu.wait_dma2 semaphore(%arg11 : memref<!tpu.dma_semaphore, #tpu.memory_space<semaphore_mem>>) src(%dma_wait3A_315 : memref<40x125xi32, #tpu.memory_space<hbm>>) dst(%arg6 : memref<40x125xi32, #tpu.memory_space<vmem>>)
    %dma_wait3A_316 = arith.constant 40 : i32
    %dma_wait3A_317 = arith.constant 0 : i32
    %dma_wait3A_318 = tpu.memref_slice %arg4[%add3A, %dma_wait3A_316, %dma_wait3A_317] : memref<32x80x125xi32, #tpu.memory_space<hbm>> -> memref<1x40x125xi32, #tpu.memory_space<hbm>>
    %dma_wait3A_319 = tpu.memref_squeeze %dma_wait3A_318 : memref<1x40x125xi32, #tpu.memory_space<hbm>> -> memref<40x125xi32, #tpu.memory_space<hbm>>
    %dma_wait3A_320 = arith.constant 40 : i32
    %dma_wait3A_321 = arith.constant 0 : i32
    %dma_wait3A_322 = tpu.memref_slice %arg4[%add3A, %dma_wait3A_320, %dma_wait3A_321] : memref<32x80x125xi32, #tpu.memory_space<hbm>> -> memref<1x40x125xi32, #tpu.memory_space<hbm>>
    %dma_wait3A_323 = tpu.memref_squeeze %dma_wait3A_322 : memref<1x40x125xi32, #tpu.memory_space<hbm>> -> memref<40x125xi32, #tpu.memory_space<hbm>>
    tpu.wait_dma2 semaphore(%arg12 : memref<!tpu.dma_semaphore, #tpu.memory_space<semaphore_mem>>) src(%dma_wait3A_323 : memref<40x125xi32, #tpu.memory_space<hbm>>) dst(%arg7 : memref<40x125xi32, #tpu.memory_space<vmem>>)
    %dma_start3A_324 = arith.constant 0 : i32
    %dma_start3A_325 = arith.constant 0 : i32
    %dma_start3A_326 = tpu.memref_slice %arg6[%dma_start3A_324, %dma_start3A_325] : memref<40x125xi32, #tpu.memory_space<vmem>> -> memref<1x125xi32, #tpu.memory_space<vmem>>
    %dma_start3A_327 = tpu.memref_squeeze %dma_start3A_326 : memref<1x125xi32, #tpu.memory_space<vmem>> -> memref<125xi32, #tpu.memory_space<vmem>>
    %dma_start3A_328 = arith.constant 0 : i32
    %dma_start3A_329 = arith.constant 0 : i32
    %dma_start3A_330 = tpu.memref_slice %arg2[%dma_start3A_328, %dma_start3A_329] : memref<10000x128xf32, #tpu.memory_space<hbm>> -> memref<10000x128xf32, #tpu.memory_space<hbm>>
    tpu.enqueue_indirect_dma source(%dma_start3A_330 : memref<10000x128xf32, #tpu.memory_space<hbm>>) target(%arg8 : memref<125x128xf32, #tpu.memory_space<vmem>>) offsets(%dma_start3A_327 : memref<125xi32, #tpu.memory_space<vmem>>) semaphore(%arg11 : memref<!tpu.dma_semaphore, #tpu.memory_space<semaphore_mem>>)
    %scan3A_331 = arith.constant 0 : i32
    %scan3A_332 = arith.constant 0 : i32
    %scan3A_333 = arith.constant 20 : i32
    %scan3A_334 = arith.addi %scan3A_332, %scan3A_333 : i32
    %scan3A_335 = arith.constant 1 : i32
    scf.for %scan3A_338 = %scan3A_332 to %scan3A_334 step %scan3A_335  : i32 {
      %mul3A_339 = arith.constant 2 : i32
      %mul3A_340 = arith.muli %mul3A_339, %scan3A_338 : i32
      %add3A_341 = arith.constant 1 : i32
      %add3A_342 = arith.addi %mul3A_340, %add3A_341 : i32
      %dma_start3A_343 = arith.constant 0 : i32
      %dma_start3A_344 = tpu.memref_slice %arg6[%add3A_342, %dma_start3A_343] : memref<40x125xi32, #tpu.memory_space<vmem>> -> memref<1x125xi32, #tpu.memory_space<vmem>>
      %dma_start3A_345 = tpu.memref_squeeze %dma_start3A_344 : memref<1x125xi32, #tpu.memory_space<vmem>> -> memref<125xi32, #tpu.memory_space<vmem>>
      %dma_start3A_346 = arith.constant 0 : i32
      %dma_start3A_347 = arith.constant 0 : i32
      %dma_start3A_348 = tpu.memref_slice %arg2[%dma_start3A_346, %dma_start3A_347] : memref<10000x128xf32, #tpu.memory_space<hbm>> -> memref<10000x128xf32, #tpu.memory_space<hbm>>
      tpu.enqueue_indirect_dma source(%dma_start3A_348 : memref<10000x128xf32, #tpu.memory_space<hbm>>) target(%arg9 : memref<125x128xf32, #tpu.memory_space<vmem>>) offsets(%dma_start3A_345 : memref<125xi32, #tpu.memory_space<vmem>>) semaphore(%arg12 : memref<!tpu.dma_semaphore, #tpu.memory_space<semaphore_mem>>)
      %dma_wait3A_349 = arith.constant 0 : i32
      %dma_wait3A_350 = tpu.memref_slice %arg6[%mul3A_340, %dma_wait3A_349] : memref<40x125xi32, #tpu.memory_space<vmem>> -> memref<1x125xi32, #tpu.memory_space<vmem>>
      %dma_wait3A_351 = tpu.memref_squeeze %dma_wait3A_350 : memref<1x125xi32, #tpu.memory_space<vmem>> -> memref<125xi32, #tpu.memory_space<vmem>>
      %dma_wait3A_352 = arith.constant 0 : i32
      %dma_wait3A_353 = arith.constant 0 : i32
      %dma_wait3A_354 = tpu.memref_slice %arg2[%dma_wait3A_352, %dma_wait3A_353] : memref<10000x128xf32, #tpu.memory_space<hbm>> -> memref<10000x128xf32, #tpu.memory_space<hbm>>
      tpu.wait_indirect_dma semaphore(%arg11 : memref<!tpu.dma_semaphore, #tpu.memory_space<semaphore_mem>>) src(%dma_wait3A_354 : memref<10000x128xf32, #tpu.memory_space<hbm>>) dst(%arg8 : memref<125x128xf32, #tpu.memory_space<vmem>>)
      "tpu.region"() ({
        %run_scoped3A = tpu.sem_alloc : memref<!tpu.dma_semaphore, #tpu.memory_space<semaphore_mem>>
        %dma_start3A_367 = arith.constant 0 : i32
        %dma_start3A_368 = tpu.memref_slice %arg7[%mul3A_340, %dma_start3A_367] : memref<40x125xi32, #tpu.memory_space<vmem>> -> memref<1x125xi32, #tpu.memory_space<vmem>>
        %dma_start3A_369 = tpu.memref_squeeze %dma_start3A_368 : memref<1x125xi32, #tpu.memory_space<vmem>> -> memref<125xi32, #tpu.memory_space<vmem>>
        %dma_start3A_370 = arith.constant 0 : i32
        %dma_start3A_371 = arith.constant 0 : i32
        %dma_start3A_372 = tpu.memref_slice %arg14[%dma_start3A_370, %dma_start3A_371] : memref<10240x128xf32, #tpu.memory_space<vmem_shared>> -> memref<10240x128xf32, #tpu.memory_space<vmem_shared>>
        tpu.enqueue_indirect_dma source(%arg8 : memref<125x128xf32, #tpu.memory_space<vmem>>) target(%dma_start3A_372 : memref<10240x128xf32, #tpu.memory_space<vmem_shared>>) offsets(%dma_start3A_369 : memref<125xi32, #tpu.memory_space<vmem>>) semaphore(%run_scoped3A : memref<!tpu.dma_semaphore, #tpu.memory_space<semaphore_mem>>) {add = true}
        %dma_wait3A_373 = arith.constant 0 : i32
        %dma_wait3A_374 = tpu.memref_slice %arg7[%mul3A_340, %dma_wait3A_373] : memref<40x125xi32, #tpu.memory_space<vmem>> -> memref<1x125xi32, #tpu.memory_space<vmem>>
        %dma_wait3A_375 = tpu.memref_squeeze %dma_wait3A_374 : memref<1x125xi32, #tpu.memory_space<vmem>> -> memref<125xi32, #tpu.memory_space<vmem>>
        %dma_wait3A_376 = arith.constant 0 : i32
        %dma_wait3A_377 = arith.constant 0 : i32
        %dma_wait3A_378 = tpu.memref_slice %arg14[%dma_wait3A_376, %dma_wait3A_377] : memref<10240x128xf32, #tpu.memory_space<vmem_shared>> -> memref<10240x128xf32, #tpu.memory_space<vmem_shared>>
        tpu.wait_indirect_dma semaphore(%run_scoped3A : memref<!tpu.dma_semaphore, #tpu.memory_space<semaphore_mem>>) src(%arg8 : memref<125x128xf32, #tpu.memory_space<vmem>>) dst(%dma_wait3A_378 : memref<10240x128xf32, #tpu.memory_space<vmem_shared>>)
        tpu.yield
      }) : () -> ()
      %lt3A = arith.constant 19 : i32
      %lt3A_355 = arith.cmpi slt, %scan3A_338, %lt3A : i32
      %convert_element_type3A = arith.extui %lt3A_355 : i1 to i32
      %cond3A = arith.constant 0 : i32
      %cond3A_356 = arith.cmpi ne, %convert_element_type3A, %cond3A : i32
      scf.if %cond3A_356 {
        %add3A_367 = arith.constant 2 : i32
        %add3A_368 = arith.addi %mul3A_340, %add3A_367 : i32
        %dma_start3A_369 = arith.constant 0 : i32
        %dma_start3A_370 = tpu.memref_slice %arg6[%add3A_368, %dma_start3A_369] : memref<40x125xi32, #tpu.memory_space<vmem>> -> memref<1x125xi32, #tpu.memory_space<vmem>>
        %dma_start3A_371 = tpu.memref_squeeze %dma_start3A_370 : memref<1x125xi32, #tpu.memory_space<vmem>> -> memref<125xi32, #tpu.memory_space<vmem>>
        %dma_start3A_372 = arith.constant 0 : i32
        %dma_start3A_373 = arith.constant 0 : i32
        %dma_start3A_374 = tpu.memref_slice %arg2[%dma_start3A_372, %dma_start3A_373] : memref<10000x128xf32, #tpu.memory_space<hbm>> -> memref<10000x128xf32, #tpu.memory_space<hbm>>
        tpu.enqueue_indirect_dma source(%dma_start3A_374 : memref<10000x128xf32, #tpu.memory_space<hbm>>) target(%arg8 : memref<125x128xf32, #tpu.memory_space<vmem>>) offsets(%dma_start3A_371 : memref<125xi32, #tpu.memory_space<vmem>>) semaphore(%arg11 : memref<!tpu.dma_semaphore, #tpu.memory_space<semaphore_mem>>)
      } else {
      }
      %add3A_357 = arith.constant 1 : i32
      %add3A_358 = arith.addi %mul3A_340, %add3A_357 : i32
      %dma_wait3A_359 = arith.constant 0 : i32
      %dma_wait3A_360 = tpu.memref_slice %arg6[%add3A_358, %dma_wait3A_359] : memref<40x125xi32, #tpu.memory_space<vmem>> -> memref<1x125xi32, #tpu.memory_space<vmem>>
      %dma_wait3A_361 = tpu.memref_squeeze %dma_wait3A_360 : memref<1x125xi32, #tpu.memory_space<vmem>> -> memref<125xi32, #tpu.memory_space<vmem>>
      %dma_wait3A_362 = arith.constant 0 : i32
      %dma_wait3A_363 = arith.constant 0 : i32
      %dma_wait3A_364 = tpu.memref_slice %arg2[%dma_wait3A_362, %dma_wait3A_363] : memref<10000x128xf32, #tpu.memory_space<hbm>> -> memref<10000x128xf32, #tpu.memory_space<hbm>>
      tpu.wait_indirect_dma semaphore(%arg12 : memref<!tpu.dma_semaphore, #tpu.memory_space<semaphore_mem>>) src(%dma_wait3A_364 : memref<10000x128xf32, #tpu.memory_space<hbm>>) dst(%arg9 : memref<125x128xf32, #tpu.memory_space<vmem>>)
      %add3A_365 = arith.constant 1 : i32
      %add3A_366 = arith.addi %mul3A_340, %add3A_365 : i32
      "tpu.region"() ({
        %run_scoped3A = tpu.sem_alloc : memref<!tpu.dma_semaphore, #tpu.memory_space<semaphore_mem>>
        %dma_start3A_367 = arith.constant 0 : i32
        %dma_start3A_368 = tpu.memref_slice %arg7[%add3A_366, %dma_start3A_367] : memref<40x125xi32, #tpu.memory_space<vmem>> -> memref<1x125xi32, #tpu.memory_space<vmem>>
        %dma_start3A_369 = tpu.memref_squeeze %dma_start3A_368 : memref<1x125xi32, #tpu.memory_space<vmem>> -> memref<125xi32, #tpu.memory_space<vmem>>
        %dma_start3A_370 = arith.constant 0 : i32
        %dma_start3A_371 = arith.constant 0 : i32
        %dma_start3A_372 = tpu.memref_slice %arg14[%dma_start3A_370, %dma_start3A_371] : memref<10240x128xf32, #tpu.memory_space<vmem_shared>> -> memref<10240x128xf32, #tpu.memory_space<vmem_shared>>
        tpu.enqueue_indirect_dma source(%arg9 : memref<125x128xf32, #tpu.memory_space<vmem>>) target(%dma_start3A_372 : memref<10240x128xf32, #tpu.memory_space<vmem_shared>>) offsets(%dma_start3A_369 : memref<125xi32, #tpu.memory_space<vmem>>) semaphore(%run_scoped3A : memref<!tpu.dma_semaphore, #tpu.memory_space<semaphore_mem>>) {add = true}
        %dma_wait3A_373 = arith.constant 0 : i32
        %dma_wait3A_374 = tpu.memref_slice %arg7[%add3A_366, %dma_wait3A_373] : memref<40x125xi32, #tpu.memory_space<vmem>> -> memref<1x125xi32, #tpu.memory_space<vmem>>
        %dma_wait3A_375 = tpu.memref_squeeze %dma_wait3A_374 : memref<1x125xi32, #tpu.memory_space<vmem>> -> memref<125xi32, #tpu.memory_space<vmem>>
        %dma_wait3A_376 = arith.constant 0 : i32
        %dma_wait3A_377 = arith.constant 0 : i32
        %dma_wait3A_378 = tpu.memref_slice %arg14[%dma_wait3A_376, %dma_wait3A_377] : memref<10240x128xf32, #tpu.memory_space<vmem_shared>> -> memref<10240x128xf32, #tpu.memory_space<vmem_shared>>
        tpu.wait_indirect_dma semaphore(%run_scoped3A : memref<!tpu.dma_semaphore, #tpu.memory_space<semaphore_mem>>) src(%arg9 : memref<125x128xf32, #tpu.memory_space<vmem>>) dst(%dma_wait3A_378 : memref<10240x128xf32, #tpu.memory_space<vmem_shared>>)
        tpu.yield
      }) : () -> ()
    }
    %scan3A_336 = arith.constant 20 : i32
    %barrier3A_337 = arith.constant 0 : index
    tpu.barrier barrier_id(%barrier3A_337)
    "tpu.region"() ({
      %run_scoped3A = tpu.sem_alloc : memref<!tpu.dma_semaphore, #tpu.memory_space<semaphore_mem>>
      %dma_start3A_338 = arith.constant 0 : i32
      %dma_start3A_339 = tpu.memref_slice %arg5[%arg0, %multiple_of3A, %dma_start3A_338] : memref<2x10240x128xf32, #tpu.memory_space<hbm>> -> memref<1x640x128xf32, #tpu.memory_space<hbm>>
      %dma_start3A_340 = tpu.memref_squeeze %dma_start3A_339 : memref<1x640x128xf32, #tpu.memory_space<hbm>> -> memref<640x128xf32, #tpu.memory_space<hbm>>
      %dma_start3A_341 = arith.constant 0 : i32
      %dma_start3A_342 = tpu.memref_slice %arg14[%multiple_of3A, %dma_start3A_341] : memref<10240x128xf32, #tpu.memory_space<vmem_shared>> -> memref<640x128xf32, #tpu.memory_space<vmem_shared>>
      tpu.enqueue_dma source(%dma_start3A_342 : memref<640x128xf32, #tpu.memory_space<vmem_shared>>) target(%dma_start3A_340 : memref<640x128xf32, #tpu.memory_space<hbm>>) target_semaphore(%run_scoped3A : memref<!tpu.dma_semaphore, #tpu.memory_space<semaphore_mem>>)
      %dma_wait3A_343 = arith.constant 0 : i32
      %dma_wait3A_344 = tpu.memref_slice %arg5[%arg0, %multiple_of3A, %dma_wait3A_343] : memref<2x10240x128xf32, #tpu.memory_space<hbm>> -> memref<1x640x128xf32, #tpu.memory_space<hbm>>
      %dma_wait3A_345 = tpu.memref_squeeze %dma_wait3A_344 : memref<1x640x128xf32, #tpu.memory_space<hbm>> -> memref<640x128xf32, #tpu.memory_space<hbm>>
      %dma_wait3A_346 = arith.constant 0 : i32
      %dma_wait3A_347 = tpu.memref_slice %arg14[%multiple_of3A, %dma_wait3A_346] : memref<10240x128xf32, #tpu.memory_space<vmem_shared>> -> memref<640x128xf32, #tpu.memory_space<vmem_shared>>
      tpu.wait_dma2 semaphore(%run_scoped3A : memref<!tpu.dma_semaphore, #tpu.memory_space<semaphore_mem>>) src(%dma_wait3A_347 : memref<640x128xf32, #tpu.memory_space<vmem_shared>>) dst(%dma_wait3A_345 : memref<640x128xf32, #tpu.memory_space<hbm>>)
      tpu.yield
    }) : () -> ()
    return
  }
}

#map = affine_map<(d0, d1) -> (0, 0)>
#map1 = affine_map<(d0, d1) -> (0, 0, 0)>
module attributes {stable_mosaic.version = 14 : i64} {
  func.func @_scatter_body(%arg0: i32, %arg1: i32, %arg2: memref<10000x128xf32, #tpu.memory_space<hbm>>, %arg3: memref<32x80x125xi32, #tpu.memory_space<hbm>>, %arg4: memref<32x80x125xi32, #tpu.memory_space<hbm>>, %arg5: memref<2x10240x128xf32, #tpu.memory_space<hbm>>, %arg6: memref<40x125xi32, #tpu.memory_space<vmem>>, %arg7: memref<40x125xi32, #tpu.memory_space<vmem>>, %arg8: memref<125x128xf32, #tpu.memory_space<vmem>>, %arg9: memref<125x128xf32, #tpu.memory_space<vmem>>, %arg10: memref<32x128xf32, #tpu.memory_space<vmem>>, %arg11: memref<!tpu.dma_semaphore, #tpu.memory_space<semaphore_mem>>, %arg12: memref<!tpu.dma_semaphore, #tpu.memory_space<semaphore_mem>>, %arg13: memref<!tpu.dma_semaphore, #tpu.memory_space<semaphore_mem>>, %arg14: memref<10240x128xf32, #tpu.memory_space<vmem_shared>>) attributes {dimension_semantics = [#tpu.dimension_semantics<core_parallel>, #tpu.dimension_semantics<subcore_parallel>], iteration_bounds = array<i64: 2, 16>, scalar_prefetch = 0 : i64, scratch_operands = 9 : i64, tpu.core_type = #tpu.core_type<sc_vector_subcore>, window_params = [{transform_indices = #map}, {transform_indices = #map1}, {transform_indices = #map1}, {transform_indices = #map1}]} {
    %mul3A = arith.constant 16 : i32
    %mul3A_0 = arith.muli %arg0, %mul3A : i32
    %add3A = arith.addi %mul3A_0, %arg1 : i32
    %mul3A_1 = arith.constant 640 : i32
    %mul3A_2 = arith.muli %arg1, %mul3A_1 : i32
    %multiple_of3A = tpu.assume_multiple %mul3A_2, 640 : i32
    %broadcast_in_dim3A = arith.constant 0.000000e+00 : f32
    %broadcast_in_dim3A_3 = vector.broadcast %broadcast_in_dim3A : f32 to vector<16xf32>
    %scan3A = arith.constant 0 : i32
    %scan3A_4 = arith.constant 0 : i32
    %scan3A_5 = arith.constant 32 : i32
    %scan3A_6 = arith.addi %scan3A_4, %scan3A_5 : i32
    %scan3A_7 = arith.constant 1 : i32
    scf.for %scan3A_338 = %scan3A_4 to %scan3A_6 step %scan3A_7  : i32 {
      %swap3A = arith.index_cast %scan3A_338 : i32 to index
      %swap3A_339 = arith.constant 0 : index
      %swap3A_340 = tpu.vector_load %arg10[%swap3A, %swap3A_339] {strides = array<i32>} : memref<32x128xf32, #tpu.memory_space<vmem>>, vector<1x16xf32>,
      %swap3A_341 = vector.shape_cast %swap3A_340 : vector<1x16xf32> to vector<16xf32>
      %swap3A_342 = vector.shape_cast %broadcast_in_dim3A_3 : vector<16xf32> to vector<1x16xf32>
      tpu.vector_store %arg10[%swap3A, %swap3A_339], %swap3A_342 {strides = array<i32>} : memref<32x128xf32, #tpu.memory_space<vmem>>, vector<1x16xf32>,
      %swap3A_343 = arith.index_cast %scan3A_338 : i32 to index
      %swap3A_344 = arith.constant 16 : index
      %swap3A_345 = tpu.vector_load %arg10[%swap3A_343, %swap3A_344] {strides = array<i32>} : memref<32x128xf32, #tpu.memory_space<vmem>>, vector<1x16xf32>,
      %swap3A_346 = vector.shape_cast %swap3A_345 : vector<1x16xf32> to vector<16xf32>
      %swap3A_347 = vector.shape_cast %broadcast_in_dim3A_3 : vector<16xf32> to vector<1x16xf32>
      tpu.vector_store %arg10[%swap3A_343, %swap3A_344], %swap3A_347 {strides = array<i32>} : memref<32x128xf32, #tpu.memory_space<vmem>>, vector<1x16xf32>,
      %swap3A_348 = arith.index_cast %scan3A_338 : i32 to index
      %swap3A_349 = arith.constant 32 : index
      %swap3A_350 = tpu.vector_load %arg10[%swap3A_348, %swap3A_349] {strides = array<i32>} : memref<32x128xf32, #tpu.memory_space<vmem>>, vector<1x16xf32>,
      %swap3A_351 = vector.shape_cast %swap3A_350 : vector<1x16xf32> to vector<16xf32>
      %swap3A_352 = vector.shape_cast %broadcast_in_dim3A_3 : vector<16xf32> to vector<1x16xf32>
      tpu.vector_store %arg10[%swap3A_348, %swap3A_349], %swap3A_352 {strides = array<i32>} : memref<32x128xf32, #tpu.memory_space<vmem>>, vector<1x16xf32>,
      %swap3A_353 = arith.index_cast %scan3A_338 : i32 to index
      %swap3A_354 = arith.constant 48 : index
      %swap3A_355 = tpu.vector_load %arg10[%swap3A_353, %swap3A_354] {strides = array<i32>} : memref<32x128xf32, #tpu.memory_space<vmem>>, vector<1x16xf32>,
      %swap3A_356 = vector.shape_cast %swap3A_355 : vector<1x16xf32> to vector<16xf32>
      %swap3A_357 = vector.shape_cast %broadcast_in_dim3A_3 : vector<16xf32> to vector<1x16xf32>
      tpu.vector_store %arg10[%swap3A_353, %swap3A_354], %swap3A_357 {strides = array<i32>} : memref<32x128xf32, #tpu.memory_space<vmem>>, vector<1x16xf32>,
      %swap3A_358 = arith.index_cast %scan3A_338 : i32 to index
      %swap3A_359 = arith.constant 64 : index
      %swap3A_360 = tpu.vector_load %arg10[%swap3A_358, %swap3A_359] {strides = array<i32>} : memref<32x128xf32, #tpu.memory_space<vmem>>, vector<1x16xf32>,
      %swap3A_361 = vector.shape_cast %swap3A_360 : vector<1x16xf32> to vector<16xf32>
      %swap3A_362 = vector.shape_cast %broadcast_in_dim3A_3 : vector<16xf32> to vector<1x16xf32>
      tpu.vector_store %arg10[%swap3A_358, %swap3A_359], %swap3A_362 {strides = array<i32>} : memref<32x128xf32, #tpu.memory_space<vmem>>, vector<1x16xf32>,
      %swap3A_363 = arith.index_cast %scan3A_338 : i32 to index
      %swap3A_364 = arith.constant 80 : index
      %swap3A_365 = tpu.vector_load %arg10[%swap3A_363, %swap3A_364] {strides = array<i32>} : memref<32x128xf32, #tpu.memory_space<vmem>>, vector<1x16xf32>,
      %swap3A_366 = vector.shape_cast %swap3A_365 : vector<1x16xf32> to vector<16xf32>
      %swap3A_367 = vector.shape_cast %broadcast_in_dim3A_3 : vector<16xf32> to vector<1x16xf32>
      tpu.vector_store %arg10[%swap3A_363, %swap3A_364], %swap3A_367 {strides = array<i32>} : memref<32x128xf32, #tpu.memory_space<vmem>>, vector<1x16xf32>,
      %swap3A_368 = arith.index_cast %scan3A_338 : i32 to index
      %swap3A_369 = arith.constant 96 : index
      %swap3A_370 = tpu.vector_load %arg10[%swap3A_368, %swap3A_369] {strides = array<i32>} : memref<32x128xf32, #tpu.memory_space<vmem>>, vector<1x16xf32>,
      %swap3A_371 = vector.shape_cast %swap3A_370 : vector<1x16xf32> to vector<16xf32>
      %swap3A_372 = vector.shape_cast %broadcast_in_dim3A_3 : vector<16xf32> to vector<1x16xf32>
      tpu.vector_store %arg10[%swap3A_368, %swap3A_369], %swap3A_372 {strides = array<i32>} : memref<32x128xf32, #tpu.memory_space<vmem>>, vector<1x16xf32>,
      %swap3A_373 = arith.index_cast %scan3A_338 : i32 to index
      %swap3A_374 = arith.constant 112 : index
      %swap3A_375 = tpu.vector_load %arg10[%swap3A_373, %swap3A_374] {strides = array<i32>} : memref<32x128xf32, #tpu.memory_space<vmem>>, vector<1x16xf32>,
      %swap3A_376 = vector.shape_cast %swap3A_375 : vector<1x16xf32> to vector<16xf32>
      %swap3A_377 = vector.shape_cast %broadcast_in_dim3A_3 : vector<16xf32> to vector<1x16xf32>
      tpu.vector_store %arg10[%swap3A_373, %swap3A_374], %swap3A_377 {strides = array<i32>} : memref<32x128xf32, #tpu.memory_space<vmem>>, vector<1x16xf32>,
    }
    %scan3A_8 = arith.constant 32 : i32
    %add3A_9 = arith.constant 0 : i32
    %add3A_10 = arith.addi %multiple_of3A, %add3A_9 : i32
    %dma_start3A = arith.constant 0 : i32
    %dma_start3A_11 = tpu.memref_slice %arg14[%add3A_10, %dma_start3A] : memref<10240x128xf32, #tpu.memory_space<vmem_shared>> -> memref<32x128xf32, #tpu.memory_space<vmem_shared>>
    %dma_start3A_12 = arith.constant 0 : i32
    %dma_start3A_13 = tpu.memref_slice %arg14[%add3A_10, %dma_start3A_12] : memref<10240x128xf32, #tpu.memory_space<vmem_shared>> -> memref<32x128xf32, #tpu.memory_space<vmem_shared>>
    tpu.enqueue_dma source(%arg10 : memref<32x128xf32, #tpu.memory_space<vmem>>) target(%dma_start3A_13 : memref<32x128xf32, #tpu.memory_space<vmem_shared>>) target_semaphore(%arg13 : memref<!tpu.dma_semaphore, #tpu.memory_space<semaphore_mem>>)
    %add3A_14 = arith.constant 32 : i32
    %add3A_15 = arith.addi %multiple_of3A, %add3A_14 : i32
    %dma_start3A_16 = arith.constant 0 : i32
    %dma_start3A_17 = tpu.memref_slice %arg14[%add3A_15, %dma_start3A_16] : memref<10240x128xf32, #tpu.memory_space<vmem_shared>> -> memref<32x128xf32, #tpu.memory_space<vmem_shared>>
    %dma_start3A_18 = arith.constant 0 : i32
    %dma_start3A_19 = tpu.memref_slice %arg14[%add3A_15, %dma_start3A_18] : memref<10240x128xf32, #tpu.memory_space<vmem_shared>> -> memref<32x128xf32, #tpu.memory_space<vmem_shared>>
    tpu.enqueue_dma source(%arg10 : memref<32x128xf32, #tpu.memory_space<vmem>>) target(%dma_start3A_19 : memref<32x128xf32, #tpu.memory_space<vmem_shared>>) target_semaphore(%arg13 : memref<!tpu.dma_semaphore, #tpu.memory_space<semaphore_mem>>)
    %add3A_20 = arith.constant 64 : i32
    %add3A_21 = arith.addi %multiple_of3A, %add3A_20 : i32
    %dma_start3A_22 = arith.constant 0 : i32
    %dma_start3A_23 = tpu.memref_slice %arg14[%add3A_21, %dma_start3A_22] : memref<10240x128xf32, #tpu.memory_space<vmem_shared>> -> memref<32x128xf32, #tpu.memory_space<vmem_shared>>
    %dma_start3A_24 = arith.constant 0 : i32
    %dma_start3A_25 = tpu.memref_slice %arg14[%add3A_21, %dma_start3A_24] : memref<10240x128xf32, #tpu.memory_space<vmem_shared>> -> memref<32x128xf32, #tpu.memory_space<vmem_shared>>
    tpu.enqueue_dma source(%arg10 : memref<32x128xf32, #tpu.memory_space<vmem>>) target(%dma_start3A_25 : memref<32x128xf32, #tpu.memory_space<vmem_shared>>) target_semaphore(%arg13 : memref<!tpu.dma_semaphore, #tpu.memory_space<semaphore_mem>>)
    %add3A_26 = arith.constant 96 : i32
    %add3A_27 = arith.addi %multiple_of3A, %add3A_26 : i32
    %dma_start3A_28 = arith.constant 0 : i32
    %dma_start3A_29 = tpu.memref_slice %arg14[%add3A_27, %dma_start3A_28] : memref<10240x128xf32, #tpu.memory_space<vmem_shared>> -> memref<32x128xf32, #tpu.memory_space<vmem_shared>>
    %dma_start3A_30 = arith.constant 0 : i32
    %dma_start3A_31 = tpu.memref_slice %arg14[%add3A_27, %dma_start3A_30] : memref<10240x128xf32, #tpu.memory_space<vmem_shared>> -> memref<32x128xf32, #tpu.memory_space<vmem_shared>>
    tpu.enqueue_dma source(%arg10 : memref<32x128xf32, #tpu.memory_space<vmem>>) target(%dma_start3A_31 : memref<32x128xf32, #tpu.memory_space<vmem_shared>>) target_semaphore(%arg13 : memref<!tpu.dma_semaphore, #tpu.memory_space<semaphore_mem>>)
    %add3A_32 = arith.constant 128 : i32
    %add3A_33 = arith.addi %multiple_of3A, %add3A_32 : i32
    %dma_start3A_34 = arith.constant 0 : i32
    %dma_start3A_35 = tpu.memref_slice %arg14[%add3A_33, %dma_start3A_34] : memref<10240x128xf32, #tpu.memory_space<vmem_shared>> -> memref<32x128xf32, #tpu.memory_space<vmem_shared>>
    %dma_start3A_36 = arith.constant 0 : i32
    %dma_start3A_37 = tpu.memref_slice %arg14[%add3A_33, %dma_start3A_36] : memref<10240x128xf32, #tpu.memory_space<vmem_shared>> -> memref<32x128xf32, #tpu.memory_space<vmem_shared>>
    tpu.enqueue_dma source(%arg10 : memref<32x128xf32, #tpu.memory_space<vmem>>) target(%dma_start3A_37 : memref<32x128xf32, #tpu.memory_space<vmem_shared>>) target_semaphore(%arg13 : memref<!tpu.dma_semaphore, #tpu.memory_space<semaphore_mem>>)
    %add3A_38 = arith.constant 160 : i32
    %add3A_39 = arith.addi %multiple_of3A, %add3A_38 : i32
    %dma_start3A_40 = arith.constant 0 : i32
    %dma_start3A_41 = tpu.memref_slice %arg14[%add3A_39, %dma_start3A_40] : memref<10240x128xf32, #tpu.memory_space<vmem_shared>> -> memref<32x128xf32, #tpu.memory_space<vmem_shared>>
    %dma_start3A_42 = arith.constant 0 : i32
    %dma_start3A_43 = tpu.memref_slice %arg14[%add3A_39, %dma_start3A_42] : memref<10240x128xf32, #tpu.memory_space<vmem_shared>> -> memref<32x128xf32, #tpu.memory_space<vmem_shared>>
    tpu.enqueue_dma source(%arg10 : memref<32x128xf32, #tpu.memory_space<vmem>>) target(%dma_start3A_43 : memref<32x128xf32, #tpu.memory_space<vmem_shared>>) target_semaphore(%arg13 : memref<!tpu.dma_semaphore, #tpu.memory_space<semaphore_mem>>)
    %add3A_44 = arith.constant 192 : i32
    %add3A_45 = arith.addi %multiple_of3A, %add3A_44 : i32
    %dma_start3A_46 = arith.constant 0 : i32
    %dma_start3A_47 = tpu.memref_slice %arg14[%add3A_45, %dma_start3A_46] : memref<10240x128xf32, #tpu.memory_space<vmem_shared>> -> memref<32x128xf32, #tpu.memory_space<vmem_shared>>
    %dma_start3A_48 = arith.constant 0 : i32
    %dma_start3A_49 = tpu.memref_slice %arg14[%add3A_45, %dma_start3A_48] : memref<10240x128xf32, #tpu.memory_space<vmem_shared>> -> memref<32x128xf32, #tpu.memory_space<vmem_shared>>
    tpu.enqueue_dma source(%arg10 : memref<32x128xf32, #tpu.memory_space<vmem>>) target(%dma_start3A_49 : memref<32x128xf32, #tpu.memory_space<vmem_shared>>) target_semaphore(%arg13 : memref<!tpu.dma_semaphore, #tpu.memory_space<semaphore_mem>>)
    %add3A_50 = arith.constant 224 : i32
    %add3A_51 = arith.addi %multiple_of3A, %add3A_50 : i32
    %dma_start3A_52 = arith.constant 0 : i32
    %dma_start3A_53 = tpu.memref_slice %arg14[%add3A_51, %dma_start3A_52] : memref<10240x128xf32, #tpu.memory_space<vmem_shared>> -> memref<32x128xf32, #tpu.memory_space<vmem_shared>>
    %dma_start3A_54 = arith.constant 0 : i32
    %dma_start3A_55 = tpu.memref_slice %arg14[%add3A_51, %dma_start3A_54] : memref<10240x128xf32, #tpu.memory_space<vmem_shared>> -> memref<32x128xf32, #tpu.memory_space<vmem_shared>>
    tpu.enqueue_dma source(%arg10 : memref<32x128xf32, #tpu.memory_space<vmem>>) target(%dma_start3A_55 : memref<32x128xf32, #tpu.memory_space<vmem_shared>>) target_semaphore(%arg13 : memref<!tpu.dma_semaphore, #tpu.memory_space<semaphore_mem>>)
    %add3A_56 = arith.constant 256 : i32
    %add3A_57 = arith.addi %multiple_of3A, %add3A_56 : i32
    %dma_start3A_58 = arith.constant 0 : i32
    %dma_start3A_59 = tpu.memref_slice %arg14[%add3A_57, %dma_start3A_58] : memref<10240x128xf32, #tpu.memory_space<vmem_shared>> -> memref<32x128xf32, #tpu.memory_space<vmem_shared>>
    %dma_start3A_60 = arith.constant 0 : i32
    %dma_start3A_61 = tpu.memref_slice %arg14[%add3A_57, %dma_start3A_60] : memref<10240x128xf32, #tpu.memory_space<vmem_shared>> -> memref<32x128xf32, #tpu.memory_space<vmem_shared>>
    tpu.enqueue_dma source(%arg10 : memref<32x128xf32, #tpu.memory_space<vmem>>) target(%dma_start3A_61 : memref<32x128xf32, #tpu.memory_space<vmem_shared>>) target_semaphore(%arg13 : memref<!tpu.dma_semaphore, #tpu.memory_space<semaphore_mem>>)
    %add3A_62 = arith.constant 288 : i32
    %add3A_63 = arith.addi %multiple_of3A, %add3A_62 : i32
    %dma_start3A_64 = arith.constant 0 : i32
    %dma_start3A_65 = tpu.memref_slice %arg14[%add3A_63, %dma_start3A_64] : memref<10240x128xf32, #tpu.memory_space<vmem_shared>> -> memref<32x128xf32, #tpu.memory_space<vmem_shared>>
    %dma_start3A_66 = arith.constant 0 : i32
    %dma_start3A_67 = tpu.memref_slice %arg14[%add3A_63, %dma_start3A_66] : memref<10240x128xf32, #tpu.memory_space<vmem_shared>> -> memref<32x128xf32, #tpu.memory_space<vmem_shared>>
    tpu.enqueue_dma source(%arg10 : memref<32x128xf32, #tpu.memory_space<vmem>>) target(%dma_start3A_67 : memref<32x128xf32, #tpu.memory_space<vmem_shared>>) target_semaphore(%arg13 : memref<!tpu.dma_semaphore, #tpu.memory_space<semaphore_mem>>)
    %add3A_68 = arith.constant 320 : i32
    %add3A_69 = arith.addi %multiple_of3A, %add3A_68 : i32
    %dma_start3A_70 = arith.constant 0 : i32
    %dma_start3A_71 = tpu.memref_slice %arg14[%add3A_69, %dma_start3A_70] : memref<10240x128xf32, #tpu.memory_space<vmem_shared>> -> memref<32x128xf32, #tpu.memory_space<vmem_shared>>
    %dma_start3A_72 = arith.constant 0 : i32
    %dma_start3A_73 = tpu.memref_slice %arg14[%add3A_69, %dma_start3A_72] : memref<10240x128xf32, #tpu.memory_space<vmem_shared>> -> memref<32x128xf32, #tpu.memory_space<vmem_shared>>
    tpu.enqueue_dma source(%arg10 : memref<32x128xf32, #tpu.memory_space<vmem>>) target(%dma_start3A_73 : memref<32x128xf32, #tpu.memory_space<vmem_shared>>) target_semaphore(%arg13 : memref<!tpu.dma_semaphore, #tpu.memory_space<semaphore_mem>>)
    %add3A_74 = arith.constant 352 : i32
    %add3A_75 = arith.addi %multiple_of3A, %add3A_74 : i32
    %dma_start3A_76 = arith.constant 0 : i32
    %dma_start3A_77 = tpu.memref_slice %arg14[%add3A_75, %dma_start3A_76] : memref<10240x128xf32, #tpu.memory_space<vmem_shared>> -> memref<32x128xf32, #tpu.memory_space<vmem_shared>>
    %dma_start3A_78 = arith.constant 0 : i32
    %dma_start3A_79 = tpu.memref_slice %arg14[%add3A_75, %dma_start3A_78] : memref<10240x128xf32, #tpu.memory_space<vmem_shared>> -> memref<32x128xf32, #tpu.memory_space<vmem_shared>>
    tpu.enqueue_dma source(%arg10 : memref<32x128xf32, #tpu.memory_space<vmem>>) target(%dma_start3A_79 : memref<32x128xf32, #tpu.memory_space<vmem_shared>>) target_semaphore(%arg13 : memref<!tpu.dma_semaphore, #tpu.memory_space<semaphore_mem>>)
    %add3A_80 = arith.constant 384 : i32
    %add3A_81 = arith.addi %multiple_of3A, %add3A_80 : i32
    %dma_start3A_82 = arith.constant 0 : i32
    %dma_start3A_83 = tpu.memref_slice %arg14[%add3A_81, %dma_start3A_82] : memref<10240x128xf32, #tpu.memory_space<vmem_shared>> -> memref<32x128xf32, #tpu.memory_space<vmem_shared>>
    %dma_start3A_84 = arith.constant 0 : i32
    %dma_start3A_85 = tpu.memref_slice %arg14[%add3A_81, %dma_start3A_84] : memref<10240x128xf32, #tpu.memory_space<vmem_shared>> -> memref<32x128xf32, #tpu.memory_space<vmem_shared>>
    tpu.enqueue_dma source(%arg10 : memref<32x128xf32, #tpu.memory_space<vmem>>) target(%dma_start3A_85 : memref<32x128xf32, #tpu.memory_space<vmem_shared>>) target_semaphore(%arg13 : memref<!tpu.dma_semaphore, #tpu.memory_space<semaphore_mem>>)
    %add3A_86 = arith.constant 416 : i32
    %add3A_87 = arith.addi %multiple_of3A, %add3A_86 : i32
    %dma_start3A_88 = arith.constant 0 : i32
    %dma_start3A_89 = tpu.memref_slice %arg14[%add3A_87, %dma_start3A_88] : memref<10240x128xf32, #tpu.memory_space<vmem_shared>> -> memref<32x128xf32, #tpu.memory_space<vmem_shared>>
    %dma_start3A_90 = arith.constant 0 : i32
    %dma_start3A_91 = tpu.memref_slice %arg14[%add3A_87, %dma_start3A_90] : memref<10240x128xf32, #tpu.memory_space<vmem_shared>> -> memref<32x128xf32, #tpu.memory_space<vmem_shared>>
    tpu.enqueue_dma source(%arg10 : memref<32x128xf32, #tpu.memory_space<vmem>>) target(%dma_start3A_91 : memref<32x128xf32, #tpu.memory_space<vmem_shared>>) target_semaphore(%arg13 : memref<!tpu.dma_semaphore, #tpu.memory_space<semaphore_mem>>)
    %add3A_92 = arith.constant 448 : i32
    %add3A_93 = arith.addi %multiple_of3A, %add3A_92 : i32
    %dma_start3A_94 = arith.constant 0 : i32
    %dma_start3A_95 = tpu.memref_slice %arg14[%add3A_93, %dma_start3A_94] : memref<10240x128xf32, #tpu.memory_space<vmem_shared>> -> memref<32x128xf32, #tpu.memory_space<vmem_shared>>
    %dma_start3A_96 = arith.constant 0 : i32
    %dma_start3A_97 = tpu.memref_slice %arg14[%add3A_93, %dma_start3A_96] : memref<10240x128xf32, #tpu.memory_space<vmem_shared>> -> memref<32x128xf32, #tpu.memory_space<vmem_shared>>
    tpu.enqueue_dma source(%arg10 : memref<32x128xf32, #tpu.memory_space<vmem>>) target(%dma_start3A_97 : memref<32x128xf32, #tpu.memory_space<vmem_shared>>) target_semaphore(%arg13 : memref<!tpu.dma_semaphore, #tpu.memory_space<semaphore_mem>>)
    %add3A_98 = arith.constant 480 : i32
    %add3A_99 = arith.addi %multiple_of3A, %add3A_98 : i32
    %dma_start3A_100 = arith.constant 0 : i32
    %dma_start3A_101 = tpu.memref_slice %arg14[%add3A_99, %dma_start3A_100] : memref<10240x128xf32, #tpu.memory_space<vmem_shared>> -> memref<32x128xf32, #tpu.memory_space<vmem_shared>>
    %dma_start3A_102 = arith.constant 0 : i32
    %dma_start3A_103 = tpu.memref_slice %arg14[%add3A_99, %dma_start3A_102] : memref<10240x128xf32, #tpu.memory_space<vmem_shared>> -> memref<32x128xf32, #tpu.memory_space<vmem_shared>>
    tpu.enqueue_dma source(%arg10 : memref<32x128xf32, #tpu.memory_space<vmem>>) target(%dma_start3A_103 : memref<32x128xf32, #tpu.memory_space<vmem_shared>>) target_semaphore(%arg13 : memref<!tpu.dma_semaphore, #tpu.memory_space<semaphore_mem>>)
    %add3A_104 = arith.constant 512 : i32
    %add3A_105 = arith.addi %multiple_of3A, %add3A_104 : i32
    %dma_start3A_106 = arith.constant 0 : i32
    %dma_start3A_107 = tpu.memref_slice %arg14[%add3A_105, %dma_start3A_106] : memref<10240x128xf32, #tpu.memory_space<vmem_shared>> -> memref<32x128xf32, #tpu.memory_space<vmem_shared>>
    %dma_start3A_108 = arith.constant 0 : i32
    %dma_start3A_109 = tpu.memref_slice %arg14[%add3A_105, %dma_start3A_108] : memref<10240x128xf32, #tpu.memory_space<vmem_shared>> -> memref<32x128xf32, #tpu.memory_space<vmem_shared>>
    tpu.enqueue_dma source(%arg10 : memref<32x128xf32, #tpu.memory_space<vmem>>) target(%dma_start3A_109 : memref<32x128xf32, #tpu.memory_space<vmem_shared>>) target_semaphore(%arg13 : memref<!tpu.dma_semaphore, #tpu.memory_space<semaphore_mem>>)
    %add3A_110 = arith.constant 544 : i32
    %add3A_111 = arith.addi %multiple_of3A, %add3A_110 : i32
    %dma_start3A_112 = arith.constant 0 : i32
    %dma_start3A_113 = tpu.memref_slice %arg14[%add3A_111, %dma_start3A_112] : memref<10240x128xf32, #tpu.memory_space<vmem_shared>> -> memref<32x128xf32, #tpu.memory_space<vmem_shared>>
    %dma_start3A_114 = arith.constant 0 : i32
    %dma_start3A_115 = tpu.memref_slice %arg14[%add3A_111, %dma_start3A_114] : memref<10240x128xf32, #tpu.memory_space<vmem_shared>> -> memref<32x128xf32, #tpu.memory_space<vmem_shared>>
    tpu.enqueue_dma source(%arg10 : memref<32x128xf32, #tpu.memory_space<vmem>>) target(%dma_start3A_115 : memref<32x128xf32, #tpu.memory_space<vmem_shared>>) target_semaphore(%arg13 : memref<!tpu.dma_semaphore, #tpu.memory_space<semaphore_mem>>)
    %add3A_116 = arith.constant 576 : i32
    %add3A_117 = arith.addi %multiple_of3A, %add3A_116 : i32
    %dma_start3A_118 = arith.constant 0 : i32
    %dma_start3A_119 = tpu.memref_slice %arg14[%add3A_117, %dma_start3A_118] : memref<10240x128xf32, #tpu.memory_space<vmem_shared>> -> memref<32x128xf32, #tpu.memory_space<vmem_shared>>
    %dma_start3A_120 = arith.constant 0 : i32
    %dma_start3A_121 = tpu.memref_slice %arg14[%add3A_117, %dma_start3A_120] : memref<10240x128xf32, #tpu.memory_space<vmem_shared>> -> memref<32x128xf32, #tpu.memory_space<vmem_shared>>
    tpu.enqueue_dma source(%arg10 : memref<32x128xf32, #tpu.memory_space<vmem>>) target(%dma_start3A_121 : memref<32x128xf32, #tpu.memory_space<vmem_shared>>) target_semaphore(%arg13 : memref<!tpu.dma_semaphore, #tpu.memory_space<semaphore_mem>>)
    %add3A_122 = arith.constant 608 : i32
    %add3A_123 = arith.addi %multiple_of3A, %add3A_122 : i32
    %dma_start3A_124 = arith.constant 0 : i32
    %dma_start3A_125 = tpu.memref_slice %arg14[%add3A_123, %dma_start3A_124] : memref<10240x128xf32, #tpu.memory_space<vmem_shared>> -> memref<32x128xf32, #tpu.memory_space<vmem_shared>>
    %dma_start3A_126 = arith.constant 0 : i32
    %dma_start3A_127 = tpu.memref_slice %arg14[%add3A_123, %dma_start3A_126] : memref<10240x128xf32, #tpu.memory_space<vmem_shared>> -> memref<32x128xf32, #tpu.memory_space<vmem_shared>>
    tpu.enqueue_dma source(%arg10 : memref<32x128xf32, #tpu.memory_space<vmem>>) target(%dma_start3A_127 : memref<32x128xf32, #tpu.memory_space<vmem_shared>>) target_semaphore(%arg13 : memref<!tpu.dma_semaphore, #tpu.memory_space<semaphore_mem>>)
    %add3A_128 = arith.constant 0 : i32
    %add3A_129 = arith.addi %multiple_of3A, %add3A_128 : i32
    %dma_wait3A = arith.constant 0 : i32
    %dma_wait3A_130 = tpu.memref_slice %arg14[%add3A_129, %dma_wait3A] : memref<10240x128xf32, #tpu.memory_space<vmem_shared>> -> memref<32x128xf32, #tpu.memory_space<vmem_shared>>
    %dma_wait3A_131 = arith.constant 0 : i32
    %dma_wait3A_132 = tpu.memref_slice %arg14[%add3A_129, %dma_wait3A_131] : memref<10240x128xf32, #tpu.memory_space<vmem_shared>> -> memref<32x128xf32, #tpu.memory_space<vmem_shared>>
    tpu.wait_dma2 semaphore(%arg13 : memref<!tpu.dma_semaphore, #tpu.memory_space<semaphore_mem>>) src(%arg10 : memref<32x128xf32, #tpu.memory_space<vmem>>) dst(%dma_wait3A_132 : memref<32x128xf32, #tpu.memory_space<vmem_shared>>)
    %add3A_133 = arith.constant 32 : i32
    %add3A_134 = arith.addi %multiple_of3A, %add3A_133 : i32
    %dma_wait3A_135 = arith.constant 0 : i32
    %dma_wait3A_136 = tpu.memref_slice %arg14[%add3A_134, %dma_wait3A_135] : memref<10240x128xf32, #tpu.memory_space<vmem_shared>> -> memref<32x128xf32, #tpu.memory_space<vmem_shared>>
    %dma_wait3A_137 = arith.constant 0 : i32
    %dma_wait3A_138 = tpu.memref_slice %arg14[%add3A_134, %dma_wait3A_137] : memref<10240x128xf32, #tpu.memory_space<vmem_shared>> -> memref<32x128xf32, #tpu.memory_space<vmem_shared>>
    tpu.wait_dma2 semaphore(%arg13 : memref<!tpu.dma_semaphore, #tpu.memory_space<semaphore_mem>>) src(%arg10 : memref<32x128xf32, #tpu.memory_space<vmem>>) dst(%dma_wait3A_138 : memref<32x128xf32, #tpu.memory_space<vmem_shared>>)
    %add3A_139 = arith.constant 64 : i32
    %add3A_140 = arith.addi %multiple_of3A, %add3A_139 : i32
    %dma_wait3A_141 = arith.constant 0 : i32
    %dma_wait3A_142 = tpu.memref_slice %arg14[%add3A_140, %dma_wait3A_141] : memref<10240x128xf32, #tpu.memory_space<vmem_shared>> -> memref<32x128xf32, #tpu.memory_space<vmem_shared>>
    %dma_wait3A_143 = arith.constant 0 : i32
    %dma_wait3A_144 = tpu.memref_slice %arg14[%add3A_140, %dma_wait3A_143] : memref<10240x128xf32, #tpu.memory_space<vmem_shared>> -> memref<32x128xf32, #tpu.memory_space<vmem_shared>>
    tpu.wait_dma2 semaphore(%arg13 : memref<!tpu.dma_semaphore, #tpu.memory_space<semaphore_mem>>) src(%arg10 : memref<32x128xf32, #tpu.memory_space<vmem>>) dst(%dma_wait3A_144 : memref<32x128xf32, #tpu.memory_space<vmem_shared>>)
    %add3A_145 = arith.constant 96 : i32
    %add3A_146 = arith.addi %multiple_of3A, %add3A_145 : i32
    %dma_wait3A_147 = arith.constant 0 : i32
    %dma_wait3A_148 = tpu.memref_slice %arg14[%add3A_146, %dma_wait3A_147] : memref<10240x128xf32, #tpu.memory_space<vmem_shared>> -> memref<32x128xf32, #tpu.memory_space<vmem_shared>>
    %dma_wait3A_149 = arith.constant 0 : i32
    %dma_wait3A_150 = tpu.memref_slice %arg14[%add3A_146, %dma_wait3A_149] : memref<10240x128xf32, #tpu.memory_space<vmem_shared>> -> memref<32x128xf32, #tpu.memory_space<vmem_shared>>
    tpu.wait_dma2 semaphore(%arg13 : memref<!tpu.dma_semaphore, #tpu.memory_space<semaphore_mem>>) src(%arg10 : memref<32x128xf32, #tpu.memory_space<vmem>>) dst(%dma_wait3A_150 : memref<32x128xf32, #tpu.memory_space<vmem_shared>>)
    %add3A_151 = arith.constant 128 : i32
    %add3A_152 = arith.addi %multiple_of3A, %add3A_151 : i32
    %dma_wait3A_153 = arith.constant 0 : i32
    %dma_wait3A_154 = tpu.memref_slice %arg14[%add3A_152, %dma_wait3A_153] : memref<10240x128xf32, #tpu.memory_space<vmem_shared>> -> memref<32x128xf32, #tpu.memory_space<vmem_shared>>
    %dma_wait3A_155 = arith.constant 0 : i32
    %dma_wait3A_156 = tpu.memref_slice %arg14[%add3A_152, %dma_wait3A_155] : memref<10240x128xf32, #tpu.memory_space<vmem_shared>> -> memref<32x128xf32, #tpu.memory_space<vmem_shared>>
    tpu.wait_dma2 semaphore(%arg13 : memref<!tpu.dma_semaphore, #tpu.memory_space<semaphore_mem>>) src(%arg10 : memref<32x128xf32, #tpu.memory_space<vmem>>) dst(%dma_wait3A_156 : memref<32x128xf32, #tpu.memory_space<vmem_shared>>)
    %add3A_157 = arith.constant 160 : i32
    %add3A_158 = arith.addi %multiple_of3A, %add3A_157 : i32
    %dma_wait3A_159 = arith.constant 0 : i32
    %dma_wait3A_160 = tpu.memref_slice %arg14[%add3A_158, %dma_wait3A_159] : memref<10240x128xf32, #tpu.memory_space<vmem_shared>> -> memref<32x128xf32, #tpu.memory_space<vmem_shared>>
    %dma_wait3A_161 = arith.constant 0 : i32
    %dma_wait3A_162 = tpu.memref_slice %arg14[%add3A_158, %dma_wait3A_161] : memref<10240x128xf32, #tpu.memory_space<vmem_shared>> -> memref<32x128xf32, #tpu.memory_space<vmem_shared>>
    tpu.wait_dma2 semaphore(%arg13 : memref<!tpu.dma_semaphore, #tpu.memory_space<semaphore_mem>>) src(%arg10 : memref<32x128xf32, #tpu.memory_space<vmem>>) dst(%dma_wait3A_162 : memref<32x128xf32, #tpu.memory_space<vmem_shared>>)
    %add3A_163 = arith.constant 192 : i32
    %add3A_164 = arith.addi %multiple_of3A, %add3A_163 : i32
    %dma_wait3A_165 = arith.constant 0 : i32
    %dma_wait3A_166 = tpu.memref_slice %arg14[%add3A_164, %dma_wait3A_165] : memref<10240x128xf32, #tpu.memory_space<vmem_shared>> -> memref<32x128xf32, #tpu.memory_space<vmem_shared>>
    %dma_wait3A_167 = arith.constant 0 : i32
    %dma_wait3A_168 = tpu.memref_slice %arg14[%add3A_164, %dma_wait3A_167] : memref<10240x128xf32, #tpu.memory_space<vmem_shared>> -> memref<32x128xf32, #tpu.memory_space<vmem_shared>>
    tpu.wait_dma2 semaphore(%arg13 : memref<!tpu.dma_semaphore, #tpu.memory_space<semaphore_mem>>) src(%arg10 : memref<32x128xf32, #tpu.memory_space<vmem>>) dst(%dma_wait3A_168 : memref<32x128xf32, #tpu.memory_space<vmem_shared>>)
    %add3A_169 = arith.constant 224 : i32
    %add3A_170 = arith.addi %multiple_of3A, %add3A_169 : i32
    %dma_wait3A_171 = arith.constant 0 : i32
    %dma_wait3A_172 = tpu.memref_slice %arg14[%add3A_170, %dma_wait3A_171] : memref<10240x128xf32, #tpu.memory_space<vmem_shared>> -> memref<32x128xf32, #tpu.memory_space<vmem_shared>>
    %dma_wait3A_173 = arith.constant 0 : i32
    %dma_wait3A_174 = tpu.memref_slice %arg14[%add3A_170, %dma_wait3A_173] : memref<10240x128xf32, #tpu.memory_space<vmem_shared>> -> memref<32x128xf32, #tpu.memory_space<vmem_shared>>
    tpu.wait_dma2 semaphore(%arg13 : memref<!tpu.dma_semaphore, #tpu.memory_space<semaphore_mem>>) src(%arg10 : memref<32x128xf32, #tpu.memory_space<vmem>>) dst(%dma_wait3A_174 : memref<32x128xf32, #tpu.memory_space<vmem_shared>>)
    %add3A_175 = arith.constant 256 : i32
    %add3A_176 = arith.addi %multiple_of3A, %add3A_175 : i32
    %dma_wait3A_177 = arith.constant 0 : i32
    %dma_wait3A_178 = tpu.memref_slice %arg14[%add3A_176, %dma_wait3A_177] : memref<10240x128xf32, #tpu.memory_space<vmem_shared>> -> memref<32x128xf32, #tpu.memory_space<vmem_shared>>
    %dma_wait3A_179 = arith.constant 0 : i32
    %dma_wait3A_180 = tpu.memref_slice %arg14[%add3A_176, %dma_wait3A_179] : memref<10240x128xf32, #tpu.memory_space<vmem_shared>> -> memref<32x128xf32, #tpu.memory_space<vmem_shared>>
    tpu.wait_dma2 semaphore(%arg13 : memref<!tpu.dma_semaphore, #tpu.memory_space<semaphore_mem>>) src(%arg10 : memref<32x128xf32, #tpu.memory_space<vmem>>) dst(%dma_wait3A_180 : memref<32x128xf32, #tpu.memory_space<vmem_shared>>)
    %add3A_181 = arith.constant 288 : i32
    %add3A_182 = arith.addi %multiple_of3A, %add3A_181 : i32
    %dma_wait3A_183 = arith.constant 0 : i32
    %dma_wait3A_184 = tpu.memref_slice %arg14[%add3A_182, %dma_wait3A_183] : memref<10240x128xf32, #tpu.memory_space<vmem_shared>> -> memref<32x128xf32, #tpu.memory_space<vmem_shared>>
    %dma_wait3A_185 = arith.constant 0 : i32
    %dma_wait3A_186 = tpu.memref_slice %arg14[%add3A_182, %dma_wait3A_185] : memref<10240x128xf32, #tpu.memory_space<vmem_shared>> -> memref<32x128xf32, #tpu.memory_space<vmem_shared>>
    tpu.wait_dma2 semaphore(%arg13 : memref<!tpu.dma_semaphore, #tpu.memory_space<semaphore_mem>>) src(%arg10 : memref<32x128xf32, #tpu.memory_space<vmem>>) dst(%dma_wait3A_186 : memref<32x128xf32, #tpu.memory_space<vmem_shared>>)
    %add3A_187 = arith.constant 320 : i32
    %add3A_188 = arith.addi %multiple_of3A, %add3A_187 : i32
    %dma_wait3A_189 = arith.constant 0 : i32
    %dma_wait3A_190 = tpu.memref_slice %arg14[%add3A_188, %dma_wait3A_189] : memref<10240x128xf32, #tpu.memory_space<vmem_shared>> -> memref<32x128xf32, #tpu.memory_space<vmem_shared>>
    %dma_wait3A_191 = arith.constant 0 : i32
    %dma_wait3A_192 = tpu.memref_slice %arg14[%add3A_188, %dma_wait3A_191] : memref<10240x128xf32, #tpu.memory_space<vmem_shared>> -> memref<32x128xf32, #tpu.memory_space<vmem_shared>>
    tpu.wait_dma2 semaphore(%arg13 : memref<!tpu.dma_semaphore, #tpu.memory_space<semaphore_mem>>) src(%arg10 : memref<32x128xf32, #tpu.memory_space<vmem>>) dst(%dma_wait3A_192 : memref<32x128xf32, #tpu.memory_space<vmem_shared>>)
    %add3A_193 = arith.constant 352 : i32
    %add3A_194 = arith.addi %multiple_of3A, %add3A_193 : i32
    %dma_wait3A_195 = arith.constant 0 : i32
    %dma_wait3A_196 = tpu.memref_slice %arg14[%add3A_194, %dma_wait3A_195] : memref<10240x128xf32, #tpu.memory_space<vmem_shared>> -> memref<32x128xf32, #tpu.memory_space<vmem_shared>>
    %dma_wait3A_197 = arith.constant 0 : i32
    %dma_wait3A_198 = tpu.memref_slice %arg14[%add3A_194, %dma_wait3A_197] : memref<10240x128xf32, #tpu.memory_space<vmem_shared>> -> memref<32x128xf32, #tpu.memory_space<vmem_shared>>
    tpu.wait_dma2 semaphore(%arg13 : memref<!tpu.dma_semaphore, #tpu.memory_space<semaphore_mem>>) src(%arg10 : memref<32x128xf32, #tpu.memory_space<vmem>>) dst(%dma_wait3A_198 : memref<32x128xf32, #tpu.memory_space<vmem_shared>>)
    %add3A_199 = arith.constant 384 : i32
    %add3A_200 = arith.addi %multiple_of3A, %add3A_199 : i32
    %dma_wait3A_201 = arith.constant 0 : i32
    %dma_wait3A_202 = tpu.memref_slice %arg14[%add3A_200, %dma_wait3A_201] : memref<10240x128xf32, #tpu.memory_space<vmem_shared>> -> memref<32x128xf32, #tpu.memory_space<vmem_shared>>
    %dma_wait3A_203 = arith.constant 0 : i32
    %dma_wait3A_204 = tpu.memref_slice %arg14[%add3A_200, %dma_wait3A_203] : memref<10240x128xf32, #tpu.memory_space<vmem_shared>> -> memref<32x128xf32, #tpu.memory_space<vmem_shared>>
    tpu.wait_dma2 semaphore(%arg13 : memref<!tpu.dma_semaphore, #tpu.memory_space<semaphore_mem>>) src(%arg10 : memref<32x128xf32, #tpu.memory_space<vmem>>) dst(%dma_wait3A_204 : memref<32x128xf32, #tpu.memory_space<vmem_shared>>)
    %add3A_205 = arith.constant 416 : i32
    %add3A_206 = arith.addi %multiple_of3A, %add3A_205 : i32
    %dma_wait3A_207 = arith.constant 0 : i32
    %dma_wait3A_208 = tpu.memref_slice %arg14[%add3A_206, %dma_wait3A_207] : memref<10240x128xf32, #tpu.memory_space<vmem_shared>> -> memref<32x128xf32, #tpu.memory_space<vmem_shared>>
    %dma_wait3A_209 = arith.constant 0 : i32
    %dma_wait3A_210 = tpu.memref_slice %arg14[%add3A_206, %dma_wait3A_209] : memref<10240x128xf32, #tpu.memory_space<vmem_shared>> -> memref<32x128xf32, #tpu.memory_space<vmem_shared>>
    tpu.wait_dma2 semaphore(%arg13 : memref<!tpu.dma_semaphore, #tpu.memory_space<semaphore_mem>>) src(%arg10 : memref<32x128xf32, #tpu.memory_space<vmem>>) dst(%dma_wait3A_210 : memref<32x128xf32, #tpu.memory_space<vmem_shared>>)
    %add3A_211 = arith.constant 448 : i32
    %add3A_212 = arith.addi %multiple_of3A, %add3A_211 : i32
    %dma_wait3A_213 = arith.constant 0 : i32
    %dma_wait3A_214 = tpu.memref_slice %arg14[%add3A_212, %dma_wait3A_213] : memref<10240x128xf32, #tpu.memory_space<vmem_shared>> -> memref<32x128xf32, #tpu.memory_space<vmem_shared>>
    %dma_wait3A_215 = arith.constant 0 : i32
    %dma_wait3A_216 = tpu.memref_slice %arg14[%add3A_212, %dma_wait3A_215] : memref<10240x128xf32, #tpu.memory_space<vmem_shared>> -> memref<32x128xf32, #tpu.memory_space<vmem_shared>>
    tpu.wait_dma2 semaphore(%arg13 : memref<!tpu.dma_semaphore, #tpu.memory_space<semaphore_mem>>) src(%arg10 : memref<32x128xf32, #tpu.memory_space<vmem>>) dst(%dma_wait3A_216 : memref<32x128xf32, #tpu.memory_space<vmem_shared>>)
    %add3A_217 = arith.constant 480 : i32
    %add3A_218 = arith.addi %multiple_of3A, %add3A_217 : i32
    %dma_wait3A_219 = arith.constant 0 : i32
    %dma_wait3A_220 = tpu.memref_slice %arg14[%add3A_218, %dma_wait3A_219] : memref<10240x128xf32, #tpu.memory_space<vmem_shared>> -> memref<32x128xf32, #tpu.memory_space<vmem_shared>>
    %dma_wait3A_221 = arith.constant 0 : i32
    %dma_wait3A_222 = tpu.memref_slice %arg14[%add3A_218, %dma_wait3A_221] : memref<10240x128xf32, #tpu.memory_space<vmem_shared>> -> memref<32x128xf32, #tpu.memory_space<vmem_shared>>
    tpu.wait_dma2 semaphore(%arg13 : memref<!tpu.dma_semaphore, #tpu.memory_space<semaphore_mem>>) src(%arg10 : memref<32x128xf32, #tpu.memory_space<vmem>>) dst(%dma_wait3A_222 : memref<32x128xf32, #tpu.memory_space<vmem_shared>>)
    %add3A_223 = arith.constant 512 : i32
    %add3A_224 = arith.addi %multiple_of3A, %add3A_223 : i32
    %dma_wait3A_225 = arith.constant 0 : i32
    %dma_wait3A_226 = tpu.memref_slice %arg14[%add3A_224, %dma_wait3A_225] : memref<10240x128xf32, #tpu.memory_space<vmem_shared>> -> memref<32x128xf32, #tpu.memory_space<vmem_shared>>
    %dma_wait3A_227 = arith.constant 0 : i32
    %dma_wait3A_228 = tpu.memref_slice %arg14[%add3A_224, %dma_wait3A_227] : memref<10240x128xf32, #tpu.memory_space<vmem_shared>> -> memref<32x128xf32, #tpu.memory_space<vmem_shared>>
    tpu.wait_dma2 semaphore(%arg13 : memref<!tpu.dma_semaphore, #tpu.memory_space<semaphore_mem>>) src(%arg10 : memref<32x128xf32, #tpu.memory_space<vmem>>) dst(%dma_wait3A_228 : memref<32x128xf32, #tpu.memory_space<vmem_shared>>)
    %add3A_229 = arith.constant 544 : i32
    %add3A_230 = arith.addi %multiple_of3A, %add3A_229 : i32
    %dma_wait3A_231 = arith.constant 0 : i32
    %dma_wait3A_232 = tpu.memref_slice %arg14[%add3A_230, %dma_wait3A_231] : memref<10240x128xf32, #tpu.memory_space<vmem_shared>> -> memref<32x128xf32, #tpu.memory_space<vmem_shared>>
    %dma_wait3A_233 = arith.constant 0 : i32
    %dma_wait3A_234 = tpu.memref_slice %arg14[%add3A_230, %dma_wait3A_233] : memref<10240x128xf32, #tpu.memory_space<vmem_shared>> -> memref<32x128xf32, #tpu.memory_space<vmem_shared>>
    tpu.wait_dma2 semaphore(%arg13 : memref<!tpu.dma_semaphore, #tpu.memory_space<semaphore_mem>>) src(%arg10 : memref<32x128xf32, #tpu.memory_space<vmem>>) dst(%dma_wait3A_234 : memref<32x128xf32, #tpu.memory_space<vmem_shared>>)
    %add3A_235 = arith.constant 576 : i32
    %add3A_236 = arith.addi %multiple_of3A, %add3A_235 : i32
    %dma_wait3A_237 = arith.constant 0 : i32
    %dma_wait3A_238 = tpu.memref_slice %arg14[%add3A_236, %dma_wait3A_237] : memref<10240x128xf32, #tpu.memory_space<vmem_shared>> -> memref<32x128xf32, #tpu.memory_space<vmem_shared>>
    %dma_wait3A_239 = arith.constant 0 : i32
    %dma_wait3A_240 = tpu.memref_slice %arg14[%add3A_236, %dma_wait3A_239] : memref<10240x128xf32, #tpu.memory_space<vmem_shared>> -> memref<32x128xf32, #tpu.memory_space<vmem_shared>>
    tpu.wait_dma2 semaphore(%arg13 : memref<!tpu.dma_semaphore, #tpu.memory_space<semaphore_mem>>) src(%arg10 : memref<32x128xf32, #tpu.memory_space<vmem>>) dst(%dma_wait3A_240 : memref<32x128xf32, #tpu.memory_space<vmem_shared>>)
    %add3A_241 = arith.constant 608 : i32
    %add3A_242 = arith.addi %multiple_of3A, %add3A_241 : i32
    %dma_wait3A_243 = arith.constant 0 : i32
    %dma_wait3A_244 = tpu.memref_slice %arg14[%add3A_242, %dma_wait3A_243] : memref<10240x128xf32, #tpu.memory_space<vmem_shared>> -> memref<32x128xf32, #tpu.memory_space<vmem_shared>>
    %dma_wait3A_245 = arith.constant 0 : i32
    %dma_wait3A_246 = tpu.memref_slice %arg14[%add3A_242, %dma_wait3A_245] : memref<10240x128xf32, #tpu.memory_space<vmem_shared>> -> memref<32x128xf32, #tpu.memory_space<vmem_shared>>
    tpu.wait_dma2 semaphore(%arg13 : memref<!tpu.dma_semaphore, #tpu.memory_space<semaphore_mem>>) src(%arg10 : memref<32x128xf32, #tpu.memory_space<vmem>>) dst(%dma_wait3A_246 : memref<32x128xf32, #tpu.memory_space<vmem_shared>>)
    %barrier3A = arith.constant 0 : index
    tpu.barrier barrier_id(%barrier3A)
    %dma_start3A_247 = arith.constant 0 : i32
    %dma_start3A_248 = arith.constant 0 : i32
    %dma_start3A_249 = tpu.memref_slice %arg3[%add3A, %dma_start3A_247, %dma_start3A_248] : memref<32x80x125xi32, #tpu.memory_space<hbm>> -> memref<1x40x125xi32, #tpu.memory_space<hbm>>
    %dma_start3A_250 = tpu.memref_squeeze %dma_start3A_249 : memref<1x40x125xi32, #tpu.memory_space<hbm>> -> memref<40x125xi32, #tpu.memory_space<hbm>>
    %dma_start3A_251 = arith.constant 0 : i32
    %dma_start3A_252 = arith.constant 0 : i32
    %dma_start3A_253 = tpu.memref_slice %arg3[%add3A, %dma_start3A_251, %dma_start3A_252] : memref<32x80x125xi32, #tpu.memory_space<hbm>> -> memref<1x40x125xi32, #tpu.memory_space<hbm>>
    %dma_start3A_254 = tpu.memref_squeeze %dma_start3A_253 : memref<1x40x125xi32, #tpu.memory_space<hbm>> -> memref<40x125xi32, #tpu.memory_space<hbm>>
    tpu.enqueue_dma source(%dma_start3A_254 : memref<40x125xi32, #tpu.memory_space<hbm>>) target(%arg6 : memref<40x125xi32, #tpu.memory_space<vmem>>) target_semaphore(%arg11 : memref<!tpu.dma_semaphore, #tpu.memory_space<semaphore_mem>>)
    %dma_start3A_255 = arith.constant 0 : i32
    %dma_start3A_256 = arith.constant 0 : i32
    %dma_start3A_257 = tpu.memref_slice %arg4[%add3A, %dma_start3A_255, %dma_start3A_256] : memref<32x80x125xi32, #tpu.memory_space<hbm>> -> memref<1x40x125xi32, #tpu.memory_space<hbm>>
    %dma_start3A_258 = tpu.memref_squeeze %dma_start3A_257 : memref<1x40x125xi32, #tpu.memory_space<hbm>> -> memref<40x125xi32, #tpu.memory_space<hbm>>
    %dma_start3A_259 = arith.constant 0 : i32
    %dma_start3A_260 = arith.constant 0 : i32
    %dma_start3A_261 = tpu.memref_slice %arg4[%add3A, %dma_start3A_259, %dma_start3A_260] : memref<32x80x125xi32, #tpu.memory_space<hbm>> -> memref<1x40x125xi32, #tpu.memory_space<hbm>>
    %dma_start3A_262 = tpu.memref_squeeze %dma_start3A_261 : memref<1x40x125xi32, #tpu.memory_space<hbm>> -> memref<40x125xi32, #tpu.memory_space<hbm>>
    tpu.enqueue_dma source(%dma_start3A_262 : memref<40x125xi32, #tpu.memory_space<hbm>>) target(%arg7 : memref<40x125xi32, #tpu.memory_space<vmem>>) target_semaphore(%arg12 : memref<!tpu.dma_semaphore, #tpu.memory_space<semaphore_mem>>)
    %dma_wait3A_263 = arith.constant 0 : i32
    %dma_wait3A_264 = arith.constant 0 : i32
    %dma_wait3A_265 = tpu.memref_slice %arg3[%add3A, %dma_wait3A_263, %dma_wait3A_264] : memref<32x80x125xi32, #tpu.memory_space<hbm>> -> memref<1x40x125xi32, #tpu.memory_space<hbm>>
    %dma_wait3A_266 = tpu.memref_squeeze %dma_wait3A_265 : memref<1x40x125xi32, #tpu.memory_space<hbm>> -> memref<40x125xi32, #tpu.memory_space<hbm>>
    %dma_wait3A_267 = arith.constant 0 : i32
    %dma_wait3A_268 = arith.constant 0 : i32
    %dma_wait3A_269 = tpu.memref_slice %arg3[%add3A, %dma_wait3A_267, %dma_wait3A_268] : memref<32x80x125xi32, #tpu.memory_space<hbm>> -> memref<1x40x125xi32, #tpu.memory_space<hbm>>
    %dma_wait3A_270 = tpu.memref_squeeze %dma_wait3A_269 : memref<1x40x125xi32, #tpu.memory_space<hbm>> -> memref<40x125xi32, #tpu.memory_space<hbm>>
    tpu.wait_dma2 semaphore(%arg11 : memref<!tpu.dma_semaphore, #tpu.memory_space<semaphore_mem>>) src(%dma_wait3A_270 : memref<40x125xi32, #tpu.memory_space<hbm>>) dst(%arg6 : memref<40x125xi32, #tpu.memory_space<vmem>>)
    %dma_wait3A_271 = arith.constant 0 : i32
    %dma_wait3A_272 = arith.constant 0 : i32
    %dma_wait3A_273 = tpu.memref_slice %arg4[%add3A, %dma_wait3A_271, %dma_wait3A_272] : memref<32x80x125xi32, #tpu.memory_space<hbm>> -> memref<1x40x125xi32, #tpu.memory_space<hbm>>
    %dma_wait3A_274 = tpu.memref_squeeze %dma_wait3A_273 : memref<1x40x125xi32, #tpu.memory_space<hbm>> -> memref<40x125xi32, #tpu.memory_space<hbm>>
    %dma_wait3A_275 = arith.constant 0 : i32
    %dma_wait3A_276 = arith.constant 0 : i32
    %dma_wait3A_277 = tpu.memref_slice %arg4[%add3A, %dma_wait3A_275, %dma_wait3A_276] : memref<32x80x125xi32, #tpu.memory_space<hbm>> -> memref<1x40x125xi32, #tpu.memory_space<hbm>>
    %dma_wait3A_278 = tpu.memref_squeeze %dma_wait3A_277 : memref<1x40x125xi32, #tpu.memory_space<hbm>> -> memref<40x125xi32, #tpu.memory_space<hbm>>
    tpu.wait_dma2 semaphore(%arg12 : memref<!tpu.dma_semaphore, #tpu.memory_space<semaphore_mem>>) src(%dma_wait3A_278 : memref<40x125xi32, #tpu.memory_space<hbm>>) dst(%arg7 : memref<40x125xi32, #tpu.memory_space<vmem>>)
    %dma_start3A_279 = arith.constant 0 : i32
    %dma_start3A_280 = arith.constant 0 : i32
    %dma_start3A_281 = tpu.memref_slice %arg6[%dma_start3A_279, %dma_start3A_280] : memref<40x125xi32, #tpu.memory_space<vmem>> -> memref<1x125xi32, #tpu.memory_space<vmem>>
    %dma_start3A_282 = tpu.memref_squeeze %dma_start3A_281 : memref<1x125xi32, #tpu.memory_space<vmem>> -> memref<125xi32, #tpu.memory_space<vmem>>
    %dma_start3A_283 = arith.constant 0 : i32
    %dma_start3A_284 = arith.constant 0 : i32
    %dma_start3A_285 = tpu.memref_slice %arg2[%dma_start3A_283, %dma_start3A_284] : memref<10000x128xf32, #tpu.memory_space<hbm>> -> memref<10000x128xf32, #tpu.memory_space<hbm>>
    tpu.enqueue_indirect_dma source(%dma_start3A_285 : memref<10000x128xf32, #tpu.memory_space<hbm>>) target(%arg8 : memref<125x128xf32, #tpu.memory_space<vmem>>) offsets(%dma_start3A_282 : memref<125xi32, #tpu.memory_space<vmem>>) semaphore(%arg11 : memref<!tpu.dma_semaphore, #tpu.memory_space<semaphore_mem>>)
    %scan3A_286 = arith.constant 0 : i32
    %scan3A_287 = arith.constant 0 : i32
    %scan3A_288 = arith.constant 20 : i32
    %scan3A_289 = arith.addi %scan3A_287, %scan3A_288 : i32
    %scan3A_290 = arith.constant 1 : i32
    scf.for %scan3A_338 = %scan3A_287 to %scan3A_289 step %scan3A_290  : i32 {
      %mul3A_339 = arith.constant 2 : i32
      %mul3A_340 = arith.muli %mul3A_339, %scan3A_338 : i32
      %add3A_341 = arith.constant 1 : i32
      %add3A_342 = arith.addi %mul3A_340, %add3A_341 : i32
      %dma_start3A_343 = arith.constant 0 : i32
      %dma_start3A_344 = tpu.memref_slice %arg6[%add3A_342, %dma_start3A_343] : memref<40x125xi32, #tpu.memory_space<vmem>> -> memref<1x125xi32, #tpu.memory_space<vmem>>
      %dma_start3A_345 = tpu.memref_squeeze %dma_start3A_344 : memref<1x125xi32, #tpu.memory_space<vmem>> -> memref<125xi32, #tpu.memory_space<vmem>>
      %dma_start3A_346 = arith.constant 0 : i32
      %dma_start3A_347 = arith.constant 0 : i32
      %dma_start3A_348 = tpu.memref_slice %arg2[%dma_start3A_346, %dma_start3A_347] : memref<10000x128xf32, #tpu.memory_space<hbm>> -> memref<10000x128xf32, #tpu.memory_space<hbm>>
      tpu.enqueue_indirect_dma source(%dma_start3A_348 : memref<10000x128xf32, #tpu.memory_space<hbm>>) target(%arg9 : memref<125x128xf32, #tpu.memory_space<vmem>>) offsets(%dma_start3A_345 : memref<125xi32, #tpu.memory_space<vmem>>) semaphore(%arg12 : memref<!tpu.dma_semaphore, #tpu.memory_space<semaphore_mem>>)
      %dma_wait3A_349 = arith.constant 0 : i32
      %dma_wait3A_350 = tpu.memref_slice %arg6[%mul3A_340, %dma_wait3A_349] : memref<40x125xi32, #tpu.memory_space<vmem>> -> memref<1x125xi32, #tpu.memory_space<vmem>>
      %dma_wait3A_351 = tpu.memref_squeeze %dma_wait3A_350 : memref<1x125xi32, #tpu.memory_space<vmem>> -> memref<125xi32, #tpu.memory_space<vmem>>
      %dma_wait3A_352 = arith.constant 0 : i32
      %dma_wait3A_353 = arith.constant 0 : i32
      %dma_wait3A_354 = tpu.memref_slice %arg2[%dma_wait3A_352, %dma_wait3A_353] : memref<10000x128xf32, #tpu.memory_space<hbm>> -> memref<10000x128xf32, #tpu.memory_space<hbm>>
      tpu.wait_indirect_dma semaphore(%arg11 : memref<!tpu.dma_semaphore, #tpu.memory_space<semaphore_mem>>) src(%dma_wait3A_354 : memref<10000x128xf32, #tpu.memory_space<hbm>>) dst(%arg8 : memref<125x128xf32, #tpu.memory_space<vmem>>)
      "tpu.region"() ({
        %run_scoped3A = tpu.sem_alloc : memref<!tpu.dma_semaphore, #tpu.memory_space<semaphore_mem>>
        %dma_start3A_367 = arith.constant 0 : i32
        %dma_start3A_368 = tpu.memref_slice %arg7[%mul3A_340, %dma_start3A_367] : memref<40x125xi32, #tpu.memory_space<vmem>> -> memref<1x125xi32, #tpu.memory_space<vmem>>
        %dma_start3A_369 = tpu.memref_squeeze %dma_start3A_368 : memref<1x125xi32, #tpu.memory_space<vmem>> -> memref<125xi32, #tpu.memory_space<vmem>>
        %dma_start3A_370 = arith.constant 0 : i32
        %dma_start3A_371 = arith.constant 0 : i32
        %dma_start3A_372 = tpu.memref_slice %arg14[%dma_start3A_370, %dma_start3A_371] : memref<10240x128xf32, #tpu.memory_space<vmem_shared>> -> memref<10240x128xf32, #tpu.memory_space<vmem_shared>>
        tpu.enqueue_indirect_dma source(%arg8 : memref<125x128xf32, #tpu.memory_space<vmem>>) target(%dma_start3A_372 : memref<10240x128xf32, #tpu.memory_space<vmem_shared>>) offsets(%dma_start3A_369 : memref<125xi32, #tpu.memory_space<vmem>>) semaphore(%run_scoped3A : memref<!tpu.dma_semaphore, #tpu.memory_space<semaphore_mem>>) {add = true}
        %dma_wait3A_373 = arith.constant 0 : i32
        %dma_wait3A_374 = tpu.memref_slice %arg7[%mul3A_340, %dma_wait3A_373] : memref<40x125xi32, #tpu.memory_space<vmem>> -> memref<1x125xi32, #tpu.memory_space<vmem>>
        %dma_wait3A_375 = tpu.memref_squeeze %dma_wait3A_374 : memref<1x125xi32, #tpu.memory_space<vmem>> -> memref<125xi32, #tpu.memory_space<vmem>>
        %dma_wait3A_376 = arith.constant 0 : i32
        %dma_wait3A_377 = arith.constant 0 : i32
        %dma_wait3A_378 = tpu.memref_slice %arg14[%dma_wait3A_376, %dma_wait3A_377] : memref<10240x128xf32, #tpu.memory_space<vmem_shared>> -> memref<10240x128xf32, #tpu.memory_space<vmem_shared>>
        tpu.wait_indirect_dma semaphore(%run_scoped3A : memref<!tpu.dma_semaphore, #tpu.memory_space<semaphore_mem>>) src(%arg8 : memref<125x128xf32, #tpu.memory_space<vmem>>) dst(%dma_wait3A_378 : memref<10240x128xf32, #tpu.memory_space<vmem_shared>>)
        tpu.yield
      }) : () -> ()
      %lt3A = arith.constant 19 : i32
      %lt3A_355 = arith.cmpi slt, %scan3A_338, %lt3A : i32
      %convert_element_type3A = arith.extui %lt3A_355 : i1 to i32
      %cond3A = arith.constant 0 : i32
      %cond3A_356 = arith.cmpi ne, %convert_element_type3A, %cond3A : i32
      scf.if %cond3A_356 {
        %add3A_367 = arith.constant 2 : i32
        %add3A_368 = arith.addi %mul3A_340, %add3A_367 : i32
        %dma_start3A_369 = arith.constant 0 : i32
        %dma_start3A_370 = tpu.memref_slice %arg6[%add3A_368, %dma_start3A_369] : memref<40x125xi32, #tpu.memory_space<vmem>> -> memref<1x125xi32, #tpu.memory_space<vmem>>
        %dma_start3A_371 = tpu.memref_squeeze %dma_start3A_370 : memref<1x125xi32, #tpu.memory_space<vmem>> -> memref<125xi32, #tpu.memory_space<vmem>>
        %dma_start3A_372 = arith.constant 0 : i32
        %dma_start3A_373 = arith.constant 0 : i32
        %dma_start3A_374 = tpu.memref_slice %arg2[%dma_start3A_372, %dma_start3A_373] : memref<10000x128xf32, #tpu.memory_space<hbm>> -> memref<10000x128xf32, #tpu.memory_space<hbm>>
        tpu.enqueue_indirect_dma source(%dma_start3A_374 : memref<10000x128xf32, #tpu.memory_space<hbm>>) target(%arg8 : memref<125x128xf32, #tpu.memory_space<vmem>>) offsets(%dma_start3A_371 : memref<125xi32, #tpu.memory_space<vmem>>) semaphore(%arg11 : memref<!tpu.dma_semaphore, #tpu.memory_space<semaphore_mem>>)
      } else {
      }
      %add3A_357 = arith.constant 1 : i32
      %add3A_358 = arith.addi %mul3A_340, %add3A_357 : i32
      %dma_wait3A_359 = arith.constant 0 : i32
      %dma_wait3A_360 = tpu.memref_slice %arg6[%add3A_358, %dma_wait3A_359] : memref<40x125xi32, #tpu.memory_space<vmem>> -> memref<1x125xi32, #tpu.memory_space<vmem>>
      %dma_wait3A_361 = tpu.memref_squeeze %dma_wait3A_360 : memref<1x125xi32, #tpu.memory_space<vmem>> -> memref<125xi32, #tpu.memory_space<vmem>>
      %dma_wait3A_362 = arith.constant 0 : i32
      %dma_wait3A_363 = arith.constant 0 : i32
      %dma_wait3A_364 = tpu.memref_slice %arg2[%dma_wait3A_362, %dma_wait3A_363] : memref<10000x128xf32, #tpu.memory_space<hbm>> -> memref<10000x128xf32, #tpu.memory_space<hbm>>
      tpu.wait_indirect_dma semaphore(%arg12 : memref<!tpu.dma_semaphore, #tpu.memory_space<semaphore_mem>>) src(%dma_wait3A_364 : memref<10000x128xf32, #tpu.memory_space<hbm>>) dst(%arg9 : memref<125x128xf32, #tpu.memory_space<vmem>>)
      %add3A_365 = arith.constant 1 : i32
      %add3A_366 = arith.addi %mul3A_340, %add3A_365 : i32
      "tpu.region"() ({
        %run_scoped3A = tpu.sem_alloc : memref<!tpu.dma_semaphore, #tpu.memory_space<semaphore_mem>>
        %dma_start3A_367 = arith.constant 0 : i32
        %dma_start3A_368 = tpu.memref_slice %arg7[%add3A_366, %dma_start3A_367] : memref<40x125xi32, #tpu.memory_space<vmem>> -> memref<1x125xi32, #tpu.memory_space<vmem>>
        %dma_start3A_369 = tpu.memref_squeeze %dma_start3A_368 : memref<1x125xi32, #tpu.memory_space<vmem>> -> memref<125xi32, #tpu.memory_space<vmem>>
        %dma_start3A_370 = arith.constant 0 : i32
        %dma_start3A_371 = arith.constant 0 : i32
        %dma_start3A_372 = tpu.memref_slice %arg14[%dma_start3A_370, %dma_start3A_371] : memref<10240x128xf32, #tpu.memory_space<vmem_shared>> -> memref<10240x128xf32, #tpu.memory_space<vmem_shared>>
        tpu.enqueue_indirect_dma source(%arg9 : memref<125x128xf32, #tpu.memory_space<vmem>>) target(%dma_start3A_372 : memref<10240x128xf32, #tpu.memory_space<vmem_shared>>) offsets(%dma_start3A_369 : memref<125xi32, #tpu.memory_space<vmem>>) semaphore(%run_scoped3A : memref<!tpu.dma_semaphore, #tpu.memory_space<semaphore_mem>>) {add = true}
        %dma_wait3A_373 = arith.constant 0 : i32
        %dma_wait3A_374 = tpu.memref_slice %arg7[%add3A_366, %dma_wait3A_373] : memref<40x125xi32, #tpu.memory_space<vmem>> -> memref<1x125xi32, #tpu.memory_space<vmem>>
        %dma_wait3A_375 = tpu.memref_squeeze %dma_wait3A_374 : memref<1x125xi32, #tpu.memory_space<vmem>> -> memref<125xi32, #tpu.memory_space<vmem>>
        %dma_wait3A_376 = arith.constant 0 : i32
        %dma_wait3A_377 = arith.constant 0 : i32
        %dma_wait3A_378 = tpu.memref_slice %arg14[%dma_wait3A_376, %dma_wait3A_377] : memref<10240x128xf32, #tpu.memory_space<vmem_shared>> -> memref<10240x128xf32, #tpu.memory_space<vmem_shared>>
        tpu.wait_indirect_dma semaphore(%run_scoped3A : memref<!tpu.dma_semaphore, #tpu.memory_space<semaphore_mem>>) src(%arg9 : memref<125x128xf32, #tpu.memory_space<vmem>>) dst(%dma_wait3A_378 : memref<10240x128xf32, #tpu.memory_space<vmem_shared>>)
        tpu.yield
      }) : () -> ()
    }
    %scan3A_291 = arith.constant 20 : i32
    %dma_start3A_292 = arith.constant 40 : i32
    %dma_start3A_293 = arith.constant 0 : i32
    %dma_start3A_294 = tpu.memref_slice %arg3[%add3A, %dma_start3A_292, %dma_start3A_293] : memref<32x80x125xi32, #tpu.memory_space<hbm>> -> memref<1x40x125xi32, #tpu.memory_space<hbm>>
    %dma_start3A_295 = tpu.memref_squeeze %dma_start3A_294 : memref<1x40x125xi32, #tpu.memory_space<hbm>> -> memref<40x125xi32, #tpu.memory_space<hbm>>
    %dma_start3A_296 = arith.constant 40 : i32
    %dma_start3A_297 = arith.constant 0 : i32
    %dma_start3A_298 = tpu.memref_slice %arg3[%add3A, %dma_start3A_296, %dma_start3A_297] : memref<32x80x125xi32, #tpu.memory_space<hbm>> -> memref<1x40x125xi32, #tpu.memory_space<hbm>>
    %dma_start3A_299 = tpu.memref_squeeze %dma_start3A_298 : memref<1x40x125xi32, #tpu.memory_space<hbm>> -> memref<40x125xi32, #tpu.memory_space<hbm>>
    tpu.enqueue_dma source(%dma_start3A_299 : memref<40x125xi32, #tpu.memory_space<hbm>>) target(%arg6 : memref<40x125xi32, #tpu.memory_space<vmem>>) target_semaphore(%arg11 : memref<!tpu.dma_semaphore, #tpu.memory_space<semaphore_mem>>)
    %dma_start3A_300 = arith.constant 40 : i32
    %dma_start3A_301 = arith.constant 0 : i32
    %dma_start3A_302 = tpu.memref_slice %arg4[%add3A, %dma_start3A_300, %dma_start3A_301] : memref<32x80x125xi32, #tpu.memory_space<hbm>> -> memref<1x40x125xi32, #tpu.memory_space<hbm>>
    %dma_start3A_303 = tpu.memref_squeeze %dma_start3A_302 : memref<1x40x125xi32, #tpu.memory_space<hbm>> -> memref<40x125xi32, #tpu.memory_space<hbm>>
    %dma_start3A_304 = arith.constant 40 : i32
    %dma_start3A_305 = arith.constant 0 : i32
    %dma_start3A_306 = tpu.memref_slice %arg4[%add3A, %dma_start3A_304, %dma_start3A_305] : memref<32x80x125xi32, #tpu.memory_space<hbm>> -> memref<1x40x125xi32, #tpu.memory_space<hbm>>
    %dma_start3A_307 = tpu.memref_squeeze %dma_start3A_306 : memref<1x40x125xi32, #tpu.memory_space<hbm>> -> memref<40x125xi32, #tpu.memory_space<hbm>>
    tpu.enqueue_dma source(%dma_start3A_307 : memref<40x125xi32, #tpu.memory_space<hbm>>) target(%arg7 : memref<40x125xi32, #tpu.memory_space<vmem>>) target_semaphore(%arg12 : memref<!tpu.dma_semaphore, #tpu.memory_space<semaphore_mem>>)
    %dma_wait3A_308 = arith.constant 40 : i32
    %dma_wait3A_309 = arith.constant 0 : i32
    %dma_wait3A_310 = tpu.memref_slice %arg3[%add3A, %dma_wait3A_308, %dma_wait3A_309] : memref<32x80x125xi32, #tpu.memory_space<hbm>> -> memref<1x40x125xi32, #tpu.memory_space<hbm>>
    %dma_wait3A_311 = tpu.memref_squeeze %dma_wait3A_310 : memref<1x40x125xi32, #tpu.memory_space<hbm>> -> memref<40x125xi32, #tpu.memory_space<hbm>>
    %dma_wait3A_312 = arith.constant 40 : i32
    %dma_wait3A_313 = arith.constant 0 : i32
    %dma_wait3A_314 = tpu.memref_slice %arg3[%add3A, %dma_wait3A_312, %dma_wait3A_313] : memref<32x80x125xi32, #tpu.memory_space<hbm>> -> memref<1x40x125xi32, #tpu.memory_space<hbm>>
    %dma_wait3A_315 = tpu.memref_squeeze %dma_wait3A_314 : memref<1x40x125xi32, #tpu.memory_space<hbm>> -> memref<40x125xi32, #tpu.memory_space<hbm>>
    tpu.wait_dma2 semaphore(%arg11 : memref<!tpu.dma_semaphore, #tpu.memory_space<semaphore_mem>>) src(%dma_wait3A_315 : memref<40x125xi32, #tpu.memory_space<hbm>>) dst(%arg6 : memref<40x125xi32, #tpu.memory_space<vmem>>)
    %dma_wait3A_316 = arith.constant 40 : i32
    %dma_wait3A_317 = arith.constant 0 : i32
    %dma_wait3A_318 = tpu.memref_slice %arg4[%add3A, %dma_wait3A_316, %dma_wait3A_317] : memref<32x80x125xi32, #tpu.memory_space<hbm>> -> memref<1x40x125xi32, #tpu.memory_space<hbm>>
    %dma_wait3A_319 = tpu.memref_squeeze %dma_wait3A_318 : memref<1x40x125xi32, #tpu.memory_space<hbm>> -> memref<40x125xi32, #tpu.memory_space<hbm>>
    %dma_wait3A_320 = arith.constant 40 : i32
    %dma_wait3A_321 = arith.constant 0 : i32
    %dma_wait3A_322 = tpu.memref_slice %arg4[%add3A, %dma_wait3A_320, %dma_wait3A_321] : memref<32x80x125xi32, #tpu.memory_space<hbm>> -> memref<1x40x125xi32, #tpu.memory_space<hbm>>
    %dma_wait3A_323 = tpu.memref_squeeze %dma_wait3A_322 : memref<1x40x125xi32, #tpu.memory_space<hbm>> -> memref<40x125xi32, #tpu.memory_space<hbm>>
    tpu.wait_dma2 semaphore(%arg12 : memref<!tpu.dma_semaphore, #tpu.memory_space<semaphore_mem>>) src(%dma_wait3A_323 : memref<40x125xi32, #tpu.memory_space<hbm>>) dst(%arg7 : memref<40x125xi32, #tpu.memory_space<vmem>>)
    %dma_start3A_324 = arith.constant 0 : i32
    %dma_start3A_325 = arith.constant 0 : i32
    %dma_start3A_326 = tpu.memref_slice %arg6[%dma_start3A_324, %dma_start3A_325] : memref<40x125xi32, #tpu.memory_space<vmem>> -> memref<1x125xi32, #tpu.memory_space<vmem>>
    %dma_start3A_327 = tpu.memref_squeeze %dma_start3A_326 : memref<1x125xi32, #tpu.memory_space<vmem>> -> memref<125xi32, #tpu.memory_space<vmem>>
    %dma_start3A_328 = arith.constant 0 : i32
    %dma_start3A_329 = arith.constant 0 : i32
    %dma_start3A_330 = tpu.memref_slice %arg2[%dma_start3A_328, %dma_start3A_329] : memref<10000x128xf32, #tpu.memory_space<hbm>> -> memref<10000x128xf32, #tpu.memory_space<hbm>>
    tpu.enqueue_indirect_dma source(%dma_start3A_330 : memref<10000x128xf32, #tpu.memory_space<hbm>>) target(%arg8 : memref<125x128xf32, #tpu.memory_space<vmem>>) offsets(%dma_start3A_327 : memref<125xi32, #tpu.memory_space<vmem>>) semaphore(%arg11 : memref<!tpu.dma_semaphore, #tpu.memory_space<semaphore_mem>>)
    %scan3A_331 = arith.constant 0 : i32
    %scan3A_332 = arith.constant 0 : i32
    %scan3A_333 = arith.constant 20 : i32
    %scan3A_334 = arith.addi %scan3A_332, %scan3A_333 : i32
    %scan3A_335 = arith.constant 1 : i32
    scf.for %scan3A_338 = %scan3A_332 to %scan3A_334 step %scan3A_335  : i32 {
      %mul3A_339 = arith.constant 2 : i32
      %mul3A_340 = arith.muli %mul3A_339, %scan3A_338 : i32
      %add3A_341 = arith.constant 1 : i32
      %add3A_342 = arith.addi %mul3A_340, %add3A_341 : i32
      %dma_start3A_343 = arith.constant 0 : i32
      %dma_start3A_344 = tpu.memref_slice %arg6[%add3A_342, %dma_start3A_343] : memref<40x125xi32, #tpu.memory_space<vmem>> -> memref<1x125xi32, #tpu.memory_space<vmem>>
      %dma_start3A_345 = tpu.memref_squeeze %dma_start3A_344 : memref<1x125xi32, #tpu.memory_space<vmem>> -> memref<125xi32, #tpu.memory_space<vmem>>
      %dma_start3A_346 = arith.constant 0 : i32
      %dma_start3A_347 = arith.constant 0 : i32
      %dma_start3A_348 = tpu.memref_slice %arg2[%dma_start3A_346, %dma_start3A_347] : memref<10000x128xf32, #tpu.memory_space<hbm>> -> memref<10000x128xf32, #tpu.memory_space<hbm>>
      tpu.enqueue_indirect_dma source(%dma_start3A_348 : memref<10000x128xf32, #tpu.memory_space<hbm>>) target(%arg9 : memref<125x128xf32, #tpu.memory_space<vmem>>) offsets(%dma_start3A_345 : memref<125xi32, #tpu.memory_space<vmem>>) semaphore(%arg12 : memref<!tpu.dma_semaphore, #tpu.memory_space<semaphore_mem>>)
      %dma_wait3A_349 = arith.constant 0 : i32
      %dma_wait3A_350 = tpu.memref_slice %arg6[%mul3A_340, %dma_wait3A_349] : memref<40x125xi32, #tpu.memory_space<vmem>> -> memref<1x125xi32, #tpu.memory_space<vmem>>
      %dma_wait3A_351 = tpu.memref_squeeze %dma_wait3A_350 : memref<1x125xi32, #tpu.memory_space<vmem>> -> memref<125xi32, #tpu.memory_space<vmem>>
      %dma_wait3A_352 = arith.constant 0 : i32
      %dma_wait3A_353 = arith.constant 0 : i32
      %dma_wait3A_354 = tpu.memref_slice %arg2[%dma_wait3A_352, %dma_wait3A_353] : memref<10000x128xf32, #tpu.memory_space<hbm>> -> memref<10000x128xf32, #tpu.memory_space<hbm>>
      tpu.wait_indirect_dma semaphore(%arg11 : memref<!tpu.dma_semaphore, #tpu.memory_space<semaphore_mem>>) src(%dma_wait3A_354 : memref<10000x128xf32, #tpu.memory_space<hbm>>) dst(%arg8 : memref<125x128xf32, #tpu.memory_space<vmem>>)
      "tpu.region"() ({
        %run_scoped3A = tpu.sem_alloc : memref<!tpu.dma_semaphore, #tpu.memory_space<semaphore_mem>>
        %dma_start3A_367 = arith.constant 0 : i32
        %dma_start3A_368 = tpu.memref_slice %arg7[%mul3A_340, %dma_start3A_367] : memref<40x125xi32, #tpu.memory_space<vmem>> -> memref<1x125xi32, #tpu.memory_space<vmem>>
        %dma_start3A_369 = tpu.memref_squeeze %dma_start3A_368 : memref<1x125xi32, #tpu.memory_space<vmem>> -> memref<125xi32, #tpu.memory_space<vmem>>
        %dma_start3A_370 = arith.constant 0 : i32
        %dma_start3A_371 = arith.constant 0 : i32
        %dma_start3A_372 = tpu.memref_slice %arg14[%dma_start3A_370, %dma_start3A_371] : memref<10240x128xf32, #tpu.memory_space<vmem_shared>> -> memref<10240x128xf32, #tpu.memory_space<vmem_shared>>
        tpu.enqueue_indirect_dma source(%arg8 : memref<125x128xf32, #tpu.memory_space<vmem>>) target(%dma_start3A_372 : memref<10240x128xf32, #tpu.memory_space<vmem_shared>>) offsets(%dma_start3A_369 : memref<125xi32, #tpu.memory_space<vmem>>) semaphore(%run_scoped3A : memref<!tpu.dma_semaphore, #tpu.memory_space<semaphore_mem>>) {add = true}
        %dma_wait3A_373 = arith.constant 0 : i32
        %dma_wait3A_374 = tpu.memref_slice %arg7[%mul3A_340, %dma_wait3A_373] : memref<40x125xi32, #tpu.memory_space<vmem>> -> memref<1x125xi32, #tpu.memory_space<vmem>>
        %dma_wait3A_375 = tpu.memref_squeeze %dma_wait3A_374 : memref<1x125xi32, #tpu.memory_space<vmem>> -> memref<125xi32, #tpu.memory_space<vmem>>
        %dma_wait3A_376 = arith.constant 0 : i32
        %dma_wait3A_377 = arith.constant 0 : i32
        %dma_wait3A_378 = tpu.memref_slice %arg14[%dma_wait3A_376, %dma_wait3A_377] : memref<10240x128xf32, #tpu.memory_space<vmem_shared>> -> memref<10240x128xf32, #tpu.memory_space<vmem_shared>>
        tpu.wait_indirect_dma semaphore(%run_scoped3A : memref<!tpu.dma_semaphore, #tpu.memory_space<semaphore_mem>>) src(%arg8 : memref<125x128xf32, #tpu.memory_space<vmem>>) dst(%dma_wait3A_378 : memref<10240x128xf32, #tpu.memory_space<vmem_shared>>)
        tpu.yield
      }) : () -> ()
      %lt3A = arith.constant 19 : i32
      %lt3A_355 = arith.cmpi slt, %scan3A_338, %lt3A : i32
      %convert_element_type3A = arith.extui %lt3A_355 : i1 to i32
      %cond3A = arith.constant 0 : i32
      %cond3A_356 = arith.cmpi ne, %convert_element_type3A, %cond3A : i32
      scf.if %cond3A_356 {
        %add3A_367 = arith.constant 2 : i32
        %add3A_368 = arith.addi %mul3A_340, %add3A_367 : i32
        %dma_start3A_369 = arith.constant 0 : i32
        %dma_start3A_370 = tpu.memref_slice %arg6[%add3A_368, %dma_start3A_369] : memref<40x125xi32, #tpu.memory_space<vmem>> -> memref<1x125xi32, #tpu.memory_space<vmem>>
        %dma_start3A_371 = tpu.memref_squeeze %dma_start3A_370 : memref<1x125xi32, #tpu.memory_space<vmem>> -> memref<125xi32, #tpu.memory_space<vmem>>
        %dma_start3A_372 = arith.constant 0 : i32
        %dma_start3A_373 = arith.constant 0 : i32
        %dma_start3A_374 = tpu.memref_slice %arg2[%dma_start3A_372, %dma_start3A_373] : memref<10000x128xf32, #tpu.memory_space<hbm>> -> memref<10000x128xf32, #tpu.memory_space<hbm>>
        tpu.enqueue_indirect_dma source(%dma_start3A_374 : memref<10000x128xf32, #tpu.memory_space<hbm>>) target(%arg8 : memref<125x128xf32, #tpu.memory_space<vmem>>) offsets(%dma_start3A_371 : memref<125xi32, #tpu.memory_space<vmem>>) semaphore(%arg11 : memref<!tpu.dma_semaphore, #tpu.memory_space<semaphore_mem>>)
      } else {
      }
      %add3A_357 = arith.constant 1 : i32
      %add3A_358 = arith.addi %mul3A_340, %add3A_357 : i32
      %dma_wait3A_359 = arith.constant 0 : i32
      %dma_wait3A_360 = tpu.memref_slice %arg6[%add3A_358, %dma_wait3A_359] : memref<40x125xi32, #tpu.memory_space<vmem>> -> memref<1x125xi32, #tpu.memory_space<vmem>>
      %dma_wait3A_361 = tpu.memref_squeeze %dma_wait3A_360 : memref<1x125xi32, #tpu.memory_space<vmem>> -> memref<125xi32, #tpu.memory_space<vmem>>
      %dma_wait3A_362 = arith.constant 0 : i32
      %dma_wait3A_363 = arith.constant 0 : i32
      %dma_wait3A_364 = tpu.memref_slice %arg2[%dma_wait3A_362, %dma_wait3A_363] : memref<10000x128xf32, #tpu.memory_space<hbm>> -> memref<10000x128xf32, #tpu.memory_space<hbm>>
      tpu.wait_indirect_dma semaphore(%arg12 : memref<!tpu.dma_semaphore, #tpu.memory_space<semaphore_mem>>) src(%dma_wait3A_364 : memref<10000x128xf32, #tpu.memory_space<hbm>>) dst(%arg9 : memref<125x128xf32, #tpu.memory_space<vmem>>)
      %add3A_365 = arith.constant 1 : i32
      %add3A_366 = arith.addi %mul3A_340, %add3A_365 : i32
      "tpu.region"() ({
        %run_scoped3A = tpu.sem_alloc : memref<!tpu.dma_semaphore, #tpu.memory_space<semaphore_mem>>
        %dma_start3A_367 = arith.constant 0 : i32
        %dma_start3A_368 = tpu.memref_slice %arg7[%add3A_366, %dma_start3A_367] : memref<40x125xi32, #tpu.memory_space<vmem>> -> memref<1x125xi32, #tpu.memory_space<vmem>>
        %dma_start3A_369 = tpu.memref_squeeze %dma_start3A_368 : memref<1x125xi32, #tpu.memory_space<vmem>> -> memref<125xi32, #tpu.memory_space<vmem>>
        %dma_start3A_370 = arith.constant 0 : i32
        %dma_start3A_371 = arith.constant 0 : i32
        %dma_start3A_372 = tpu.memref_slice %arg14[%dma_start3A_370, %dma_start3A_371] : memref<10240x128xf32, #tpu.memory_space<vmem_shared>> -> memref<10240x128xf32, #tpu.memory_space<vmem_shared>>
        tpu.enqueue_indirect_dma source(%arg9 : memref<125x128xf32, #tpu.memory_space<vmem>>) target(%dma_start3A_372 : memref<10240x128xf32, #tpu.memory_space<vmem_shared>>) offsets(%dma_start3A_369 : memref<125xi32, #tpu.memory_space<vmem>>) semaphore(%run_scoped3A : memref<!tpu.dma_semaphore, #tpu.memory_space<semaphore_mem>>) {add = true}
        %dma_wait3A_373 = arith.constant 0 : i32
        %dma_wait3A_374 = tpu.memref_slice %arg7[%add3A_366, %dma_wait3A_373] : memref<40x125xi32, #tpu.memory_space<vmem>> -> memref<1x125xi32, #tpu.memory_space<vmem>>
        %dma_wait3A_375 = tpu.memref_squeeze %dma_wait3A_374 : memref<1x125xi32, #tpu.memory_space<vmem>> -> memref<125xi32, #tpu.memory_space<vmem>>
        %dma_wait3A_376 = arith.constant 0 : i32
        %dma_wait3A_377 = arith.constant 0 : i32
        %dma_wait3A_378 = tpu.memref_slice %arg14[%dma_wait3A_376, %dma_wait3A_377] : memref<10240x128xf32, #tpu.memory_space<vmem_shared>> -> memref<10240x128xf32, #tpu.memory_space<vmem_shared>>
        tpu.wait_indirect_dma semaphore(%run_scoped3A : memref<!tpu.dma_semaphore, #tpu.memory_space<semaphore_mem>>) src(%arg9 : memref<125x128xf32, #tpu.memory_space<vmem>>) dst(%dma_wait3A_378 : memref<10240x128xf32, #tpu.memory_space<vmem_shared>>)
        tpu.yield
      }) : () -> ()
    }
    %scan3A_336 = arith.constant 20 : i32
    %barrier3A_337 = arith.constant 0 : index
    tpu.barrier barrier_id(%barrier3A_337)
    "tpu.region"() ({
      %run_scoped3A = tpu.sem_alloc : memref<!tpu.dma_semaphore, #tpu.memory_space<semaphore_mem>>
      %dma_start3A_338 = arith.constant 0 : i32
      %dma_start3A_339 = tpu.memref_slice %arg5[%arg0, %multiple_of3A, %dma_start3A_338] : memref<2x10240x128xf32, #tpu.memory_space<hbm>> -> memref<1x640x128xf32, #tpu.memory_space<hbm>>
      %dma_start3A_340 = tpu.memref_squeeze %dma_start3A_339 : memref<1x640x128xf32, #tpu.memory_space<hbm>> -> memref<640x128xf32, #tpu.memory_space<hbm>>
      %dma_start3A_341 = arith.constant 0 : i32
      %dma_start3A_342 = tpu.memref_slice %arg14[%multiple_of3A, %dma_start3A_341] : memref<10240x128xf32, #tpu.memory_space<vmem_shared>> -> memref<640x128xf32, #tpu.memory_space<vmem_shared>>
      tpu.enqueue_dma source(%dma_start3A_342 : memref<640x128xf32, #tpu.memory_space<vmem_shared>>) target(%dma_start3A_340 : memref<640x128xf32, #tpu.memory_space<hbm>>) target_semaphore(%run_scoped3A : memref<!tpu.dma_semaphore, #tpu.memory_space<semaphore_mem>>)
      %dma_wait3A_343 = arith.constant 0 : i32
      %dma_wait3A_344 = tpu.memref_slice %arg5[%arg0, %multiple_of3A, %dma_wait3A_343] : memref<2x10240x128xf32, #tpu.memory_space<hbm>> -> memref<1x640x128xf32, #tpu.memory_space<hbm>>
      %dma_wait3A_345 = tpu.memref_squeeze %dma_wait3A_344 : memref<1x640x128xf32, #tpu.memory_space<hbm>> -> memref<640x128xf32, #tpu.memory_space<hbm>>
      %dma_wait3A_346 = arith.constant 0 : i32
      %dma_wait3A_347 = tpu.memref_slice %arg14[%multiple_of3A, %dma_wait3A_346] : memref<10240x128xf32, #tpu.memory_space<vmem_shared>> -> memref<640x128xf32, #tpu.memory_space<vmem_shared>>
      tpu.wait_dma2 semaphore(%run_scoped3A : memref<!tpu.dma_semaphore, #tpu.memory_space<semaphore_mem>>) src(%dma_wait3A_347 : memref<640x128xf32, #tpu.memory_space<vmem_shared>>) dst(%dma_wait3A_345 : memref<640x128xf32, #tpu.memory_space<hbm>>)
      tpu.yield
    }) : () -> ()
    return
  }
}

#map = affine_map<(d0, d1) -> (0, 0, 0)>
module attributes {stable_mosaic.version = 14 : i64} {
  func.func @_deg_body(%arg0: i32, %arg1: i32, %arg2: memref<32x80x125xi32, #tpu.memory_space<hbm>>, %arg3: memref<2x10240x16xf32, #tpu.memory_space<hbm>>, %arg4: memref<80x125xi32, #tpu.memory_space<vmem>>, %arg5: memref<125x16xf32, #tpu.memory_space<vmem>>, %arg6: memref<32x16xf32, #tpu.memory_space<vmem>>, %arg7: memref<!tpu.dma_semaphore, #tpu.memory_space<semaphore_mem>>, %arg8: memref<!tpu.dma_semaphore, #tpu.memory_space<semaphore_mem>>, %arg9: memref<10240x16xf32, #tpu.memory_space<vmem_shared>>) attributes {dimension_semantics = [#tpu.dimension_semantics<core_parallel>, #tpu.dimension_semantics<subcore_parallel>], iteration_bounds = array<i64: 2, 16>, scalar_prefetch = 0 : i64, scratch_operands = 6 : i64, tpu.core_type = #tpu.core_type<sc_vector_subcore>, window_params = [{transform_indices = #map}, {transform_indices = #map}]} {
    %mul3A = arith.constant 640 : i32
    %mul3A_0 = arith.muli %arg1, %mul3A : i32
    %multiple_of3A = tpu.assume_multiple %mul3A_0, 640 : i32
    %mul3A_1 = arith.constant 16 : i32
    %mul3A_2 = arith.muli %arg0, %mul3A_1 : i32
    %add3A = arith.addi %mul3A_2, %arg1 : i32
    %dma_start3A = arith.constant 0 : i32
    %dma_start3A_3 = arith.constant 0 : i32
    %dma_start3A_4 = tpu.memref_slice %arg2[%add3A, %dma_start3A, %dma_start3A_3] : memref<32x80x125xi32, #tpu.memory_space<hbm>> -> memref<1x80x125xi32, #tpu.memory_space<hbm>>
    %dma_start3A_5 = tpu.memref_squeeze %dma_start3A_4 : memref<1x80x125xi32, #tpu.memory_space<hbm>> -> memref<80x125xi32, #tpu.memory_space<hbm>>
    %dma_start3A_6 = arith.constant 0 : i32
    %dma_start3A_7 = arith.constant 0 : i32
    %dma_start3A_8 = tpu.memref_slice %arg2[%add3A, %dma_start3A_6, %dma_start3A_7] : memref<32x80x125xi32, #tpu.memory_space<hbm>> -> memref<1x80x125xi32, #tpu.memory_space<hbm>>
    %dma_start3A_9 = tpu.memref_squeeze %dma_start3A_8 : memref<1x80x125xi32, #tpu.memory_space<hbm>> -> memref<80x125xi32, #tpu.memory_space<hbm>>
    tpu.enqueue_dma source(%dma_start3A_9 : memref<80x125xi32, #tpu.memory_space<hbm>>) target(%arg4 : memref<80x125xi32, #tpu.memory_space<vmem>>) target_semaphore(%arg7 : memref<!tpu.dma_semaphore, #tpu.memory_space<semaphore_mem>>)
    %broadcast_in_dim3A = arith.constant 1.000000e+00 : f32
    %broadcast_in_dim3A_10 = vector.broadcast %broadcast_in_dim3A : f32 to vector<16xf32>
    %broadcast_in_dim3A_11 = arith.constant 0.000000e+00 : f32
    %broadcast_in_dim3A_12 = vector.broadcast %broadcast_in_dim3A_11 : f32 to vector<16xf32>
    %scan3A = arith.constant 0 : i32
    %scan3A_13 = arith.constant 0 : i32
    %scan3A_14 = arith.constant 125 : i32
    %scan3A_15 = arith.addi %scan3A_13, %scan3A_14 : i32
    %scan3A_16 = arith.constant 1 : i32
    scf.for %scan3A_290 = %scan3A_13 to %scan3A_15 step %scan3A_16  : i32 {
      %swap3A = arith.index_cast %scan3A_290 : i32 to index
      %swap3A_291 = arith.constant 0 : index
      %swap3A_292 = tpu.vector_load %arg5[%swap3A, %swap3A_291] {strides = array<i32>} : memref<125x16xf32, #tpu.memory_space<vmem>>, vector<1x16xf32>,
      %swap3A_293 = vector.shape_cast %swap3A_292 : vector<1x16xf32> to vector<16xf32>
      %swap3A_294 = vector.shape_cast %broadcast_in_dim3A_10 : vector<16xf32> to vector<1x16xf32>
      tpu.vector_store %arg5[%swap3A, %swap3A_291], %swap3A_294 {strides = array<i32>} : memref<125x16xf32, #tpu.memory_space<vmem>>, vector<1x16xf32>,
    }
    %scan3A_17 = arith.constant 125 : i32
    %scan3A_18 = arith.constant 0 : i32
    %scan3A_19 = arith.constant 0 : i32
    %scan3A_20 = arith.constant 32 : i32
    %scan3A_21 = arith.addi %scan3A_19, %scan3A_20 : i32
    %scan3A_22 = arith.constant 1 : i32
    scf.for %scan3A_290 = %scan3A_19 to %scan3A_21 step %scan3A_22  : i32 {
      %swap3A = arith.index_cast %scan3A_290 : i32 to index
      %swap3A_291 = arith.constant 0 : index
      %swap3A_292 = tpu.vector_load %arg6[%swap3A, %swap3A_291] {strides = array<i32>} : memref<32x16xf32, #tpu.memory_space<vmem>>, vector<1x16xf32>,
      %swap3A_293 = vector.shape_cast %swap3A_292 : vector<1x16xf32> to vector<16xf32>
      %swap3A_294 = vector.shape_cast %broadcast_in_dim3A_12 : vector<16xf32> to vector<1x16xf32>
      tpu.vector_store %arg6[%swap3A, %swap3A_291], %swap3A_294 {strides = array<i32>} : memref<32x16xf32, #tpu.memory_space<vmem>>, vector<1x16xf32>,
    }
    %scan3A_23 = arith.constant 32 : i32
    %add3A_24 = arith.constant 0 : i32
    %add3A_25 = arith.addi %multiple_of3A, %add3A_24 : i32
    %dma_start3A_26 = arith.constant 0 : i32
    %dma_start3A_27 = tpu.memref_slice %arg9[%add3A_25, %dma_start3A_26] : memref<10240x16xf32, #tpu.memory_space<vmem_shared>> -> memref<32x16xf32, #tpu.memory_space<vmem_shared>>
    %dma_start3A_28 = arith.constant 0 : i32
    %dma_start3A_29 = tpu.memref_slice %arg9[%add3A_25, %dma_start3A_28] : memref<10240x16xf32, #tpu.memory_space<vmem_shared>> -> memref<32x16xf32, #tpu.memory_space<vmem_shared>>
    tpu.enqueue_dma source(%arg6 : memref<32x16xf32, #tpu.memory_space<vmem>>) target(%dma_start3A_29 : memref<32x16xf32, #tpu.memory_space<vmem_shared>>) target_semaphore(%arg8 : memref<!tpu.dma_semaphore, #tpu.memory_space<semaphore_mem>>)
    %add3A_30 = arith.constant 32 : i32
    %add3A_31 = arith.addi %multiple_of3A, %add3A_30 : i32
    %dma_start3A_32 = arith.constant 0 : i32
    %dma_start3A_33 = tpu.memref_slice %arg9[%add3A_31, %dma_start3A_32] : memref<10240x16xf32, #tpu.memory_space<vmem_shared>> -> memref<32x16xf32, #tpu.memory_space<vmem_shared>>
    %dma_start3A_34 = arith.constant 0 : i32
    %dma_start3A_35 = tpu.memref_slice %arg9[%add3A_31, %dma_start3A_34] : memref<10240x16xf32, #tpu.memory_space<vmem_shared>> -> memref<32x16xf32, #tpu.memory_space<vmem_shared>>
    tpu.enqueue_dma source(%arg6 : memref<32x16xf32, #tpu.memory_space<vmem>>) target(%dma_start3A_35 : memref<32x16xf32, #tpu.memory_space<vmem_shared>>) target_semaphore(%arg8 : memref<!tpu.dma_semaphore, #tpu.memory_space<semaphore_mem>>)
    %add3A_36 = arith.constant 64 : i32
    %add3A_37 = arith.addi %multiple_of3A, %add3A_36 : i32
    %dma_start3A_38 = arith.constant 0 : i32
    %dma_start3A_39 = tpu.memref_slice %arg9[%add3A_37, %dma_start3A_38] : memref<10240x16xf32, #tpu.memory_space<vmem_shared>> -> memref<32x16xf32, #tpu.memory_space<vmem_shared>>
    %dma_start3A_40 = arith.constant 0 : i32
    %dma_start3A_41 = tpu.memref_slice %arg9[%add3A_37, %dma_start3A_40] : memref<10240x16xf32, #tpu.memory_space<vmem_shared>> -> memref<32x16xf32, #tpu.memory_space<vmem_shared>>
    tpu.enqueue_dma source(%arg6 : memref<32x16xf32, #tpu.memory_space<vmem>>) target(%dma_start3A_41 : memref<32x16xf32, #tpu.memory_space<vmem_shared>>) target_semaphore(%arg8 : memref<!tpu.dma_semaphore, #tpu.memory_space<semaphore_mem>>)
    %add3A_42 = arith.constant 96 : i32
    %add3A_43 = arith.addi %multiple_of3A, %add3A_42 : i32
    %dma_start3A_44 = arith.constant 0 : i32
    %dma_start3A_45 = tpu.memref_slice %arg9[%add3A_43, %dma_start3A_44] : memref<10240x16xf32, #tpu.memory_space<vmem_shared>> -> memref<32x16xf32, #tpu.memory_space<vmem_shared>>
    %dma_start3A_46 = arith.constant 0 : i32
    %dma_start3A_47 = tpu.memref_slice %arg9[%add3A_43, %dma_start3A_46] : memref<10240x16xf32, #tpu.memory_space<vmem_shared>> -> memref<32x16xf32, #tpu.memory_space<vmem_shared>>
    tpu.enqueue_dma source(%arg6 : memref<32x16xf32, #tpu.memory_space<vmem>>) target(%dma_start3A_47 : memref<32x16xf32, #tpu.memory_space<vmem_shared>>) target_semaphore(%arg8 : memref<!tpu.dma_semaphore, #tpu.memory_space<semaphore_mem>>)
    %add3A_48 = arith.constant 128 : i32
    %add3A_49 = arith.addi %multiple_of3A, %add3A_48 : i32
    %dma_start3A_50 = arith.constant 0 : i32
    %dma_start3A_51 = tpu.memref_slice %arg9[%add3A_49, %dma_start3A_50] : memref<10240x16xf32, #tpu.memory_space<vmem_shared>> -> memref<32x16xf32, #tpu.memory_space<vmem_shared>>
    %dma_start3A_52 = arith.constant 0 : i32
    %dma_start3A_53 = tpu.memref_slice %arg9[%add3A_49, %dma_start3A_52] : memref<10240x16xf32, #tpu.memory_space<vmem_shared>> -> memref<32x16xf32, #tpu.memory_space<vmem_shared>>
    tpu.enqueue_dma source(%arg6 : memref<32x16xf32, #tpu.memory_space<vmem>>) target(%dma_start3A_53 : memref<32x16xf32, #tpu.memory_space<vmem_shared>>) target_semaphore(%arg8 : memref<!tpu.dma_semaphore, #tpu.memory_space<semaphore_mem>>)
    %add3A_54 = arith.constant 160 : i32
    %add3A_55 = arith.addi %multiple_of3A, %add3A_54 : i32
    %dma_start3A_56 = arith.constant 0 : i32
    %dma_start3A_57 = tpu.memref_slice %arg9[%add3A_55, %dma_start3A_56] : memref<10240x16xf32, #tpu.memory_space<vmem_shared>> -> memref<32x16xf32, #tpu.memory_space<vmem_shared>>
    %dma_start3A_58 = arith.constant 0 : i32
    %dma_start3A_59 = tpu.memref_slice %arg9[%add3A_55, %dma_start3A_58] : memref<10240x16xf32, #tpu.memory_space<vmem_shared>> -> memref<32x16xf32, #tpu.memory_space<vmem_shared>>
    tpu.enqueue_dma source(%arg6 : memref<32x16xf32, #tpu.memory_space<vmem>>) target(%dma_start3A_59 : memref<32x16xf32, #tpu.memory_space<vmem_shared>>) target_semaphore(%arg8 : memref<!tpu.dma_semaphore, #tpu.memory_space<semaphore_mem>>)
    %add3A_60 = arith.constant 192 : i32
    %add3A_61 = arith.addi %multiple_of3A, %add3A_60 : i32
    %dma_start3A_62 = arith.constant 0 : i32
    %dma_start3A_63 = tpu.memref_slice %arg9[%add3A_61, %dma_start3A_62] : memref<10240x16xf32, #tpu.memory_space<vmem_shared>> -> memref<32x16xf32, #tpu.memory_space<vmem_shared>>
    %dma_start3A_64 = arith.constant 0 : i32
    %dma_start3A_65 = tpu.memref_slice %arg9[%add3A_61, %dma_start3A_64] : memref<10240x16xf32, #tpu.memory_space<vmem_shared>> -> memref<32x16xf32, #tpu.memory_space<vmem_shared>>
    tpu.enqueue_dma source(%arg6 : memref<32x16xf32, #tpu.memory_space<vmem>>) target(%dma_start3A_65 : memref<32x16xf32, #tpu.memory_space<vmem_shared>>) target_semaphore(%arg8 : memref<!tpu.dma_semaphore, #tpu.memory_space<semaphore_mem>>)
    %add3A_66 = arith.constant 224 : i32
    %add3A_67 = arith.addi %multiple_of3A, %add3A_66 : i32
    %dma_start3A_68 = arith.constant 0 : i32
    %dma_start3A_69 = tpu.memref_slice %arg9[%add3A_67, %dma_start3A_68] : memref<10240x16xf32, #tpu.memory_space<vmem_shared>> -> memref<32x16xf32, #tpu.memory_space<vmem_shared>>
    %dma_start3A_70 = arith.constant 0 : i32
    %dma_start3A_71 = tpu.memref_slice %arg9[%add3A_67, %dma_start3A_70] : memref<10240x16xf32, #tpu.memory_space<vmem_shared>> -> memref<32x16xf32, #tpu.memory_space<vmem_shared>>
    tpu.enqueue_dma source(%arg6 : memref<32x16xf32, #tpu.memory_space<vmem>>) target(%dma_start3A_71 : memref<32x16xf32, #tpu.memory_space<vmem_shared>>) target_semaphore(%arg8 : memref<!tpu.dma_semaphore, #tpu.memory_space<semaphore_mem>>)
    %add3A_72 = arith.constant 256 : i32
    %add3A_73 = arith.addi %multiple_of3A, %add3A_72 : i32
    %dma_start3A_74 = arith.constant 0 : i32
    %dma_start3A_75 = tpu.memref_slice %arg9[%add3A_73, %dma_start3A_74] : memref<10240x16xf32, #tpu.memory_space<vmem_shared>> -> memref<32x16xf32, #tpu.memory_space<vmem_shared>>
    %dma_start3A_76 = arith.constant 0 : i32
    %dma_start3A_77 = tpu.memref_slice %arg9[%add3A_73, %dma_start3A_76] : memref<10240x16xf32, #tpu.memory_space<vmem_shared>> -> memref<32x16xf32, #tpu.memory_space<vmem_shared>>
    tpu.enqueue_dma source(%arg6 : memref<32x16xf32, #tpu.memory_space<vmem>>) target(%dma_start3A_77 : memref<32x16xf32, #tpu.memory_space<vmem_shared>>) target_semaphore(%arg8 : memref<!tpu.dma_semaphore, #tpu.memory_space<semaphore_mem>>)
    %add3A_78 = arith.constant 288 : i32
    %add3A_79 = arith.addi %multiple_of3A, %add3A_78 : i32
    %dma_start3A_80 = arith.constant 0 : i32
    %dma_start3A_81 = tpu.memref_slice %arg9[%add3A_79, %dma_start3A_80] : memref<10240x16xf32, #tpu.memory_space<vmem_shared>> -> memref<32x16xf32, #tpu.memory_space<vmem_shared>>
    %dma_start3A_82 = arith.constant 0 : i32
    %dma_start3A_83 = tpu.memref_slice %arg9[%add3A_79, %dma_start3A_82] : memref<10240x16xf32, #tpu.memory_space<vmem_shared>> -> memref<32x16xf32, #tpu.memory_space<vmem_shared>>
    tpu.enqueue_dma source(%arg6 : memref<32x16xf32, #tpu.memory_space<vmem>>) target(%dma_start3A_83 : memref<32x16xf32, #tpu.memory_space<vmem_shared>>) target_semaphore(%arg8 : memref<!tpu.dma_semaphore, #tpu.memory_space<semaphore_mem>>)
    %add3A_84 = arith.constant 320 : i32
    %add3A_85 = arith.addi %multiple_of3A, %add3A_84 : i32
    %dma_start3A_86 = arith.constant 0 : i32
    %dma_start3A_87 = tpu.memref_slice %arg9[%add3A_85, %dma_start3A_86] : memref<10240x16xf32, #tpu.memory_space<vmem_shared>> -> memref<32x16xf32, #tpu.memory_space<vmem_shared>>
    %dma_start3A_88 = arith.constant 0 : i32
    %dma_start3A_89 = tpu.memref_slice %arg9[%add3A_85, %dma_start3A_88] : memref<10240x16xf32, #tpu.memory_space<vmem_shared>> -> memref<32x16xf32, #tpu.memory_space<vmem_shared>>
    tpu.enqueue_dma source(%arg6 : memref<32x16xf32, #tpu.memory_space<vmem>>) target(%dma_start3A_89 : memref<32x16xf32, #tpu.memory_space<vmem_shared>>) target_semaphore(%arg8 : memref<!tpu.dma_semaphore, #tpu.memory_space<semaphore_mem>>)
    %add3A_90 = arith.constant 352 : i32
    %add3A_91 = arith.addi %multiple_of3A, %add3A_90 : i32
    %dma_start3A_92 = arith.constant 0 : i32
    %dma_start3A_93 = tpu.memref_slice %arg9[%add3A_91, %dma_start3A_92] : memref<10240x16xf32, #tpu.memory_space<vmem_shared>> -> memref<32x16xf32, #tpu.memory_space<vmem_shared>>
    %dma_start3A_94 = arith.constant 0 : i32
    %dma_start3A_95 = tpu.memref_slice %arg9[%add3A_91, %dma_start3A_94] : memref<10240x16xf32, #tpu.memory_space<vmem_shared>> -> memref<32x16xf32, #tpu.memory_space<vmem_shared>>
    tpu.enqueue_dma source(%arg6 : memref<32x16xf32, #tpu.memory_space<vmem>>) target(%dma_start3A_95 : memref<32x16xf32, #tpu.memory_space<vmem_shared>>) target_semaphore(%arg8 : memref<!tpu.dma_semaphore, #tpu.memory_space<semaphore_mem>>)
    %add3A_96 = arith.constant 384 : i32
    %add3A_97 = arith.addi %multiple_of3A, %add3A_96 : i32
    %dma_start3A_98 = arith.constant 0 : i32
    %dma_start3A_99 = tpu.memref_slice %arg9[%add3A_97, %dma_start3A_98] : memref<10240x16xf32, #tpu.memory_space<vmem_shared>> -> memref<32x16xf32, #tpu.memory_space<vmem_shared>>
    %dma_start3A_100 = arith.constant 0 : i32
    %dma_start3A_101 = tpu.memref_slice %arg9[%add3A_97, %dma_start3A_100] : memref<10240x16xf32, #tpu.memory_space<vmem_shared>> -> memref<32x16xf32, #tpu.memory_space<vmem_shared>>
    tpu.enqueue_dma source(%arg6 : memref<32x16xf32, #tpu.memory_space<vmem>>) target(%dma_start3A_101 : memref<32x16xf32, #tpu.memory_space<vmem_shared>>) target_semaphore(%arg8 : memref<!tpu.dma_semaphore, #tpu.memory_space<semaphore_mem>>)
    %add3A_102 = arith.constant 416 : i32
    %add3A_103 = arith.addi %multiple_of3A, %add3A_102 : i32
    %dma_start3A_104 = arith.constant 0 : i32
    %dma_start3A_105 = tpu.memref_slice %arg9[%add3A_103, %dma_start3A_104] : memref<10240x16xf32, #tpu.memory_space<vmem_shared>> -> memref<32x16xf32, #tpu.memory_space<vmem_shared>>
    %dma_start3A_106 = arith.constant 0 : i32
    %dma_start3A_107 = tpu.memref_slice %arg9[%add3A_103, %dma_start3A_106] : memref<10240x16xf32, #tpu.memory_space<vmem_shared>> -> memref<32x16xf32, #tpu.memory_space<vmem_shared>>
    tpu.enqueue_dma source(%arg6 : memref<32x16xf32, #tpu.memory_space<vmem>>) target(%dma_start3A_107 : memref<32x16xf32, #tpu.memory_space<vmem_shared>>) target_semaphore(%arg8 : memref<!tpu.dma_semaphore, #tpu.memory_space<semaphore_mem>>)
    %add3A_108 = arith.constant 448 : i32
    %add3A_109 = arith.addi %multiple_of3A, %add3A_108 : i32
    %dma_start3A_110 = arith.constant 0 : i32
    %dma_start3A_111 = tpu.memref_slice %arg9[%add3A_109, %dma_start3A_110] : memref<10240x16xf32, #tpu.memory_space<vmem_shared>> -> memref<32x16xf32, #tpu.memory_space<vmem_shared>>
    %dma_start3A_112 = arith.constant 0 : i32
    %dma_start3A_113 = tpu.memref_slice %arg9[%add3A_109, %dma_start3A_112] : memref<10240x16xf32, #tpu.memory_space<vmem_shared>> -> memref<32x16xf32, #tpu.memory_space<vmem_shared>>
    tpu.enqueue_dma source(%arg6 : memref<32x16xf32, #tpu.memory_space<vmem>>) target(%dma_start3A_113 : memref<32x16xf32, #tpu.memory_space<vmem_shared>>) target_semaphore(%arg8 : memref<!tpu.dma_semaphore, #tpu.memory_space<semaphore_mem>>)
    %add3A_114 = arith.constant 480 : i32
    %add3A_115 = arith.addi %multiple_of3A, %add3A_114 : i32
    %dma_start3A_116 = arith.constant 0 : i32
    %dma_start3A_117 = tpu.memref_slice %arg9[%add3A_115, %dma_start3A_116] : memref<10240x16xf32, #tpu.memory_space<vmem_shared>> -> memref<32x16xf32, #tpu.memory_space<vmem_shared>>
    %dma_start3A_118 = arith.constant 0 : i32
    %dma_start3A_119 = tpu.memref_slice %arg9[%add3A_115, %dma_start3A_118] : memref<10240x16xf32, #tpu.memory_space<vmem_shared>> -> memref<32x16xf32, #tpu.memory_space<vmem_shared>>
    tpu.enqueue_dma source(%arg6 : memref<32x16xf32, #tpu.memory_space<vmem>>) target(%dma_start3A_119 : memref<32x16xf32, #tpu.memory_space<vmem_shared>>) target_semaphore(%arg8 : memref<!tpu.dma_semaphore, #tpu.memory_space<semaphore_mem>>)
    %add3A_120 = arith.constant 512 : i32
    %add3A_121 = arith.addi %multiple_of3A, %add3A_120 : i32
    %dma_start3A_122 = arith.constant 0 : i32
    %dma_start3A_123 = tpu.memref_slice %arg9[%add3A_121, %dma_start3A_122] : memref<10240x16xf32, #tpu.memory_space<vmem_shared>> -> memref<32x16xf32, #tpu.memory_space<vmem_shared>>
    %dma_start3A_124 = arith.constant 0 : i32
    %dma_start3A_125 = tpu.memref_slice %arg9[%add3A_121, %dma_start3A_124] : memref<10240x16xf32, #tpu.memory_space<vmem_shared>> -> memref<32x16xf32, #tpu.memory_space<vmem_shared>>
    tpu.enqueue_dma source(%arg6 : memref<32x16xf32, #tpu.memory_space<vmem>>) target(%dma_start3A_125 : memref<32x16xf32, #tpu.memory_space<vmem_shared>>) target_semaphore(%arg8 : memref<!tpu.dma_semaphore, #tpu.memory_space<semaphore_mem>>)
    %add3A_126 = arith.constant 544 : i32
    %add3A_127 = arith.addi %multiple_of3A, %add3A_126 : i32
    %dma_start3A_128 = arith.constant 0 : i32
    %dma_start3A_129 = tpu.memref_slice %arg9[%add3A_127, %dma_start3A_128] : memref<10240x16xf32, #tpu.memory_space<vmem_shared>> -> memref<32x16xf32, #tpu.memory_space<vmem_shared>>
    %dma_start3A_130 = arith.constant 0 : i32
    %dma_start3A_131 = tpu.memref_slice %arg9[%add3A_127, %dma_start3A_130] : memref<10240x16xf32, #tpu.memory_space<vmem_shared>> -> memref<32x16xf32, #tpu.memory_space<vmem_shared>>
    tpu.enqueue_dma source(%arg6 : memref<32x16xf32, #tpu.memory_space<vmem>>) target(%dma_start3A_131 : memref<32x16xf32, #tpu.memory_space<vmem_shared>>) target_semaphore(%arg8 : memref<!tpu.dma_semaphore, #tpu.memory_space<semaphore_mem>>)
    %add3A_132 = arith.constant 576 : i32
    %add3A_133 = arith.addi %multiple_of3A, %add3A_132 : i32
    %dma_start3A_134 = arith.constant 0 : i32
    %dma_start3A_135 = tpu.memref_slice %arg9[%add3A_133, %dma_start3A_134] : memref<10240x16xf32, #tpu.memory_space<vmem_shared>> -> memref<32x16xf32, #tpu.memory_space<vmem_shared>>
    %dma_start3A_136 = arith.constant 0 : i32
    %dma_start3A_137 = tpu.memref_slice %arg9[%add3A_133, %dma_start3A_136] : memref<10240x16xf32, #tpu.memory_space<vmem_shared>> -> memref<32x16xf32, #tpu.memory_space<vmem_shared>>
    tpu.enqueue_dma source(%arg6 : memref<32x16xf32, #tpu.memory_space<vmem>>) target(%dma_start3A_137 : memref<32x16xf32, #tpu.memory_space<vmem_shared>>) target_semaphore(%arg8 : memref<!tpu.dma_semaphore, #tpu.memory_space<semaphore_mem>>)
    %add3A_138 = arith.constant 608 : i32
    %add3A_139 = arith.addi %multiple_of3A, %add3A_138 : i32
    %dma_start3A_140 = arith.constant 0 : i32
    %dma_start3A_141 = tpu.memref_slice %arg9[%add3A_139, %dma_start3A_140] : memref<10240x16xf32, #tpu.memory_space<vmem_shared>> -> memref<32x16xf32, #tpu.memory_space<vmem_shared>>
    %dma_start3A_142 = arith.constant 0 : i32
    %dma_start3A_143 = tpu.memref_slice %arg9[%add3A_139, %dma_start3A_142] : memref<10240x16xf32, #tpu.memory_space<vmem_shared>> -> memref<32x16xf32, #tpu.memory_space<vmem_shared>>
    tpu.enqueue_dma source(%arg6 : memref<32x16xf32, #tpu.memory_space<vmem>>) target(%dma_start3A_143 : memref<32x16xf32, #tpu.memory_space<vmem_shared>>) target_semaphore(%arg8 : memref<!tpu.dma_semaphore, #tpu.memory_space<semaphore_mem>>)
    %add3A_144 = arith.constant 0 : i32
    %add3A_145 = arith.addi %multiple_of3A, %add3A_144 : i32
    %dma_wait3A = arith.constant 0 : i32
    %dma_wait3A_146 = tpu.memref_slice %arg9[%add3A_145, %dma_wait3A] : memref<10240x16xf32, #tpu.memory_space<vmem_shared>> -> memref<32x16xf32, #tpu.memory_space<vmem_shared>>
    %dma_wait3A_147 = arith.constant 0 : i32
    %dma_wait3A_148 = tpu.memref_slice %arg9[%add3A_145, %dma_wait3A_147] : memref<10240x16xf32, #tpu.memory_space<vmem_shared>> -> memref<32x16xf32, #tpu.memory_space<vmem_shared>>
    tpu.wait_dma2 semaphore(%arg8 : memref<!tpu.dma_semaphore, #tpu.memory_space<semaphore_mem>>) src(%arg6 : memref<32x16xf32, #tpu.memory_space<vmem>>) dst(%dma_wait3A_148 : memref<32x16xf32, #tpu.memory_space<vmem_shared>>)
    %add3A_149 = arith.constant 32 : i32
    %add3A_150 = arith.addi %multiple_of3A, %add3A_149 : i32
    %dma_wait3A_151 = arith.constant 0 : i32
    %dma_wait3A_152 = tpu.memref_slice %arg9[%add3A_150, %dma_wait3A_151] : memref<10240x16xf32, #tpu.memory_space<vmem_shared>> -> memref<32x16xf32, #tpu.memory_space<vmem_shared>>
    %dma_wait3A_153 = arith.constant 0 : i32
    %dma_wait3A_154 = tpu.memref_slice %arg9[%add3A_150, %dma_wait3A_153] : memref<10240x16xf32, #tpu.memory_space<vmem_shared>> -> memref<32x16xf32, #tpu.memory_space<vmem_shared>>
    tpu.wait_dma2 semaphore(%arg8 : memref<!tpu.dma_semaphore, #tpu.memory_space<semaphore_mem>>) src(%arg6 : memref<32x16xf32, #tpu.memory_space<vmem>>) dst(%dma_wait3A_154 : memref<32x16xf32, #tpu.memory_space<vmem_shared>>)
    %add3A_155 = arith.constant 64 : i32
    %add3A_156 = arith.addi %multiple_of3A, %add3A_155 : i32
    %dma_wait3A_157 = arith.constant 0 : i32
    %dma_wait3A_158 = tpu.memref_slice %arg9[%add3A_156, %dma_wait3A_157] : memref<10240x16xf32, #tpu.memory_space<vmem_shared>> -> memref<32x16xf32, #tpu.memory_space<vmem_shared>>
    %dma_wait3A_159 = arith.constant 0 : i32
    %dma_wait3A_160 = tpu.memref_slice %arg9[%add3A_156, %dma_wait3A_159] : memref<10240x16xf32, #tpu.memory_space<vmem_shared>> -> memref<32x16xf32, #tpu.memory_space<vmem_shared>>
    tpu.wait_dma2 semaphore(%arg8 : memref<!tpu.dma_semaphore, #tpu.memory_space<semaphore_mem>>) src(%arg6 : memref<32x16xf32, #tpu.memory_space<vmem>>) dst(%dma_wait3A_160 : memref<32x16xf32, #tpu.memory_space<vmem_shared>>)
    %add3A_161 = arith.constant 96 : i32
    %add3A_162 = arith.addi %multiple_of3A, %add3A_161 : i32
    %dma_wait3A_163 = arith.constant 0 : i32
    %dma_wait3A_164 = tpu.memref_slice %arg9[%add3A_162, %dma_wait3A_163] : memref<10240x16xf32, #tpu.memory_space<vmem_shared>> -> memref<32x16xf32, #tpu.memory_space<vmem_shared>>
    %dma_wait3A_165 = arith.constant 0 : i32
    %dma_wait3A_166 = tpu.memref_slice %arg9[%add3A_162, %dma_wait3A_165] : memref<10240x16xf32, #tpu.memory_space<vmem_shared>> -> memref<32x16xf32, #tpu.memory_space<vmem_shared>>
    tpu.wait_dma2 semaphore(%arg8 : memref<!tpu.dma_semaphore, #tpu.memory_space<semaphore_mem>>) src(%arg6 : memref<32x16xf32, #tpu.memory_space<vmem>>) dst(%dma_wait3A_166 : memref<32x16xf32, #tpu.memory_space<vmem_shared>>)
    %add3A_167 = arith.constant 128 : i32
    %add3A_168 = arith.addi %multiple_of3A, %add3A_167 : i32
    %dma_wait3A_169 = arith.constant 0 : i32
    %dma_wait3A_170 = tpu.memref_slice %arg9[%add3A_168, %dma_wait3A_169] : memref<10240x16xf32, #tpu.memory_space<vmem_shared>> -> memref<32x16xf32, #tpu.memory_space<vmem_shared>>
    %dma_wait3A_171 = arith.constant 0 : i32
    %dma_wait3A_172 = tpu.memref_slice %arg9[%add3A_168, %dma_wait3A_171] : memref<10240x16xf32, #tpu.memory_space<vmem_shared>> -> memref<32x16xf32, #tpu.memory_space<vmem_shared>>
    tpu.wait_dma2 semaphore(%arg8 : memref<!tpu.dma_semaphore, #tpu.memory_space<semaphore_mem>>) src(%arg6 : memref<32x16xf32, #tpu.memory_space<vmem>>) dst(%dma_wait3A_172 : memref<32x16xf32, #tpu.memory_space<vmem_shared>>)
    %add3A_173 = arith.constant 160 : i32
    %add3A_174 = arith.addi %multiple_of3A, %add3A_173 : i32
    %dma_wait3A_175 = arith.constant 0 : i32
    %dma_wait3A_176 = tpu.memref_slice %arg9[%add3A_174, %dma_wait3A_175] : memref<10240x16xf32, #tpu.memory_space<vmem_shared>> -> memref<32x16xf32, #tpu.memory_space<vmem_shared>>
    %dma_wait3A_177 = arith.constant 0 : i32
    %dma_wait3A_178 = tpu.memref_slice %arg9[%add3A_174, %dma_wait3A_177] : memref<10240x16xf32, #tpu.memory_space<vmem_shared>> -> memref<32x16xf32, #tpu.memory_space<vmem_shared>>
    tpu.wait_dma2 semaphore(%arg8 : memref<!tpu.dma_semaphore, #tpu.memory_space<semaphore_mem>>) src(%arg6 : memref<32x16xf32, #tpu.memory_space<vmem>>) dst(%dma_wait3A_178 : memref<32x16xf32, #tpu.memory_space<vmem_shared>>)
    %add3A_179 = arith.constant 192 : i32
    %add3A_180 = arith.addi %multiple_of3A, %add3A_179 : i32
    %dma_wait3A_181 = arith.constant 0 : i32
    %dma_wait3A_182 = tpu.memref_slice %arg9[%add3A_180, %dma_wait3A_181] : memref<10240x16xf32, #tpu.memory_space<vmem_shared>> -> memref<32x16xf32, #tpu.memory_space<vmem_shared>>
    %dma_wait3A_183 = arith.constant 0 : i32
    %dma_wait3A_184 = tpu.memref_slice %arg9[%add3A_180, %dma_wait3A_183] : memref<10240x16xf32, #tpu.memory_space<vmem_shared>> -> memref<32x16xf32, #tpu.memory_space<vmem_shared>>
    tpu.wait_dma2 semaphore(%arg8 : memref<!tpu.dma_semaphore, #tpu.memory_space<semaphore_mem>>) src(%arg6 : memref<32x16xf32, #tpu.memory_space<vmem>>) dst(%dma_wait3A_184 : memref<32x16xf32, #tpu.memory_space<vmem_shared>>)
    %add3A_185 = arith.constant 224 : i32
    %add3A_186 = arith.addi %multiple_of3A, %add3A_185 : i32
    %dma_wait3A_187 = arith.constant 0 : i32
    %dma_wait3A_188 = tpu.memref_slice %arg9[%add3A_186, %dma_wait3A_187] : memref<10240x16xf32, #tpu.memory_space<vmem_shared>> -> memref<32x16xf32, #tpu.memory_space<vmem_shared>>
    %dma_wait3A_189 = arith.constant 0 : i32
    %dma_wait3A_190 = tpu.memref_slice %arg9[%add3A_186, %dma_wait3A_189] : memref<10240x16xf32, #tpu.memory_space<vmem_shared>> -> memref<32x16xf32, #tpu.memory_space<vmem_shared>>
    tpu.wait_dma2 semaphore(%arg8 : memref<!tpu.dma_semaphore, #tpu.memory_space<semaphore_mem>>) src(%arg6 : memref<32x16xf32, #tpu.memory_space<vmem>>) dst(%dma_wait3A_190 : memref<32x16xf32, #tpu.memory_space<vmem_shared>>)
    %add3A_191 = arith.constant 256 : i32
    %add3A_192 = arith.addi %multiple_of3A, %add3A_191 : i32
    %dma_wait3A_193 = arith.constant 0 : i32
    %dma_wait3A_194 = tpu.memref_slice %arg9[%add3A_192, %dma_wait3A_193] : memref<10240x16xf32, #tpu.memory_space<vmem_shared>> -> memref<32x16xf32, #tpu.memory_space<vmem_shared>>
    %dma_wait3A_195 = arith.constant 0 : i32
    %dma_wait3A_196 = tpu.memref_slice %arg9[%add3A_192, %dma_wait3A_195] : memref<10240x16xf32, #tpu.memory_space<vmem_shared>> -> memref<32x16xf32, #tpu.memory_space<vmem_shared>>
    tpu.wait_dma2 semaphore(%arg8 : memref<!tpu.dma_semaphore, #tpu.memory_space<semaphore_mem>>) src(%arg6 : memref<32x16xf32, #tpu.memory_space<vmem>>) dst(%dma_wait3A_196 : memref<32x16xf32, #tpu.memory_space<vmem_shared>>)
    %add3A_197 = arith.constant 288 : i32
    %add3A_198 = arith.addi %multiple_of3A, %add3A_197 : i32
    %dma_wait3A_199 = arith.constant 0 : i32
    %dma_wait3A_200 = tpu.memref_slice %arg9[%add3A_198, %dma_wait3A_199] : memref<10240x16xf32, #tpu.memory_space<vmem_shared>> -> memref<32x16xf32, #tpu.memory_space<vmem_shared>>
    %dma_wait3A_201 = arith.constant 0 : i32
    %dma_wait3A_202 = tpu.memref_slice %arg9[%add3A_198, %dma_wait3A_201] : memref<10240x16xf32, #tpu.memory_space<vmem_shared>> -> memref<32x16xf32, #tpu.memory_space<vmem_shared>>
    tpu.wait_dma2 semaphore(%arg8 : memref<!tpu.dma_semaphore, #tpu.memory_space<semaphore_mem>>) src(%arg6 : memref<32x16xf32, #tpu.memory_space<vmem>>) dst(%dma_wait3A_202 : memref<32x16xf32, #tpu.memory_space<vmem_shared>>)
    %add3A_203 = arith.constant 320 : i32
    %add3A_204 = arith.addi %multiple_of3A, %add3A_203 : i32
    %dma_wait3A_205 = arith.constant 0 : i32
    %dma_wait3A_206 = tpu.memref_slice %arg9[%add3A_204, %dma_wait3A_205] : memref<10240x16xf32, #tpu.memory_space<vmem_shared>> -> memref<32x16xf32, #tpu.memory_space<vmem_shared>>
    %dma_wait3A_207 = arith.constant 0 : i32
    %dma_wait3A_208 = tpu.memref_slice %arg9[%add3A_204, %dma_wait3A_207] : memref<10240x16xf32, #tpu.memory_space<vmem_shared>> -> memref<32x16xf32, #tpu.memory_space<vmem_shared>>
    tpu.wait_dma2 semaphore(%arg8 : memref<!tpu.dma_semaphore, #tpu.memory_space<semaphore_mem>>) src(%arg6 : memref<32x16xf32, #tpu.memory_space<vmem>>) dst(%dma_wait3A_208 : memref<32x16xf32, #tpu.memory_space<vmem_shared>>)
    %add3A_209 = arith.constant 352 : i32
    %add3A_210 = arith.addi %multiple_of3A, %add3A_209 : i32
    %dma_wait3A_211 = arith.constant 0 : i32
    %dma_wait3A_212 = tpu.memref_slice %arg9[%add3A_210, %dma_wait3A_211] : memref<10240x16xf32, #tpu.memory_space<vmem_shared>> -> memref<32x16xf32, #tpu.memory_space<vmem_shared>>
    %dma_wait3A_213 = arith.constant 0 : i32
    %dma_wait3A_214 = tpu.memref_slice %arg9[%add3A_210, %dma_wait3A_213] : memref<10240x16xf32, #tpu.memory_space<vmem_shared>> -> memref<32x16xf32, #tpu.memory_space<vmem_shared>>
    tpu.wait_dma2 semaphore(%arg8 : memref<!tpu.dma_semaphore, #tpu.memory_space<semaphore_mem>>) src(%arg6 : memref<32x16xf32, #tpu.memory_space<vmem>>) dst(%dma_wait3A_214 : memref<32x16xf32, #tpu.memory_space<vmem_shared>>)
    %add3A_215 = arith.constant 384 : i32
    %add3A_216 = arith.addi %multiple_of3A, %add3A_215 : i32
    %dma_wait3A_217 = arith.constant 0 : i32
    %dma_wait3A_218 = tpu.memref_slice %arg9[%add3A_216, %dma_wait3A_217] : memref<10240x16xf32, #tpu.memory_space<vmem_shared>> -> memref<32x16xf32, #tpu.memory_space<vmem_shared>>
    %dma_wait3A_219 = arith.constant 0 : i32
    %dma_wait3A_220 = tpu.memref_slice %arg9[%add3A_216, %dma_wait3A_219] : memref<10240x16xf32, #tpu.memory_space<vmem_shared>> -> memref<32x16xf32, #tpu.memory_space<vmem_shared>>
    tpu.wait_dma2 semaphore(%arg8 : memref<!tpu.dma_semaphore, #tpu.memory_space<semaphore_mem>>) src(%arg6 : memref<32x16xf32, #tpu.memory_space<vmem>>) dst(%dma_wait3A_220 : memref<32x16xf32, #tpu.memory_space<vmem_shared>>)
    %add3A_221 = arith.constant 416 : i32
    %add3A_222 = arith.addi %multiple_of3A, %add3A_221 : i32
    %dma_wait3A_223 = arith.constant 0 : i32
    %dma_wait3A_224 = tpu.memref_slice %arg9[%add3A_222, %dma_wait3A_223] : memref<10240x16xf32, #tpu.memory_space<vmem_shared>> -> memref<32x16xf32, #tpu.memory_space<vmem_shared>>
    %dma_wait3A_225 = arith.constant 0 : i32
    %dma_wait3A_226 = tpu.memref_slice %arg9[%add3A_222, %dma_wait3A_225] : memref<10240x16xf32, #tpu.memory_space<vmem_shared>> -> memref<32x16xf32, #tpu.memory_space<vmem_shared>>
    tpu.wait_dma2 semaphore(%arg8 : memref<!tpu.dma_semaphore, #tpu.memory_space<semaphore_mem>>) src(%arg6 : memref<32x16xf32, #tpu.memory_space<vmem>>) dst(%dma_wait3A_226 : memref<32x16xf32, #tpu.memory_space<vmem_shared>>)
    %add3A_227 = arith.constant 448 : i32
    %add3A_228 = arith.addi %multiple_of3A, %add3A_227 : i32
    %dma_wait3A_229 = arith.constant 0 : i32
    %dma_wait3A_230 = tpu.memref_slice %arg9[%add3A_228, %dma_wait3A_229] : memref<10240x16xf32, #tpu.memory_space<vmem_shared>> -> memref<32x16xf32, #tpu.memory_space<vmem_shared>>
    %dma_wait3A_231 = arith.constant 0 : i32
    %dma_wait3A_232 = tpu.memref_slice %arg9[%add3A_228, %dma_wait3A_231] : memref<10240x16xf32, #tpu.memory_space<vmem_shared>> -> memref<32x16xf32, #tpu.memory_space<vmem_shared>>
    tpu.wait_dma2 semaphore(%arg8 : memref<!tpu.dma_semaphore, #tpu.memory_space<semaphore_mem>>) src(%arg6 : memref<32x16xf32, #tpu.memory_space<vmem>>) dst(%dma_wait3A_232 : memref<32x16xf32, #tpu.memory_space<vmem_shared>>)
    %add3A_233 = arith.constant 480 : i32
    %add3A_234 = arith.addi %multiple_of3A, %add3A_233 : i32
    %dma_wait3A_235 = arith.constant 0 : i32
    %dma_wait3A_236 = tpu.memref_slice %arg9[%add3A_234, %dma_wait3A_235] : memref<10240x16xf32, #tpu.memory_space<vmem_shared>> -> memref<32x16xf32, #tpu.memory_space<vmem_shared>>
    %dma_wait3A_237 = arith.constant 0 : i32
    %dma_wait3A_238 = tpu.memref_slice %arg9[%add3A_234, %dma_wait3A_237] : memref<10240x16xf32, #tpu.memory_space<vmem_shared>> -> memref<32x16xf32, #tpu.memory_space<vmem_shared>>
    tpu.wait_dma2 semaphore(%arg8 : memref<!tpu.dma_semaphore, #tpu.memory_space<semaphore_mem>>) src(%arg6 : memref<32x16xf32, #tpu.memory_space<vmem>>) dst(%dma_wait3A_238 : memref<32x16xf32, #tpu.memory_space<vmem_shared>>)
    %add3A_239 = arith.constant 512 : i32
    %add3A_240 = arith.addi %multiple_of3A, %add3A_239 : i32
    %dma_wait3A_241 = arith.constant 0 : i32
    %dma_wait3A_242 = tpu.memref_slice %arg9[%add3A_240, %dma_wait3A_241] : memref<10240x16xf32, #tpu.memory_space<vmem_shared>> -> memref<32x16xf32, #tpu.memory_space<vmem_shared>>
    %dma_wait3A_243 = arith.constant 0 : i32
    %dma_wait3A_244 = tpu.memref_slice %arg9[%add3A_240, %dma_wait3A_243] : memref<10240x16xf32, #tpu.memory_space<vmem_shared>> -> memref<32x16xf32, #tpu.memory_space<vmem_shared>>
    tpu.wait_dma2 semaphore(%arg8 : memref<!tpu.dma_semaphore, #tpu.memory_space<semaphore_mem>>) src(%arg6 : memref<32x16xf32, #tpu.memory_space<vmem>>) dst(%dma_wait3A_244 : memref<32x16xf32, #tpu.memory_space<vmem_shared>>)
    %add3A_245 = arith.constant 544 : i32
    %add3A_246 = arith.addi %multiple_of3A, %add3A_245 : i32
    %dma_wait3A_247 = arith.constant 0 : i32
    %dma_wait3A_248 = tpu.memref_slice %arg9[%add3A_246, %dma_wait3A_247] : memref<10240x16xf32, #tpu.memory_space<vmem_shared>> -> memref<32x16xf32, #tpu.memory_space<vmem_shared>>
    %dma_wait3A_249 = arith.constant 0 : i32
    %dma_wait3A_250 = tpu.memref_slice %arg9[%add3A_246, %dma_wait3A_249] : memref<10240x16xf32, #tpu.memory_space<vmem_shared>> -> memref<32x16xf32, #tpu.memory_space<vmem_shared>>
    tpu.wait_dma2 semaphore(%arg8 : memref<!tpu.dma_semaphore, #tpu.memory_space<semaphore_mem>>) src(%arg6 : memref<32x16xf32, #tpu.memory_space<vmem>>) dst(%dma_wait3A_250 : memref<32x16xf32, #tpu.memory_space<vmem_shared>>)
    %add3A_251 = arith.constant 576 : i32
    %add3A_252 = arith.addi %multiple_of3A, %add3A_251 : i32
    %dma_wait3A_253 = arith.constant 0 : i32
    %dma_wait3A_254 = tpu.memref_slice %arg9[%add3A_252, %dma_wait3A_253] : memref<10240x16xf32, #tpu.memory_space<vmem_shared>> -> memref<32x16xf32, #tpu.memory_space<vmem_shared>>
    %dma_wait3A_255 = arith.constant 0 : i32
    %dma_wait3A_256 = tpu.memref_slice %arg9[%add3A_252, %dma_wait3A_255] : memref<10240x16xf32, #tpu.memory_space<vmem_shared>> -> memref<32x16xf32, #tpu.memory_space<vmem_shared>>
    tpu.wait_dma2 semaphore(%arg8 : memref<!tpu.dma_semaphore, #tpu.memory_space<semaphore_mem>>) src(%arg6 : memref<32x16xf32, #tpu.memory_space<vmem>>) dst(%dma_wait3A_256 : memref<32x16xf32, #tpu.memory_space<vmem_shared>>)
    %add3A_257 = arith.constant 608 : i32
    %add3A_258 = arith.addi %multiple_of3A, %add3A_257 : i32
    %dma_wait3A_259 = arith.constant 0 : i32
    %dma_wait3A_260 = tpu.memref_slice %arg9[%add3A_258, %dma_wait3A_259] : memref<10240x16xf32, #tpu.memory_space<vmem_shared>> -> memref<32x16xf32, #tpu.memory_space<vmem_shared>>
    %dma_wait3A_261 = arith.constant 0 : i32
    %dma_wait3A_262 = tpu.memref_slice %arg9[%add3A_258, %dma_wait3A_261] : memref<10240x16xf32, #tpu.memory_space<vmem_shared>> -> memref<32x16xf32, #tpu.memory_space<vmem_shared>>
    tpu.wait_dma2 semaphore(%arg8 : memref<!tpu.dma_semaphore, #tpu.memory_space<semaphore_mem>>) src(%arg6 : memref<32x16xf32, #tpu.memory_space<vmem>>) dst(%dma_wait3A_262 : memref<32x16xf32, #tpu.memory_space<vmem_shared>>)
    %dma_wait3A_263 = arith.constant 0 : i32
    %dma_wait3A_264 = arith.constant 0 : i32
    %dma_wait3A_265 = tpu.memref_slice %arg2[%add3A, %dma_wait3A_263, %dma_wait3A_264] : memref<32x80x125xi32, #tpu.memory_space<hbm>> -> memref<1x80x125xi32, #tpu.memory_space<hbm>>
    %dma_wait3A_266 = tpu.memref_squeeze %dma_wait3A_265 : memref<1x80x125xi32, #tpu.memory_space<hbm>> -> memref<80x125xi32, #tpu.memory_space<hbm>>
    %dma_wait3A_267 = arith.constant 0 : i32
    %dma_wait3A_268 = arith.constant 0 : i32
    %dma_wait3A_269 = tpu.memref_slice %arg2[%add3A, %dma_wait3A_267, %dma_wait3A_268] : memref<32x80x125xi32, #tpu.memory_space<hbm>> -> memref<1x80x125xi32, #tpu.memory_space<hbm>>
    %dma_wait3A_270 = tpu.memref_squeeze %dma_wait3A_269 : memref<1x80x125xi32, #tpu.memory_space<hbm>> -> memref<80x125xi32, #tpu.memory_space<hbm>>
    tpu.wait_dma2 semaphore(%arg7 : memref<!tpu.dma_semaphore, #tpu.memory_space<semaphore_mem>>) src(%dma_wait3A_270 : memref<80x125xi32, #tpu.memory_space<hbm>>) dst(%arg4 : memref<80x125xi32, #tpu.memory_space<vmem>>)
    %barrier3A = arith.constant 0 : index
    tpu.barrier barrier_id(%barrier3A)
    %scan3A_271 = arith.constant 0 : i32
    %scan3A_272 = arith.constant 0 : i32
    %scan3A_273 = arith.constant 16 : i32
    %scan3A_274 = arith.addi %scan3A_272, %scan3A_273 : i32
    %scan3A_275 = arith.constant 1 : i32
    scf.for %scan3A_290 = %scan3A_272 to %scan3A_274 step %scan3A_275  : i32 {
      %dma_start3A_291 = arith.constant 0 : i32
      %dma_start3A_292 = tpu.memref_slice %arg4[%scan3A_290, %dma_start3A_291] : memref<80x125xi32, #tpu.memory_space<vmem>> -> memref<1x125xi32, #tpu.memory_space<vmem>>
      %dma_start3A_293 = tpu.memref_squeeze %dma_start3A_292 : memref<1x125xi32, #tpu.memory_space<vmem>> -> memref<125xi32, #tpu.memory_space<vmem>>
      %dma_start3A_294 = arith.constant 0 : i32
      %dma_start3A_295 = arith.constant 0 : i32
      %dma_start3A_296 = tpu.memref_slice %arg9[%dma_start3A_294, %dma_start3A_295] : memref<10240x16xf32, #tpu.memory_space<vmem_shared>> -> memref<10240x16xf32, #tpu.memory_space<vmem_shared>>
      tpu.enqueue_indirect_dma source(%arg5 : memref<125x16xf32, #tpu.memory_space<vmem>>) target(%dma_start3A_296 : memref<10240x16xf32, #tpu.memory_space<vmem_shared>>) offsets(%dma_start3A_293 : memref<125xi32, #tpu.memory_space<vmem>>) semaphore(%arg8 : memref<!tpu.dma_semaphore, #tpu.memory_space<semaphore_mem>>) {add = true}
    }
    %scan3A_276 = arith.constant 16 : i32
    %scan3A_277 = arith.constant 0 : i32
    %scan3A_278 = arith.constant 16 : i32
    %scan3A_279 = arith.constant 64 : i32
    %scan3A_280 = arith.addi %scan3A_278, %scan3A_279 : i32
    %scan3A_281 = arith.constant 1 : i32
    scf.for %scan3A_290 = %scan3A_278 to %scan3A_280 step %scan3A_281  : i32 {
      %dma_start3A_291 = arith.constant 0 : i32
      %dma_start3A_292 = tpu.memref_slice %arg4[%scan3A_290, %dma_start3A_291] : memref<80x125xi32, #tpu.memory_space<vmem>> -> memref<1x125xi32, #tpu.memory_space<vmem>>
      %dma_start3A_293 = tpu.memref_squeeze %dma_start3A_292 : memref<1x125xi32, #tpu.memory_space<vmem>> -> memref<125xi32, #tpu.memory_space<vmem>>
      %dma_start3A_294 = arith.constant 0 : i32
      %dma_start3A_295 = arith.constant 0 : i32
      %dma_start3A_296 = tpu.memref_slice %arg9[%dma_start3A_294, %dma_start3A_295] : memref<10240x16xf32, #tpu.memory_space<vmem_shared>> -> memref<10240x16xf32, #tpu.memory_space<vmem_shared>>
      tpu.enqueue_indirect_dma source(%arg5 : memref<125x16xf32, #tpu.memory_space<vmem>>) target(%dma_start3A_296 : memref<10240x16xf32, #tpu.memory_space<vmem_shared>>) offsets(%dma_start3A_293 : memref<125xi32, #tpu.memory_space<vmem>>) semaphore(%arg8 : memref<!tpu.dma_semaphore, #tpu.memory_space<semaphore_mem>>) {add = true}
      %sub3A = arith.constant 16 : i32
      %sub3A_297 = arith.subi %scan3A_290, %sub3A : i32
      %dma_wait3A_298 = arith.constant 0 : i32
      %dma_wait3A_299 = tpu.memref_slice %arg4[%sub3A_297, %dma_wait3A_298] : memref<80x125xi32, #tpu.memory_space<vmem>> -> memref<1x125xi32, #tpu.memory_space<vmem>>
      %dma_wait3A_300 = tpu.memref_squeeze %dma_wait3A_299 : memref<1x125xi32, #tpu.memory_space<vmem>> -> memref<125xi32, #tpu.memory_space<vmem>>
      %dma_wait3A_301 = arith.constant 0 : i32
      %dma_wait3A_302 = arith.constant 0 : i32
      %dma_wait3A_303 = tpu.memref_slice %arg9[%dma_wait3A_301, %dma_wait3A_302] : memref<10240x16xf32, #tpu.memory_space<vmem_shared>> -> memref<10240x16xf32, #tpu.memory_space<vmem_shared>>
      tpu.wait_indirect_dma semaphore(%arg8 : memref<!tpu.dma_semaphore, #tpu.memory_space<semaphore_mem>>) src(%arg5 : memref<125x16xf32, #tpu.memory_space<vmem>>) dst(%dma_wait3A_303 : memref<10240x16xf32, #tpu.memory_space<vmem_shared>>)
    }
    %scan3A_282 = arith.constant 64 : i32
    %scan3A_283 = arith.constant 0 : i32
    %scan3A_284 = arith.constant 64 : i32
    %scan3A_285 = arith.constant 16 : i32
    %scan3A_286 = arith.addi %scan3A_284, %scan3A_285 : i32
    %scan3A_287 = arith.constant 1 : i32
    scf.for %scan3A_290 = %scan3A_284 to %scan3A_286 step %scan3A_287  : i32 {
      %dma_wait3A_291 = arith.constant 0 : i32
      %dma_wait3A_292 = tpu.memref_slice %arg4[%scan3A_290, %dma_wait3A_291] : memref<80x125xi32, #tpu.memory_space<vmem>> -> memref<1x125xi32, #tpu.memory_space<vmem>>
      %dma_wait3A_293 = tpu.memref_squeeze %dma_wait3A_292 : memref<1x125xi32, #tpu.memory_space<vmem>> -> memref<125xi32, #tpu.memory_space<vmem>>
      %dma_wait3A_294 = arith.constant 0 : i32
      %dma_wait3A_295 = arith.constant 0 : i32
      %dma_wait3A_296 = tpu.memref_slice %arg9[%dma_wait3A_294, %dma_wait3A_295] : memref<10240x16xf32, #tpu.memory_space<vmem_shared>> -> memref<10240x16xf32, #tpu.memory_space<vmem_shared>>
      tpu.wait_indirect_dma semaphore(%arg8 : memref<!tpu.dma_semaphore, #tpu.memory_space<semaphore_mem>>) src(%arg5 : memref<125x16xf32, #tpu.memory_space<vmem>>) dst(%dma_wait3A_296 : memref<10240x16xf32, #tpu.memory_space<vmem_shared>>)
    }
    %scan3A_288 = arith.constant 16 : i32
    %barrier3A_289 = arith.constant 0 : index
    tpu.barrier barrier_id(%barrier3A_289)
    "tpu.region"() ({
      %run_scoped3A = tpu.sem_alloc : memref<!tpu.dma_semaphore, #tpu.memory_space<semaphore_mem>>
      %dma_start3A_290 = arith.constant 0 : i32
      %dma_start3A_291 = tpu.memref_slice %arg3[%arg0, %multiple_of3A, %dma_start3A_290] : memref<2x10240x16xf32, #tpu.memory_space<hbm>> -> memref<1x640x16xf32, #tpu.memory_space<hbm>>
      %dma_start3A_292 = tpu.memref_squeeze %dma_start3A_291 : memref<1x640x16xf32, #tpu.memory_space<hbm>> -> memref<640x16xf32, #tpu.memory_space<hbm>>
      %dma_start3A_293 = arith.constant 0 : i32
      %dma_start3A_294 = tpu.memref_slice %arg9[%multiple_of3A, %dma_start3A_293] : memref<10240x16xf32, #tpu.memory_space<vmem_shared>> -> memref<640x16xf32, #tpu.memory_space<vmem_shared>>
      tpu.enqueue_dma source(%dma_start3A_294 : memref<640x16xf32, #tpu.memory_space<vmem_shared>>) target(%dma_start3A_292 : memref<640x16xf32, #tpu.memory_space<hbm>>) target_semaphore(%run_scoped3A : memref<!tpu.dma_semaphore, #tpu.memory_space<semaphore_mem>>)
      %dma_wait3A_295 = arith.constant 0 : i32
      %dma_wait3A_296 = tpu.memref_slice %arg3[%arg0, %multiple_of3A, %dma_wait3A_295] : memref<2x10240x16xf32, #tpu.memory_space<hbm>> -> memref<1x640x16xf32, #tpu.memory_space<hbm>>
      %dma_wait3A_297 = tpu.memref_squeeze %dma_wait3A_296 : memref<1x640x16xf32, #tpu.memory_space<hbm>> -> memref<640x16xf32, #tpu.memory_space<hbm>>
      %dma_wait3A_298 = arith.constant 0 : i32
      %dma_wait3A_299 = tpu.memref_slice %arg9[%multiple_of3A, %dma_wait3A_298] : memref<10240x16xf32, #tpu.memory_space<vmem_shared>> -> memref<640x16xf32, #tpu.memory_space<vmem_shared>>
      tpu.wait_dma2 semaphore(%run_scoped3A : memref<!tpu.dma_semaphore, #tpu.memory_space<semaphore_mem>>) src(%dma_wait3A_299 : memref<640x16xf32, #tpu.memory_space<vmem_shared>>) dst(%dma_wait3A_297 : memref<640x16xf32, #tpu.memory_space<hbm>>)
      tpu.yield
    }) : () -> ()
    return
  }
}

#map = affine_map<(d0, d1) -> (0, 0)>
#map1 = affine_map<(d0, d1) -> (0, 0, 0)>
module attributes {stable_mosaic.version = 14 : i64} {
  func.func @_scatter_body(%arg0: i32, %arg1: i32, %arg2: memref<10000x128xf32, #tpu.memory_space<hbm>>, %arg3: memref<32x80x125xi32, #tpu.memory_space<hbm>>, %arg4: memref<32x80x125xi32, #tpu.memory_space<hbm>>, %arg5: memref<2x10240x128xf32, #tpu.memory_space<hbm>>, %arg6: memref<40x125xi32, #tpu.memory_space<vmem>>, %arg7: memref<40x125xi32, #tpu.memory_space<vmem>>, %arg8: memref<125x128xf32, #tpu.memory_space<vmem>>, %arg9: memref<125x128xf32, #tpu.memory_space<vmem>>, %arg10: memref<32x128xf32, #tpu.memory_space<vmem>>, %arg11: memref<!tpu.dma_semaphore, #tpu.memory_space<semaphore_mem>>, %arg12: memref<!tpu.dma_semaphore, #tpu.memory_space<semaphore_mem>>, %arg13: memref<!tpu.dma_semaphore, #tpu.memory_space<semaphore_mem>>, %arg14: memref<10240x128xf32, #tpu.memory_space<vmem_shared>>) attributes {dimension_semantics = [#tpu.dimension_semantics<core_parallel>, #tpu.dimension_semantics<subcore_parallel>], iteration_bounds = array<i64: 2, 16>, scalar_prefetch = 0 : i64, scratch_operands = 9 : i64, tpu.core_type = #tpu.core_type<sc_vector_subcore>, window_params = [{transform_indices = #map}, {transform_indices = #map1}, {transform_indices = #map1}, {transform_indices = #map1}]} {
    %mul3A = arith.constant 16 : i32
    %mul3A_0 = arith.muli %arg0, %mul3A : i32
    %add3A = arith.addi %mul3A_0, %arg1 : i32
    %mul3A_1 = arith.constant 640 : i32
    %mul3A_2 = arith.muli %arg1, %mul3A_1 : i32
    %multiple_of3A = tpu.assume_multiple %mul3A_2, 640 : i32
    %broadcast_in_dim3A = arith.constant 0.000000e+00 : f32
    %broadcast_in_dim3A_3 = vector.broadcast %broadcast_in_dim3A : f32 to vector<16xf32>
    %scan3A = arith.constant 0 : i32
    %scan3A_4 = arith.constant 0 : i32
    %scan3A_5 = arith.constant 32 : i32
    %scan3A_6 = arith.addi %scan3A_4, %scan3A_5 : i32
    %scan3A_7 = arith.constant 1 : i32
    scf.for %scan3A_338 = %scan3A_4 to %scan3A_6 step %scan3A_7  : i32 {
      %swap3A = arith.index_cast %scan3A_338 : i32 to index
      %swap3A_339 = arith.constant 0 : index
      %swap3A_340 = tpu.vector_load %arg10[%swap3A, %swap3A_339] {strides = array<i32>} : memref<32x128xf32, #tpu.memory_space<vmem>>, vector<1x16xf32>,
      %swap3A_341 = vector.shape_cast %swap3A_340 : vector<1x16xf32> to vector<16xf32>
      %swap3A_342 = vector.shape_cast %broadcast_in_dim3A_3 : vector<16xf32> to vector<1x16xf32>
      tpu.vector_store %arg10[%swap3A, %swap3A_339], %swap3A_342 {strides = array<i32>} : memref<32x128xf32, #tpu.memory_space<vmem>>, vector<1x16xf32>,
      %swap3A_343 = arith.index_cast %scan3A_338 : i32 to index
      %swap3A_344 = arith.constant 16 : index
      %swap3A_345 = tpu.vector_load %arg10[%swap3A_343, %swap3A_344] {strides = array<i32>} : memref<32x128xf32, #tpu.memory_space<vmem>>, vector<1x16xf32>,
      %swap3A_346 = vector.shape_cast %swap3A_345 : vector<1x16xf32> to vector<16xf32>
      %swap3A_347 = vector.shape_cast %broadcast_in_dim3A_3 : vector<16xf32> to vector<1x16xf32>
      tpu.vector_store %arg10[%swap3A_343, %swap3A_344], %swap3A_347 {strides = array<i32>} : memref<32x128xf32, #tpu.memory_space<vmem>>, vector<1x16xf32>,
      %swap3A_348 = arith.index_cast %scan3A_338 : i32 to index
      %swap3A_349 = arith.constant 32 : index
      %swap3A_350 = tpu.vector_load %arg10[%swap3A_348, %swap3A_349] {strides = array<i32>} : memref<32x128xf32, #tpu.memory_space<vmem>>, vector<1x16xf32>,
      %swap3A_351 = vector.shape_cast %swap3A_350 : vector<1x16xf32> to vector<16xf32>
      %swap3A_352 = vector.shape_cast %broadcast_in_dim3A_3 : vector<16xf32> to vector<1x16xf32>
      tpu.vector_store %arg10[%swap3A_348, %swap3A_349], %swap3A_352 {strides = array<i32>} : memref<32x128xf32, #tpu.memory_space<vmem>>, vector<1x16xf32>,
      %swap3A_353 = arith.index_cast %scan3A_338 : i32 to index
      %swap3A_354 = arith.constant 48 : index
      %swap3A_355 = tpu.vector_load %arg10[%swap3A_353, %swap3A_354] {strides = array<i32>} : memref<32x128xf32, #tpu.memory_space<vmem>>, vector<1x16xf32>,
      %swap3A_356 = vector.shape_cast %swap3A_355 : vector<1x16xf32> to vector<16xf32>
      %swap3A_357 = vector.shape_cast %broadcast_in_dim3A_3 : vector<16xf32> to vector<1x16xf32>
      tpu.vector_store %arg10[%swap3A_353, %swap3A_354], %swap3A_357 {strides = array<i32>} : memref<32x128xf32, #tpu.memory_space<vmem>>, vector<1x16xf32>,
      %swap3A_358 = arith.index_cast %scan3A_338 : i32 to index
      %swap3A_359 = arith.constant 64 : index
      %swap3A_360 = tpu.vector_load %arg10[%swap3A_358, %swap3A_359] {strides = array<i32>} : memref<32x128xf32, #tpu.memory_space<vmem>>, vector<1x16xf32>,
      %swap3A_361 = vector.shape_cast %swap3A_360 : vector<1x16xf32> to vector<16xf32>
      %swap3A_362 = vector.shape_cast %broadcast_in_dim3A_3 : vector<16xf32> to vector<1x16xf32>
      tpu.vector_store %arg10[%swap3A_358, %swap3A_359], %swap3A_362 {strides = array<i32>} : memref<32x128xf32, #tpu.memory_space<vmem>>, vector<1x16xf32>,
      %swap3A_363 = arith.index_cast %scan3A_338 : i32 to index
      %swap3A_364 = arith.constant 80 : index
      %swap3A_365 = tpu.vector_load %arg10[%swap3A_363, %swap3A_364] {strides = array<i32>} : memref<32x128xf32, #tpu.memory_space<vmem>>, vector<1x16xf32>,
      %swap3A_366 = vector.shape_cast %swap3A_365 : vector<1x16xf32> to vector<16xf32>
      %swap3A_367 = vector.shape_cast %broadcast_in_dim3A_3 : vector<16xf32> to vector<1x16xf32>
      tpu.vector_store %arg10[%swap3A_363, %swap3A_364], %swap3A_367 {strides = array<i32>} : memref<32x128xf32, #tpu.memory_space<vmem>>, vector<1x16xf32>,
      %swap3A_368 = arith.index_cast %scan3A_338 : i32 to index
      %swap3A_369 = arith.constant 96 : index
      %swap3A_370 = tpu.vector_load %arg10[%swap3A_368, %swap3A_369] {strides = array<i32>} : memref<32x128xf32, #tpu.memory_space<vmem>>, vector<1x16xf32>,
      %swap3A_371 = vector.shape_cast %swap3A_370 : vector<1x16xf32> to vector<16xf32>
      %swap3A_372 = vector.shape_cast %broadcast_in_dim3A_3 : vector<16xf32> to vector<1x16xf32>
      tpu.vector_store %arg10[%swap3A_368, %swap3A_369], %swap3A_372 {strides = array<i32>} : memref<32x128xf32, #tpu.memory_space<vmem>>, vector<1x16xf32>,
      %swap3A_373 = arith.index_cast %scan3A_338 : i32 to index
      %swap3A_374 = arith.constant 112 : index
      %swap3A_375 = tpu.vector_load %arg10[%swap3A_373, %swap3A_374] {strides = array<i32>} : memref<32x128xf32, #tpu.memory_space<vmem>>, vector<1x16xf32>,
      %swap3A_376 = vector.shape_cast %swap3A_375 : vector<1x16xf32> to vector<16xf32>
      %swap3A_377 = vector.shape_cast %broadcast_in_dim3A_3 : vector<16xf32> to vector<1x16xf32>
      tpu.vector_store %arg10[%swap3A_373, %swap3A_374], %swap3A_377 {strides = array<i32>} : memref<32x128xf32, #tpu.memory_space<vmem>>, vector<1x16xf32>,
    }
    %scan3A_8 = arith.constant 32 : i32
    %add3A_9 = arith.constant 0 : i32
    %add3A_10 = arith.addi %multiple_of3A, %add3A_9 : i32
    %dma_start3A = arith.constant 0 : i32
    %dma_start3A_11 = tpu.memref_slice %arg14[%add3A_10, %dma_start3A] : memref<10240x128xf32, #tpu.memory_space<vmem_shared>> -> memref<32x128xf32, #tpu.memory_space<vmem_shared>>
    %dma_start3A_12 = arith.constant 0 : i32
    %dma_start3A_13 = tpu.memref_slice %arg14[%add3A_10, %dma_start3A_12] : memref<10240x128xf32, #tpu.memory_space<vmem_shared>> -> memref<32x128xf32, #tpu.memory_space<vmem_shared>>
    tpu.enqueue_dma source(%arg10 : memref<32x128xf32, #tpu.memory_space<vmem>>) target(%dma_start3A_13 : memref<32x128xf32, #tpu.memory_space<vmem_shared>>) target_semaphore(%arg13 : memref<!tpu.dma_semaphore, #tpu.memory_space<semaphore_mem>>)
    %add3A_14 = arith.constant 32 : i32
    %add3A_15 = arith.addi %multiple_of3A, %add3A_14 : i32
    %dma_start3A_16 = arith.constant 0 : i32
    %dma_start3A_17 = tpu.memref_slice %arg14[%add3A_15, %dma_start3A_16] : memref<10240x128xf32, #tpu.memory_space<vmem_shared>> -> memref<32x128xf32, #tpu.memory_space<vmem_shared>>
    %dma_start3A_18 = arith.constant 0 : i32
    %dma_start3A_19 = tpu.memref_slice %arg14[%add3A_15, %dma_start3A_18] : memref<10240x128xf32, #tpu.memory_space<vmem_shared>> -> memref<32x128xf32, #tpu.memory_space<vmem_shared>>
    tpu.enqueue_dma source(%arg10 : memref<32x128xf32, #tpu.memory_space<vmem>>) target(%dma_start3A_19 : memref<32x128xf32, #tpu.memory_space<vmem_shared>>) target_semaphore(%arg13 : memref<!tpu.dma_semaphore, #tpu.memory_space<semaphore_mem>>)
    %add3A_20 = arith.constant 64 : i32
    %add3A_21 = arith.addi %multiple_of3A, %add3A_20 : i32
    %dma_start3A_22 = arith.constant 0 : i32
    %dma_start3A_23 = tpu.memref_slice %arg14[%add3A_21, %dma_start3A_22] : memref<10240x128xf32, #tpu.memory_space<vmem_shared>> -> memref<32x128xf32, #tpu.memory_space<vmem_shared>>
    %dma_start3A_24 = arith.constant 0 : i32
    %dma_start3A_25 = tpu.memref_slice %arg14[%add3A_21, %dma_start3A_24] : memref<10240x128xf32, #tpu.memory_space<vmem_shared>> -> memref<32x128xf32, #tpu.memory_space<vmem_shared>>
    tpu.enqueue_dma source(%arg10 : memref<32x128xf32, #tpu.memory_space<vmem>>) target(%dma_start3A_25 : memref<32x128xf32, #tpu.memory_space<vmem_shared>>) target_semaphore(%arg13 : memref<!tpu.dma_semaphore, #tpu.memory_space<semaphore_mem>>)
    %add3A_26 = arith.constant 96 : i32
    %add3A_27 = arith.addi %multiple_of3A, %add3A_26 : i32
    %dma_start3A_28 = arith.constant 0 : i32
    %dma_start3A_29 = tpu.memref_slice %arg14[%add3A_27, %dma_start3A_28] : memref<10240x128xf32, #tpu.memory_space<vmem_shared>> -> memref<32x128xf32, #tpu.memory_space<vmem_shared>>
    %dma_start3A_30 = arith.constant 0 : i32
    %dma_start3A_31 = tpu.memref_slice %arg14[%add3A_27, %dma_start3A_30] : memref<10240x128xf32, #tpu.memory_space<vmem_shared>> -> memref<32x128xf32, #tpu.memory_space<vmem_shared>>
    tpu.enqueue_dma source(%arg10 : memref<32x128xf32, #tpu.memory_space<vmem>>) target(%dma_start3A_31 : memref<32x128xf32, #tpu.memory_space<vmem_shared>>) target_semaphore(%arg13 : memref<!tpu.dma_semaphore, #tpu.memory_space<semaphore_mem>>)
    %add3A_32 = arith.constant 128 : i32
    %add3A_33 = arith.addi %multiple_of3A, %add3A_32 : i32
    %dma_start3A_34 = arith.constant 0 : i32
    %dma_start3A_35 = tpu.memref_slice %arg14[%add3A_33, %dma_start3A_34] : memref<10240x128xf32, #tpu.memory_space<vmem_shared>> -> memref<32x128xf32, #tpu.memory_space<vmem_shared>>
    %dma_start3A_36 = arith.constant 0 : i32
    %dma_start3A_37 = tpu.memref_slice %arg14[%add3A_33, %dma_start3A_36] : memref<10240x128xf32, #tpu.memory_space<vmem_shared>> -> memref<32x128xf32, #tpu.memory_space<vmem_shared>>
    tpu.enqueue_dma source(%arg10 : memref<32x128xf32, #tpu.memory_space<vmem>>) target(%dma_start3A_37 : memref<32x128xf32, #tpu.memory_space<vmem_shared>>) target_semaphore(%arg13 : memref<!tpu.dma_semaphore, #tpu.memory_space<semaphore_mem>>)
    %add3A_38 = arith.constant 160 : i32
    %add3A_39 = arith.addi %multiple_of3A, %add3A_38 : i32
    %dma_start3A_40 = arith.constant 0 : i32
    %dma_start3A_41 = tpu.memref_slice %arg14[%add3A_39, %dma_start3A_40] : memref<10240x128xf32, #tpu.memory_space<vmem_shared>> -> memref<32x128xf32, #tpu.memory_space<vmem_shared>>
    %dma_start3A_42 = arith.constant 0 : i32
    %dma_start3A_43 = tpu.memref_slice %arg14[%add3A_39, %dma_start3A_42] : memref<10240x128xf32, #tpu.memory_space<vmem_shared>> -> memref<32x128xf32, #tpu.memory_space<vmem_shared>>
    tpu.enqueue_dma source(%arg10 : memref<32x128xf32, #tpu.memory_space<vmem>>) target(%dma_start3A_43 : memref<32x128xf32, #tpu.memory_space<vmem_shared>>) target_semaphore(%arg13 : memref<!tpu.dma_semaphore, #tpu.memory_space<semaphore_mem>>)
    %add3A_44 = arith.constant 192 : i32
    %add3A_45 = arith.addi %multiple_of3A, %add3A_44 : i32
    %dma_start3A_46 = arith.constant 0 : i32
    %dma_start3A_47 = tpu.memref_slice %arg14[%add3A_45, %dma_start3A_46] : memref<10240x128xf32, #tpu.memory_space<vmem_shared>> -> memref<32x128xf32, #tpu.memory_space<vmem_shared>>
    %dma_start3A_48 = arith.constant 0 : i32
    %dma_start3A_49 = tpu.memref_slice %arg14[%add3A_45, %dma_start3A_48] : memref<10240x128xf32, #tpu.memory_space<vmem_shared>> -> memref<32x128xf32, #tpu.memory_space<vmem_shared>>
    tpu.enqueue_dma source(%arg10 : memref<32x128xf32, #tpu.memory_space<vmem>>) target(%dma_start3A_49 : memref<32x128xf32, #tpu.memory_space<vmem_shared>>) target_semaphore(%arg13 : memref<!tpu.dma_semaphore, #tpu.memory_space<semaphore_mem>>)
    %add3A_50 = arith.constant 224 : i32
    %add3A_51 = arith.addi %multiple_of3A, %add3A_50 : i32
    %dma_start3A_52 = arith.constant 0 : i32
    %dma_start3A_53 = tpu.memref_slice %arg14[%add3A_51, %dma_start3A_52] : memref<10240x128xf32, #tpu.memory_space<vmem_shared>> -> memref<32x128xf32, #tpu.memory_space<vmem_shared>>
    %dma_start3A_54 = arith.constant 0 : i32
    %dma_start3A_55 = tpu.memref_slice %arg14[%add3A_51, %dma_start3A_54] : memref<10240x128xf32, #tpu.memory_space<vmem_shared>> -> memref<32x128xf32, #tpu.memory_space<vmem_shared>>
    tpu.enqueue_dma source(%arg10 : memref<32x128xf32, #tpu.memory_space<vmem>>) target(%dma_start3A_55 : memref<32x128xf32, #tpu.memory_space<vmem_shared>>) target_semaphore(%arg13 : memref<!tpu.dma_semaphore, #tpu.memory_space<semaphore_mem>>)
    %add3A_56 = arith.constant 256 : i32
    %add3A_57 = arith.addi %multiple_of3A, %add3A_56 : i32
    %dma_start3A_58 = arith.constant 0 : i32
    %dma_start3A_59 = tpu.memref_slice %arg14[%add3A_57, %dma_start3A_58] : memref<10240x128xf32, #tpu.memory_space<vmem_shared>> -> memref<32x128xf32, #tpu.memory_space<vmem_shared>>
    %dma_start3A_60 = arith.constant 0 : i32
    %dma_start3A_61 = tpu.memref_slice %arg14[%add3A_57, %dma_start3A_60] : memref<10240x128xf32, #tpu.memory_space<vmem_shared>> -> memref<32x128xf32, #tpu.memory_space<vmem_shared>>
    tpu.enqueue_dma source(%arg10 : memref<32x128xf32, #tpu.memory_space<vmem>>) target(%dma_start3A_61 : memref<32x128xf32, #tpu.memory_space<vmem_shared>>) target_semaphore(%arg13 : memref<!tpu.dma_semaphore, #tpu.memory_space<semaphore_mem>>)
    %add3A_62 = arith.constant 288 : i32
    %add3A_63 = arith.addi %multiple_of3A, %add3A_62 : i32
    %dma_start3A_64 = arith.constant 0 : i32
    %dma_start3A_65 = tpu.memref_slice %arg14[%add3A_63, %dma_start3A_64] : memref<10240x128xf32, #tpu.memory_space<vmem_shared>> -> memref<32x128xf32, #tpu.memory_space<vmem_shared>>
    %dma_start3A_66 = arith.constant 0 : i32
    %dma_start3A_67 = tpu.memref_slice %arg14[%add3A_63, %dma_start3A_66] : memref<10240x128xf32, #tpu.memory_space<vmem_shared>> -> memref<32x128xf32, #tpu.memory_space<vmem_shared>>
    tpu.enqueue_dma source(%arg10 : memref<32x128xf32, #tpu.memory_space<vmem>>) target(%dma_start3A_67 : memref<32x128xf32, #tpu.memory_space<vmem_shared>>) target_semaphore(%arg13 : memref<!tpu.dma_semaphore, #tpu.memory_space<semaphore_mem>>)
    %add3A_68 = arith.constant 320 : i32
    %add3A_69 = arith.addi %multiple_of3A, %add3A_68 : i32
    %dma_start3A_70 = arith.constant 0 : i32
    %dma_start3A_71 = tpu.memref_slice %arg14[%add3A_69, %dma_start3A_70] : memref<10240x128xf32, #tpu.memory_space<vmem_shared>> -> memref<32x128xf32, #tpu.memory_space<vmem_shared>>
    %dma_start3A_72 = arith.constant 0 : i32
    %dma_start3A_73 = tpu.memref_slice %arg14[%add3A_69, %dma_start3A_72] : memref<10240x128xf32, #tpu.memory_space<vmem_shared>> -> memref<32x128xf32, #tpu.memory_space<vmem_shared>>
    tpu.enqueue_dma source(%arg10 : memref<32x128xf32, #tpu.memory_space<vmem>>) target(%dma_start3A_73 : memref<32x128xf32, #tpu.memory_space<vmem_shared>>) target_semaphore(%arg13 : memref<!tpu.dma_semaphore, #tpu.memory_space<semaphore_mem>>)
    %add3A_74 = arith.constant 352 : i32
    %add3A_75 = arith.addi %multiple_of3A, %add3A_74 : i32
    %dma_start3A_76 = arith.constant 0 : i32
    %dma_start3A_77 = tpu.memref_slice %arg14[%add3A_75, %dma_start3A_76] : memref<10240x128xf32, #tpu.memory_space<vmem_shared>> -> memref<32x128xf32, #tpu.memory_space<vmem_shared>>
    %dma_start3A_78 = arith.constant 0 : i32
    %dma_start3A_79 = tpu.memref_slice %arg14[%add3A_75, %dma_start3A_78] : memref<10240x128xf32, #tpu.memory_space<vmem_shared>> -> memref<32x128xf32, #tpu.memory_space<vmem_shared>>
    tpu.enqueue_dma source(%arg10 : memref<32x128xf32, #tpu.memory_space<vmem>>) target(%dma_start3A_79 : memref<32x128xf32, #tpu.memory_space<vmem_shared>>) target_semaphore(%arg13 : memref<!tpu.dma_semaphore, #tpu.memory_space<semaphore_mem>>)
    %add3A_80 = arith.constant 384 : i32
    %add3A_81 = arith.addi %multiple_of3A, %add3A_80 : i32
    %dma_start3A_82 = arith.constant 0 : i32
    %dma_start3A_83 = tpu.memref_slice %arg14[%add3A_81, %dma_start3A_82] : memref<10240x128xf32, #tpu.memory_space<vmem_shared>> -> memref<32x128xf32, #tpu.memory_space<vmem_shared>>
    %dma_start3A_84 = arith.constant 0 : i32
    %dma_start3A_85 = tpu.memref_slice %arg14[%add3A_81, %dma_start3A_84] : memref<10240x128xf32, #tpu.memory_space<vmem_shared>> -> memref<32x128xf32, #tpu.memory_space<vmem_shared>>
    tpu.enqueue_dma source(%arg10 : memref<32x128xf32, #tpu.memory_space<vmem>>) target(%dma_start3A_85 : memref<32x128xf32, #tpu.memory_space<vmem_shared>>) target_semaphore(%arg13 : memref<!tpu.dma_semaphore, #tpu.memory_space<semaphore_mem>>)
    %add3A_86 = arith.constant 416 : i32
    %add3A_87 = arith.addi %multiple_of3A, %add3A_86 : i32
    %dma_start3A_88 = arith.constant 0 : i32
    %dma_start3A_89 = tpu.memref_slice %arg14[%add3A_87, %dma_start3A_88] : memref<10240x128xf32, #tpu.memory_space<vmem_shared>> -> memref<32x128xf32, #tpu.memory_space<vmem_shared>>
    %dma_start3A_90 = arith.constant 0 : i32
    %dma_start3A_91 = tpu.memref_slice %arg14[%add3A_87, %dma_start3A_90] : memref<10240x128xf32, #tpu.memory_space<vmem_shared>> -> memref<32x128xf32, #tpu.memory_space<vmem_shared>>
    tpu.enqueue_dma source(%arg10 : memref<32x128xf32, #tpu.memory_space<vmem>>) target(%dma_start3A_91 : memref<32x128xf32, #tpu.memory_space<vmem_shared>>) target_semaphore(%arg13 : memref<!tpu.dma_semaphore, #tpu.memory_space<semaphore_mem>>)
    %add3A_92 = arith.constant 448 : i32
    %add3A_93 = arith.addi %multiple_of3A, %add3A_92 : i32
    %dma_start3A_94 = arith.constant 0 : i32
    %dma_start3A_95 = tpu.memref_slice %arg14[%add3A_93, %dma_start3A_94] : memref<10240x128xf32, #tpu.memory_space<vmem_shared>> -> memref<32x128xf32, #tpu.memory_space<vmem_shared>>
    %dma_start3A_96 = arith.constant 0 : i32
    %dma_start3A_97 = tpu.memref_slice %arg14[%add3A_93, %dma_start3A_96] : memref<10240x128xf32, #tpu.memory_space<vmem_shared>> -> memref<32x128xf32, #tpu.memory_space<vmem_shared>>
    tpu.enqueue_dma source(%arg10 : memref<32x128xf32, #tpu.memory_space<vmem>>) target(%dma_start3A_97 : memref<32x128xf32, #tpu.memory_space<vmem_shared>>) target_semaphore(%arg13 : memref<!tpu.dma_semaphore, #tpu.memory_space<semaphore_mem>>)
    %add3A_98 = arith.constant 480 : i32
    %add3A_99 = arith.addi %multiple_of3A, %add3A_98 : i32
    %dma_start3A_100 = arith.constant 0 : i32
    %dma_start3A_101 = tpu.memref_slice %arg14[%add3A_99, %dma_start3A_100] : memref<10240x128xf32, #tpu.memory_space<vmem_shared>> -> memref<32x128xf32, #tpu.memory_space<vmem_shared>>
    %dma_start3A_102 = arith.constant 0 : i32
    %dma_start3A_103 = tpu.memref_slice %arg14[%add3A_99, %dma_start3A_102] : memref<10240x128xf32, #tpu.memory_space<vmem_shared>> -> memref<32x128xf32, #tpu.memory_space<vmem_shared>>
    tpu.enqueue_dma source(%arg10 : memref<32x128xf32, #tpu.memory_space<vmem>>) target(%dma_start3A_103 : memref<32x128xf32, #tpu.memory_space<vmem_shared>>) target_semaphore(%arg13 : memref<!tpu.dma_semaphore, #tpu.memory_space<semaphore_mem>>)
    %add3A_104 = arith.constant 512 : i32
    %add3A_105 = arith.addi %multiple_of3A, %add3A_104 : i32
    %dma_start3A_106 = arith.constant 0 : i32
    %dma_start3A_107 = tpu.memref_slice %arg14[%add3A_105, %dma_start3A_106] : memref<10240x128xf32, #tpu.memory_space<vmem_shared>> -> memref<32x128xf32, #tpu.memory_space<vmem_shared>>
    %dma_start3A_108 = arith.constant 0 : i32
    %dma_start3A_109 = tpu.memref_slice %arg14[%add3A_105, %dma_start3A_108] : memref<10240x128xf32, #tpu.memory_space<vmem_shared>> -> memref<32x128xf32, #tpu.memory_space<vmem_shared>>
    tpu.enqueue_dma source(%arg10 : memref<32x128xf32, #tpu.memory_space<vmem>>) target(%dma_start3A_109 : memref<32x128xf32, #tpu.memory_space<vmem_shared>>) target_semaphore(%arg13 : memref<!tpu.dma_semaphore, #tpu.memory_space<semaphore_mem>>)
    %add3A_110 = arith.constant 544 : i32
    %add3A_111 = arith.addi %multiple_of3A, %add3A_110 : i32
    %dma_start3A_112 = arith.constant 0 : i32
    %dma_start3A_113 = tpu.memref_slice %arg14[%add3A_111, %dma_start3A_112] : memref<10240x128xf32, #tpu.memory_space<vmem_shared>> -> memref<32x128xf32, #tpu.memory_space<vmem_shared>>
    %dma_start3A_114 = arith.constant 0 : i32
    %dma_start3A_115 = tpu.memref_slice %arg14[%add3A_111, %dma_start3A_114] : memref<10240x128xf32, #tpu.memory_space<vmem_shared>> -> memref<32x128xf32, #tpu.memory_space<vmem_shared>>
    tpu.enqueue_dma source(%arg10 : memref<32x128xf32, #tpu.memory_space<vmem>>) target(%dma_start3A_115 : memref<32x128xf32, #tpu.memory_space<vmem_shared>>) target_semaphore(%arg13 : memref<!tpu.dma_semaphore, #tpu.memory_space<semaphore_mem>>)
    %add3A_116 = arith.constant 576 : i32
    %add3A_117 = arith.addi %multiple_of3A, %add3A_116 : i32
    %dma_start3A_118 = arith.constant 0 : i32
    %dma_start3A_119 = tpu.memref_slice %arg14[%add3A_117, %dma_start3A_118] : memref<10240x128xf32, #tpu.memory_space<vmem_shared>> -> memref<32x128xf32, #tpu.memory_space<vmem_shared>>
    %dma_start3A_120 = arith.constant 0 : i32
    %dma_start3A_121 = tpu.memref_slice %arg14[%add3A_117, %dma_start3A_120] : memref<10240x128xf32, #tpu.memory_space<vmem_shared>> -> memref<32x128xf32, #tpu.memory_space<vmem_shared>>
    tpu.enqueue_dma source(%arg10 : memref<32x128xf32, #tpu.memory_space<vmem>>) target(%dma_start3A_121 : memref<32x128xf32, #tpu.memory_space<vmem_shared>>) target_semaphore(%arg13 : memref<!tpu.dma_semaphore, #tpu.memory_space<semaphore_mem>>)
    %add3A_122 = arith.constant 608 : i32
    %add3A_123 = arith.addi %multiple_of3A, %add3A_122 : i32
    %dma_start3A_124 = arith.constant 0 : i32
    %dma_start3A_125 = tpu.memref_slice %arg14[%add3A_123, %dma_start3A_124] : memref<10240x128xf32, #tpu.memory_space<vmem_shared>> -> memref<32x128xf32, #tpu.memory_space<vmem_shared>>
    %dma_start3A_126 = arith.constant 0 : i32
    %dma_start3A_127 = tpu.memref_slice %arg14[%add3A_123, %dma_start3A_126] : memref<10240x128xf32, #tpu.memory_space<vmem_shared>> -> memref<32x128xf32, #tpu.memory_space<vmem_shared>>
    tpu.enqueue_dma source(%arg10 : memref<32x128xf32, #tpu.memory_space<vmem>>) target(%dma_start3A_127 : memref<32x128xf32, #tpu.memory_space<vmem_shared>>) target_semaphore(%arg13 : memref<!tpu.dma_semaphore, #tpu.memory_space<semaphore_mem>>)
    %add3A_128 = arith.constant 0 : i32
    %add3A_129 = arith.addi %multiple_of3A, %add3A_128 : i32
    %dma_wait3A = arith.constant 0 : i32
    %dma_wait3A_130 = tpu.memref_slice %arg14[%add3A_129, %dma_wait3A] : memref<10240x128xf32, #tpu.memory_space<vmem_shared>> -> memref<32x128xf32, #tpu.memory_space<vmem_shared>>
    %dma_wait3A_131 = arith.constant 0 : i32
    %dma_wait3A_132 = tpu.memref_slice %arg14[%add3A_129, %dma_wait3A_131] : memref<10240x128xf32, #tpu.memory_space<vmem_shared>> -> memref<32x128xf32, #tpu.memory_space<vmem_shared>>
    tpu.wait_dma2 semaphore(%arg13 : memref<!tpu.dma_semaphore, #tpu.memory_space<semaphore_mem>>) src(%arg10 : memref<32x128xf32, #tpu.memory_space<vmem>>) dst(%dma_wait3A_132 : memref<32x128xf32, #tpu.memory_space<vmem_shared>>)
    %add3A_133 = arith.constant 32 : i32
    %add3A_134 = arith.addi %multiple_of3A, %add3A_133 : i32
    %dma_wait3A_135 = arith.constant 0 : i32
    %dma_wait3A_136 = tpu.memref_slice %arg14[%add3A_134, %dma_wait3A_135] : memref<10240x128xf32, #tpu.memory_space<vmem_shared>> -> memref<32x128xf32, #tpu.memory_space<vmem_shared>>
    %dma_wait3A_137 = arith.constant 0 : i32
    %dma_wait3A_138 = tpu.memref_slice %arg14[%add3A_134, %dma_wait3A_137] : memref<10240x128xf32, #tpu.memory_space<vmem_shared>> -> memref<32x128xf32, #tpu.memory_space<vmem_shared>>
    tpu.wait_dma2 semaphore(%arg13 : memref<!tpu.dma_semaphore, #tpu.memory_space<semaphore_mem>>) src(%arg10 : memref<32x128xf32, #tpu.memory_space<vmem>>) dst(%dma_wait3A_138 : memref<32x128xf32, #tpu.memory_space<vmem_shared>>)
    %add3A_139 = arith.constant 64 : i32
    %add3A_140 = arith.addi %multiple_of3A, %add3A_139 : i32
    %dma_wait3A_141 = arith.constant 0 : i32
    %dma_wait3A_142 = tpu.memref_slice %arg14[%add3A_140, %dma_wait3A_141] : memref<10240x128xf32, #tpu.memory_space<vmem_shared>> -> memref<32x128xf32, #tpu.memory_space<vmem_shared>>
    %dma_wait3A_143 = arith.constant 0 : i32
    %dma_wait3A_144 = tpu.memref_slice %arg14[%add3A_140, %dma_wait3A_143] : memref<10240x128xf32, #tpu.memory_space<vmem_shared>> -> memref<32x128xf32, #tpu.memory_space<vmem_shared>>
    tpu.wait_dma2 semaphore(%arg13 : memref<!tpu.dma_semaphore, #tpu.memory_space<semaphore_mem>>) src(%arg10 : memref<32x128xf32, #tpu.memory_space<vmem>>) dst(%dma_wait3A_144 : memref<32x128xf32, #tpu.memory_space<vmem_shared>>)
    %add3A_145 = arith.constant 96 : i32
    %add3A_146 = arith.addi %multiple_of3A, %add3A_145 : i32
    %dma_wait3A_147 = arith.constant 0 : i32
    %dma_wait3A_148 = tpu.memref_slice %arg14[%add3A_146, %dma_wait3A_147] : memref<10240x128xf32, #tpu.memory_space<vmem_shared>> -> memref<32x128xf32, #tpu.memory_space<vmem_shared>>
    %dma_wait3A_149 = arith.constant 0 : i32
    %dma_wait3A_150 = tpu.memref_slice %arg14[%add3A_146, %dma_wait3A_149] : memref<10240x128xf32, #tpu.memory_space<vmem_shared>> -> memref<32x128xf32, #tpu.memory_space<vmem_shared>>
    tpu.wait_dma2 semaphore(%arg13 : memref<!tpu.dma_semaphore, #tpu.memory_space<semaphore_mem>>) src(%arg10 : memref<32x128xf32, #tpu.memory_space<vmem>>) dst(%dma_wait3A_150 : memref<32x128xf32, #tpu.memory_space<vmem_shared>>)
    %add3A_151 = arith.constant 128 : i32
    %add3A_152 = arith.addi %multiple_of3A, %add3A_151 : i32
    %dma_wait3A_153 = arith.constant 0 : i32
    %dma_wait3A_154 = tpu.memref_slice %arg14[%add3A_152, %dma_wait3A_153] : memref<10240x128xf32, #tpu.memory_space<vmem_shared>> -> memref<32x128xf32, #tpu.memory_space<vmem_shared>>
    %dma_wait3A_155 = arith.constant 0 : i32
    %dma_wait3A_156 = tpu.memref_slice %arg14[%add3A_152, %dma_wait3A_155] : memref<10240x128xf32, #tpu.memory_space<vmem_shared>> -> memref<32x128xf32, #tpu.memory_space<vmem_shared>>
    tpu.wait_dma2 semaphore(%arg13 : memref<!tpu.dma_semaphore, #tpu.memory_space<semaphore_mem>>) src(%arg10 : memref<32x128xf32, #tpu.memory_space<vmem>>) dst(%dma_wait3A_156 : memref<32x128xf32, #tpu.memory_space<vmem_shared>>)
    %add3A_157 = arith.constant 160 : i32
    %add3A_158 = arith.addi %multiple_of3A, %add3A_157 : i32
    %dma_wait3A_159 = arith.constant 0 : i32
    %dma_wait3A_160 = tpu.memref_slice %arg14[%add3A_158, %dma_wait3A_159] : memref<10240x128xf32, #tpu.memory_space<vmem_shared>> -> memref<32x128xf32, #tpu.memory_space<vmem_shared>>
    %dma_wait3A_161 = arith.constant 0 : i32
    %dma_wait3A_162 = tpu.memref_slice %arg14[%add3A_158, %dma_wait3A_161] : memref<10240x128xf32, #tpu.memory_space<vmem_shared>> -> memref<32x128xf32, #tpu.memory_space<vmem_shared>>
    tpu.wait_dma2 semaphore(%arg13 : memref<!tpu.dma_semaphore, #tpu.memory_space<semaphore_mem>>) src(%arg10 : memref<32x128xf32, #tpu.memory_space<vmem>>) dst(%dma_wait3A_162 : memref<32x128xf32, #tpu.memory_space<vmem_shared>>)
    %add3A_163 = arith.constant 192 : i32
    %add3A_164 = arith.addi %multiple_of3A, %add3A_163 : i32
    %dma_wait3A_165 = arith.constant 0 : i32
    %dma_wait3A_166 = tpu.memref_slice %arg14[%add3A_164, %dma_wait3A_165] : memref<10240x128xf32, #tpu.memory_space<vmem_shared>> -> memref<32x128xf32, #tpu.memory_space<vmem_shared>>
    %dma_wait3A_167 = arith.constant 0 : i32
    %dma_wait3A_168 = tpu.memref_slice %arg14[%add3A_164, %dma_wait3A_167] : memref<10240x128xf32, #tpu.memory_space<vmem_shared>> -> memref<32x128xf32, #tpu.memory_space<vmem_shared>>
    tpu.wait_dma2 semaphore(%arg13 : memref<!tpu.dma_semaphore, #tpu.memory_space<semaphore_mem>>) src(%arg10 : memref<32x128xf32, #tpu.memory_space<vmem>>) dst(%dma_wait3A_168 : memref<32x128xf32, #tpu.memory_space<vmem_shared>>)
    %add3A_169 = arith.constant 224 : i32
    %add3A_170 = arith.addi %multiple_of3A, %add3A_169 : i32
    %dma_wait3A_171 = arith.constant 0 : i32
    %dma_wait3A_172 = tpu.memref_slice %arg14[%add3A_170, %dma_wait3A_171] : memref<10240x128xf32, #tpu.memory_space<vmem_shared>> -> memref<32x128xf32, #tpu.memory_space<vmem_shared>>
    %dma_wait3A_173 = arith.constant 0 : i32
    %dma_wait3A_174 = tpu.memref_slice %arg14[%add3A_170, %dma_wait3A_173] : memref<10240x128xf32, #tpu.memory_space<vmem_shared>> -> memref<32x128xf32, #tpu.memory_space<vmem_shared>>
    tpu.wait_dma2 semaphore(%arg13 : memref<!tpu.dma_semaphore, #tpu.memory_space<semaphore_mem>>) src(%arg10 : memref<32x128xf32, #tpu.memory_space<vmem>>) dst(%dma_wait3A_174 : memref<32x128xf32, #tpu.memory_space<vmem_shared>>)
    %add3A_175 = arith.constant 256 : i32
    %add3A_176 = arith.addi %multiple_of3A, %add3A_175 : i32
    %dma_wait3A_177 = arith.constant 0 : i32
    %dma_wait3A_178 = tpu.memref_slice %arg14[%add3A_176, %dma_wait3A_177] : memref<10240x128xf32, #tpu.memory_space<vmem_shared>> -> memref<32x128xf32, #tpu.memory_space<vmem_shared>>
    %dma_wait3A_179 = arith.constant 0 : i32
    %dma_wait3A_180 = tpu.memref_slice %arg14[%add3A_176, %dma_wait3A_179] : memref<10240x128xf32, #tpu.memory_space<vmem_shared>> -> memref<32x128xf32, #tpu.memory_space<vmem_shared>>
    tpu.wait_dma2 semaphore(%arg13 : memref<!tpu.dma_semaphore, #tpu.memory_space<semaphore_mem>>) src(%arg10 : memref<32x128xf32, #tpu.memory_space<vmem>>) dst(%dma_wait3A_180 : memref<32x128xf32, #tpu.memory_space<vmem_shared>>)
    %add3A_181 = arith.constant 288 : i32
    %add3A_182 = arith.addi %multiple_of3A, %add3A_181 : i32
    %dma_wait3A_183 = arith.constant 0 : i32
    %dma_wait3A_184 = tpu.memref_slice %arg14[%add3A_182, %dma_wait3A_183] : memref<10240x128xf32, #tpu.memory_space<vmem_shared>> -> memref<32x128xf32, #tpu.memory_space<vmem_shared>>
    %dma_wait3A_185 = arith.constant 0 : i32
    %dma_wait3A_186 = tpu.memref_slice %arg14[%add3A_182, %dma_wait3A_185] : memref<10240x128xf32, #tpu.memory_space<vmem_shared>> -> memref<32x128xf32, #tpu.memory_space<vmem_shared>>
    tpu.wait_dma2 semaphore(%arg13 : memref<!tpu.dma_semaphore, #tpu.memory_space<semaphore_mem>>) src(%arg10 : memref<32x128xf32, #tpu.memory_space<vmem>>) dst(%dma_wait3A_186 : memref<32x128xf32, #tpu.memory_space<vmem_shared>>)
    %add3A_187 = arith.constant 320 : i32
    %add3A_188 = arith.addi %multiple_of3A, %add3A_187 : i32
    %dma_wait3A_189 = arith.constant 0 : i32
    %dma_wait3A_190 = tpu.memref_slice %arg14[%add3A_188, %dma_wait3A_189] : memref<10240x128xf32, #tpu.memory_space<vmem_shared>> -> memref<32x128xf32, #tpu.memory_space<vmem_shared>>
    %dma_wait3A_191 = arith.constant 0 : i32
    %dma_wait3A_192 = tpu.memref_slice %arg14[%add3A_188, %dma_wait3A_191] : memref<10240x128xf32, #tpu.memory_space<vmem_shared>> -> memref<32x128xf32, #tpu.memory_space<vmem_shared>>
    tpu.wait_dma2 semaphore(%arg13 : memref<!tpu.dma_semaphore, #tpu.memory_space<semaphore_mem>>) src(%arg10 : memref<32x128xf32, #tpu.memory_space<vmem>>) dst(%dma_wait3A_192 : memref<32x128xf32, #tpu.memory_space<vmem_shared>>)
    %add3A_193 = arith.constant 352 : i32
    %add3A_194 = arith.addi %multiple_of3A, %add3A_193 : i32
    %dma_wait3A_195 = arith.constant 0 : i32
    %dma_wait3A_196 = tpu.memref_slice %arg14[%add3A_194, %dma_wait3A_195] : memref<10240x128xf32, #tpu.memory_space<vmem_shared>> -> memref<32x128xf32, #tpu.memory_space<vmem_shared>>
    %dma_wait3A_197 = arith.constant 0 : i32
    %dma_wait3A_198 = tpu.memref_slice %arg14[%add3A_194, %dma_wait3A_197] : memref<10240x128xf32, #tpu.memory_space<vmem_shared>> -> memref<32x128xf32, #tpu.memory_space<vmem_shared>>
    tpu.wait_dma2 semaphore(%arg13 : memref<!tpu.dma_semaphore, #tpu.memory_space<semaphore_mem>>) src(%arg10 : memref<32x128xf32, #tpu.memory_space<vmem>>) dst(%dma_wait3A_198 : memref<32x128xf32, #tpu.memory_space<vmem_shared>>)
    %add3A_199 = arith.constant 384 : i32
    %add3A_200 = arith.addi %multiple_of3A, %add3A_199 : i32
    %dma_wait3A_201 = arith.constant 0 : i32
    %dma_wait3A_202 = tpu.memref_slice %arg14[%add3A_200, %dma_wait3A_201] : memref<10240x128xf32, #tpu.memory_space<vmem_shared>> -> memref<32x128xf32, #tpu.memory_space<vmem_shared>>
    %dma_wait3A_203 = arith.constant 0 : i32
    %dma_wait3A_204 = tpu.memref_slice %arg14[%add3A_200, %dma_wait3A_203] : memref<10240x128xf32, #tpu.memory_space<vmem_shared>> -> memref<32x128xf32, #tpu.memory_space<vmem_shared>>
    tpu.wait_dma2 semaphore(%arg13 : memref<!tpu.dma_semaphore, #tpu.memory_space<semaphore_mem>>) src(%arg10 : memref<32x128xf32, #tpu.memory_space<vmem>>) dst(%dma_wait3A_204 : memref<32x128xf32, #tpu.memory_space<vmem_shared>>)
    %add3A_205 = arith.constant 416 : i32
    %add3A_206 = arith.addi %multiple_of3A, %add3A_205 : i32
    %dma_wait3A_207 = arith.constant 0 : i32
    %dma_wait3A_208 = tpu.memref_slice %arg14[%add3A_206, %dma_wait3A_207] : memref<10240x128xf32, #tpu.memory_space<vmem_shared>> -> memref<32x128xf32, #tpu.memory_space<vmem_shared>>
    %dma_wait3A_209 = arith.constant 0 : i32
    %dma_wait3A_210 = tpu.memref_slice %arg14[%add3A_206, %dma_wait3A_209] : memref<10240x128xf32, #tpu.memory_space<vmem_shared>> -> memref<32x128xf32, #tpu.memory_space<vmem_shared>>
    tpu.wait_dma2 semaphore(%arg13 : memref<!tpu.dma_semaphore, #tpu.memory_space<semaphore_mem>>) src(%arg10 : memref<32x128xf32, #tpu.memory_space<vmem>>) dst(%dma_wait3A_210 : memref<32x128xf32, #tpu.memory_space<vmem_shared>>)
    %add3A_211 = arith.constant 448 : i32
    %add3A_212 = arith.addi %multiple_of3A, %add3A_211 : i32
    %dma_wait3A_213 = arith.constant 0 : i32
    %dma_wait3A_214 = tpu.memref_slice %arg14[%add3A_212, %dma_wait3A_213] : memref<10240x128xf32, #tpu.memory_space<vmem_shared>> -> memref<32x128xf32, #tpu.memory_space<vmem_shared>>
    %dma_wait3A_215 = arith.constant 0 : i32
    %dma_wait3A_216 = tpu.memref_slice %arg14[%add3A_212, %dma_wait3A_215] : memref<10240x128xf32, #tpu.memory_space<vmem_shared>> -> memref<32x128xf32, #tpu.memory_space<vmem_shared>>
    tpu.wait_dma2 semaphore(%arg13 : memref<!tpu.dma_semaphore, #tpu.memory_space<semaphore_mem>>) src(%arg10 : memref<32x128xf32, #tpu.memory_space<vmem>>) dst(%dma_wait3A_216 : memref<32x128xf32, #tpu.memory_space<vmem_shared>>)
    %add3A_217 = arith.constant 480 : i32
    %add3A_218 = arith.addi %multiple_of3A, %add3A_217 : i32
    %dma_wait3A_219 = arith.constant 0 : i32
    %dma_wait3A_220 = tpu.memref_slice %arg14[%add3A_218, %dma_wait3A_219] : memref<10240x128xf32, #tpu.memory_space<vmem_shared>> -> memref<32x128xf32, #tpu.memory_space<vmem_shared>>
    %dma_wait3A_221 = arith.constant 0 : i32
    %dma_wait3A_222 = tpu.memref_slice %arg14[%add3A_218, %dma_wait3A_221] : memref<10240x128xf32, #tpu.memory_space<vmem_shared>> -> memref<32x128xf32, #tpu.memory_space<vmem_shared>>
    tpu.wait_dma2 semaphore(%arg13 : memref<!tpu.dma_semaphore, #tpu.memory_space<semaphore_mem>>) src(%arg10 : memref<32x128xf32, #tpu.memory_space<vmem>>) dst(%dma_wait3A_222 : memref<32x128xf32, #tpu.memory_space<vmem_shared>>)
    %add3A_223 = arith.constant 512 : i32
    %add3A_224 = arith.addi %multiple_of3A, %add3A_223 : i32
    %dma_wait3A_225 = arith.constant 0 : i32
    %dma_wait3A_226 = tpu.memref_slice %arg14[%add3A_224, %dma_wait3A_225] : memref<10240x128xf32, #tpu.memory_space<vmem_shared>> -> memref<32x128xf32, #tpu.memory_space<vmem_shared>>
    %dma_wait3A_227 = arith.constant 0 : i32
    %dma_wait3A_228 = tpu.memref_slice %arg14[%add3A_224, %dma_wait3A_227] : memref<10240x128xf32, #tpu.memory_space<vmem_shared>> -> memref<32x128xf32, #tpu.memory_space<vmem_shared>>
    tpu.wait_dma2 semaphore(%arg13 : memref<!tpu.dma_semaphore, #tpu.memory_space<semaphore_mem>>) src(%arg10 : memref<32x128xf32, #tpu.memory_space<vmem>>) dst(%dma_wait3A_228 : memref<32x128xf32, #tpu.memory_space<vmem_shared>>)
    %add3A_229 = arith.constant 544 : i32
    %add3A_230 = arith.addi %multiple_of3A, %add3A_229 : i32
    %dma_wait3A_231 = arith.constant 0 : i32
    %dma_wait3A_232 = tpu.memref_slice %arg14[%add3A_230, %dma_wait3A_231] : memref<10240x128xf32, #tpu.memory_space<vmem_shared>> -> memref<32x128xf32, #tpu.memory_space<vmem_shared>>
    %dma_wait3A_233 = arith.constant 0 : i32
    %dma_wait3A_234 = tpu.memref_slice %arg14[%add3A_230, %dma_wait3A_233] : memref<10240x128xf32, #tpu.memory_space<vmem_shared>> -> memref<32x128xf32, #tpu.memory_space<vmem_shared>>
    tpu.wait_dma2 semaphore(%arg13 : memref<!tpu.dma_semaphore, #tpu.memory_space<semaphore_mem>>) src(%arg10 : memref<32x128xf32, #tpu.memory_space<vmem>>) dst(%dma_wait3A_234 : memref<32x128xf32, #tpu.memory_space<vmem_shared>>)
    %add3A_235 = arith.constant 576 : i32
    %add3A_236 = arith.addi %multiple_of3A, %add3A_235 : i32
    %dma_wait3A_237 = arith.constant 0 : i32
    %dma_wait3A_238 = tpu.memref_slice %arg14[%add3A_236, %dma_wait3A_237] : memref<10240x128xf32, #tpu.memory_space<vmem_shared>> -> memref<32x128xf32, #tpu.memory_space<vmem_shared>>
    %dma_wait3A_239 = arith.constant 0 : i32
    %dma_wait3A_240 = tpu.memref_slice %arg14[%add3A_236, %dma_wait3A_239] : memref<10240x128xf32, #tpu.memory_space<vmem_shared>> -> memref<32x128xf32, #tpu.memory_space<vmem_shared>>
    tpu.wait_dma2 semaphore(%arg13 : memref<!tpu.dma_semaphore, #tpu.memory_space<semaphore_mem>>) src(%arg10 : memref<32x128xf32, #tpu.memory_space<vmem>>) dst(%dma_wait3A_240 : memref<32x128xf32, #tpu.memory_space<vmem_shared>>)
    %add3A_241 = arith.constant 608 : i32
    %add3A_242 = arith.addi %multiple_of3A, %add3A_241 : i32
    %dma_wait3A_243 = arith.constant 0 : i32
    %dma_wait3A_244 = tpu.memref_slice %arg14[%add3A_242, %dma_wait3A_243] : memref<10240x128xf32, #tpu.memory_space<vmem_shared>> -> memref<32x128xf32, #tpu.memory_space<vmem_shared>>
    %dma_wait3A_245 = arith.constant 0 : i32
    %dma_wait3A_246 = tpu.memref_slice %arg14[%add3A_242, %dma_wait3A_245] : memref<10240x128xf32, #tpu.memory_space<vmem_shared>> -> memref<32x128xf32, #tpu.memory_space<vmem_shared>>
    tpu.wait_dma2 semaphore(%arg13 : memref<!tpu.dma_semaphore, #tpu.memory_space<semaphore_mem>>) src(%arg10 : memref<32x128xf32, #tpu.memory_space<vmem>>) dst(%dma_wait3A_246 : memref<32x128xf32, #tpu.memory_space<vmem_shared>>)
    %barrier3A = arith.constant 0 : index
    tpu.barrier barrier_id(%barrier3A)
    %dma_start3A_247 = arith.constant 0 : i32
    %dma_start3A_248 = arith.constant 0 : i32
    %dma_start3A_249 = tpu.memref_slice %arg3[%add3A, %dma_start3A_247, %dma_start3A_248] : memref<32x80x125xi32, #tpu.memory_space<hbm>> -> memref<1x40x125xi32, #tpu.memory_space<hbm>>
    %dma_start3A_250 = tpu.memref_squeeze %dma_start3A_249 : memref<1x40x125xi32, #tpu.memory_space<hbm>> -> memref<40x125xi32, #tpu.memory_space<hbm>>
    %dma_start3A_251 = arith.constant 0 : i32
    %dma_start3A_252 = arith.constant 0 : i32
    %dma_start3A_253 = tpu.memref_slice %arg3[%add3A, %dma_start3A_251, %dma_start3A_252] : memref<32x80x125xi32, #tpu.memory_space<hbm>> -> memref<1x40x125xi32, #tpu.memory_space<hbm>>
    %dma_start3A_254 = tpu.memref_squeeze %dma_start3A_253 : memref<1x40x125xi32, #tpu.memory_space<hbm>> -> memref<40x125xi32, #tpu.memory_space<hbm>>
    tpu.enqueue_dma source(%dma_start3A_254 : memref<40x125xi32, #tpu.memory_space<hbm>>) target(%arg6 : memref<40x125xi32, #tpu.memory_space<vmem>>) target_semaphore(%arg11 : memref<!tpu.dma_semaphore, #tpu.memory_space<semaphore_mem>>)
    %dma_start3A_255 = arith.constant 0 : i32
    %dma_start3A_256 = arith.constant 0 : i32
    %dma_start3A_257 = tpu.memref_slice %arg4[%add3A, %dma_start3A_255, %dma_start3A_256] : memref<32x80x125xi32, #tpu.memory_space<hbm>> -> memref<1x40x125xi32, #tpu.memory_space<hbm>>
    %dma_start3A_258 = tpu.memref_squeeze %dma_start3A_257 : memref<1x40x125xi32, #tpu.memory_space<hbm>> -> memref<40x125xi32, #tpu.memory_space<hbm>>
    %dma_start3A_259 = arith.constant 0 : i32
    %dma_start3A_260 = arith.constant 0 : i32
    %dma_start3A_261 = tpu.memref_slice %arg4[%add3A, %dma_start3A_259, %dma_start3A_260] : memref<32x80x125xi32, #tpu.memory_space<hbm>> -> memref<1x40x125xi32, #tpu.memory_space<hbm>>
    %dma_start3A_262 = tpu.memref_squeeze %dma_start3A_261 : memref<1x40x125xi32, #tpu.memory_space<hbm>> -> memref<40x125xi32, #tpu.memory_space<hbm>>
    tpu.enqueue_dma source(%dma_start3A_262 : memref<40x125xi32, #tpu.memory_space<hbm>>) target(%arg7 : memref<40x125xi32, #tpu.memory_space<vmem>>) target_semaphore(%arg12 : memref<!tpu.dma_semaphore, #tpu.memory_space<semaphore_mem>>)
    %dma_wait3A_263 = arith.constant 0 : i32
    %dma_wait3A_264 = arith.constant 0 : i32
    %dma_wait3A_265 = tpu.memref_slice %arg3[%add3A, %dma_wait3A_263, %dma_wait3A_264] : memref<32x80x125xi32, #tpu.memory_space<hbm>> -> memref<1x40x125xi32, #tpu.memory_space<hbm>>
    %dma_wait3A_266 = tpu.memref_squeeze %dma_wait3A_265 : memref<1x40x125xi32, #tpu.memory_space<hbm>> -> memref<40x125xi32, #tpu.memory_space<hbm>>
    %dma_wait3A_267 = arith.constant 0 : i32
    %dma_wait3A_268 = arith.constant 0 : i32
    %dma_wait3A_269 = tpu.memref_slice %arg3[%add3A, %dma_wait3A_267, %dma_wait3A_268] : memref<32x80x125xi32, #tpu.memory_space<hbm>> -> memref<1x40x125xi32, #tpu.memory_space<hbm>>
    %dma_wait3A_270 = tpu.memref_squeeze %dma_wait3A_269 : memref<1x40x125xi32, #tpu.memory_space<hbm>> -> memref<40x125xi32, #tpu.memory_space<hbm>>
    tpu.wait_dma2 semaphore(%arg11 : memref<!tpu.dma_semaphore, #tpu.memory_space<semaphore_mem>>) src(%dma_wait3A_270 : memref<40x125xi32, #tpu.memory_space<hbm>>) dst(%arg6 : memref<40x125xi32, #tpu.memory_space<vmem>>)
    %dma_wait3A_271 = arith.constant 0 : i32
    %dma_wait3A_272 = arith.constant 0 : i32
    %dma_wait3A_273 = tpu.memref_slice %arg4[%add3A, %dma_wait3A_271, %dma_wait3A_272] : memref<32x80x125xi32, #tpu.memory_space<hbm>> -> memref<1x40x125xi32, #tpu.memory_space<hbm>>
    %dma_wait3A_274 = tpu.memref_squeeze %dma_wait3A_273 : memref<1x40x125xi32, #tpu.memory_space<hbm>> -> memref<40x125xi32, #tpu.memory_space<hbm>>
    %dma_wait3A_275 = arith.constant 0 : i32
    %dma_wait3A_276 = arith.constant 0 : i32
    %dma_wait3A_277 = tpu.memref_slice %arg4[%add3A, %dma_wait3A_275, %dma_wait3A_276] : memref<32x80x125xi32, #tpu.memory_space<hbm>> -> memref<1x40x125xi32, #tpu.memory_space<hbm>>
    %dma_wait3A_278 = tpu.memref_squeeze %dma_wait3A_277 : memref<1x40x125xi32, #tpu.memory_space<hbm>> -> memref<40x125xi32, #tpu.memory_space<hbm>>
    tpu.wait_dma2 semaphore(%arg12 : memref<!tpu.dma_semaphore, #tpu.memory_space<semaphore_mem>>) src(%dma_wait3A_278 : memref<40x125xi32, #tpu.memory_space<hbm>>) dst(%arg7 : memref<40x125xi32, #tpu.memory_space<vmem>>)
    %dma_start3A_279 = arith.constant 0 : i32
    %dma_start3A_280 = arith.constant 0 : i32
    %dma_start3A_281 = tpu.memref_slice %arg6[%dma_start3A_279, %dma_start3A_280] : memref<40x125xi32, #tpu.memory_space<vmem>> -> memref<1x125xi32, #tpu.memory_space<vmem>>
    %dma_start3A_282 = tpu.memref_squeeze %dma_start3A_281 : memref<1x125xi32, #tpu.memory_space<vmem>> -> memref<125xi32, #tpu.memory_space<vmem>>
    %dma_start3A_283 = arith.constant 0 : i32
    %dma_start3A_284 = arith.constant 0 : i32
    %dma_start3A_285 = tpu.memref_slice %arg2[%dma_start3A_283, %dma_start3A_284] : memref<10000x128xf32, #tpu.memory_space<hbm>> -> memref<10000x128xf32, #tpu.memory_space<hbm>>
    tpu.enqueue_indirect_dma source(%dma_start3A_285 : memref<10000x128xf32, #tpu.memory_space<hbm>>) target(%arg8 : memref<125x128xf32, #tpu.memory_space<vmem>>) offsets(%dma_start3A_282 : memref<125xi32, #tpu.memory_space<vmem>>) semaphore(%arg11 : memref<!tpu.dma_semaphore, #tpu.memory_space<semaphore_mem>>)
    %scan3A_286 = arith.constant 0 : i32
    %scan3A_287 = arith.constant 0 : i32
    %scan3A_288 = arith.constant 20 : i32
    %scan3A_289 = arith.addi %scan3A_287, %scan3A_288 : i32
    %scan3A_290 = arith.constant 1 : i32
    scf.for %scan3A_338 = %scan3A_287 to %scan3A_289 step %scan3A_290  : i32 {
      %mul3A_339 = arith.constant 2 : i32
      %mul3A_340 = arith.muli %mul3A_339, %scan3A_338 : i32
      %add3A_341 = arith.constant 1 : i32
      %add3A_342 = arith.addi %mul3A_340, %add3A_341 : i32
      %dma_start3A_343 = arith.constant 0 : i32
      %dma_start3A_344 = tpu.memref_slice %arg6[%add3A_342, %dma_start3A_343] : memref<40x125xi32, #tpu.memory_space<vmem>> -> memref<1x125xi32, #tpu.memory_space<vmem>>
      %dma_start3A_345 = tpu.memref_squeeze %dma_start3A_344 : memref<1x125xi32, #tpu.memory_space<vmem>> -> memref<125xi32, #tpu.memory_space<vmem>>
      %dma_start3A_346 = arith.constant 0 : i32
      %dma_start3A_347 = arith.constant 0 : i32
      %dma_start3A_348 = tpu.memref_slice %arg2[%dma_start3A_346, %dma_start3A_347] : memref<10000x128xf32, #tpu.memory_space<hbm>> -> memref<10000x128xf32, #tpu.memory_space<hbm>>
      tpu.enqueue_indirect_dma source(%dma_start3A_348 : memref<10000x128xf32, #tpu.memory_space<hbm>>) target(%arg9 : memref<125x128xf32, #tpu.memory_space<vmem>>) offsets(%dma_start3A_345 : memref<125xi32, #tpu.memory_space<vmem>>) semaphore(%arg12 : memref<!tpu.dma_semaphore, #tpu.memory_space<semaphore_mem>>)
      %dma_wait3A_349 = arith.constant 0 : i32
      %dma_wait3A_350 = tpu.memref_slice %arg6[%mul3A_340, %dma_wait3A_349] : memref<40x125xi32, #tpu.memory_space<vmem>> -> memref<1x125xi32, #tpu.memory_space<vmem>>
      %dma_wait3A_351 = tpu.memref_squeeze %dma_wait3A_350 : memref<1x125xi32, #tpu.memory_space<vmem>> -> memref<125xi32, #tpu.memory_space<vmem>>
      %dma_wait3A_352 = arith.constant 0 : i32
      %dma_wait3A_353 = arith.constant 0 : i32
      %dma_wait3A_354 = tpu.memref_slice %arg2[%dma_wait3A_352, %dma_wait3A_353] : memref<10000x128xf32, #tpu.memory_space<hbm>> -> memref<10000x128xf32, #tpu.memory_space<hbm>>
      tpu.wait_indirect_dma semaphore(%arg11 : memref<!tpu.dma_semaphore, #tpu.memory_space<semaphore_mem>>) src(%dma_wait3A_354 : memref<10000x128xf32, #tpu.memory_space<hbm>>) dst(%arg8 : memref<125x128xf32, #tpu.memory_space<vmem>>)
      "tpu.region"() ({
        %run_scoped3A = tpu.sem_alloc : memref<!tpu.dma_semaphore, #tpu.memory_space<semaphore_mem>>
        %dma_start3A_367 = arith.constant 0 : i32
        %dma_start3A_368 = tpu.memref_slice %arg7[%mul3A_340, %dma_start3A_367] : memref<40x125xi32, #tpu.memory_space<vmem>> -> memref<1x125xi32, #tpu.memory_space<vmem>>
        %dma_start3A_369 = tpu.memref_squeeze %dma_start3A_368 : memref<1x125xi32, #tpu.memory_space<vmem>> -> memref<125xi32, #tpu.memory_space<vmem>>
        %dma_start3A_370 = arith.constant 0 : i32
        %dma_start3A_371 = arith.constant 0 : i32
        %dma_start3A_372 = tpu.memref_slice %arg14[%dma_start3A_370, %dma_start3A_371] : memref<10240x128xf32, #tpu.memory_space<vmem_shared>> -> memref<10240x128xf32, #tpu.memory_space<vmem_shared>>
        tpu.enqueue_indirect_dma source(%arg8 : memref<125x128xf32, #tpu.memory_space<vmem>>) target(%dma_start3A_372 : memref<10240x128xf32, #tpu.memory_space<vmem_shared>>) offsets(%dma_start3A_369 : memref<125xi32, #tpu.memory_space<vmem>>) semaphore(%run_scoped3A : memref<!tpu.dma_semaphore, #tpu.memory_space<semaphore_mem>>) {add = true}
        %dma_wait3A_373 = arith.constant 0 : i32
        %dma_wait3A_374 = tpu.memref_slice %arg7[%mul3A_340, %dma_wait3A_373] : memref<40x125xi32, #tpu.memory_space<vmem>> -> memref<1x125xi32, #tpu.memory_space<vmem>>
        %dma_wait3A_375 = tpu.memref_squeeze %dma_wait3A_374 : memref<1x125xi32, #tpu.memory_space<vmem>> -> memref<125xi32, #tpu.memory_space<vmem>>
        %dma_wait3A_376 = arith.constant 0 : i32
        %dma_wait3A_377 = arith.constant 0 : i32
        %dma_wait3A_378 = tpu.memref_slice %arg14[%dma_wait3A_376, %dma_wait3A_377] : memref<10240x128xf32, #tpu.memory_space<vmem_shared>> -> memref<10240x128xf32, #tpu.memory_space<vmem_shared>>
        tpu.wait_indirect_dma semaphore(%run_scoped3A : memref<!tpu.dma_semaphore, #tpu.memory_space<semaphore_mem>>) src(%arg8 : memref<125x128xf32, #tpu.memory_space<vmem>>) dst(%dma_wait3A_378 : memref<10240x128xf32, #tpu.memory_space<vmem_shared>>)
        tpu.yield
      }) : () -> ()
      %lt3A = arith.constant 19 : i32
      %lt3A_355 = arith.cmpi slt, %scan3A_338, %lt3A : i32
      %convert_element_type3A = arith.extui %lt3A_355 : i1 to i32
      %cond3A = arith.constant 0 : i32
      %cond3A_356 = arith.cmpi ne, %convert_element_type3A, %cond3A : i32
      scf.if %cond3A_356 {
        %add3A_367 = arith.constant 2 : i32
        %add3A_368 = arith.addi %mul3A_340, %add3A_367 : i32
        %dma_start3A_369 = arith.constant 0 : i32
        %dma_start3A_370 = tpu.memref_slice %arg6[%add3A_368, %dma_start3A_369] : memref<40x125xi32, #tpu.memory_space<vmem>> -> memref<1x125xi32, #tpu.memory_space<vmem>>
        %dma_start3A_371 = tpu.memref_squeeze %dma_start3A_370 : memref<1x125xi32, #tpu.memory_space<vmem>> -> memref<125xi32, #tpu.memory_space<vmem>>
        %dma_start3A_372 = arith.constant 0 : i32
        %dma_start3A_373 = arith.constant 0 : i32
        %dma_start3A_374 = tpu.memref_slice %arg2[%dma_start3A_372, %dma_start3A_373] : memref<10000x128xf32, #tpu.memory_space<hbm>> -> memref<10000x128xf32, #tpu.memory_space<hbm>>
        tpu.enqueue_indirect_dma source(%dma_start3A_374 : memref<10000x128xf32, #tpu.memory_space<hbm>>) target(%arg8 : memref<125x128xf32, #tpu.memory_space<vmem>>) offsets(%dma_start3A_371 : memref<125xi32, #tpu.memory_space<vmem>>) semaphore(%arg11 : memref<!tpu.dma_semaphore, #tpu.memory_space<semaphore_mem>>)
      } else {
      }
      %add3A_357 = arith.constant 1 : i32
      %add3A_358 = arith.addi %mul3A_340, %add3A_357 : i32
      %dma_wait3A_359 = arith.constant 0 : i32
      %dma_wait3A_360 = tpu.memref_slice %arg6[%add3A_358, %dma_wait3A_359] : memref<40x125xi32, #tpu.memory_space<vmem>> -> memref<1x125xi32, #tpu.memory_space<vmem>>
      %dma_wait3A_361 = tpu.memref_squeeze %dma_wait3A_360 : memref<1x125xi32, #tpu.memory_space<vmem>> -> memref<125xi32, #tpu.memory_space<vmem>>
      %dma_wait3A_362 = arith.constant 0 : i32
      %dma_wait3A_363 = arith.constant 0 : i32
      %dma_wait3A_364 = tpu.memref_slice %arg2[%dma_wait3A_362, %dma_wait3A_363] : memref<10000x128xf32, #tpu.memory_space<hbm>> -> memref<10000x128xf32, #tpu.memory_space<hbm>>
      tpu.wait_indirect_dma semaphore(%arg12 : memref<!tpu.dma_semaphore, #tpu.memory_space<semaphore_mem>>) src(%dma_wait3A_364 : memref<10000x128xf32, #tpu.memory_space<hbm>>) dst(%arg9 : memref<125x128xf32, #tpu.memory_space<vmem>>)
      %add3A_365 = arith.constant 1 : i32
      %add3A_366 = arith.addi %mul3A_340, %add3A_365 : i32
      "tpu.region"() ({
        %run_scoped3A = tpu.sem_alloc : memref<!tpu.dma_semaphore, #tpu.memory_space<semaphore_mem>>
        %dma_start3A_367 = arith.constant 0 : i32
        %dma_start3A_368 = tpu.memref_slice %arg7[%add3A_366, %dma_start3A_367] : memref<40x125xi32, #tpu.memory_space<vmem>> -> memref<1x125xi32, #tpu.memory_space<vmem>>
        %dma_start3A_369 = tpu.memref_squeeze %dma_start3A_368 : memref<1x125xi32, #tpu.memory_space<vmem>> -> memref<125xi32, #tpu.memory_space<vmem>>
        %dma_start3A_370 = arith.constant 0 : i32
        %dma_start3A_371 = arith.constant 0 : i32
        %dma_start3A_372 = tpu.memref_slice %arg14[%dma_start3A_370, %dma_start3A_371] : memref<10240x128xf32, #tpu.memory_space<vmem_shared>> -> memref<10240x128xf32, #tpu.memory_space<vmem_shared>>
        tpu.enqueue_indirect_dma source(%arg9 : memref<125x128xf32, #tpu.memory_space<vmem>>) target(%dma_start3A_372 : memref<10240x128xf32, #tpu.memory_space<vmem_shared>>) offsets(%dma_start3A_369 : memref<125xi32, #tpu.memory_space<vmem>>) semaphore(%run_scoped3A : memref<!tpu.dma_semaphore, #tpu.memory_space<semaphore_mem>>) {add = true}
        %dma_wait3A_373 = arith.constant 0 : i32
        %dma_wait3A_374 = tpu.memref_slice %arg7[%add3A_366, %dma_wait3A_373] : memref<40x125xi32, #tpu.memory_space<vmem>> -> memref<1x125xi32, #tpu.memory_space<vmem>>
        %dma_wait3A_375 = tpu.memref_squeeze %dma_wait3A_374 : memref<1x125xi32, #tpu.memory_space<vmem>> -> memref<125xi32, #tpu.memory_space<vmem>>
        %dma_wait3A_376 = arith.constant 0 : i32
        %dma_wait3A_377 = arith.constant 0 : i32
        %dma_wait3A_378 = tpu.memref_slice %arg14[%dma_wait3A_376, %dma_wait3A_377] : memref<10240x128xf32, #tpu.memory_space<vmem_shared>> -> memref<10240x128xf32, #tpu.memory_space<vmem_shared>>
        tpu.wait_indirect_dma semaphore(%run_scoped3A : memref<!tpu.dma_semaphore, #tpu.memory_space<semaphore_mem>>) src(%arg9 : memref<125x128xf32, #tpu.memory_space<vmem>>) dst(%dma_wait3A_378 : memref<10240x128xf32, #tpu.memory_space<vmem_shared>>)
        tpu.yield
      }) : () -> ()
    }
    %scan3A_291 = arith.constant 20 : i32
    %dma_start3A_292 = arith.constant 40 : i32
    %dma_start3A_293 = arith.constant 0 : i32
    %dma_start3A_294 = tpu.memref_slice %arg3[%add3A, %dma_start3A_292, %dma_start3A_293] : memref<32x80x125xi32, #tpu.memory_space<hbm>> -> memref<1x40x125xi32, #tpu.memory_space<hbm>>
    %dma_start3A_295 = tpu.memref_squeeze %dma_start3A_294 : memref<1x40x125xi32, #tpu.memory_space<hbm>> -> memref<40x125xi32, #tpu.memory_space<hbm>>
    %dma_start3A_296 = arith.constant 40 : i32
    %dma_start3A_297 = arith.constant 0 : i32
    %dma_start3A_298 = tpu.memref_slice %arg3[%add3A, %dma_start3A_296, %dma_start3A_297] : memref<32x80x125xi32, #tpu.memory_space<hbm>> -> memref<1x40x125xi32, #tpu.memory_space<hbm>>
    %dma_start3A_299 = tpu.memref_squeeze %dma_start3A_298 : memref<1x40x125xi32, #tpu.memory_space<hbm>> -> memref<40x125xi32, #tpu.memory_space<hbm>>
    tpu.enqueue_dma source(%dma_start3A_299 : memref<40x125xi32, #tpu.memory_space<hbm>>) target(%arg6 : memref<40x125xi32, #tpu.memory_space<vmem>>) target_semaphore(%arg11 : memref<!tpu.dma_semaphore, #tpu.memory_space<semaphore_mem>>)
    %dma_start3A_300 = arith.constant 40 : i32
    %dma_start3A_301 = arith.constant 0 : i32
    %dma_start3A_302 = tpu.memref_slice %arg4[%add3A, %dma_start3A_300, %dma_start3A_301] : memref<32x80x125xi32, #tpu.memory_space<hbm>> -> memref<1x40x125xi32, #tpu.memory_space<hbm>>
    %dma_start3A_303 = tpu.memref_squeeze %dma_start3A_302 : memref<1x40x125xi32, #tpu.memory_space<hbm>> -> memref<40x125xi32, #tpu.memory_space<hbm>>
    %dma_start3A_304 = arith.constant 40 : i32
    %dma_start3A_305 = arith.constant 0 : i32
    %dma_start3A_306 = tpu.memref_slice %arg4[%add3A, %dma_start3A_304, %dma_start3A_305] : memref<32x80x125xi32, #tpu.memory_space<hbm>> -> memref<1x40x125xi32, #tpu.memory_space<hbm>>
    %dma_start3A_307 = tpu.memref_squeeze %dma_start3A_306 : memref<1x40x125xi32, #tpu.memory_space<hbm>> -> memref<40x125xi32, #tpu.memory_space<hbm>>
    tpu.enqueue_dma source(%dma_start3A_307 : memref<40x125xi32, #tpu.memory_space<hbm>>) target(%arg7 : memref<40x125xi32, #tpu.memory_space<vmem>>) target_semaphore(%arg12 : memref<!tpu.dma_semaphore, #tpu.memory_space<semaphore_mem>>)
    %dma_wait3A_308 = arith.constant 40 : i32
    %dma_wait3A_309 = arith.constant 0 : i32
    %dma_wait3A_310 = tpu.memref_slice %arg3[%add3A, %dma_wait3A_308, %dma_wait3A_309] : memref<32x80x125xi32, #tpu.memory_space<hbm>> -> memref<1x40x125xi32, #tpu.memory_space<hbm>>
    %dma_wait3A_311 = tpu.memref_squeeze %dma_wait3A_310 : memref<1x40x125xi32, #tpu.memory_space<hbm>> -> memref<40x125xi32, #tpu.memory_space<hbm>>
    %dma_wait3A_312 = arith.constant 40 : i32
    %dma_wait3A_313 = arith.constant 0 : i32
    %dma_wait3A_314 = tpu.memref_slice %arg3[%add3A, %dma_wait3A_312, %dma_wait3A_313] : memref<32x80x125xi32, #tpu.memory_space<hbm>> -> memref<1x40x125xi32, #tpu.memory_space<hbm>>
    %dma_wait3A_315 = tpu.memref_squeeze %dma_wait3A_314 : memref<1x40x125xi32, #tpu.memory_space<hbm>> -> memref<40x125xi32, #tpu.memory_space<hbm>>
    tpu.wait_dma2 semaphore(%arg11 : memref<!tpu.dma_semaphore, #tpu.memory_space<semaphore_mem>>) src(%dma_wait3A_315 : memref<40x125xi32, #tpu.memory_space<hbm>>) dst(%arg6 : memref<40x125xi32, #tpu.memory_space<vmem>>)
    %dma_wait3A_316 = arith.constant 40 : i32
    %dma_wait3A_317 = arith.constant 0 : i32
    %dma_wait3A_318 = tpu.memref_slice %arg4[%add3A, %dma_wait3A_316, %dma_wait3A_317] : memref<32x80x125xi32, #tpu.memory_space<hbm>> -> memref<1x40x125xi32, #tpu.memory_space<hbm>>
    %dma_wait3A_319 = tpu.memref_squeeze %dma_wait3A_318 : memref<1x40x125xi32, #tpu.memory_space<hbm>> -> memref<40x125xi32, #tpu.memory_space<hbm>>
    %dma_wait3A_320 = arith.constant 40 : i32
    %dma_wait3A_321 = arith.constant 0 : i32
    %dma_wait3A_322 = tpu.memref_slice %arg4[%add3A, %dma_wait3A_320, %dma_wait3A_321] : memref<32x80x125xi32, #tpu.memory_space<hbm>> -> memref<1x40x125xi32, #tpu.memory_space<hbm>>
    %dma_wait3A_323 = tpu.memref_squeeze %dma_wait3A_322 : memref<1x40x125xi32, #tpu.memory_space<hbm>> -> memref<40x125xi32, #tpu.memory_space<hbm>>
    tpu.wait_dma2 semaphore(%arg12 : memref<!tpu.dma_semaphore, #tpu.memory_space<semaphore_mem>>) src(%dma_wait3A_323 : memref<40x125xi32, #tpu.memory_space<hbm>>) dst(%arg7 : memref<40x125xi32, #tpu.memory_space<vmem>>)
    %dma_start3A_324 = arith.constant 0 : i32
    %dma_start3A_325 = arith.constant 0 : i32
    %dma_start3A_326 = tpu.memref_slice %arg6[%dma_start3A_324, %dma_start3A_325] : memref<40x125xi32, #tpu.memory_space<vmem>> -> memref<1x125xi32, #tpu.memory_space<vmem>>
    %dma_start3A_327 = tpu.memref_squeeze %dma_start3A_326 : memref<1x125xi32, #tpu.memory_space<vmem>> -> memref<125xi32, #tpu.memory_space<vmem>>
    %dma_start3A_328 = arith.constant 0 : i32
    %dma_start3A_329 = arith.constant 0 : i32
    %dma_start3A_330 = tpu.memref_slice %arg2[%dma_start3A_328, %dma_start3A_329] : memref<10000x128xf32, #tpu.memory_space<hbm>> -> memref<10000x128xf32, #tpu.memory_space<hbm>>
    tpu.enqueue_indirect_dma source(%dma_start3A_330 : memref<10000x128xf32, #tpu.memory_space<hbm>>) target(%arg8 : memref<125x128xf32, #tpu.memory_space<vmem>>) offsets(%dma_start3A_327 : memref<125xi32, #tpu.memory_space<vmem>>) semaphore(%arg11 : memref<!tpu.dma_semaphore, #tpu.memory_space<semaphore_mem>>)
    %scan3A_331 = arith.constant 0 : i32
    %scan3A_332 = arith.constant 0 : i32
    %scan3A_333 = arith.constant 20 : i32
    %scan3A_334 = arith.addi %scan3A_332, %scan3A_333 : i32
    %scan3A_335 = arith.constant 1 : i32
    scf.for %scan3A_338 = %scan3A_332 to %scan3A_334 step %scan3A_335  : i32 {
      %mul3A_339 = arith.constant 2 : i32
      %mul3A_340 = arith.muli %mul3A_339, %scan3A_338 : i32
      %add3A_341 = arith.constant 1 : i32
      %add3A_342 = arith.addi %mul3A_340, %add3A_341 : i32
      %dma_start3A_343 = arith.constant 0 : i32
      %dma_start3A_344 = tpu.memref_slice %arg6[%add3A_342, %dma_start3A_343] : memref<40x125xi32, #tpu.memory_space<vmem>> -> memref<1x125xi32, #tpu.memory_space<vmem>>
      %dma_start3A_345 = tpu.memref_squeeze %dma_start3A_344 : memref<1x125xi32, #tpu.memory_space<vmem>> -> memref<125xi32, #tpu.memory_space<vmem>>
      %dma_start3A_346 = arith.constant 0 : i32
      %dma_start3A_347 = arith.constant 0 : i32
      %dma_start3A_348 = tpu.memref_slice %arg2[%dma_start3A_346, %dma_start3A_347] : memref<10000x128xf32, #tpu.memory_space<hbm>> -> memref<10000x128xf32, #tpu.memory_space<hbm>>
      tpu.enqueue_indirect_dma source(%dma_start3A_348 : memref<10000x128xf32, #tpu.memory_space<hbm>>) target(%arg9 : memref<125x128xf32, #tpu.memory_space<vmem>>) offsets(%dma_start3A_345 : memref<125xi32, #tpu.memory_space<vmem>>) semaphore(%arg12 : memref<!tpu.dma_semaphore, #tpu.memory_space<semaphore_mem>>)
      %dma_wait3A_349 = arith.constant 0 : i32
      %dma_wait3A_350 = tpu.memref_slice %arg6[%mul3A_340, %dma_wait3A_349] : memref<40x125xi32, #tpu.memory_space<vmem>> -> memref<1x125xi32, #tpu.memory_space<vmem>>
      %dma_wait3A_351 = tpu.memref_squeeze %dma_wait3A_350 : memref<1x125xi32, #tpu.memory_space<vmem>> -> memref<125xi32, #tpu.memory_space<vmem>>
      %dma_wait3A_352 = arith.constant 0 : i32
      %dma_wait3A_353 = arith.constant 0 : i32
      %dma_wait3A_354 = tpu.memref_slice %arg2[%dma_wait3A_352, %dma_wait3A_353] : memref<10000x128xf32, #tpu.memory_space<hbm>> -> memref<10000x128xf32, #tpu.memory_space<hbm>>
      tpu.wait_indirect_dma semaphore(%arg11 : memref<!tpu.dma_semaphore, #tpu.memory_space<semaphore_mem>>) src(%dma_wait3A_354 : memref<10000x128xf32, #tpu.memory_space<hbm>>) dst(%arg8 : memref<125x128xf32, #tpu.memory_space<vmem>>)
      "tpu.region"() ({
        %run_scoped3A = tpu.sem_alloc : memref<!tpu.dma_semaphore, #tpu.memory_space<semaphore_mem>>
        %dma_start3A_367 = arith.constant 0 : i32
        %dma_start3A_368 = tpu.memref_slice %arg7[%mul3A_340, %dma_start3A_367] : memref<40x125xi32, #tpu.memory_space<vmem>> -> memref<1x125xi32, #tpu.memory_space<vmem>>
        %dma_start3A_369 = tpu.memref_squeeze %dma_start3A_368 : memref<1x125xi32, #tpu.memory_space<vmem>> -> memref<125xi32, #tpu.memory_space<vmem>>
        %dma_start3A_370 = arith.constant 0 : i32
        %dma_start3A_371 = arith.constant 0 : i32
        %dma_start3A_372 = tpu.memref_slice %arg14[%dma_start3A_370, %dma_start3A_371] : memref<10240x128xf32, #tpu.memory_space<vmem_shared>> -> memref<10240x128xf32, #tpu.memory_space<vmem_shared>>
        tpu.enqueue_indirect_dma source(%arg8 : memref<125x128xf32, #tpu.memory_space<vmem>>) target(%dma_start3A_372 : memref<10240x128xf32, #tpu.memory_space<vmem_shared>>) offsets(%dma_start3A_369 : memref<125xi32, #tpu.memory_space<vmem>>) semaphore(%run_scoped3A : memref<!tpu.dma_semaphore, #tpu.memory_space<semaphore_mem>>) {add = true}
        %dma_wait3A_373 = arith.constant 0 : i32
        %dma_wait3A_374 = tpu.memref_slice %arg7[%mul3A_340, %dma_wait3A_373] : memref<40x125xi32, #tpu.memory_space<vmem>> -> memref<1x125xi32, #tpu.memory_space<vmem>>
        %dma_wait3A_375 = tpu.memref_squeeze %dma_wait3A_374 : memref<1x125xi32, #tpu.memory_space<vmem>> -> memref<125xi32, #tpu.memory_space<vmem>>
        %dma_wait3A_376 = arith.constant 0 : i32
        %dma_wait3A_377 = arith.constant 0 : i32
        %dma_wait3A_378 = tpu.memref_slice %arg14[%dma_wait3A_376, %dma_wait3A_377] : memref<10240x128xf32, #tpu.memory_space<vmem_shared>> -> memref<10240x128xf32, #tpu.memory_space<vmem_shared>>
        tpu.wait_indirect_dma semaphore(%run_scoped3A : memref<!tpu.dma_semaphore, #tpu.memory_space<semaphore_mem>>) src(%arg8 : memref<125x128xf32, #tpu.memory_space<vmem>>) dst(%dma_wait3A_378 : memref<10240x128xf32, #tpu.memory_space<vmem_shared>>)
        tpu.yield
      }) : () -> ()
      %lt3A = arith.constant 19 : i32
      %lt3A_355 = arith.cmpi slt, %scan3A_338, %lt3A : i32
      %convert_element_type3A = arith.extui %lt3A_355 : i1 to i32
      %cond3A = arith.constant 0 : i32
      %cond3A_356 = arith.cmpi ne, %convert_element_type3A, %cond3A : i32
      scf.if %cond3A_356 {
        %add3A_367 = arith.constant 2 : i32
        %add3A_368 = arith.addi %mul3A_340, %add3A_367 : i32
        %dma_start3A_369 = arith.constant 0 : i32
        %dma_start3A_370 = tpu.memref_slice %arg6[%add3A_368, %dma_start3A_369] : memref<40x125xi32, #tpu.memory_space<vmem>> -> memref<1x125xi32, #tpu.memory_space<vmem>>
        %dma_start3A_371 = tpu.memref_squeeze %dma_start3A_370 : memref<1x125xi32, #tpu.memory_space<vmem>> -> memref<125xi32, #tpu.memory_space<vmem>>
        %dma_start3A_372 = arith.constant 0 : i32
        %dma_start3A_373 = arith.constant 0 : i32
        %dma_start3A_374 = tpu.memref_slice %arg2[%dma_start3A_372, %dma_start3A_373] : memref<10000x128xf32, #tpu.memory_space<hbm>> -> memref<10000x128xf32, #tpu.memory_space<hbm>>
        tpu.enqueue_indirect_dma source(%dma_start3A_374 : memref<10000x128xf32, #tpu.memory_space<hbm>>) target(%arg8 : memref<125x128xf32, #tpu.memory_space<vmem>>) offsets(%dma_start3A_371 : memref<125xi32, #tpu.memory_space<vmem>>) semaphore(%arg11 : memref<!tpu.dma_semaphore, #tpu.memory_space<semaphore_mem>>)
      } else {
      }
      %add3A_357 = arith.constant 1 : i32
      %add3A_358 = arith.addi %mul3A_340, %add3A_357 : i32
      %dma_wait3A_359 = arith.constant 0 : i32
      %dma_wait3A_360 = tpu.memref_slice %arg6[%add3A_358, %dma_wait3A_359] : memref<40x125xi32, #tpu.memory_space<vmem>> -> memref<1x125xi32, #tpu.memory_space<vmem>>
      %dma_wait3A_361 = tpu.memref_squeeze %dma_wait3A_360 : memref<1x125xi32, #tpu.memory_space<vmem>> -> memref<125xi32, #tpu.memory_space<vmem>>
      %dma_wait3A_362 = arith.constant 0 : i32
      %dma_wait3A_363 = arith.constant 0 : i32
      %dma_wait3A_364 = tpu.memref_slice %arg2[%dma_wait3A_362, %dma_wait3A_363] : memref<10000x128xf32, #tpu.memory_space<hbm>> -> memref<10000x128xf32, #tpu.memory_space<hbm>>
      tpu.wait_indirect_dma semaphore(%arg12 : memref<!tpu.dma_semaphore, #tpu.memory_space<semaphore_mem>>) src(%dma_wait3A_364 : memref<10000x128xf32, #tpu.memory_space<hbm>>) dst(%arg9 : memref<125x128xf32, #tpu.memory_space<vmem>>)
      %add3A_365 = arith.constant 1 : i32
      %add3A_366 = arith.addi %mul3A_340, %add3A_365 : i32
      "tpu.region"() ({
        %run_scoped3A = tpu.sem_alloc : memref<!tpu.dma_semaphore, #tpu.memory_space<semaphore_mem>>
        %dma_start3A_367 = arith.constant 0 : i32
        %dma_start3A_368 = tpu.memref_slice %arg7[%add3A_366, %dma_start3A_367] : memref<40x125xi32, #tpu.memory_space<vmem>> -> memref<1x125xi32, #tpu.memory_space<vmem>>
        %dma_start3A_369 = tpu.memref_squeeze %dma_start3A_368 : memref<1x125xi32, #tpu.memory_space<vmem>> -> memref<125xi32, #tpu.memory_space<vmem>>
        %dma_start3A_370 = arith.constant 0 : i32
        %dma_start3A_371 = arith.constant 0 : i32
        %dma_start3A_372 = tpu.memref_slice %arg14[%dma_start3A_370, %dma_start3A_371] : memref<10240x128xf32, #tpu.memory_space<vmem_shared>> -> memref<10240x128xf32, #tpu.memory_space<vmem_shared>>
        tpu.enqueue_indirect_dma source(%arg9 : memref<125x128xf32, #tpu.memory_space<vmem>>) target(%dma_start3A_372 : memref<10240x128xf32, #tpu.memory_space<vmem_shared>>) offsets(%dma_start3A_369 : memref<125xi32, #tpu.memory_space<vmem>>) semaphore(%run_scoped3A : memref<!tpu.dma_semaphore, #tpu.memory_space<semaphore_mem>>) {add = true}
        %dma_wait3A_373 = arith.constant 0 : i32
        %dma_wait3A_374 = tpu.memref_slice %arg7[%add3A_366, %dma_wait3A_373] : memref<40x125xi32, #tpu.memory_space<vmem>> -> memref<1x125xi32, #tpu.memory_space<vmem>>
        %dma_wait3A_375 = tpu.memref_squeeze %dma_wait3A_374 : memref<1x125xi32, #tpu.memory_space<vmem>> -> memref<125xi32, #tpu.memory_space<vmem>>
        %dma_wait3A_376 = arith.constant 0 : i32
        %dma_wait3A_377 = arith.constant 0 : i32
        %dma_wait3A_378 = tpu.memref_slice %arg14[%dma_wait3A_376, %dma_wait3A_377] : memref<10240x128xf32, #tpu.memory_space<vmem_shared>> -> memref<10240x128xf32, #tpu.memory_space<vmem_shared>>
        tpu.wait_indirect_dma semaphore(%run_scoped3A : memref<!tpu.dma_semaphore, #tpu.memory_space<semaphore_mem>>) src(%arg9 : memref<125x128xf32, #tpu.memory_space<vmem>>) dst(%dma_wait3A_378 : memref<10240x128xf32, #tpu.memory_space<vmem_shared>>)
        tpu.yield
      }) : () -> ()
    }
    %scan3A_336 = arith.constant 20 : i32
    %barrier3A_337 = arith.constant 0 : index
    tpu.barrier barrier_id(%barrier3A_337)
    "tpu.region"() ({
      %run_scoped3A = tpu.sem_alloc : memref<!tpu.dma_semaphore, #tpu.memory_space<semaphore_mem>>
      %dma_start3A_338 = arith.constant 0 : i32
      %dma_start3A_339 = tpu.memref_slice %arg5[%arg0, %multiple_of3A, %dma_start3A_338] : memref<2x10240x128xf32, #tpu.memory_space<hbm>> -> memref<1x640x128xf32, #tpu.memory_space<hbm>>
      %dma_start3A_340 = tpu.memref_squeeze %dma_start3A_339 : memref<1x640x128xf32, #tpu.memory_space<hbm>> -> memref<640x128xf32, #tpu.memory_space<hbm>>
      %dma_start3A_341 = arith.constant 0 : i32
      %dma_start3A_342 = tpu.memref_slice %arg14[%multiple_of3A, %dma_start3A_341] : memref<10240x128xf32, #tpu.memory_space<vmem_shared>> -> memref<640x128xf32, #tpu.memory_space<vmem_shared>>
      tpu.enqueue_dma source(%dma_start3A_342 : memref<640x128xf32, #tpu.memory_space<vmem_shared>>) target(%dma_start3A_340 : memref<640x128xf32, #tpu.memory_space<hbm>>) target_semaphore(%run_scoped3A : memref<!tpu.dma_semaphore, #tpu.memory_space<semaphore_mem>>)
      %dma_wait3A_343 = arith.constant 0 : i32
      %dma_wait3A_344 = tpu.memref_slice %arg5[%arg0, %multiple_of3A, %dma_wait3A_343] : memref<2x10240x128xf32, #tpu.memory_space<hbm>> -> memref<1x640x128xf32, #tpu.memory_space<hbm>>
      %dma_wait3A_345 = tpu.memref_squeeze %dma_wait3A_344 : memref<1x640x128xf32, #tpu.memory_space<hbm>> -> memref<640x128xf32, #tpu.memory_space<hbm>>
      %dma_wait3A_346 = arith.constant 0 : i32
      %dma_wait3A_347 = tpu.memref_slice %arg14[%multiple_of3A, %dma_wait3A_346] : memref<10240x128xf32, #tpu.memory_space<vmem_shared>> -> memref<640x128xf32, #tpu.memory_space<vmem_shared>>
      tpu.wait_dma2 semaphore(%run_scoped3A : memref<!tpu.dma_semaphore, #tpu.memory_space<semaphore_mem>>) src(%dma_wait3A_347 : memref<640x128xf32, #tpu.memory_space<vmem_shared>>) dst(%dma_wait3A_345 : memref<640x128xf32, #tpu.memory_space<hbm>>)
      tpu.yield
    }) : () -> ()
    return
  }
}

module attributes {stable_mosaic.version = 14 : i64} {
  func.func @_tc_mid_body(%arg0: i32, %arg1: memref<2x2000x128xf32, #tpu.memory_space<vmem>>, %arg2: memref<2000x128xf32, #tpu.memory_space<vmem>>, %arg3: memref<2x2000x16xf32, #tpu.memory_space<vmem>>, %arg4: memref<1x128xf32, #tpu.memory_space<vmem>>, %arg5: memref<128x128xf32, #tpu.memory_space<vmem>>, %arg6: memref<2000x128xf32, #tpu.memory_space<vmem>>) attributes {dimension_semantics = [#tpu.dimension_semantics<arbitrary>], iteration_bounds = array<i64: 5>, scalar_prefetch = 0 : i64, scratch_operands = 0 : i64, tpu.core_type = #tpu.core_type<tc>, window_params = [{transform_indices = @transform_0, window_bounds = array<i64: 2, 2000, 128>}, {transform_indices = @transform_1, window_bounds = array<i64: 2000, 128>}, {transform_indices = @transform_2, window_bounds = array<i64: 2, 2000, 16>}, {pipeline_mode = #tpu.pipeline_mode<synchronous>, transform_indices = @transform_3, window_bounds = array<i64: 1, 128>}, {pipeline_mode = #tpu.pipeline_mode<synchronous>, transform_indices = @transform_4, window_bounds = array<i64: 128, 128>}, {transform_indices = @transform_5, window_bounds = array<i64: 2000, 128>}]} {
    %get3A = arith.constant 0 : index
    %get3A_0 = arith.constant 0 : index
    %get3A_1 = arith.constant 0 : index
    %get3A_2 = vector.load %arg3[%get3A, %get3A_0, %get3A_1] : memref<2x2000x16xf32, #tpu.memory_space<vmem>>, vector<1x2000x1xf32>
    %get3A_3 = vector.shape_cast %get3A_2 : vector<1x2000x1xf32> to vector<2000x1xf32>
    %get3A_4 = arith.constant 1 : index
    %get3A_5 = arith.constant 0 : index
    %get3A_6 = arith.constant 0 : index
    %get3A_7 = vector.load %arg3[%get3A_4, %get3A_5, %get3A_6] : memref<2x2000x16xf32, #tpu.memory_space<vmem>>, vector<1x2000x1xf32>
    %get3A_8 = vector.shape_cast %get3A_7 : vector<1x2000x1xf32> to vector<2000x1xf32>
    %add3A = arith.addf %get3A_3, %get3A_8 : vector<2000x1xf32>
    %add3A_9 = arith.constant 1.000000e+00 : f32
    %add3A_10 = vector.broadcast %add3A_9 : f32 to vector<2000x1xf32>
    %add3A_11 = arith.addf %add3A, %add3A_10 : vector<2000x1xf32>
    %rsqrt3A = math.rsqrt %add3A_11 : vector<2000x1xf32>
    %get3A_12 = arith.constant 0 : index
    %get3A_13 = arith.constant 0 : index
    %get3A_14 = arith.constant 0 : index
    %get3A_15 = vector.load %arg1[%get3A_12, %get3A_13, %get3A_14] : memref<2x2000x128xf32, #tpu.memory_space<vmem>>, vector<1x2000x128xf32>
    %get3A_16 = vector.shape_cast %get3A_15 : vector<1x2000x128xf32> to vector<2000x128xf32>
    %get3A_17 = arith.constant 1 : index
    %get3A_18 = arith.constant 0 : index
    %get3A_19 = arith.constant 0 : index
    %get3A_20 = vector.load %arg1[%get3A_17, %get3A_18, %get3A_19] : memref<2x2000x128xf32, #tpu.memory_space<vmem>>, vector<1x2000x128xf32>
    %get3A_21 = vector.shape_cast %get3A_20 : vector<1x2000x128xf32> to vector<2000x128xf32>
    %add3A_22 = arith.addf %get3A_16, %get3A_21 : vector<2000x128xf32>
    %get3A_23 = arith.constant 0 : index
    %get3A_24 = arith.constant 0 : index
    %get3A_25 = vector.load %arg2[%get3A_23, %get3A_24] : memref<2000x128xf32, #tpu.memory_space<vmem>>, vector<2000x128xf32>
    %add3A_26 = arith.addf %add3A_22, %get3A_25 : vector<2000x128xf32>
    %mul3A = vector.broadcast %rsqrt3A : vector<2000x1xf32> to vector<2000x128xf32>
    %mul3A_27 = arith.mulf %mul3A, %add3A_26 : vector<2000x128xf32>
    %get3A_28 = arith.constant 0 : index
    %get3A_29 = arith.constant 0 : index
    %get3A_30 = vector.load %arg4[%get3A_28, %get3A_29] : memref<1x128xf32, #tpu.memory_space<vmem>>, vector<1x128xf32>
    %add3A_31 = vector.broadcast %get3A_30 : vector<1x128xf32> to vector<2000x128xf32>
    %add3A_32 = arith.addf %mul3A_27, %add3A_31 : vector<2000x128xf32>
    %max3A = arith.constant 0.000000e+00 : f32
    %max3A_33 = vector.broadcast %max3A : f32 to vector<2000x128xf32>
    %max3A_34 = arith.maximumf %add3A_32, %max3A_33 : vector<2000x128xf32>
    %mul3A_35 = vector.broadcast %rsqrt3A : vector<2000x1xf32> to vector<2000x128xf32>
    %mul3A_36 = arith.mulf %max3A_34, %mul3A_35 : vector<2000x128xf32>
    %get3A_37 = arith.constant 0 : index
    %get3A_38 = arith.constant 0 : index
    %get3A_39 = vector.load %arg5[%get3A_37, %get3A_38] : memref<128x128xf32, #tpu.memory_space<vmem>>, vector<128x128xf32>
    %dot_general3A = arith.constant dense<0.000000e+00> : vector<2000x128xf32>
    %dot_general3A_40 = tpu.matmul %mul3A_36, %get3A_39, %dot_general3A {dimension_numbers = #tpu.dot_dimension_numbers<[1], [0], [0], [1], [0, 0, 1, 1], [], []>, transpose_lhs_hint = false} : vector<2000x128xf32>, vector<128x128xf32>, vector<2000x128xf32> -> vector<2000x128xf32>
    %swap3A = arith.constant 0 : index
    %swap3A_41 = arith.constant 0 : index
    %swap3A_42 = vector.load %arg6[%swap3A, %swap3A_41] : memref<2000x128xf32, #tpu.memory_space<vmem>>, vector<2000x128xf32>
    tpu.vector_store %arg6[%swap3A, %swap3A_41], %dot_general3A_40 {strides = array<i32>} : memref<2000x128xf32, #tpu.memory_space<vmem>>, vector<2000x128xf32>,
    return
  }
  func.func @transform_0(%arg0: i32) -> (i32, i32, i32) {
    %c0_i32 = arith.constant 0 : i32
    %c0_i32_0 = arith.constant 0 : i32
    %c0_i32_1 = arith.constant 0 : i32
    return %c0_i32, %arg0, %c0_i32_0 : i32, i32, i32
  }
  func.func @transform_1(%arg0: i32) -> (i32, i32) {
    %c0_i32 = arith.constant 0 : i32
    %c0_i32_0 = arith.constant 0 : i32
    return %arg0, %c0_i32 : i32, i32
  }
  func.func @transform_2(%arg0: i32) -> (i32, i32, i32) {
    %c0_i32 = arith.constant 0 : i32
    %c0_i32_0 = arith.constant 0 : i32
    %c0_i32_1 = arith.constant 0 : i32
    return %c0_i32, %arg0, %c0_i32_0 : i32, i32, i32
  }
  func.func @transform_3(%arg0: i32) -> (i32, i32) {
    %c0_i32 = arith.constant 0 : i32
    %c0_i32_0 = arith.constant 0 : i32
    %c0_i32_1 = arith.constant 0 : i32
    return %c0_i32, %c0_i32_0 : i32, i32
  }
  func.func @transform_4(%arg0: i32) -> (i32, i32) {
    %c0_i32 = arith.constant 0 : i32
    %c0_i32_0 = arith.constant 0 : i32
    %c0_i32_1 = arith.constant 0 : i32
    return %c0_i32, %c0_i32_0 : i32, i32
  }
  func.func @transform_5(%arg0: i32) -> (i32, i32) {
    %c0_i32 = arith.constant 0 : i32
    %c0_i32_0 = arith.constant 0 : i32
    return %arg0, %c0_i32 : i32, i32
  }
}

module attributes {stable_mosaic.version = 14 : i64} {
  func.func @_tc_first_body(%arg0: i32, %arg1: memref<2000x128xf32, #tpu.memory_space<vmem>>, %arg2: memref<2x2000x16xf32, #tpu.memory_space<vmem>>, %arg3: memref<128x128xf32, #tpu.memory_space<vmem>>, %arg4: memref<2000x128xf32, #tpu.memory_space<vmem>>) attributes {dimension_semantics = [#tpu.dimension_semantics<arbitrary>], iteration_bounds = array<i64: 5>, scalar_prefetch = 0 : i64, scratch_operands = 0 : i64, tpu.core_type = #tpu.core_type<tc>, window_params = [{transform_indices = @transform_0, window_bounds = array<i64: 2000, 128>}, {transform_indices = @transform_1, window_bounds = array<i64: 2, 2000, 16>}, {pipeline_mode = #tpu.pipeline_mode<synchronous>, transform_indices = @transform_2, window_bounds = array<i64: 128, 128>}, {transform_indices = @transform_3, window_bounds = array<i64: 2000, 128>}]} {
    %get3A = arith.constant 0 : index
    %get3A_0 = arith.constant 0 : index
    %get3A_1 = arith.constant 0 : index
    %get3A_2 = vector.load %arg2[%get3A, %get3A_0, %get3A_1] : memref<2x2000x16xf32, #tpu.memory_space<vmem>>, vector<1x2000x1xf32>
    %get3A_3 = vector.shape_cast %get3A_2 : vector<1x2000x1xf32> to vector<2000x1xf32>
    %get3A_4 = arith.constant 1 : index
    %get3A_5 = arith.constant 0 : index
    %get3A_6 = arith.constant 0 : index
    %get3A_7 = vector.load %arg2[%get3A_4, %get3A_5, %get3A_6] : memref<2x2000x16xf32, #tpu.memory_space<vmem>>, vector<1x2000x1xf32>
    %get3A_8 = vector.shape_cast %get3A_7 : vector<1x2000x1xf32> to vector<2000x1xf32>
    %add3A = arith.addf %get3A_3, %get3A_8 : vector<2000x1xf32>
    %add3A_9 = arith.constant 1.000000e+00 : f32
    %add3A_10 = vector.broadcast %add3A_9 : f32 to vector<2000x1xf32>
    %add3A_11 = arith.addf %add3A, %add3A_10 : vector<2000x1xf32>
    %rsqrt3A = math.rsqrt %add3A_11 : vector<2000x1xf32>
    %get3A_12 = arith.constant 0 : index
    %get3A_13 = arith.constant 0 : index
    %get3A_14 = vector.load %arg1[%get3A_12, %get3A_13] : memref<2000x128xf32, #tpu.memory_space<vmem>>, vector<2000x128xf32>
    %mul3A = vector.broadcast %rsqrt3A : vector<2000x1xf32> to vector<2000x128xf32>
    %mul3A_15 = arith.mulf %get3A_14, %mul3A : vector<2000x128xf32>
    %get3A_16 = arith.constant 0 : index
    %get3A_17 = arith.constant 0 : index
    %get3A_18 = vector.load %arg3[%get3A_16, %get3A_17] : memref<128x128xf32, #tpu.memory_space<vmem>>, vector<128x128xf32>
    %dot_general3A = arith.constant dense<0.000000e+00> : vector<2000x128xf32>
    %dot_general3A_19 = tpu.matmul %mul3A_15, %get3A_18, %dot_general3A {dimension_numbers = #tpu.dot_dimension_numbers<[1], [0], [0], [1], [0, 0, 1, 1], [], []>, transpose_lhs_hint = false} : vector<2000x128xf32>, vector<128x128xf32>, vector<2000x128xf32> -> vector<2000x128xf32>
    %swap3A = arith.constant 0 : index
    %swap3A_20 = arith.constant 0 : index
    %swap3A_21 = vector.load %arg4[%swap3A, %swap3A_20] : memref<2000x128xf32, #tpu.memory_space<vmem>>, vector<2000x128xf32>
    tpu.vector_store %arg4[%swap3A, %swap3A_20], %dot_general3A_19 {strides = array<i32>} : memref<2000x128xf32, #tpu.memory_space<vmem>>, vector<2000x128xf32>,
    return
  }
  func.func @transform_0(%arg0: i32) -> (i32, i32) {
    %c0_i32 = arith.constant 0 : i32
    %c0_i32_0 = arith.constant 0 : i32
    return %arg0, %c0_i32 : i32, i32
  }
  func.func @transform_1(%arg0: i32) -> (i32, i32, i32) {
    %c0_i32 = arith.constant 0 : i32
    %c0_i32_0 = arith.constant 0 : i32
    %c0_i32_1 = arith.constant 0 : i32
    return %c0_i32, %arg0, %c0_i32_0 : i32, i32, i32
  }
  func.func @transform_2(%arg0: i32) -> (i32, i32) {
    %c0_i32 = arith.constant 0 : i32
    %c0_i32_0 = arith.constant 0 : i32
    %c0_i32_1 = arith.constant 0 : i32
    return %c0_i32, %c0_i32_0 : i32, i32
  }
  func.func @transform_3(%arg0: i32) -> (i32, i32) {
    %c0_i32 = arith.constant 0 : i32
    %c0_i32_0 = arith.constant 0 : i32
    return %arg0, %c0_i32 : i32, i32
  }
}

module attributes {stable_mosaic.version = 14 : i64} {
  func.func @_tc_pool_body(%arg0: i32, %arg1: memref<2x2000x128xf32, #tpu.memory_space<vmem>>, %arg2: memref<2000x128xf32, #tpu.memory_space<vmem>>, %arg3: memref<2x2000x16xf32, #tpu.memory_space<vmem>>, %arg4: memref<1x128xf32, #tpu.memory_space<vmem>>, %arg5: memref<1x1x2000xi32, #tpu.memory_space<vmem>>, %arg6: memref<64x128xf32, #tpu.memory_space<vmem>>, %arg7: memref<64x128xf32, #tpu.memory_space<vmem>>) attributes {dimension_semantics = [#tpu.dimension_semantics<arbitrary>], iteration_bounds = array<i64: 5>, scalar_prefetch = 0 : i64, scratch_operands = 1 : i64, tpu.core_type = #tpu.core_type<tc>, window_params = [{transform_indices = @transform_0, window_bounds = array<i64: 2, 2000, 128>}, {transform_indices = @transform_1, window_bounds = array<i64: 2000, 128>}, {transform_indices = @transform_2, window_bounds = array<i64: 2, 2000, 16>}, {pipeline_mode = #tpu.pipeline_mode<synchronous>, transform_indices = @transform_3, window_bounds = array<i64: 1, 128>}, {transform_indices = @transform_4, window_bounds = array<i64: 1, 1, 2000>}, {pipeline_mode = #tpu.pipeline_mode<synchronous>, transform_indices = @transform_5, window_bounds = array<i64: 64, 128>}]} {
    %get3A = arith.constant 0 : index
    %get3A_0 = arith.constant 0 : index
    %get3A_1 = arith.constant 0 : index
    %get3A_2 = vector.load %arg3[%get3A, %get3A_0, %get3A_1] : memref<2x2000x16xf32, #tpu.memory_space<vmem>>, vector<1x2000x1xf32>
    %get3A_3 = vector.shape_cast %get3A_2 : vector<1x2000x1xf32> to vector<2000x1xf32>
    %get3A_4 = arith.constant 1 : index
    %get3A_5 = arith.constant 0 : index
    %get3A_6 = arith.constant 0 : index
    %get3A_7 = vector.load %arg3[%get3A_4, %get3A_5, %get3A_6] : memref<2x2000x16xf32, #tpu.memory_space<vmem>>, vector<1x2000x1xf32>
    %get3A_8 = vector.shape_cast %get3A_7 : vector<1x2000x1xf32> to vector<2000x1xf32>
    %add3A = arith.addf %get3A_3, %get3A_8 : vector<2000x1xf32>
    %add3A_9 = arith.constant 1.000000e+00 : f32
    %add3A_10 = vector.broadcast %add3A_9 : f32 to vector<2000x1xf32>
    %add3A_11 = arith.addf %add3A, %add3A_10 : vector<2000x1xf32>
    %rsqrt3A = math.rsqrt %add3A_11 : vector<2000x1xf32>
    %get3A_12 = arith.constant 0 : index
    %get3A_13 = arith.constant 0 : index
    %get3A_14 = arith.constant 0 : index
    %get3A_15 = vector.load %arg1[%get3A_12, %get3A_13, %get3A_14] : memref<2x2000x128xf32, #tpu.memory_space<vmem>>, vector<1x2000x128xf32>
    %get3A_16 = vector.shape_cast %get3A_15 : vector<1x2000x128xf32> to vector<2000x128xf32>
    %get3A_17 = arith.constant 1 : index
    %get3A_18 = arith.constant 0 : index
    %get3A_19 = arith.constant 0 : index
    %get3A_20 = vector.load %arg1[%get3A_17, %get3A_18, %get3A_19] : memref<2x2000x128xf32, #tpu.memory_space<vmem>>, vector<1x2000x128xf32>
    %get3A_21 = vector.shape_cast %get3A_20 : vector<1x2000x128xf32> to vector<2000x128xf32>
    %add3A_22 = arith.addf %get3A_16, %get3A_21 : vector<2000x128xf32>
    %get3A_23 = arith.constant 0 : index
    %get3A_24 = arith.constant 0 : index
    %get3A_25 = vector.load %arg2[%get3A_23, %get3A_24] : memref<2000x128xf32, #tpu.memory_space<vmem>>, vector<2000x128xf32>
    %add3A_26 = arith.addf %add3A_22, %get3A_25 : vector<2000x128xf32>
    %mul3A = vector.broadcast %rsqrt3A : vector<2000x1xf32> to vector<2000x128xf32>
    %mul3A_27 = arith.mulf %mul3A, %add3A_26 : vector<2000x128xf32>
    %get3A_28 = arith.constant 0 : index
    %get3A_29 = arith.constant 0 : index
    %get3A_30 = vector.load %arg4[%get3A_28, %get3A_29] : memref<1x128xf32, #tpu.memory_space<vmem>>, vector<1x128xf32>
    %add3A_31 = vector.broadcast %get3A_30 : vector<1x128xf32> to vector<2000x128xf32>
    %add3A_32 = arith.addf %mul3A_27, %add3A_31 : vector<2000x128xf32>
    %get3A_33 = arith.constant 0 : index
    %get3A_34 = arith.constant 0 : index
    %get3A_35 = arith.constant 0 : index
    %get3A_36 = vector.load %arg5[%get3A_33, %get3A_34, %get3A_35] : memref<1x1x2000xi32, #tpu.memory_space<vmem>>, vector<1x1x2000xi32>
    %get3A_37 = vector.shape_cast %get3A_36 : vector<1x1x2000xi32> to vector<2000xi32>
    %broadcast_in_dim3A = vector.shape_cast %get3A_37 : vector<2000xi32> to vector<2000x1xi32>
    %iota3A = tpu.iota {dimensions = array<i32: 1>} : vector<2000x64xi32>
    %eq3A = vector.broadcast %broadcast_in_dim3A : vector<2000x1xi32> to vector<2000x64xi32>
    %eq3A_38 = arith.cmpi eq, %eq3A, %iota3A : vector<2000x64xi32>
    %convert_element_type3A = arith.extui %eq3A_38 : vector<2000x64xi1> to vector<2000x64xi32>
    %convert_element_type3A_39 = arith.sitofp %convert_element_type3A : vector<2000x64xi32> to vector<2000x64xf32>
    %dot_general3A = arith.constant dense<0.000000e+00> : vector<64x128xf32>
    %dot_general3A_40 = tpu.matmul %convert_element_type3A_39, %add3A_32, %dot_general3A {dimension_numbers = #tpu.dot_dimension_numbers<[0], [0], [1], [1], [0, 1, 1, 1], [], []>, transpose_lhs_hint = false} : vector<2000x64xf32>, vector<2000x128xf32>, vector<64x128xf32> -> vector<64x128xf32>
    %reduce_sum3A = arith.constant dense<0.000000e+00> : vector<64xf32>
    %reduce_sum3A_41 = vector.multi_reduction <add>, %convert_element_type3A_39, %reduce_sum3A [0] : vector<2000x64xf32> to vector<64xf32>
    %broadcast_in_dim3A_42 = vector.shape_cast %reduce_sum3A_41 : vector<64xf32> to vector<64x1xf32>
    %broadcast_in_dim3A_43 = vector.shape_cast %broadcast_in_dim3A_42 : vector<64x1xf32> to vector<64x1xf32>
    %broadcast_in_dim3A_44 = vector.broadcast %broadcast_in_dim3A_43 : vector<64x1xf32> to vector<64x128xf32>
    %eq3A_45 = arith.constant 0 : i32
    %eq3A_46 = arith.cmpi eq, %arg0, %eq3A_45 : i32
    %convert_element_type3A_47 = arith.extui %eq3A_46 : i1 to i32
    %cond3A = arith.constant 0 : i32
    %cond3A_48 = arith.cmpi ne, %convert_element_type3A_47, %cond3A : i32
    scf.if %cond3A_48 {
      %swap3A = arith.constant 0 : index
      %swap3A_58 = arith.constant 0 : index
      %swap3A_59 = vector.load %arg6[%swap3A, %swap3A_58] : memref<64x128xf32, #tpu.memory_space<vmem>>, vector<64x128xf32>
      tpu.vector_store %arg6[%swap3A, %swap3A_58], %dot_general3A_40 {strides = array<i32>} : memref<64x128xf32, #tpu.memory_space<vmem>>, vector<64x128xf32>,
      %swap3A_60 = arith.constant 0 : index
      %swap3A_61 = arith.constant 0 : index
      %swap3A_62 = vector.load %arg7[%swap3A_60, %swap3A_61] : memref<64x128xf32, #tpu.memory_space<vmem>>, vector<64x128xf32>
      tpu.vector_store %arg7[%swap3A_60, %swap3A_61], %broadcast_in_dim3A_44 {strides = array<i32>} : memref<64x128xf32, #tpu.memory_space<vmem>>, vector<64x128xf32>,
    } else {
    }
    %gt3A = arith.constant 0 : i32
    %gt3A_49 = arith.cmpi sgt, %arg0, %gt3A : i32
    %convert_element_type3A_50 = arith.extui %gt3A_49 : i1 to i32
    %cond3A_51 = arith.constant 0 : i32
    %cond3A_52 = arith.cmpi ne, %convert_element_type3A_50, %cond3A_51 : i32
    scf.if %cond3A_52 {
      %get3A_58 = arith.constant 0 : index
      %get3A_59 = arith.constant 0 : index
      %get3A_60 = vector.load %arg6[%get3A_58, %get3A_59] : memref<64x128xf32, #tpu.memory_space<vmem>>, vector<64x128xf32>
      %add3A_61 = arith.addf %get3A_60, %dot_general3A_40 : vector<64x128xf32>
      %swap3A = arith.constant 0 : index
      %swap3A_62 = arith.constant 0 : index
      %swap3A_63 = vector.load %arg6[%swap3A, %swap3A_62] : memref<64x128xf32, #tpu.memory_space<vmem>>, vector<64x128xf32>
      tpu.vector_store %arg6[%swap3A, %swap3A_62], %add3A_61 {strides = array<i32>} : memref<64x128xf32, #tpu.memory_space<vmem>>, vector<64x128xf32>,
      %get3A_64 = arith.constant 0 : index
      %get3A_65 = arith.constant 0 : index
      %get3A_66 = vector.load %arg7[%get3A_64, %get3A_65] : memref<64x128xf32, #tpu.memory_space<vmem>>, vector<64x128xf32>
      %add3A_67 = arith.addf %get3A_66, %broadcast_in_dim3A_44 : vector<64x128xf32>
      %swap3A_68 = arith.constant 0 : index
      %swap3A_69 = arith.constant 0 : index
      %swap3A_70 = vector.load %arg7[%swap3A_68, %swap3A_69] : memref<64x128xf32, #tpu.memory_space<vmem>>, vector<64x128xf32>
      tpu.vector_store %arg7[%swap3A_68, %swap3A_69], %add3A_67 {strides = array<i32>} : memref<64x128xf32, #tpu.memory_space<vmem>>, vector<64x128xf32>,
    } else {
    }
    %eq3A_53 = arith.constant 4 : i32
    %eq3A_54 = arith.cmpi eq, %arg0, %eq3A_53 : i32
    %convert_element_type3A_55 = arith.extui %eq3A_54 : i1 to i32
    %cond3A_56 = arith.constant 0 : i32
    %cond3A_57 = arith.cmpi ne, %convert_element_type3A_55, %cond3A_56 : i32
    scf.if %cond3A_57 {
      %get3A_58 = arith.constant 0 : index
      %get3A_59 = arith.constant 0 : index
      %get3A_60 = vector.load %arg6[%get3A_58, %get3A_59] : memref<64x128xf32, #tpu.memory_space<vmem>>, vector<64x128xf32>
      %get3A_61 = arith.constant 0 : index
      %get3A_62 = arith.constant 0 : index
      %get3A_63 = vector.load %arg7[%get3A_61, %get3A_62] : memref<64x128xf32, #tpu.memory_space<vmem>>, vector<64x128xf32>
      %max3A = arith.constant 1.000000e+00 : f32
      %max3A_64 = vector.broadcast %max3A : f32 to vector<64x128xf32>
      %max3A_65 = arith.maximumf %get3A_63, %max3A_64 : vector<64x128xf32>
      %div3A = arith.divf %get3A_60, %max3A_65 : vector<64x128xf32>
      %swap3A = arith.constant 0 : index
      %swap3A_66 = arith.constant 0 : index
      %swap3A_67 = vector.load %arg6[%swap3A, %swap3A_66] : memref<64x128xf32, #tpu.memory_space<vmem>>, vector<64x128xf32>
      tpu.vector_store %arg6[%swap3A, %swap3A_66], %div3A {strides = array<i32>} : memref<64x128xf32, #tpu.memory_space<vmem>>, vector<64x128xf32>,
    } else {
    }
    return
  }
  func.func @transform_0(%arg0: i32) -> (i32, i32, i32) {
    %c0_i32 = arith.constant 0 : i32
    %c0_i32_0 = arith.constant 0 : i32
    %c0_i32_1 = arith.constant 0 : i32
    return %c0_i32, %arg0, %c0_i32_0 : i32, i32, i32
  }
  func.func @transform_1(%arg0: i32) -> (i32, i32) {
    %c0_i32 = arith.constant 0 : i32
    %c0_i32_0 = arith.constant 0 : i32
    return %arg0, %c0_i32 : i32, i32
  }
  func.func @transform_2(%arg0: i32) -> (i32, i32, i32) {
    %c0_i32 = arith.constant 0 : i32
    %c0_i32_0 = arith.constant 0 : i32
    %c0_i32_1 = arith.constant 0 : i32
    return %c0_i32, %arg0, %c0_i32_0 : i32, i32, i32
  }
  func.func @transform_3(%arg0: i32) -> (i32, i32) {
    %c0_i32 = arith.constant 0 : i32
    %c0_i32_0 = arith.constant 0 : i32
    %c0_i32_1 = arith.constant 0 : i32
    return %c0_i32, %c0_i32_0 : i32, i32
  }
  func.func @transform_4(%arg0: i32) -> (i32, i32, i32) {
    %c0_i32 = arith.constant 0 : i32
    %c0_i32_0 = arith.constant 0 : i32
    %c0_i32_1 = arith.constant 0 : i32
    return %arg0, %c0_i32, %c0_i32_0 : i32, i32, i32
  }
  func.func @transform_5(%arg0: i32) -> (i32, i32) {
    %c0_i32 = arith.constant 0 : i32
    %c0_i32_0 = arith.constant 0 : i32
    %c0_i32_1 = arith.constant 0 : i32
    return %c0_i32, %c0_i32_0 : i32, i32
  }
}

</mosaic_0001>

<sc_bundles>
// kernel: kernel.10.cloned.1.call-start
scs
__scs_entry_jumppad:
0x0: {  	(pc) =	sbr.rel $0x88, $3  }
0x1: {  	(tag) =	ssettag $0x0;
	lr =	simm.s32 $0x1  }
0x2: {  	[smem:$0x3F98] =	sst lr;
	_ =	strace $0xD0000000  }
0x3: {  	_ = 	snop  }
0x4: {  	_ = 	snop  }
0x5: {  	_ = 	snop  }
0x6: {  	_ = 	snop  }
0x7: {  	_ = 	snop  }
__scs_overlays_trampoline_lowered:
0x8: {  	[smem:$0x3FA7] =	sst s0  }
0x9: {  	[smem:$0x3FA8] =	sst s1  }
0xa: {  	[smem:$0x3FA9] =	sst s2  }
0xb: {  	[smem:$0x3FAA] =	sst s3  }
0xc: {  	[smem:$0x3FAB] =	sst s4  }
0xd: {  	[smem:$0x3FAC] =	sst s5  }
0xe: {  	[smem:$0x3FAD] =	sst s6  }
0xf: {  	[smem:$0x3FAE] =	sst s7  }
0x10: {  	[smem:$0x3FAF] =	sst s8  }
0x11: {  	[smem:$0x3FB0] =	sst s9;
	s0 =	simm.s32 @!p0 $0x0  }
0x12: {  	s1 =	sld [smem:$0x3F96];
	s0 =	simm.s32 @p0 $0x1  }
0x13: {  	[smem:$0x3FB1] =	sst s0;
	s0 =	simm.s32 @!p1 $0x0  }
0x14: {  	s2 =	sld [smem:$0x3F95];
	s0 =	simm.s32 @p1 $0x1  }
0x15: {  	[smem:$0x3FB2] =	sst s0;
	s0 =	simm.s32 @!p2 $0x0  }
0x16: {  	s3 =	sld [smem:$0x3FDB];
	s0 =	simm.s32 @p2 $0x1  }
0x17: {  	s4 =	simm.s32 $0x1BF5;
	[smem:$0x3FB4] =	sst s0  }
0x18: {  	s0 =	sld [smem:$0x3F97];
	_ =	swait.ge [sflag:s4], $0x0  }
0x19: {  	s7 =	sld [smem:$0x3F98]  }
0x1a: {  	s8 =	sadd.s32 $0xFFFFE003, lr  }
0x1b: {  	s9 =	sadd.s32 $0xFFFFFEF7, lr;
	s5 =	simm.s32 $0xFFFFFFFF;
	p2 =	slt.u32 s8, $0xFFFFF086  }
0x1c: {  	p1 =	slt.u32 s9, $0xF7A;
	s5 =	simm.s32 @!p2 $0x0  }
0x1d: {  	s5 =	simm.s32 @p1 $0x1;
	p0 =	seq.s32 s7, s2  }
0x1e: {  	s7 =	smul.u32 @!p0 $0xF7A, s2;
	p2 =	seq.s32 @!p0 s5, $0x0  }
0x1f: {  	s9 =	smul.u32 $0xF7A, s1;
	s8 =	simm.s32 @!p0 $0x1BF5;
	p2 =	por !p2, p0  }
0x20: {  	[sflag:s8] =	ssyncset.s32 @!p0 $0xFFFFF086;
	s6 =	sadd.s32 @!p0 s3, s7;
	s7 =	simm.s32 @!p0 $0x108  }
0x21: {  	s3 =	sadd.s32 s3, s9;
	s6 =	sadd.s32 @!p0 $0x88, s6;
	s7 =	simm.s32 @p2 $0x1082  }
0x22: {  	[simem:s7], [sflag:s8] =	dma.local @!p0 [hbm:s6], $0xF7A  }
0x23: {  	s9 =	sor.u32 $0xD0000000, s2;
	s6 =	simm.s32 $0x108;
	_ =	swait.ge @!p0 [sflag:s8], $0x0  }
0x24: {  	s3 =	sadd.s32 $0x88, s3;
	s6 =	simm.s32 @!p1 $0x1082;
	[sflag:s4] =	ssyncset.s32 $0xFFFFF086  }
0x25: {  	[simem:s6], [sflag:s4] =	dma.local [hbm:s3], $0xF7A  }
0x26: {  	[smem:$0x3F98] =	sst s1;
	(tag) =	ssettag s2;
	_ =	strace s9  }
0x27: {  	s1 =	sld [smem:$0x3FA8]  }
0x28: {  	s2 =	sld [smem:$0x3FA9]  }
0x29: {  	s4 =	sld [smem:$0x3FAB]  }
0x2a: {  	p0 =	seq.s32 s5, $0x0;
	s5 =	sld [smem:$0x3FAC]  }
0x2b: {  	s6 =	sld [smem:$0x3FAD]  }
0x2c: {  	s7 =	sld [smem:$0x3FAE]  }
0x2d: {  	s3 =	simm.s32 $0x108;
	s8 =	sld [smem:$0x3FAF]  }
0x2e: {  	s3 =	simm.s32 @!p0 $0x1082;
	s9 =	sld [smem:$0x3FB0]  }
0x2f: {  	lr =	sadd.s32 s0, s3;
	s0 =	sld [smem:$0x3FA7]  }
0x30: {  	s3 =	sld [smem:$0x3FAA]  }
0x31: {  	[smem:$0x3FB3] =	sst s10  }
0x32: {  	s10 =	sld [smem:$0x3FB1];
	_ =	sdelay $0x3  }
0x33: {  	p0 =	seq.s32 s10, $0x1;
	s10 =	sld [smem:$0x3FB3];
	_ =	sdelay $0x3  }
0x34: {  	[smem:$0x3FB3] =	sst s10  }
0x35: {  	s10 =	sld [smem:$0x3FB2];
	_ =	sdelay $0x3  }
0x36: {  	p1 =	seq.s32 s10, $0x1;
	s10 =	sld [smem:$0x3FB3];
	_ =	sdelay $0x3  }
0x37: {  	[smem:$0x3FB3] =	sst s10  }
0x38: {  	s10 =	sld [smem:$0x3FB4]  }
0x39: {  	_ = 	snop;
	(pc) =	sbr.ind lr, $3  }
0x3a: {  	_ = 	snop  }
0x3b: {  	_ = 	snop  }
0x3c: {  	p2 =	seq.s32 s10, $0x1;
	s10 =	sld [smem:$0x3FB3]  }
0x3d: {  	_ =	shalt  }
0x3e: {  	_ =	shalt  }
0x3f: {  	_ =	shalt  }
0x40: {  	_ =	shalt  }
0x41: {  	_ =	shalt  }
0x42: {  	_ =	shalt  }
0x43: {  	_ =	shalt  }
0x44: {  	_ =	shalt  }
0x45: {  	_ =	shalt  }
0x46: {  	_ =	shalt  }
0x47: {  	_ =	shalt  }
0x48: {  	_ =	shalt  }
0x49: {  	_ =	shalt  }
0x4a: {  	_ =	shalt  }
0x4b: {  	_ =	shalt  }
0x4c: {  	_ =	shalt  }
0x4d: {  	_ =	shalt  }
0x4e: {  	_ =	shalt  }
0x4f: {  	_ =	shalt  }
0x50: {  	_ =	shalt  }
0x51: {  	_ =	shalt  }
0x52: {  	_ =	shalt  }
0x53: {  	_ =	shalt  }
0x54: {  	_ =	shalt  }
0x55: {  	_ =	shalt  }
0x56: {  	_ =	shalt  }
0x57: {  	_ =	shalt  }
0x58: {  	_ =	shalt  }
0x59: {  	_ =	shalt  }
0x5a: {  	_ =	shalt  }
0x5b: {  	_ =	shalt  }
0x5c: {  	_ =	shalt  }
0x5d: {  	_ =	shalt  }
0x5e: {  	_ =	shalt  }
0x5f: {  	_ =	shalt  }
0x60: {  	_ =	shalt  }
0x61: {  	_ =	shalt  }
0x62: {  	_ =	shalt  }
0x63: {  	_ =	shalt  }
0x64: {  	_ =	shalt  }
0x65: {  	_ =	shalt  }
0x66: {  	_ =	shalt  }
0x67: {  	_ =	shalt  }
0x68: {  	_ =	shalt  }
0x69: {  	_ =	shalt  }
0x6a: {  	_ =	shalt  }
0x6b: {  	_ =	shalt  }
0x6c: {  	_ =	shalt  }
0x6d: {  	_ =	shalt  }
0x6e: {  	_ =	shalt  }
0x6f: {  	_ =	shalt  }
0x70: {  	_ =	shalt  }
0x71: {  	_ =	shalt  }
0x72: {  	_ =	shalt  }
0x73: {  	_ =	shalt  }
0x74: {  	_ =	shalt  }
0x75: {  	_ =	shalt  }
0x76: {  	_ =	shalt  }
0x77: {  	_ =	shalt  }
0x78: {  	_ =	shalt  }
0x79: {  	_ =	shalt  }
0x7a: {  	_ =	shalt  }
0x7b: {  	_ =	shalt  }
0x7c: {  	_ =	shalt  }
0x7d: {  	_ =	shalt  }
0x7e: {  	_ =	shalt  }
0x7f: {  	_ =	shalt  }
0x80: {  	_ =	shalt  }
0x81: {  	_ =	shalt  }
0x82: {  	_ =	shalt  }
0x83: {  	_ =	shalt  }
0x84: {  	_ =	shalt  }
0x85: {  	_ =	shalt  }
0x86: {  	_ =	shalt  }
0x87: {  	_ =	shalt  }
.Lfunc_end0:
.L_simem_size_0:
called_computation_lowered:
.L_overlay_start_0:
0x88: {  	s2 =	sld [smem:$0x3FD9]  }
0x89: {  	s3 =	sld [smem:$0x3FFE];
	_ =	sdelay $0x1  }
0x8a: {  	s1 =	srdreg.scid  }
0x8b: {  	s0 =	sand.u32 $0x1, s1  }
0x8c: {  	s16 =	sshll.u32 s0, $0xA;
	s2 =	sadd.s32 s3, s2  }
0x8d: {  	s2 =	sadd.s32 s2, s16  }
0x8e: {  	[smem:$0x3FBF] =	sst s2  }
0x8f: {  	_ = 	snop  }
0x90: {  	(tm) =	ssettm $0x1  }
0x91: {  	s17 =	sld [smem:$0x3FFB];
	_ =	sdelay $0x3  }
0x92: {  	_ =	strace s17  }
0x93: {  	s2 =	sld [smem:$0x3FFC];
	_ =	sdelay $0x3  }
0x94: {  	_ =	strace s2  }
0x95: {  	s2 =	sld [smem:$0x3FFD];
	_ =	sdelay $0x3  }
0x96: {  	_ =	strace s2  }
0x97: {  	_ =	strace $0x8FFFFFFF  }
0x98: {  	s18 =	sld [smem:$0x3FDB];
	_ =	sdelay $0x1  }
0x99: {  	s19 =	simm.s32 $_scs_section_size  }
0x9a: {  	s4 =	simm.s32 $_size__tile_overlayer_lowered;
	s5 =	simm.s32 $_tile_overlayer_lowered  }
0x9b: {  	s22 =	simm.s32 $0x1BFF;
	s21 =	sshll.u32 s5, $0x1;
	s2 =	sadd.s32 s19, s18  }
0x9c: {  	s6 =	simm.s32 $0x0;
	s20 =	sshll.u32 s4, $0x1;
	s4 =	sadd.s32 s21, s2  }
0x9d: {  	[timem:s6], [sflag:s22] =	dma.local [hbm:s4], s20  }
0x9e: {  	_ =	swait.ge [sflag:s22], s20  }
0x9f: {  	s3 =	ssub.s32 $0x0, s20;
	[sflag:s22] =	ssyncset.done $0x0  }
0xa0: {  	[sflag:s22] =	ssyncadd.s32 s3;
	_ =	sdelay $0x1  }
0xa1: {  	s23 =	simm.s32 $0x1B8B  }
0xa2: {  	_ =	swait.ge [sflag:s23], $0x1  }
0xa3: {  	[sflag:s23] =	ssyncset.done $0x0  }
0xa4: {  	s25 =	simm.s32 $0x1B8E;
	s24 =	sld [smem:$0x3FFE];
	[sflag:s23] =	ssyncadd.s32 $0xFFFFFFFF  }
0xa5: {  	s26 =	simm.s32 $execute0_lowered;
	[smem:$0x3FD2] =	sst s25  }
0xa6: {  	s4 =	sshll.u32 s26, $0x1;
	_ =	strace $0x80000046;
	[dreg:$0x1] =	wrdreg $0xFFFFFFFF  }
0xa7: {  	s28 =	simm.s32 $_size_execute0_lowered;
	s2 =	sadd.s32 s2, s4;
	[dreg:$0x0] =	wrdreg $0x0  }
0xa8: {  	s4 =	sshll.u32 s28, $0x1;
	[dreg:$0x2] =	wrdreg s2  }
0xa9: {  	[dreg:$0x3] =	wrdreg s4  }
0xaa: {  	[dreg:$0x4] =	wrdreg $0xC0  }
0xab: {  	_ =	task [dreg:s6], $0x5FFFF  }
0xac: {  	[dreg:$0x1] =	wrdreg $0xFFFFFFFF  }
0xad: {  	[dreg:$0x0] =	wrdreg $0x60  }
0xae: {  	[dreg:$0x2] =	wrdreg s24  }
0xaf: {  	[dreg:$0x3] =	wrdreg $0x78000  }
0xb0: {  	[dreg:$0x4] =	wrdreg $0x9  }
0xb1: {  	_ =	task.clear_ibuf [dreg:s6], $0x5FFFF;
	_ =	strace $0x90000046  }
0xb2: {  	s29 =	simm.s32 $0x9;
	_ =	strace $0x80000048  }
0xb3: {  	_ =	swait.ge [sflag:s29], $0x1  }
0xb4: {  	[sflag:s29] =	ssyncadd.s32 $0xFFFFFFFF  }
0xb5: {  	_ =	strace $0x90000048  }
0xb6: {  	_ =	sfence  }
0xb7: {  	s30 =	sld [smem:$0x0];
	_ =	sdelay $0x2  }
0xb8: {  	s31 =	sshll.u32 s1, $0xD;
	s1 =	sshrl.u32 s1, $0x2  }
0xb9: {  	s3 =	sand.u32 $0x4000, s31;
	s1 =	sadd.s32 s1, s30  }
0xba: {  	s0 =	sor.u32 s3, s0;
	s1 =	sshll.u32 s1, $0x11  }
0xbb: {  	s0 =	sor.u32 s1, s0  }
0xbc: {  	s0 =	sadd.s32 $0x8F2B, s0  }
0xbd: {  	[sflag:s0] =	ssyncadd.remote.s32 $0x1  }
0xbe: {  	_ =	sfence.sel $0xFFFF  }
0xbf: {  	[dreg:$0x0] =	wrdreg $0xFFFFFFFF;
	(pc) =	sbr.abs _section_cstart, $3  }
0xc0: {  	[dreg:$0x1] =	wrdreg $0xFFFFFFFF  }
0xc1: {  	_ =	task.clear_ibuf [dreg:s6], $0x2FFFF;
	_ =	strace $0x9FFFFFFF  }
0xc2: {  	(tm) =	ssettm $0x7FFFFFFF  }
0xc3: {  	_ =	shalt  }
tec
execute0_lowered:
.L_overlay_start_1:
0x0: {  	(tag) =	ssettag $0x1  }
0x1: {  	s0 =	srdreg.scid  }
0x2: {  	s6 =	stileid.u32;
	s3 =	rddreg [dreg:$0x0]  }
0x3: {  	s2 =	rddreg [dreg:$0x1];
	s7 =	simm.s32 $0x0;
	s28 =	simm.s32 $0x6800  }
0x4: {  	s29 =	simm.s32 $0x2;
	s30 =	simm.s32 $0x1;
	s31 =	simm.s32 $0x7D  }
0x5: {  	s0 =	sand.u32 $0x1, s0;
	s5 =	smul.u32 $0x14000, s6;
	[smem:$0x7FF] =	sst s7  }
0x6: {  	s1 =	sshll.u32 s0, $0x4;
	s4 =	smul.u32 $0x140000, s0;
	_ =	strace $0x80000047  }
0x7: {  	s0 =	ssub.s32 $0x2, s0;
	s1 =	sor.u32 s6, s1;
	s6 =	smul.u32 $0x50000, s6  }
0x8: {  	s25 =	sshrl.u32 s0, $0x1;
	s1 =	smul.u32 $0x500, s1;
	s4 =	sadd.s32 s5, s4  }
0x9: {  	s0 =	ssub.s32 s0, s25;
	s4 =	sshrl.u32 s4, $0x3;
	s24 =	sshrl.u32 s6, $0x2  }
0xa: {  	s25 =	smax.u32 s0, $0x1;
	s0 =	simm.s32 $0x3;
	s1 =	sadd.s32 s1, s3  }
0xb: {  	s3 =	sadd.s32 s4, s3;
	s4 =	sadd.s32 s24, s2;
	s1 =	sadd.s32 $0x3200, s1  }
0xc: {  	s26 =	sadd.s32 $0x1000, s4;
	s7 =	sadd.s32 $0x2000, s4;
	s8 =	sadd.s32 $0x3000, s4  }
0xd: {  	s9 =	sadd.s32 $0x4000, s4;
	s10 =	sadd.s32 $0x5000, s4;
	s11 =	sadd.s32 $0x6000, s4  }
0xe: {  	s12 =	sadd.s32 $0x7000, s4;
	s13 =	sadd.s32 $0x8000, s4;
	s14 =	sadd.s32 $0x9000, s4  }
0xf: {  	s15 =	sadd.s32 $0xA000, s4;
	s16 =	sadd.s32 $0xB000, s4;
	s17 =	sadd.s32 $0xC000, s4  }
0x10: {  	s18 =	sadd.s32 $0xD000, s4;
	s19 =	sadd.s32 $0xE000, s4;
	s20 =	sadd.s32 $0xF000, s4  }
0x11: {  	s21 =	sadd.s32 $0x10000, s4;
	s22 =	sadd.s32 $0x11000, s4;
	s23 =	sadd.s32 $0x12000, s4  }
0x12: {  	s24 =	sadd.s32 $0xD200, s3;
	s3 =	simm.s32 $0x0;
	[dreg:$0x3] =	wrdreg s1  }
0x13: {  	v0 =	vimm.f32 $1.000000000e+00;
	v1 =	vimm.f32 $0.0e+00;
	[dreg:$0x4] =	wrdreg s26;
	s26 =	sadd.s32 $0x13000, s4;
	s1 =	simm.s32 $0x2800  }
.LBB2_1:
0x14: {  	s5 =	simm.s32 $0x0;
	s6 =	rddreg [dreg:$0x3]  }
0x15: {  	[tilespmem:s5], [sflag:$0x1] =	stream.linear.gather [hbm4b:s6+s5], $0x2800, $0x38;
	[tilespmem:$0xA000] =	vst v63  }
0x16: {  	s5 =	simm.s32 $0x200;
	s6 =	simm.s32 $0x0  }
.LBB2_2:
0x17: {  	p0 =	sne.s32 s5, $0xF800;
	[tilespmem:s6+$0x2800] =	vst v0;
	s6 =	smov.u32 s5;
	s5 =	sadd.s32 $0x200, s5  }
.Ltmp0:
0x18: {  	(pc) =	sbr.rel @p0 .LBB2_2-.Ltmp0, $2  }
0x19: {  	_ =	sdelay $0x2  }
0x1a: {  	s6 =	sshra.s32 s6, $0x2  }
0x1b: {  	[tilespmem:s6+$0x2800] =	vst v0  }
0x1c: {  	[tilespmem:$0x6800] =	vst v1  }
0x1d: {  	[tilespmem:$0x6880] =	vst v1  }
0x1e: {  	[tilespmem:$0x6900] =	vst v1  }
0x1f: {  	[tilespmem:$0x6980] =	vst v1  }
0x20: {  	[tilespmem:$0x6A00] =	vst v1  }
0x21: {  	[tilespmem:$0x6A80] =	vst v1  }
0x22: {  	[tilespmem:$0x6B00] =	vst v1  }
0x23: {  	[tilespmem:$0x6B80] =	vst v1  }
0x24: {  	[tilespmem:$0x6C00] =	vst v1  }
0x25: {  	[tilespmem:$0x6C80] =	vst v1  }
0x26: {  	[tilespmem:$0x6D00] =	vst v1  }
0x27: {  	[tilespmem:$0x6D80] =	vst v1  }
0x28: {  	[tilespmem:$0x6E00] =	vst v1  }
0x29: {  	[tilespmem:$0x6E80] =	vst v1  }
0x2a: {  	[tilespmem:$0x6F00] =	vst v1  }
0x2b: {  	[tilespmem:$0x6F80] =	vst v1  }
0x2c: {  	[tilespmem:$0x7000] =	vst v1  }
0x2d: {  	[tilespmem:$0x7080] =	vst v1  }
0x2e: {  	[tilespmem:$0x7100] =	vst v1  }
0x2f: {  	[tilespmem:$0x7180] =	vst v1  }
0x30: {  	[tilespmem:$0x7200] =	vst v1  }
0x31: {  	[tilespmem:$0x7280] =	vst v1  }
0x32: {  	[tilespmem:$0x7300] =	vst v1  }
0x33: {  	[tilespmem:$0x7380] =	vst v1  }
0x34: {  	[tilespmem:$0x7400] =	vst v1  }
0x35: {  	[tilespmem:$0x7480] =	vst v1  }
0x36: {  	[tilespmem:$0x7500] =	vst v1  }
0x37: {  	[tilespmem:$0x7580] =	vst v1  }
0x38: {  	[tilespmem:$0x7600] =	vst v1  }
0x39: {  	[tilespmem:$0x7680] =	vst v1  }
0x3a: {  	[tilespmem:$0x7700] =	vst v1  }
0x3b: {  	[tilespmem:$0x7780] =	vst v1  }
0x3c: {  	[spmem:s4] =	stream.linear.scatter [tilespmem:s28], [sflag:$0x2], $0x1000, $0x38;
	[tilespmem:$0xA000] =	vst v63  }
0x3d: {  	s5 =	rddreg [dreg:$0x4]  }
0x3e: {  	[spmem:s5] =	stream.linear.scatter [tilespmem:s28], [sflag:$0x2], $0x1000, $0x38;
	[tilespmem:$0xA000] =	vst v63  }
0x3f: {  	_ = 	snop  }
0x40: {  	[spmem:s7] =	stream.linear.scatter [tilespmem:s28], [sflag:$0x2], $0x1000, $0x38;
	[tilespmem:$0xA000] =	vst v63  }
0x41: {  	_ = 	snop  }
0x42: {  	[spmem:s8] =	stream.linear.scatter [tilespmem:s28], [sflag:$0x2], $0x1000, $0x38;
	[tilespmem:$0xA000] =	vst v63  }
0x43: {  	_ = 	snop  }
0x44: {  	[spmem:s9] =	stream.linear.scatter [tilespmem:s28], [sflag:$0x2], $0x1000, $0x38;
	[tilespmem:$0xA000] =	vst v63  }
0x45: {  	_ = 	snop  }
0x46: {  	[spmem:s10] =	stream.linear.scatter [tilespmem:s28], [sflag:$0x2], $0x1000, $0x38;
	[tilespmem:$0xA000] =	vst v63  }
0x47: {  	_ = 	snop  }
0x48: {  	[spmem:s11] =	stream.linear.scatter [tilespmem:s28], [sflag:$0x2], $0x1000, $0x38;
	[tilespmem:$0xA000] =	vst v63  }
0x49: {  	_ = 	snop  }
0x4a: {  	[spmem:s12] =	stream.linear.scatter [tilespmem:s28], [sflag:$0x2], $0x1000, $0x38;
	[tilespmem:$0xA000] =	vst v63  }
0x4b: {  	_ = 	snop  }
0x4c: {  	[spmem:s13] =	stream.linear.scatter [tilespmem:s28], [sflag:$0x2], $0x1000, $0x38;
	[tilespmem:$0xA000] =	vst v63  }
0x4d: {  	_ = 	snop  }
0x4e: {  	[spmem:s14] =	stream.linear.scatter [tilespmem:s28], [sflag:$0x2], $0x1000, $0x38;
	[tilespmem:$0xA000] =	vst v63  }
0x4f: {  	_ = 	snop  }
0x50: {  	[spmem:s15] =	stream.linear.scatter [tilespmem:s28], [sflag:$0x2], $0x1000, $0x38;
	[tilespmem:$0xA000] =	vst v63  }
0x51: {  	_ = 	snop  }
0x52: {  	[spmem:s16] =	stream.linear.scatter [tilespmem:s28], [sflag:$0x2], $0x1000, $0x38;
	[tilespmem:$0xA000] =	vst v63  }
0x53: {  	_ = 	snop  }
0x54: {  	[spmem:s17] =	stream.linear.scatter [tilespmem:s28], [sflag:$0x2], $0x1000, $0x38;
	[tilespmem:$0xA000] =	vst v63  }
0x55: {  	_ = 	snop  }
0x56: {  	[spmem:s18] =	stream.linear.scatter [tilespmem:s28], [sflag:$0x2], $0x1000, $0x38;
	[tilespmem:$0xA000] =	vst v63  }
0x57: {  	_ = 	snop  }
0x58: {  	[spmem:s19] =	stream.linear.scatter [tilespmem:s28], [sflag:$0x2], $0x1000, $0x38;
	[tilespmem:$0xA000] =	vst v63  }
0x59: {  	_ = 	snop  }
0x5a: {  	[spmem:s20] =	stream.linear.scatter [tilespmem:s28], [sflag:$0x2], $0x1000, $0x38;
	[tilespmem:$0xA000] =	vst v63  }
0x5b: {  	_ = 	snop  }
0x5c: {  	[spmem:s21] =	stream.linear.scatter [tilespmem:s28], [sflag:$0x2], $0x1000, $0x38;
	[tilespmem:$0xA000] =	vst v63  }
0x5d: {  	_ = 	snop  }
0x5e: {  	[spmem:s22] =	stream.linear.scatter [tilespmem:s28], [sflag:$0x2], $0x1000, $0x38;
	[tilespmem:$0xA000] =	vst v63  }
0x5f: {  	_ = 	snop  }
0x60: {  	[spmem:s23] =	stream.linear.scatter [tilespmem:s28], [sflag:$0x2], $0x1000, $0x38;
	[tilespmem:$0xA000] =	vst v63  }
0x61: {  	_ = 	snop  }
0x62: {  	[spmem:s26] =	stream.linear.scatter [tilespmem:s28], [sflag:$0x2], $0x1000, $0x38;
	[tilespmem:$0xA000] =	vst v63  }
0x63: {  	_ =	swait.ge [sflag:s29], $0x1000  }
0x64: {  	[sflag:s29] =	ssyncset.done $0x0  }
0x65: {  	[sflag:s29] =	ssyncadd.s32 $0xFFFFF000  }
0x66: {  	_ =	swait.ge [sflag:s29], $0x1000  }
0x67: {  	[sflag:s29] =	ssyncset.done $0x0  }
0x68: {  	[sflag:s29] =	ssyncadd.s32 $0xFFFFF000  }
0x69: {  	_ =	swait.ge [sflag:s29], $0x1000  }
0x6a: {  	[sflag:s29] =	ssyncset.done $0x0  }
0x6b: {  	[sflag:s29] =	ssyncadd.s32 $0xFFFFF000  }
0x6c: {  	_ =	swait.ge [sflag:s29], $0x1000  }
0x6d: {  	[sflag:s29] =	ssyncset.done $0x0  }
0x6e: {  	[sflag:s29] =	ssyncadd.s32 $0xFFFFF000  }
0x6f: {  	_ =	swait.ge [sflag:s29], $0x1000  }
0x70: {  	[sflag:s29] =	ssyncset.done $0x0  }
0x71: {  	[sflag:s29] =	ssyncadd.s32 $0xFFFFF000  }
0x72: {  	_ =	swait.ge [sflag:s29], $0x1000  }
0x73: {  	[sflag:s29] =	ssyncset.done $0x0  }
0x74: {  	[sflag:s29] =	ssyncadd.s32 $0xFFFFF000  }
0x75: {  	_ =	swait.ge [sflag:s29], $0x1000  }
0x76: {  	[sflag:s29] =	ssyncset.done $0x0  }
0x77: {  	[sflag:s29] =	ssyncadd.s32 $0xFFFFF000  }
0x78: {  	_ =	swait.ge [sflag:s29], $0x1000  }
0x79: {  	[sflag:s29] =	ssyncset.done $0x0  }
0x7a: {  	[sflag:s29] =	ssyncadd.s32 $0xFFFFF000  }
0x7b: {  	_ =	swait.ge [sflag:s29], $0x1000  }
0x7c: {  	[sflag:s29] =	ssyncset.done $0x0  }
0x7d: {  	[sflag:s29] =	ssyncadd.s32 $0xFFFFF000  }
0x7e: {  	_ =	swait.ge [sflag:s29], $0x1000  }
0x7f: {  	[sflag:s29] =	ssyncset.done $0x0  }
0x80: {  	[sflag:s29] =	ssyncadd.s32 $0xFFFFF000  }
0x81: {  	_ =	swait.ge [sflag:s29], $0x1000  }
0x82: {  	[sflag:s29] =	ssyncset.done $0x0  }
0x83: {  	[sflag:s29] =	ssyncadd.s32 $0xFFFFF000  }
0x84: {  	_ =	swait.ge [sflag:s29], $0x1000  }
0x85: {  	[sflag:s29] =	ssyncset.done $0x0  }
0x86: {  	[sflag:s29] =	ssyncadd.s32 $0xFFFFF000  }
0x87: {  	_ =	swait.ge [sflag:s29], $0x1000  }
0x88: {  	[sflag:s29] =	ssyncset.done $0x0  }
0x89: {  	[sflag:s29] =	ssyncadd.s32 $0xFFFFF000  }
0x8a: {  	_ =	swait.ge [sflag:s29], $0x1000  }
0x8b: {  	[sflag:s29] =	ssyncset.done $0x0  }
0x8c: {  	[sflag:s29] =	ssyncadd.s32 $0xFFFFF000  }
0x8d: {  	_ =	swait.ge [sflag:s29], $0x1000  }
0x8e: {  	[sflag:s29] =	ssyncset.done $0x0  }
0x8f: {  	[sflag:s29] =	ssyncadd.s32 $0xFFFFF000  }
0x90: {  	_ =	swait.ge [sflag:s29], $0x1000  }
0x91: {  	[sflag:s29] =	ssyncset.done $0x0  }
0x92: {  	[sflag:s29] =	ssyncadd.s32 $0xFFFFF000  }
0x93: {  	_ =	swait.ge [sflag:s29], $0x1000  }
0x94: {  	[sflag:s29] =	ssyncset.done $0x0  }
0x95: {  	[sflag:s29] =	ssyncadd.s32 $0xFFFFF000  }
0x96: {  	_ =	swait.ge [sflag:s29], $0x1000  }
0x97: {  	[sflag:s29] =	ssyncset.done $0x0  }
0x98: {  	[sflag:s29] =	ssyncadd.s32 $0xFFFFF000  }
0x99: {  	_ =	swait.ge [sflag:s29], $0x1000  }
0x9a: {  	[sflag:s29] =	ssyncset.done $0x0  }
0x9b: {  	[sflag:s29] =	ssyncadd.s32 $0xFFFFF000  }
0x9c: {  	_ =	swait.ge [sflag:s29], $0x1000  }
0x9d: {  	[sflag:s29] =	ssyncset.done $0x0  }
0x9e: {  	[sflag:s29] =	ssyncadd.s32 $0xFFFFF000  }
0x9f: {  	_ =	swait.ge [sflag:s30], $0x2800  }
0xa0: {  	[sflag:s30] =	ssyncset.done $0x0  }
0xa1: {  	[sflag:s30] =	ssyncadd.s32 $0xFFFFD800  }
0xa2: {  	s6 =	simm.s32 $0x0;
	[bflag:$0x0] =	sbarrier.arrive $0xFFFF  }
0xa3: {  	[spmem:s2] =	stream.indirect.scatter.add.f32 [tilespmem:s1], [sflag:$0x2], $0x10, s6, s31, $0xb8;
	[tilespmem:$0xA000] =	vst v63  }
0xa4: {  	s6 =	simm.s32 $0x80  }
0xa5: {  	[spmem:s2] =	stream.indirect.scatter.add.f32 [tilespmem:s1], [sflag:$0x2], $0x10, s6, s31, $0xb8;
	[tilespmem:$0xA000] =	vst v63  }
0xa6: {  	s6 =	simm.s32 $0x100  }
0xa7: {  	[spmem:s2] =	stream.indirect.scatter.add.f32 [tilespmem:s1], [sflag:$0x2], $0x10, s6, s31, $0xb8;
	[tilespmem:$0xA000] =	vst v63  }
0xa8: {  	s6 =	simm.s32 $0x180  }
0xa9: {  	[spmem:s2] =	stream.indirect.scatter.add.f32 [tilespmem:s1], [sflag:$0x2], $0x10, s6, s31, $0xb8;
	[tilespmem:$0xA000] =	vst v63  }
0xaa: {  	s6 =	simm.s32 $0x200  }
0xab: {  	[spmem:s2] =	stream.indirect.scatter.add.f32 [tilespmem:s1], [sflag:$0x2], $0x10, s6, s31, $0xb8;
	[tilespmem:$0xA000] =	vst v63  }
0xac: {  	s6 =	simm.s32 $0x280  }
0xad: {  	[spmem:s2] =	stream.indirect.scatter.add.f32 [tilespmem:s1], [sflag:$0x2], $0x10, s6, s31, $0xb8;
	[tilespmem:$0xA000] =	vst v63  }
0xae: {  	s6 =	simm.s32 $0x300  }
0xaf: {  	[spmem:s2] =	stream.indirect.scatter.add.f32 [tilespmem:s1], [sflag:$0x2], $0x10, s6, s31, $0xb8;
	[tilespmem:$0xA000] =	vst v63  }
0xb0: {  	s6 =	simm.s32 $0x380  }
0xb1: {  	[spmem:s2] =	stream.indirect.scatter.add.f32 [tilespmem:s1], [sflag:$0x2], $0x10, s6, s31, $0xb8;
	[tilespmem:$0xA000] =	vst v63  }
0xb2: {  	s6 =	simm.s32 $0x400  }
0xb3: {  	[spmem:s2] =	stream.indirect.scatter.add.f32 [tilespmem:s1], [sflag:$0x2], $0x10, s6, s31, $0xb8;
	[tilespmem:$0xA000] =	vst v63  }
0xb4: {  	s6 =	simm.s32 $0x480  }
0xb5: {  	[spmem:s2] =	stream.indirect.scatter.add.f32 [tilespmem:s1], [sflag:$0x2], $0x10, s6, s31, $0xb8;
	[tilespmem:$0xA000] =	vst v63  }
0xb6: {  	s6 =	simm.s32 $0x500  }
0xb7: {  	[spmem:s2] =	stream.indirect.scatter.add.f32 [tilespmem:s1], [sflag:$0x2], $0x10, s6, s31, $0xb8;
	[tilespmem:$0xA000] =	vst v63  }
0xb8: {  	s6 =	simm.s32 $0x580  }
0xb9: {  	[spmem:s2] =	stream.indirect.scatter.add.f32 [tilespmem:s1], [sflag:$0x2], $0x10, s6, s31, $0xb8;
	[tilespmem:$0xA000] =	vst v63  }
0xba: {  	s6 =	simm.s32 $0x600  }
0xbb: {  	[spmem:s2] =	stream.indirect.scatter.add.f32 [tilespmem:s1], [sflag:$0x2], $0x10, s6, s31, $0xb8;
	[tilespmem:$0xA000] =	vst v63  }
0xbc: {  	s6 =	simm.s32 $0x680  }
0xbd: {  	[spmem:s2] =	stream.indirect.scatter.add.f32 [tilespmem:s1], [sflag:$0x2], $0x10, s6, s31, $0xb8;
	[tilespmem:$0xA000] =	vst v63  }
0xbe: {  	s6 =	simm.s32 $0x700  }
0xbf: {  	[spmem:s2] =	stream.indirect.scatter.add.f32 [tilespmem:s1], [sflag:$0x2], $0x10, s6, s31, $0xb8;
	[tilespmem:$0xA000] =	vst v63  }
0xc0: {  	s6 =	simm.s32 $0x780  }
0xc1: {  	[spmem:s2] =	stream.indirect.scatter.add.f32 [tilespmem:s1], [sflag:$0x2], $0x10, s6, s31, $0xb8;
	[tilespmem:$0xA000] =	vst v63  }
0xc2: {  	s6 =	simm.s32 $0x800  }
0xc3: {  	[spmem:s2] =	stream.indirect.scatter.add.f32 [tilespmem:s1], [sflag:$0x2], $0x10, s6, s31, $0xb8;
	[tilespmem:$0xA000] =	vst v63  }
0xc4: {  	s5 =	simm.s32 $0x200;
	_ =	swait.ge [sflag:s29], $0x7D0  }
.LBB2_4:
0xc5: {  	s6 =	sshra.s32 s5, $0x2;
	[sflag:s29] =	ssyncset.done $0x0;
	p0 =	sne.s32 s5, $0x7E00  }
.Ltmp1:
0xc6: {  	s6 =	sadd.s32 $0x800, s6;
	[sflag:s29] =	ssyncadd.s32 $0xFFFFF830;
	(pc) =	sbr.rel @p0 .LBB2_4-.Ltmp1, $3  }
0xc7: {  	[spmem:s2] =	stream.indirect.scatter.add.f32 [tilespmem:s1], [sflag:$0x2], $0x10, s6, s31, $0xb8;
	[tilespmem:$0xA000] =	vst v63  }
0xc8: {  	s5 =	sadd.s32 $0x200, s5;
	_ =	sdelay $0x1  }
0xc9: {  	_ =	swait.ge [sflag:s29], $0x7D0  }
0xca: {  	[sflag:s29] =	ssyncset.done $0x0  }
0xcb: {  	[sflag:s29] =	ssyncadd.s32 $0xFFFFF830  }
0xcc: {  	_ =	swait.ge [sflag:s29], $0x7D0  }
0xcd: {  	[sflag:s29] =	ssyncset.done $0x0  }
0xce: {  	[sflag:s29] =	ssyncadd.s32 $0xFFFFF830  }
0xcf: {  	_ =	swait.ge [sflag:s29], $0x7D0  }
0xd0: {  	[sflag:s29] =	ssyncset.done $0x0  }
0xd1: {  	[sflag:s29] =	ssyncadd.s32 $0xFFFFF830  }
0xd2: {  	_ =	swait.ge [sflag:s29], $0x7D0  }
0xd3: {  	[sflag:s29] =	ssyncset.done $0x0  }
0xd4: {  	[sflag:s29] =	ssyncadd.s32 $0xFFFFF830  }
0xd5: {  	_ =	swait.ge [sflag:s29], $0x7D0  }
0xd6: {  	[sflag:s29] =	ssyncset.done $0x0  }
0xd7: {  	[sflag:s29] =	ssyncadd.s32 $0xFFFFF830  }
0xd8: {  	_ =	swait.ge [sflag:s29], $0x7D0  }
0xd9: {  	[sflag:s29] =	ssyncset.done $0x0  }
0xda: {  	[sflag:s29] =	ssyncadd.s32 $0xFFFFF830  }
0xdb: {  	_ =	swait.ge [sflag:s29], $0x7D0  }
0xdc: {  	[sflag:s29] =	ssyncset.done $0x0  }
0xdd: {  	[sflag:s29] =	ssyncadd.s32 $0xFFFFF830  }
0xde: {  	_ =	swait.ge [sflag:s29], $0x7D0  }
0xdf: {  	[sflag:s29] =	ssyncset.done $0x0  }
0xe0: {  	[sflag:s29] =	ssyncadd.s32 $0xFFFFF830  }
0xe1: {  	_ =	swait.ge [sflag:s29], $0x7D0  }
0xe2: {  	[sflag:s29] =	ssyncset.done $0x0  }
0xe3: {  	[sflag:s29] =	ssyncadd.s32 $0xFFFFF830  }
0xe4: {  	_ =	swait.ge [sflag:s29], $0x7D0  }
0xe5: {  	[sflag:s29] =	ssyncset.done $0x0  }
0xe6: {  	[sflag:s29] =	ssyncadd.s32 $0xFFFFF830  }
0xe7: {  	_ =	swait.ge [sflag:s29], $0x7D0  }
0xe8: {  	[sflag:s29] =	ssyncset.done $0x0  }
0xe9: {  	[sflag:s29] =	ssyncadd.s32 $0xFFFFF830  }
0xea: {  	_ =	swait.ge [sflag:s29], $0x7D0  }
0xeb: {  	[sflag:s29] =	ssyncset.done $0x0  }
0xec: {  	[sflag:s29] =	ssyncadd.s32 $0xFFFFF830  }
0xed: {  	_ =	swait.ge [sflag:s29], $0x7D0  }
0xee: {  	[sflag:s29] =	ssyncset.done $0x0  }
0xef: {  	[sflag:s29] =	ssyncadd.s32 $0xFFFFF830  }
0xf0: {  	_ =	swait.ge [sflag:s29], $0x7D0  }
0xf1: {  	[sflag:s29] =	ssyncset.done $0x0  }
0xf2: {  	[sflag:s29] =	ssyncadd.s32 $0xFFFFF830  }
0xf3: {  	_ =	swait.ge [sflag:s29], $0x7D0  }
0xf4: {  	[sflag:s29] =	ssyncset.done $0x0  }
0xf5: {  	[sflag:s29] =	ssyncadd.s32 $0xFFFFF830  }
0xf6: {  	_ =	swait.ge [sflag:s29], $0x7D0  }
0xf7: {  	[sflag:s29] =	ssyncset.done $0x0  }
0xf8: {  	[sflag:s29] =	ssyncadd.s32 $0xFFFFF830  }
0xf9: {  	s5 =	stileid.u32;
	_ =	swait.ge [sflag:s29], $0x7D0  }
0xfa: {  	s6 =	sshrl.u32 s4, $0x3;
	s3 =	sadd.s32 $0x1, s3;
	[sflag:s29] =	ssyncset.done $0x0  }
0xfb: {  	s5 =	sshll.u32 s5, $0x6;
	p0 =	sne.s32 s3, s25;
	[sflag:s29] =	ssyncadd.s32 $0xFFFFF830  }
.Ltmp2:
0xfc: {  	s5 =	sor.u32 $0x1C03, s5;
	[bflag:$0x0] =	sbarrier.arrive $0xFFFF;
	(pc) =	sbr.rel @p0 .LBB2_1-.Ltmp2, $4  }
0xfd: {  	[hbm:s24], [sflag:s5] =	dma.local [spmem:s6], $0x2800  }
0xfe: {  	_ =	swait.ge [sflag:s0], $0x2800  }
0xff: {  	[sflag:s0] =	ssyncset.done $0x0  }
0x100: {  	[sflag:s0] =	ssyncadd.s32 $0xFFFFD800  }
0x101: {  	_ =	sfence.sel $0x180000  }
0x102: {  	[bflag:$0x0] =	sbarrier.arrive $0xFFFF  }
0x103: {  	_ =	strace $0x90000047  }
0x104: {  	s0 =	stileid.u32;
	[bflag:$0x2] =	sbarrier.arrive $0xFFFF  }
0x105: {  	p0 =	sne.s32 s0, $0x0;
	s0 =	rddreg [dreg:$0x2]  }
0x106: {  	s0 =	sadd.s32 @!p0 $0x100000, s0  }
0x107: {  	[sflag:s0] =	ssyncadd.tile.s32 @!p0 $0x1;
	_ =	shalt  }
.Lfunc_end2:
_tile_overlayer_lowered:
.L_overlay_start_2:
0x108: {  	(tag) =	ssettag $0x2  }
0x109: {  	s0 =	rddreg [dreg:$0x0];
	s2 =	stileid.u32  }
0x10a: {  	s1 =	rddreg [dreg:$0x1];
	p0 =	sne.s32 s2, $0x0  }
0x10b: {  	s3 =	rddreg [dreg:$0x2];
	[bflag:$0x3] =	sbarrier.arrive $0xFFFF;
	s2 =	simm.s32 @!p0 $0x1C03  }
0x10c: {  	[timem:s3], [sflag:s2] =	dma.local @!p0 [hbm:s0], s1  }
0x10d: {  	s0 =	simm.s32 @!p0 $0x3  }
0x10e: {  	_ =	swait.ge @!p0 [sflag:s0], s1  }
0x10f: {  	s1 =	ssub.s32 @!p0 $0x0, s1;
	[sflag:s0] =	ssyncset.done @!p0 $0x0  }
0x110: {  	[sflag:s0] =	ssyncadd.s32 @!p0 s1  }
0x111: {  	[bflag:$0x3] =	sbarrier.arrive $0xFFFF  }
0x112: {  	_ =	shalt  }

// kernel: kernel.13.cloned.1.call-start
scs
__scs_entry_jumppad:
0x0: {  	(pc) =	sbr.rel $0x88, $3  }
0x1: {  	(tag) =	ssettag $0x0;
	lr =	simm.s32 $0x1  }
0x2: {  	[smem:$0x3F98] =	sst lr;
	_ =	strace $0xD0000000  }
0x3: {  	_ = 	snop  }
0x4: {  	_ = 	snop  }
0x5: {  	_ = 	snop  }
0x6: {  	_ = 	snop  }
0x7: {  	_ = 	snop  }
__scs_overlays_trampoline_lowered:
0x8: {  	[smem:$0x3FA7] =	sst s0  }
0x9: {  	[smem:$0x3FA8] =	sst s1  }
0xa: {  	[smem:$0x3FA9] =	sst s2  }
0xb: {  	[smem:$0x3FAA] =	sst s3  }
0xc: {  	[smem:$0x3FAB] =	sst s4  }
0xd: {  	[smem:$0x3FAC] =	sst s5  }
0xe: {  	[smem:$0x3FAD] =	sst s6  }
0xf: {  	[smem:$0x3FAE] =	sst s7  }
0x10: {  	[smem:$0x3FAF] =	sst s8  }
0x11: {  	[smem:$0x3FB0] =	sst s9;
	s0 =	simm.s32 @!p0 $0x0  }
0x12: {  	s1 =	sld [smem:$0x3F96];
	s0 =	simm.s32 @p0 $0x1  }
0x13: {  	[smem:$0x3FB1] =	sst s0;
	s0 =	simm.s32 @!p1 $0x0  }
0x14: {  	s2 =	sld [smem:$0x3F95];
	s0 =	simm.s32 @p1 $0x1  }
0x15: {  	[smem:$0x3FB2] =	sst s0;
	s0 =	simm.s32 @!p2 $0x0  }
0x16: {  	s3 =	sld [smem:$0x3FDB];
	s0 =	simm.s32 @p2 $0x1  }
0x17: {  	s4 =	simm.s32 $0x1BF5;
	[smem:$0x3FB4] =	sst s0  }
0x18: {  	s0 =	sld [smem:$0x3F97];
	_ =	swait.ge [sflag:s4], $0x0  }
0x19: {  	s7 =	sld [smem:$0x3F98]  }
0x1a: {  	s8 =	sadd.s32 $0xFFFFE003, lr  }
0x1b: {  	s9 =	sadd.s32 $0xFFFFFEF7, lr;
	s5 =	simm.s32 $0xFFFFFFFF;
	p2 =	slt.u32 s8, $0xFFFFF086  }
0x1c: {  	p1 =	slt.u32 s9, $0xF7A;
	s5 =	simm.s32 @!p2 $0x0  }
0x1d: {  	s5 =	simm.s32 @p1 $0x1;
	p0 =	seq.s32 s7, s2  }
0x1e: {  	s7 =	smul.u32 @!p0 $0xF7A, s2;
	p2 =	seq.s32 @!p0 s5, $0x0  }
0x1f: {  	s9 =	smul.u32 $0xF7A, s1;
	s8 =	simm.s32 @!p0 $0x1BF5;
	p2 =	por !p2, p0  }
0x20: {  	[sflag:s8] =	ssyncset.s32 @!p0 $0xFFFFF086;
	s6 =	sadd.s32 @!p0 s3, s7;
	s7 =	simm.s32 @!p0 $0x108  }
0x21: {  	s3 =	sadd.s32 s3, s9;
	s6 =	sadd.s32 @!p0 $0x88, s6;
	s7 =	simm.s32 @p2 $0x1082  }
0x22: {  	[simem:s7], [sflag:s8] =	dma.local @!p0 [hbm:s6], $0xF7A  }
0x23: {  	s9 =	sor.u32 $0xD0000000, s2;
	s6 =	simm.s32 $0x108;
	_ =	swait.ge @!p0 [sflag:s8], $0x0  }
0x24: {  	s3 =	sadd.s32 $0x88, s3;
	s6 =	simm.s32 @!p1 $0x1082;
	[sflag:s4] =	ssyncset.s32 $0xFFFFF086  }
0x25: {  	[simem:s6], [sflag:s4] =	dma.local [hbm:s3], $0xF7A  }
0x26: {  	[smem:$0x3F98] =	sst s1;
	(tag) =	ssettag s2;
	_ =	strace s9  }
0x27: {  	s1 =	sld [smem:$0x3FA8]  }
0x28: {  	s2 =	sld [smem:$0x3FA9]  }
0x29: {  	s4 =	sld [smem:$0x3FAB]  }
0x2a: {  	p0 =	seq.s32 s5, $0x0;
	s5 =	sld [smem:$0x3FAC]  }
0x2b: {  	s6 =	sld [smem:$0x3FAD]  }
0x2c: {  	s7 =	sld [smem:$0x3FAE]  }
0x2d: {  	s3 =	simm.s32 $0x108;
	s8 =	sld [smem:$0x3FAF]  }
0x2e: {  	s3 =	simm.s32 @!p0 $0x1082;
	s9 =	sld [smem:$0x3FB0]  }
0x2f: {  	lr =	sadd.s32 s0, s3;
	s0 =	sld [smem:$0x3FA7]  }
0x30: {  	s3 =	sld [smem:$0x3FAA]  }
0x31: {  	[smem:$0x3FB3] =	sst s10  }
0x32: {  	s10 =	sld [smem:$0x3FB1];
	_ =	sdelay $0x3  }
0x33: {  	p0 =	seq.s32 s10, $0x1;
	s10 =	sld [smem:$0x3FB3];
	_ =	sdelay $0x3  }
0x34: {  	[smem:$0x3FB3] =	sst s10  }
0x35: {  	s10 =	sld [smem:$0x3FB2];
	_ =	sdelay $0x3  }
0x36: {  	p1 =	seq.s32 s10, $0x1;
	s10 =	sld [smem:$0x3FB3];
	_ =	sdelay $0x3  }
0x37: {  	[smem:$0x3FB3] =	sst s10  }
0x38: {  	s10 =	sld [smem:$0x3FB4]  }
0x39: {  	_ = 	snop;
	(pc) =	sbr.ind lr, $3  }
0x3a: {  	_ = 	snop  }
0x3b: {  	_ = 	snop  }
0x3c: {  	p2 =	seq.s32 s10, $0x1;
	s10 =	sld [smem:$0x3FB3]  }
0x3d: {  	_ =	shalt  }
0x3e: {  	_ =	shalt  }
0x3f: {  	_ =	shalt  }
0x40: {  	_ =	shalt  }
0x41: {  	_ =	shalt  }
0x42: {  	_ =	shalt  }
0x43: {  	_ =	shalt  }
0x44: {  	_ =	shalt  }
0x45: {  	_ =	shalt  }
0x46: {  	_ =	shalt  }
0x47: {  	_ =	shalt  }
0x48: {  	_ =	shalt  }
0x49: {  	_ =	shalt  }
0x4a: {  	_ =	shalt  }
0x4b: {  	_ =	shalt  }
0x4c: {  	_ =	shalt  }
0x4d: {  	_ =	shalt  }
0x4e: {  	_ =	shalt  }
0x4f: {  	_ =	shalt  }
0x50: {  	_ =	shalt  }
0x51: {  	_ =	shalt  }
0x52: {  	_ =	shalt  }
0x53: {  	_ =	shalt  }
0x54: {  	_ =	shalt  }
0x55: {  	_ =	shalt  }
0x56: {  	_ =	shalt  }
0x57: {  	_ =	shalt  }
0x58: {  	_ =	shalt  }
0x59: {  	_ =	shalt  }
0x5a: {  	_ =	shalt  }
0x5b: {  	_ =	shalt  }
0x5c: {  	_ =	shalt  }
0x5d: {  	_ =	shalt  }
0x5e: {  	_ =	shalt  }
0x5f: {  	_ =	shalt  }
0x60: {  	_ =	shalt  }
0x61: {  	_ =	shalt  }
0x62: {  	_ =	shalt  }
0x63: {  	_ =	shalt  }
0x64: {  	_ =	shalt  }
0x65: {  	_ =	shalt  }
0x66: {  	_ =	shalt  }
0x67: {  	_ =	shalt  }
0x68: {  	_ =	shalt  }
0x69: {  	_ =	shalt  }
0x6a: {  	_ =	shalt  }
0x6b: {  	_ =	shalt  }
0x6c: {  	_ =	shalt  }
0x6d: {  	_ =	shalt  }
0x6e: {  	_ =	shalt  }
0x6f: {  	_ =	shalt  }
0x70: {  	_ =	shalt  }
0x71: {  	_ =	shalt  }
0x72: {  	_ =	shalt  }
0x73: {  	_ =	shalt  }
0x74: {  	_ =	shalt  }
0x75: {  	_ =	shalt  }
0x76: {  	_ =	shalt  }
0x77: {  	_ =	shalt  }
0x78: {  	_ =	shalt  }
0x79: {  	_ =	shalt  }
0x7a: {  	_ =	shalt  }
0x7b: {  	_ =	shalt  }
0x7c: {  	_ =	shalt  }
0x7d: {  	_ =	shalt  }
0x7e: {  	_ =	shalt  }
0x7f: {  	_ =	shalt  }
0x80: {  	_ =	shalt  }
0x81: {  	_ =	shalt  }
0x82: {  	_ =	shalt  }
0x83: {  	_ =	shalt  }
0x84: {  	_ =	shalt  }
0x85: {  	_ =	shalt  }
0x86: {  	_ =	shalt  }
0x87: {  	_ =	shalt  }
.Lfunc_end0:
.L_simem_size_0:
called_computation.1_lowered:
.L_overlay_start_0:
0x88: {  	s2 =	sld [smem:$0x3FD9]  }
0x89: {  	s3 =	sld [smem:$0x3FFE];
	_ =	sdelay $0x1  }
0x8a: {  	s1 =	srdreg.scid  }
0x8b: {  	s0 =	sand.u32 $0x1, s1  }
0x8c: {  	s16 =	sshll.u32 s0, $0xA;
	s2 =	sadd.s32 s3, s2  }
0x8d: {  	s2 =	sadd.s32 s2, s16  }
0x8e: {  	[smem:$0x3FBF] =	sst s2  }
0x8f: {  	_ = 	snop  }
0x90: {  	(tm) =	ssettm $0x1  }
0x91: {  	s17 =	sld [smem:$0x3FFB];
	_ =	sdelay $0x3  }
0x92: {  	_ =	strace s17  }
0x93: {  	s2 =	sld [smem:$0x3FFC];
	_ =	sdelay $0x3  }
0x94: {  	_ =	strace s2  }
0x95: {  	s2 =	sld [smem:$0x3FFD];
	_ =	sdelay $0x3  }
0x96: {  	_ =	strace s2  }
0x97: {  	_ =	strace $0x8FFFFFFF  }
0x98: {  	s18 =	sld [smem:$0x3FDB];
	_ =	sdelay $0x1  }
0x99: {  	s19 =	simm.s32 $_scs_section_size  }
0x9a: {  	s4 =	simm.s32 $_size__tile_overlayer_lowered;
	s5 =	simm.s32 $_tile_overlayer_lowered  }
0x9b: {  	s22 =	simm.s32 $0x1BFF;
	s21 =	sshll.u32 s5, $0x1;
	s2 =	sadd.s32 s19, s18  }
0x9c: {  	s6 =	simm.s32 $0x0;
	s20 =	sshll.u32 s4, $0x1;
	s4 =	sadd.s32 s21, s2  }
0x9d: {  	[timem:s6], [sflag:s22] =	dma.local [hbm:s4], s20  }
0x9e: {  	_ =	swait.ge [sflag:s22], s20  }
0x9f: {  	s3 =	ssub.s32 $0x0, s20;
	[sflag:s22] =	ssyncset.done $0x0  }
0xa0: {  	[sflag:s22] =	ssyncadd.s32 s3;
	_ =	sdelay $0x1  }
0xa1: {  	s23 =	simm.s32 $0x1B8B  }
0xa2: {  	_ =	swait.ge [sflag:s23], $0x1  }
0xa3: {  	[sflag:s23] =	ssyncset.done $0x0  }
0xa4: {  	s25 =	simm.s32 $0x1B8E;
	s24 =	sld [smem:$0x3FFE];
	[sflag:s23] =	ssyncadd.s32 $0xFFFFFFFF  }
0xa5: {  	s26 =	simm.s32 $execute0_lowered;
	[smem:$0x3FD2] =	sst s25  }
0xa6: {  	s4 =	sshll.u32 s26, $0x1;
	_ =	strace $0x80000049;
	[dreg:$0x1] =	wrdreg $0xFFFFFFFF  }
0xa7: {  	s28 =	simm.s32 $_size_execute0_lowered;
	s2 =	sadd.s32 s2, s4;
	[dreg:$0x0] =	wrdreg $0x0  }
0xa8: {  	s4 =	sshll.u32 s28, $0x1;
	[dreg:$0x2] =	wrdreg s2  }
0xa9: {  	[dreg:$0x3] =	wrdreg s4  }
0xaa: {  	[dreg:$0x4] =	wrdreg $0xC0  }
0xab: {  	_ =	task [dreg:s6], $0x5FFFF  }
0xac: {  	[dreg:$0x1] =	wrdreg $0xFFFFFFFF  }
0xad: {  	[dreg:$0x0] =	wrdreg $0x60  }
0xae: {  	[dreg:$0x2] =	wrdreg s24  }
0xaf: {  	[dreg:$0x3] =	wrdreg $0xB8000  }
0xb0: {  	[dreg:$0x4] =	wrdreg $0x9  }
0xb1: {  	_ =	task.clear_ibuf [dreg:s6], $0x5FFFF;
	_ =	strace $0x90000049  }
0xb2: {  	s29 =	simm.s32 $0x9;
	_ =	strace $0x8000004B  }
0xb3: {  	_ =	swait.ge [sflag:s29], $0x1  }
0xb4: {  	[sflag:s29] =	ssyncadd.s32 $0xFFFFFFFF  }
0xb5: {  	_ =	strace $0x9000004B  }
0xb6: {  	_ =	sfence  }
0xb7: {  	s30 =	sld [smem:$0x0];
	_ =	sdelay $0x2  }
0xb8: {  	s31 =	sshll.u32 s1, $0xD;
	s1 =	sshrl.u32 s1, $0x2  }
0xb9: {  	s3 =	sand.u32 $0x4000, s31;
	s1 =	sadd.s32 s1, s30  }
0xba: {  	s0 =	sor.u32 s3, s0;
	s1 =	sshll.u32 s1, $0x11  }
0xbb: {  	s0 =	sor.u32 s1, s0  }
0xbc: {  	s0 =	sadd.s32 $0x8F2B, s0  }
0xbd: {  	[sflag:s0] =	ssyncadd.remote.s32 $0x1  }
0xbe: {  	_ =	sfence.sel $0xFFFF  }
0xbf: {  	[dreg:$0x0] =	wrdreg $0xFFFFFFFF;
	(pc) =	sbr.abs _section_cstart, $3  }
0xc0: {  	[dreg:$0x1] =	wrdreg $0xFFFFFFFF  }
0xc1: {  	_ =	task.clear_ibuf [dreg:s6], $0x2FFFF;
	_ =	strace $0x9FFFFFFF  }
0xc2: {  	(tm) =	ssettm $0x7FFFFFFF  }
0xc3: {  	_ =	shalt  }
tec
execute0_lowered:
.L_overlay_start_1:
0x0: {  	(tag) =	ssettag $0x1  }
0x1: {  	s2 =	srdreg.scid;
	s10 =	stileid.u32  }
0x2: {  	s2 =	sand.u32 $0x1, s2;
	s6 =	smul.u32 $0x14000, s10  }
0x3: {  	s0 =	rddreg [dreg:$0x0];
	s5 =	smul.u32 $0x140000, s2  }
0x4: {  	s1 =	rddreg [dreg:$0x1];
	s26 =	smul.u32 $0x50000, s10  }
0x5: {  	s3 =	simm.s32 $0x0;
	s4 =	sadd.s32 $0x67200, s0;
	s5 =	sadd.s32 s6, s5  }
0x6: {  	s7 =	sadd.s32 $0x5D200, s0;
	s6 =	sshrl.u32 s26, $0x2;
	s5 =	sshrl.u32 s5, $0x3  }
0x7: {  	s8 =	sadd.s32 $0x3200, s0;
	s0 =	sadd.s32 s5, s0;
	s5 =	sadd.s32 s6, s1  }
0x8: {  	[smem:$0x7FF] =	sst s3;
	s12 =	sadd.s32 $0x1000, s5  }
0x9: {  	_ =	strace $0x8000004A;
	s13 =	sadd.s32 $0x2000, s5;
	[dreg:$0x3] =	wrdreg s12  }
0xa: {  	s9 =	ssub.s32 $0x2, s2;
	s14 =	sadd.s32 $0x3000, s5;
	[dreg:$0x4] =	wrdreg s13  }
0xb: {  	s2 =	sshll.u32 s2, $0x4;
	s15 =	sadd.s32 $0x4000, s5;
	[dreg:$0x5] =	wrdreg s14  }
0xc: {  	s11 =	sshrl.u32 s9, $0x1;
	s16 =	sadd.s32 $0x5000, s5;
	[dreg:$0x6] =	wrdreg s15  }
0xd: {  	s2 =	sor.u32 s10, s2;
	s17 =	sadd.s32 $0x6000, s5;
	[dreg:$0x7] =	wrdreg s16  }
0xe: {  	s10 =	simm.s32 $0x2800;
	s18 =	sadd.s32 $0x7000, s5;
	[dreg:$0x8] =	wrdreg s17  }
0xf: {  	s2 =	smul.u32 $0x2800, s2;
	s19 =	sadd.s32 $0x8000, s5;
	[dreg:$0x9] =	wrdreg s18  }
0x10: {  	s6 =	ssub.s32 s9, s11;
	s20 =	sadd.s32 $0x9000, s5;
	[dreg:$0xa] =	wrdreg s19  }
0x11: {  	s2 =	sshrl.u32 s2, $0x3;
	s21 =	sadd.s32 $0xA000, s5;
	[dreg:$0xb] =	wrdreg s20  }
0x12: {  	s9 =	simm.s32 $0x7D;
	s22 =	sadd.s32 $0xB000, s5;
	[dreg:$0xc] =	wrdreg s21  }
0x13: {  	s11 =	simm.s32 $0x6800;
	s23 =	sadd.s32 $0xC000, s5;
	[dreg:$0xd] =	wrdreg s22  }
0x14: {  	s24 =	sadd.s32 $0xD000, s5;
	s25 =	sadd.s32 $0x280, s2;
	[dreg:$0xe] =	wrdreg s23  }
0x15: {  	s26 =	sadd.s32 s7, s2;
	s2 =	sadd.s32 s8, s2;
	[dreg:$0xf] =	wrdreg s24  }
0x16: {  	s28 =	sadd.s32 $0x10000, s5;
	s29 =	sadd.s32 $0x11000, s5;
	[dreg:$0x10] =	wrdreg s26  }
0x17: {  	s30 =	sadd.s32 $0x12000, s5;
	s31 =	sadd.s32 $0x13000, s5;
	[dreg:$0x11] =	wrdreg s2  }
0x18: {  	s21 =	sadd.s32 s7, s25;
	s22 =	sadd.s32 s8, s25;
	s23 =	sadd.s32 $0xE000, s5  }
0x19: {  	s24 =	sadd.s32 $0x8E400, s0;
	s25 =	smax.u32 s6, $0x1;
	s26 =	sadd.s32 $0xF000, s5  }
0x1a: {  	s0 =	simm.s32 $0xA800;
	s2 =	simm.s32 $0x3;
	s6 =	simm.s32 $0x1400  }
0x1b: {  	s7 =	simm.s32 $0x1;
	s8 =	simm.s32 $0x2;
	s12 =	simm.s32 $0x4  }
0x1c: {  	v0 =	vimm.f32 $0.0e+00;
	s13 =	simm.s32 $0x1380;
	s14 =	simm.s32 $0x2700;
	s15 =	simm.s32 $0x2780  }
.LBB2_1:
0x1d: {  	s16 =	simm.s32 $0x0;
	s17 =	simm.s32 $0x200  }
.LBB2_2:
0x1e: {  	p0 =	sne.s32 s17, $0x3E00;
	[tilespmem:s16+$0xA870] =	vst v0  }
0x1f: {  	[tilespmem:s16+$0xA800] =	vst v0  }
0x20: {  	[tilespmem:s16+$0xA810] =	vst v0  }
.Ltmp0:
0x21: {  	[tilespmem:s16+$0xA820] =	vst v0;
	(pc) =	sbr.rel @p0 .LBB2_2-.Ltmp0, $4  }
0x22: {  	[tilespmem:s16+$0xA830] =	vst v0  }
0x23: {  	[tilespmem:s16+$0xA840] =	vst v0  }
0x24: {  	[tilespmem:s16+$0xA850] =	vst v0  }
0x25: {  	[tilespmem:s16+$0xA860] =	vst v0;
	s16 =	sshra.s32 s17, $0x2;
	s17 =	sadd.s32 $0x200, s17  }
0x26: {  	[tilespmem:s16+$0xA870] =	vst v0  }
0x27: {  	[tilespmem:s16+$0xA800] =	vst v0  }
0x28: {  	[tilespmem:s16+$0xA810] =	vst v0  }
0x29: {  	[tilespmem:s16+$0xA820] =	vst v0  }
0x2a: {  	[tilespmem:s16+$0xA830] =	vst v0  }
0x2b: {  	[tilespmem:s16+$0xA840] =	vst v0  }
0x2c: {  	[tilespmem:s16+$0xA850] =	vst v0  }
0x2d: {  	[tilespmem:s16+$0xA860] =	vst v0  }
0x2e: {  	[spmem:s5] =	stream.linear.scatter [tilespmem:s0], [sflag:$0x3], $0x1000, $0x38;
	[tilespmem:$0x1F800] =	vst v63  }
0x2f: {  	s18 =	rddreg [dreg:$0x3]  }
0x30: {  	[spmem:s18] =	stream.linear.scatter [tilespmem:s0], [sflag:$0x3], $0x1000, $0x38;
	[tilespmem:$0x1F800] =	vst v63  }
0x31: {  	s19 =	rddreg [dreg:$0x4]  }
0x32: {  	[spmem:s19] =	stream.linear.scatter [tilespmem:s0], [sflag:$0x3], $0x1000, $0x38;
	[tilespmem:$0x1F800] =	vst v63  }
0x33: {  	s20 =	rddreg [dreg:$0x5]  }
0x34: {  	[spmem:s20] =	stream.linear.scatter [tilespmem:s0], [sflag:$0x3], $0x1000, $0x38;
	[tilespmem:$0x1F800] =	vst v63  }
0x35: {  	s17 =	rddreg [dreg:$0x6]  }
0x36: {  	[spmem:s17] =	stream.linear.scatter [tilespmem:s0], [sflag:$0x3], $0x1000, $0x38;
	[tilespmem:$0x1F800] =	vst v63  }
0x37: {  	s18 =	rddreg [dreg:$0x7]  }
0x38: {  	[spmem:s18] =	stream.linear.scatter [tilespmem:s0], [sflag:$0x3], $0x1000, $0x38;
	[tilespmem:$0x1F800] =	vst v63  }
0x39: {  	s19 =	rddreg [dreg:$0x8]  }
0x3a: {  	[spmem:s19] =	stream.linear.scatter [tilespmem:s0], [sflag:$0x3], $0x1000, $0x38;
	[tilespmem:$0x1F800] =	vst v63  }
0x3b: {  	s20 =	rddreg [dreg:$0x9]  }
0x3c: {  	[spmem:s20] =	stream.linear.scatter [tilespmem:s0], [sflag:$0x3], $0x1000, $0x38;
	[tilespmem:$0x1F800] =	vst v63  }
0x3d: {  	s17 =	rddreg [dreg:$0xa]  }
0x3e: {  	[spmem:s17] =	stream.linear.scatter [tilespmem:s0], [sflag:$0x3], $0x1000, $0x38;
	[tilespmem:$0x1F800] =	vst v63  }
0x3f: {  	s18 =	rddreg [dreg:$0xb]  }
0x40: {  	[spmem:s18] =	stream.linear.scatter [tilespmem:s0], [sflag:$0x3], $0x1000, $0x38;
	[tilespmem:$0x1F800] =	vst v63  }
0x41: {  	s19 =	rddreg [dreg:$0xc]  }
0x42: {  	[spmem:s19] =	stream.linear.scatter [tilespmem:s0], [sflag:$0x3], $0x1000, $0x38;
	[tilespmem:$0x1F800] =	vst v63  }
0x43: {  	s20 =	rddreg [dreg:$0xd]  }
0x44: {  	[spmem:s20] =	stream.linear.scatter [tilespmem:s0], [sflag:$0x3], $0x1000, $0x38;
	[tilespmem:$0x1F800] =	vst v63  }
0x45: {  	s17 =	rddreg [dreg:$0xe]  }
0x46: {  	[spmem:s17] =	stream.linear.scatter [tilespmem:s0], [sflag:$0x3], $0x1000, $0x38;
	[tilespmem:$0x1F800] =	vst v63  }
0x47: {  	s18 =	rddreg [dreg:$0xf]  }
0x48: {  	[spmem:s18] =	stream.linear.scatter [tilespmem:s0], [sflag:$0x3], $0x1000, $0x38;
	[tilespmem:$0x1F800] =	vst v63  }
0x49: {  	_ = 	snop  }
0x4a: {  	[spmem:s23] =	stream.linear.scatter [tilespmem:s0], [sflag:$0x3], $0x1000, $0x38;
	[tilespmem:$0x1F800] =	vst v63  }
0x4b: {  	_ = 	snop  }
0x4c: {  	[spmem:s26] =	stream.linear.scatter [tilespmem:s0], [sflag:$0x3], $0x1000, $0x38;
	[tilespmem:$0x1F800] =	vst v63  }
0x4d: {  	_ = 	snop  }
0x4e: {  	[spmem:s28] =	stream.linear.scatter [tilespmem:s0], [sflag:$0x3], $0x1000, $0x38;
	[tilespmem:$0x1F800] =	vst v63  }
0x4f: {  	_ = 	snop  }
0x50: {  	[spmem:s29] =	stream.linear.scatter [tilespmem:s0], [sflag:$0x3], $0x1000, $0x38;
	[tilespmem:$0x1F800] =	vst v63  }
0x51: {  	_ = 	snop  }
0x52: {  	[spmem:s30] =	stream.linear.scatter [tilespmem:s0], [sflag:$0x3], $0x1000, $0x38;
	[tilespmem:$0x1F800] =	vst v63  }
0x53: {  	_ = 	snop  }
0x54: {  	[spmem:s31] =	stream.linear.scatter [tilespmem:s0], [sflag:$0x3], $0x1000, $0x38;
	[tilespmem:$0x1F800] =	vst v63  }
0x55: {  	_ =	swait.ge [sflag:s2], $0x1000  }
0x56: {  	[sflag:s2] =	ssyncset.done $0x0  }
0x57: {  	[sflag:s2] =	ssyncadd.s32 $0xFFFFF000  }
0x58: {  	_ =	swait.ge [sflag:s2], $0x1000  }
0x59: {  	[sflag:s2] =	ssyncset.done $0x0  }
0x5a: {  	[sflag:s2] =	ssyncadd.s32 $0xFFFFF000  }
0x5b: {  	_ =	swait.ge [sflag:s2], $0x1000  }
0x5c: {  	[sflag:s2] =	ssyncset.done $0x0  }
0x5d: {  	[sflag:s2] =	ssyncadd.s32 $0xFFFFF000  }
0x5e: {  	_ =	swait.ge [sflag:s2], $0x1000  }
0x5f: {  	[sflag:s2] =	ssyncset.done $0x0  }
0x60: {  	[sflag:s2] =	ssyncadd.s32 $0xFFFFF000  }
0x61: {  	_ =	swait.ge [sflag:s2], $0x1000  }
0x62: {  	[sflag:s2] =	ssyncset.done $0x0  }
0x63: {  	[sflag:s2] =	ssyncadd.s32 $0xFFFFF000  }
0x64: {  	_ =	swait.ge [sflag:s2], $0x1000  }
0x65: {  	[sflag:s2] =	ssyncset.done $0x0  }
0x66: {  	[sflag:s2] =	ssyncadd.s32 $0xFFFFF000  }
0x67: {  	_ =	swait.ge [sflag:s2], $0x1000  }
0x68: {  	[sflag:s2] =	ssyncset.done $0x0  }
0x69: {  	[sflag:s2] =	ssyncadd.s32 $0xFFFFF000  }
0x6a: {  	_ =	swait.ge [sflag:s2], $0x1000  }
0x6b: {  	[sflag:s2] =	ssyncset.done $0x0  }
0x6c: {  	[sflag:s2] =	ssyncadd.s32 $0xFFFFF000  }
0x6d: {  	_ =	swait.ge [sflag:s2], $0x1000  }
0x6e: {  	[sflag:s2] =	ssyncset.done $0x0  }
0x6f: {  	[sflag:s2] =	ssyncadd.s32 $0xFFFFF000  }
0x70: {  	_ =	swait.ge [sflag:s2], $0x1000  }
0x71: {  	[sflag:s2] =	ssyncset.done $0x0  }
0x72: {  	[sflag:s2] =	ssyncadd.s32 $0xFFFFF000  }
0x73: {  	_ =	swait.ge [sflag:s2], $0x1000  }
0x74: {  	[sflag:s2] =	ssyncset.done $0x0  }
0x75: {  	[sflag:s2] =	ssyncadd.s32 $0xFFFFF000  }
0x76: {  	_ =	swait.ge [sflag:s2], $0x1000  }
0x77: {  	[sflag:s2] =	ssyncset.done $0x0  }
0x78: {  	[sflag:s2] =	ssyncadd.s32 $0xFFFFF000  }
0x79: {  	_ =	swait.ge [sflag:s2], $0x1000  }
0x7a: {  	[sflag:s2] =	ssyncset.done $0x0  }
0x7b: {  	[sflag:s2] =	ssyncadd.s32 $0xFFFFF000  }
0x7c: {  	_ =	swait.ge [sflag:s2], $0x1000  }
0x7d: {  	[sflag:s2] =	ssyncset.done $0x0  }
0x7e: {  	[sflag:s2] =	ssyncadd.s32 $0xFFFFF000  }
0x7f: {  	_ =	swait.ge [sflag:s2], $0x1000  }
0x80: {  	[sflag:s2] =	ssyncset.done $0x0  }
0x81: {  	[sflag:s2] =	ssyncadd.s32 $0xFFFFF000  }
0x82: {  	_ =	swait.ge [sflag:s2], $0x1000  }
0x83: {  	[sflag:s2] =	ssyncset.done $0x0  }
0x84: {  	[sflag:s2] =	ssyncadd.s32 $0xFFFFF000  }
0x85: {  	_ =	swait.ge [sflag:s2], $0x1000  }
0x86: {  	[sflag:s2] =	ssyncset.done $0x0  }
0x87: {  	[sflag:s2] =	ssyncadd.s32 $0xFFFFF000  }
0x88: {  	_ =	swait.ge [sflag:s2], $0x1000  }
0x89: {  	[sflag:s2] =	ssyncset.done $0x0  }
0x8a: {  	[sflag:s2] =	ssyncadd.s32 $0xFFFFF000  }
0x8b: {  	_ =	swait.ge [sflag:s2], $0x1000  }
0x8c: {  	[sflag:s2] =	ssyncset.done $0x0  }
0x8d: {  	[sflag:s2] =	ssyncadd.s32 $0xFFFFF000  }
0x8e: {  	_ =	swait.ge [sflag:s2], $0x1000  }
0x8f: {  	[sflag:s2] =	ssyncset.done $0x0  }
0x90: {  	[sflag:s2] =	ssyncadd.s32 $0xFFFFF000  }
0x91: {  	[bflag:$0x0] =	sbarrier.arrive $0xFFFF  }
0x92: {  	s19 =	simm.s32 $0x0;
	s17 =	rddreg [dreg:$0x10]  }
0x93: {  	[tilespmem:s19], [sflag:$0x1] =	stream.linear.gather [hbm4b:s17+s19], $0x1400, $0x38;
	[tilespmem:$0x1F800] =	vst v63  }
0x94: {  	s20 =	rddreg [dreg:$0x11]  }
0x95: {  	[tilespmem:s6], [sflag:$0x2] =	stream.linear.gather [hbm4b:s20+s19], $0x1400, $0x38;
	[tilespmem:$0x1F800] =	vst v63  }
0x96: {  	_ =	swait.ge [sflag:s7], $0x1400  }
0x97: {  	[sflag:s7] =	ssyncset.done $0x0  }
0x98: {  	[sflag:s7] =	ssyncadd.s32 $0xFFFFEC00  }
0x99: {  	_ =	swait.ge [sflag:s8], $0x1400  }
0x9a: {  	[sflag:s8] =	ssyncset.done $0x0  }
0x9b: {  	[sflag:s8] =	ssyncadd.s32 $0xFFFFEC00  }
0x9c: {  	[tilespmem:s10], [sflag:$0x1] =	stream.indirect.gather [hbm4b:s4+s9], $0x80, s19, s9, $0xb8;
	[tilespmem:$0x1F800] =	vst v63  }
0x9d: {  	s17 =	simm.s32 $0x80  }
0x9e: {  	[tilespmem:s11], [sflag:$0x2] =	stream.indirect.gather [hbm4b:s4+s9], $0x80, s17, s9, $0xb8;
	[tilespmem:$0x1F800] =	vst v63  }
0x9f: {  	_ =	swait.ge [sflag:s7], $0x3E80  }
0xa0: {  	[sflag:s7] =	ssyncset.done $0x0  }
0xa1: {  	s18 =	simm.s32 $0x1400;
	[sflag:s7] =	ssyncadd.s32 $0xFFFFC180  }
0xa2: {  	[spmem:s1] =	stream.indirect.scatter.add.f32 [tilespmem:s10], [sflag:$0x4], $0x80, s18, s9, $0xb8;
	[tilespmem:$0x1F800] =	vst v63  }
0xa3: {  	_ =	swait.ge [sflag:s12], $0x3E80  }
0xa4: {  	[sflag:s12] =	ssyncset.done $0x0  }
0xa5: {  	s19 =	simm.s32 $0x100;
	[sflag:s12] =	ssyncadd.s32 $0xFFFFC180  }
0xa6: {  	[tilespmem:s10], [sflag:$0x1] =	stream.indirect.gather [hbm4b:s4+s9], $0x80, s19, s9, $0xb8;
	[tilespmem:$0x1F800] =	vst v63  }
0xa7: {  	_ =	swait.ge [sflag:s8], $0x3E80  }
0xa8: {  	[sflag:s8] =	ssyncset.done $0x0  }
0xa9: {  	s20 =	simm.s32 $0x1480;
	[sflag:s8] =	ssyncadd.s32 $0xFFFFC180  }
0xaa: {  	[spmem:s1] =	stream.indirect.scatter.add.f32 [tilespmem:s11], [sflag:$0x4], $0x80, s20, s9, $0xb8;
	[tilespmem:$0x1F800] =	vst v63  }
0xab: {  	_ =	swait.ge [sflag:s12], $0x3E80  }
0xac: {  	s16 =	simm.s32 $0x100;
	s17 =	simm.s32 $0x800;
	[sflag:s12] =	ssyncset.done $0x0  }
.LBB2_4:
0xad: {  	s18 =	sadd.s32 $0x80, s16  }
0xae: {  	[sflag:s12] =	ssyncadd.s32 $0xFFFFC180;
	s19 =	smov.u32 s17;
	s20 =	sadd.s32 $0x400, s17  }
0xaf: {  	[tilespmem:s11], [sflag:$0x2] =	stream.indirect.gather [hbm4b:s4+s9], $0x80, s18, s9, $0xb8;
	[tilespmem:$0x1F800] =	vst v63  }
0xb0: {  	p0 =	sne.s32 s17, $0x4800;
	_ =	swait.ge [sflag:s7], $0x3E80  }
0xb1: {  	[sflag:s7] =	ssyncset.done $0x0  }
0xb2: {  	s17 =	sadd.s32 $0x1400, s16;
	[sflag:s7] =	ssyncadd.s32 $0xFFFFC180  }
0xb3: {  	[spmem:s1] =	stream.indirect.scatter.add.f32 [tilespmem:s10], [sflag:$0x4], $0x80, s17, s9, $0xb8;
	[tilespmem:$0x1F800] =	vst v63  }
0xb4: {  	_ =	swait.ge [sflag:s12], $0x3E80  }
0xb5: {  	[sflag:s12] =	ssyncset.done $0x0  }
0xb6: {  	s17 =	sadd.s32 $0x100, s16;
	[sflag:s12] =	ssyncadd.s32 $0xFFFFC180  }
0xb7: {  	[tilespmem:s10], [sflag:$0x1] =	stream.indirect.gather [hbm4b:s4+s9], $0x80, s17, s9, $0xb8;
	[tilespmem:$0x1F800] =	vst v63  }
0xb8: {  	_ =	swait.ge [sflag:s8], $0x3E80  }
.Ltmp1:
0xb9: {  	[sflag:s8] =	ssyncset.done $0x0;
	(pc) =	sbr.rel @p0 .LBB2_4-.Ltmp1, $4  }
0xba: {  	s16 =	sadd.s32 $0x1480, s16;
	[sflag:s8] =	ssyncadd.s32 $0xFFFFC180  }
0xbb: {  	[spmem:s1] =	stream.indirect.scatter.add.f32 [tilespmem:s11], [sflag:$0x4], $0x80, s16, s9, $0xb8;
	[tilespmem:$0x1F800] =	vst v63  }
0xbc: {  	_ =	swait.ge [sflag:s12], $0x3E80  }
0xbd: {  	s17 =	smov.u32 s20;
	s16 =	sshra.s32 s19, $0x2;
	[sflag:s12] =	ssyncset.done $0x0  }
0xbe: {  	s17 =	sadd.s32 $0x80, s16;
	[sflag:s12] =	ssyncadd.s32 $0xFFFFC180  }
0xbf: {  	[tilespmem:s11], [sflag:$0x2] =	stream.indirect.gather [hbm4b:s4+s9], $0x80, s17, s9, $0xb8;
	[tilespmem:$0x1F800] =	vst v63  }
0xc0: {  	_ =	swait.ge [sflag:s7], $0x3E80  }
0xc1: {  	[sflag:s7] =	ssyncset.done $0x0  }
0xc2: {  	s20 =	sadd.s32 $0x1400, s16;
	[sflag:s7] =	ssyncadd.s32 $0xFFFFC180  }
0xc3: {  	[spmem:s1] =	stream.indirect.scatter.add.f32 [tilespmem:s10], [sflag:$0x4], $0x80, s20, s9, $0xb8;
	[tilespmem:$0x1F800] =	vst v63  }
0xc4: {  	_ =	swait.ge [sflag:s12], $0x3E80  }
0xc5: {  	[sflag:s12] =	ssyncset.done $0x0  }
0xc6: {  	s18 =	sadd.s32 $0x100, s16;
	[sflag:s12] =	ssyncadd.s32 $0xFFFFC180  }
0xc7: {  	[tilespmem:s10], [sflag:$0x1] =	stream.indirect.gather [hbm4b:s4+s9], $0x80, s18, s9, $0xb8;
	[tilespmem:$0x1F800] =	vst v63  }
0xc8: {  	_ =	swait.ge [sflag:s8], $0x3E80  }
0xc9: {  	[sflag:s8] =	ssyncset.done $0x0  }
0xca: {  	s19 =	sadd.s32 $0x1480, s16;
	[sflag:s8] =	ssyncadd.s32 $0xFFFFC180  }
0xcb: {  	[spmem:s1] =	stream.indirect.scatter.add.f32 [tilespmem:s11], [sflag:$0x4], $0x80, s19, s9, $0xb8;
	[tilespmem:$0x1F800] =	vst v63  }
0xcc: {  	_ =	swait.ge [sflag:s12], $0x3E80  }
0xcd: {  	[sflag:s12] =	ssyncset.done $0x0  }
0xce: {  	[sflag:s12] =	ssyncadd.s32 $0xFFFFC180  }
0xcf: {  	[tilespmem:s11], [sflag:$0x2] =	stream.indirect.gather [hbm4b:s4+s9], $0x80, s13, s9, $0xb8;
	[tilespmem:$0x1F800] =	vst v63  }
0xd0: {  	_ =	swait.ge [sflag:s7], $0x3E80  }
0xd1: {  	[sflag:s7] =	ssyncset.done $0x0  }
0xd2: {  	[sflag:s7] =	ssyncadd.s32 $0xFFFFC180  }
0xd3: {  	[spmem:s1] =	stream.indirect.scatter.add.f32 [tilespmem:s10], [sflag:$0x4], $0x80, s14, s9, $0xb8;
	[tilespmem:$0x1F800] =	vst v63  }
0xd4: {  	_ =	swait.ge [sflag:s12], $0x3E80  }
0xd5: {  	[sflag:s12] =	ssyncset.done $0x0  }
0xd6: {  	[sflag:s12] =	ssyncadd.s32 $0xFFFFC180  }
0xd7: {  	_ =	swait.ge [sflag:s8], $0x3E80  }
0xd8: {  	[sflag:s8] =	ssyncset.done $0x0  }
0xd9: {  	[sflag:s8] =	ssyncadd.s32 $0xFFFFC180  }
0xda: {  	[spmem:s1] =	stream.indirect.scatter.add.f32 [tilespmem:s11], [sflag:$0x4], $0x80, s15, s9, $0xb8;
	[tilespmem:$0x1F800] =	vst v63  }
0xdb: {  	_ =	swait.ge [sflag:s12], $0x3E80  }
0xdc: {  	[sflag:s12] =	ssyncset.done $0x0  }
0xdd: {  	s20 =	simm.s32 $0x0;
	[sflag:s12] =	ssyncadd.s32 $0xFFFFC180  }
0xde: {  	[tilespmem:s20], [sflag:$0x1] =	stream.linear.gather [hbm4b:s21+s20], $0x1400, $0x38;
	[tilespmem:$0x1F800] =	vst v63  }
0xdf: {  	_ = 	snop  }
0xe0: {  	[tilespmem:s6], [sflag:$0x2] =	stream.linear.gather [hbm4b:s22+s20], $0x1400, $0x38;
	[tilespmem:$0x1F800] =	vst v63  }
0xe1: {  	_ =	swait.ge [sflag:s7], $0x1400  }
0xe2: {  	[sflag:s7] =	ssyncset.done $0x0  }
0xe3: {  	[sflag:s7] =	ssyncadd.s32 $0xFFFFEC00  }
0xe4: {  	_ =	swait.ge [sflag:s8], $0x1400  }
0xe5: {  	[sflag:s8] =	ssyncset.done $0x0  }
0xe6: {  	[sflag:s8] =	ssyncadd.s32 $0xFFFFEC00  }
0xe7: {  	[tilespmem:s10], [sflag:$0x1] =	stream.indirect.gather [hbm4b:s4+s9], $0x80, s20, s9, $0xb8;
	[tilespmem:$0x1F800] =	vst v63  }
0xe8: {  	s17 =	simm.s32 $0x80  }
0xe9: {  	[tilespmem:s11], [sflag:$0x2] =	stream.indirect.gather [hbm4b:s4+s9], $0x80, s17, s9, $0xb8;
	[tilespmem:$0x1F800] =	vst v63  }
0xea: {  	_ =	swait.ge [sflag:s7], $0x3E80  }
0xeb: {  	[sflag:s7] =	ssyncset.done $0x0  }
0xec: {  	s18 =	simm.s32 $0x1400;
	[sflag:s7] =	ssyncadd.s32 $0xFFFFC180  }
0xed: {  	[spmem:s1] =	stream.indirect.scatter.add.f32 [tilespmem:s10], [sflag:$0x4], $0x80, s18, s9, $0xb8;
	[tilespmem:$0x1F800] =	vst v63  }
0xee: {  	_ =	swait.ge [sflag:s12], $0x3E80  }
0xef: {  	[sflag:s12] =	ssyncset.done $0x0  }
0xf0: {  	s19 =	simm.s32 $0x100;
	[sflag:s12] =	ssyncadd.s32 $0xFFFFC180  }
0xf1: {  	[tilespmem:s10], [sflag:$0x1] =	stream.indirect.gather [hbm4b:s4+s9], $0x80, s19, s9, $0xb8;
	[tilespmem:$0x1F800] =	vst v63  }
0xf2: {  	_ =	swait.ge [sflag:s8], $0x3E80  }
0xf3: {  	[sflag:s8] =	ssyncset.done $0x0  }
0xf4: {  	s20 =	simm.s32 $0x1480;
	[sflag:s8] =	ssyncadd.s32 $0xFFFFC180  }
0xf5: {  	[spmem:s1] =	stream.indirect.scatter.add.f32 [tilespmem:s11], [sflag:$0x4], $0x80, s20, s9, $0xb8;
	[tilespmem:$0x1F800] =	vst v63  }
0xf6: {  	_ =	swait.ge [sflag:s12], $0x3E80  }
0xf7: {  	s16 =	simm.s32 $0x100;
	s17 =	simm.s32 $0x800;
	[sflag:s12] =	ssyncset.done $0x0  }
.LBB2_6:
0xf8: {  	s18 =	sadd.s32 $0x80, s16  }
0xf9: {  	[sflag:s12] =	ssyncadd.s32 $0xFFFFC180;
	s19 =	smov.u32 s17;
	s20 =	sadd.s32 $0x400, s17  }
0xfa: {  	[tilespmem:s11], [sflag:$0x2] =	stream.indirect.gather [hbm4b:s4+s9], $0x80, s18, s9, $0xb8;
	[tilespmem:$0x1F800] =	vst v63  }
0xfb: {  	p0 =	sne.s32 s17, $0x4800;
	_ =	swait.ge [sflag:s7], $0x3E80  }
0xfc: {  	[sflag:s7] =	ssyncset.done $0x0  }
0xfd: {  	s17 =	sadd.s32 $0x1400, s16;
	[sflag:s7] =	ssyncadd.s32 $0xFFFFC180  }
0xfe: {  	[spmem:s1] =	stream.indirect.scatter.add.f32 [tilespmem:s10], [sflag:$0x4], $0x80, s17, s9, $0xb8;
	[tilespmem:$0x1F800] =	vst v63  }
0xff: {  	_ =	swait.ge [sflag:s12], $0x3E80  }
0x100: {  	[sflag:s12] =	ssyncset.done $0x0  }
0x101: {  	s17 =	sadd.s32 $0x100, s16;
	[sflag:s12] =	ssyncadd.s32 $0xFFFFC180  }
0x102: {  	[tilespmem:s10], [sflag:$0x1] =	stream.indirect.gather [hbm4b:s4+s9], $0x80, s17, s9, $0xb8;
	[tilespmem:$0x1F800] =	vst v63  }
0x103: {  	_ =	swait.ge [sflag:s8], $0x3E80  }
.Ltmp2:
0x104: {  	[sflag:s8] =	ssyncset.done $0x0;
	(pc) =	sbr.rel @p0 .LBB2_6-.Ltmp2, $4  }
0x105: {  	s16 =	sadd.s32 $0x1480, s16;
	[sflag:s8] =	ssyncadd.s32 $0xFFFFC180  }
0x106: {  	[spmem:s1] =	stream.indirect.scatter.add.f32 [tilespmem:s11], [sflag:$0x4], $0x80, s16, s9, $0xb8;
	[tilespmem:$0x1F800] =	vst v63  }
0x107: {  	_ =	swait.ge [sflag:s12], $0x3E80  }
0x108: {  	s17 =	smov.u32 s20;
	s16 =	sshra.s32 s19, $0x2;
	[sflag:s12] =	ssyncset.done $0x0  }
0x109: {  	s17 =	sadd.s32 $0x80, s16;
	[sflag:s12] =	ssyncadd.s32 $0xFFFFC180  }
0x10a: {  	[tilespmem:s11], [sflag:$0x2] =	stream.indirect.gather [hbm4b:s4+s9], $0x80, s17, s9, $0xb8;
	[tilespmem:$0x1F800] =	vst v63  }
0x10b: {  	_ =	swait.ge [sflag:s7], $0x3E80  }
0x10c: {  	[sflag:s7] =	ssyncset.done $0x0  }
0x10d: {  	s19 =	sadd.s32 $0x1400, s16;
	[sflag:s7] =	ssyncadd.s32 $0xFFFFC180  }
0x10e: {  	[spmem:s1] =	stream.indirect.scatter.add.f32 [tilespmem:s10], [sflag:$0x4], $0x80, s19, s9, $0xb8;
	[tilespmem:$0x1F800] =	vst v63  }
0x10f: {  	_ =	swait.ge [sflag:s12], $0x3E80  }
0x110: {  	[sflag:s12] =	ssyncset.done $0x0  }
0x111: {  	s20 =	sadd.s32 $0x100, s16;
	[sflag:s12] =	ssyncadd.s32 $0xFFFFC180  }
0x112: {  	[tilespmem:s10], [sflag:$0x1] =	stream.indirect.gather [hbm4b:s4+s9], $0x80, s20, s9, $0xb8;
	[tilespmem:$0x1F800] =	vst v63  }
0x113: {  	_ =	swait.ge [sflag:s8], $0x3E80  }
0x114: {  	[sflag:s8] =	ssyncset.done $0x0  }
0x115: {  	s18 =	sadd.s32 $0x1480, s16;
	[sflag:s8] =	ssyncadd.s32 $0xFFFFC180  }
0x116: {  	[spmem:s1] =	stream.indirect.scatter.add.f32 [tilespmem:s11], [sflag:$0x4], $0x80, s18, s9, $0xb8;
	[tilespmem:$0x1F800] =	vst v63  }
0x117: {  	_ =	swait.ge [sflag:s12], $0x3E80  }
0x118: {  	[sflag:s12] =	ssyncset.done $0x0  }
0x119: {  	[sflag:s12] =	ssyncadd.s32 $0xFFFFC180  }
0x11a: {  	[tilespmem:s11], [sflag:$0x2] =	stream.indirect.gather [hbm4b:s4+s9], $0x80, s13, s9, $0xb8;
	[tilespmem:$0x1F800] =	vst v63  }
0x11b: {  	_ =	swait.ge [sflag:s7], $0x3E80  }
0x11c: {  	[sflag:s7] =	ssyncset.done $0x0  }
0x11d: {  	[sflag:s7] =	ssyncadd.s32 $0xFFFFC180  }
0x11e: {  	[spmem:s1] =	stream.indirect.scatter.add.f32 [tilespmem:s10], [sflag:$0x4], $0x80, s14, s9, $0xb8;
	[tilespmem:$0x1F800] =	vst v63  }
0x11f: {  	_ =	swait.ge [sflag:s12], $0x3E80  }
0x120: {  	[sflag:s12] =	ssyncset.done $0x0  }
0x121: {  	[sflag:s12] =	ssyncadd.s32 $0xFFFFC180  }
0x122: {  	_ =	swait.ge [sflag:s8], $0x3E80  }
0x123: {  	[sflag:s8] =	ssyncset.done $0x0  }
0x124: {  	[sflag:s8] =	ssyncadd.s32 $0xFFFFC180  }
0x125: {  	[spmem:s1] =	stream.indirect.scatter.add.f32 [tilespmem:s11], [sflag:$0x4], $0x80, s15, s9, $0xb8;
	[tilespmem:$0x1F800] =	vst v63  }
0x126: {  	s19 =	stileid.u32;
	_ =	swait.ge [sflag:s12], $0x3E80  }
0x127: {  	s3 =	sadd.s32 $0x1, s3;
	s16 =	sshll.u32 s19, $0x6;
	[sflag:s12] =	ssyncset.done $0x0  }
0x128: {  	p0 =	sne.s32 s3, s25;
	s16 =	sor.u32 $0x1C04, s16;
	[sflag:s12] =	ssyncadd.s32 $0xFFFFC180  }
.Ltmp3:
0x129: {  	s20 =	sshrl.u32 s5, $0x3;
	[bflag:$0x0] =	sbarrier.arrive $0xFFFF;
	(pc) =	sbr.rel @p0 .LBB2_1-.Ltmp3, $4  }
0x12a: {  	[hbm:s24], [sflag:s16] =	dma.local [spmem:s20], $0x2800  }
0x12b: {  	_ =	swait.ge [sflag:s12], $0x2800  }
0x12c: {  	[sflag:s12] =	ssyncset.done $0x0  }
0x12d: {  	[sflag:s12] =	ssyncadd.s32 $0xFFFFD800  }
0x12e: {  	_ =	sfence.sel $0x180000  }
0x12f: {  	[bflag:$0x0] =	sbarrier.arrive $0xFFFF  }
0x130: {  	_ =	strace $0x9000004A  }
0x131: {  	s0 =	stileid.u32;
	[bflag:$0x2] =	sbarrier.arrive $0xFFFF  }
0x132: {  	p0 =	sne.s32 s0, $0x0;
	s0 =	rddreg [dreg:$0x2]  }
0x133: {  	s0 =	sadd.s32 @!p0 $0x100000, s0  }
0x134: {  	[sflag:s0] =	ssyncadd.tile.s32 @!p0 $0x1;
	_ =	shalt  }
.Lfunc_end2:
_tile_overlayer_lowered:
.L_overlay_start_2:
0x135: {  	(tag) =	ssettag $0x2  }
0x136: {  	s0 =	rddreg [dreg:$0x0];
	s2 =	stileid.u32  }
0x137: {  	s1 =	rddreg [dreg:$0x1];
	p0 =	sne.s32 s2, $0x0  }
0x138: {  	s3 =	rddreg [dreg:$0x2];
	[bflag:$0x3] =	sbarrier.arrive $0xFFFF;
	s2 =	simm.s32 @!p0 $0x1C04  }
0x139: {  	[timem:s3], [sflag:s2] =	dma.local @!p0 [hbm:s0], s1  }
0x13a: {  	s0 =	simm.s32 @!p0 $0x4  }
0x13b: {  	_ =	swait.ge @!p0 [sflag:s0], s1  }
0x13c: {  	s1 =	ssub.s32 @!p0 $0x0, s1;
	[sflag:s0] =	ssyncset.done @!p0 $0x0  }
0x13d: {  	[sflag:s0] =	ssyncadd.s32 @!p0 s1  }
0x13e: {  	[bflag:$0x3] =	sbarrier.arrive $0xFFFF  }
0x13f: {  	_ =	shalt  }

// kernel: kernel.16.cloned.1.call-start
scs
__scs_entry_jumppad:
0x0: {  	(pc) =	sbr.rel $0x88, $3  }
0x1: {  	(tag) =	ssettag $0x0;
	lr =	simm.s32 $0x1  }
0x2: {  	[smem:$0x3F98] =	sst lr;
	_ =	strace $0xD0000000  }
0x3: {  	_ = 	snop  }
0x4: {  	_ = 	snop  }
0x5: {  	_ = 	snop  }
0x6: {  	_ = 	snop  }
0x7: {  	_ = 	snop  }
__scs_overlays_trampoline_lowered:
0x8: {  	[smem:$0x3FA7] =	sst s0  }
0x9: {  	[smem:$0x3FA8] =	sst s1  }
0xa: {  	[smem:$0x3FA9] =	sst s2  }
0xb: {  	[smem:$0x3FAA] =	sst s3  }
0xc: {  	[smem:$0x3FAB] =	sst s4  }
0xd: {  	[smem:$0x3FAC] =	sst s5  }
0xe: {  	[smem:$0x3FAD] =	sst s6  }
0xf: {  	[smem:$0x3FAE] =	sst s7  }
0x10: {  	[smem:$0x3FAF] =	sst s8  }
0x11: {  	[smem:$0x3FB0] =	sst s9;
	s0 =	simm.s32 @!p0 $0x0  }
0x12: {  	s1 =	sld [smem:$0x3F96];
	s0 =	simm.s32 @p0 $0x1  }
0x13: {  	[smem:$0x3FB1] =	sst s0;
	s0 =	simm.s32 @!p1 $0x0  }
0x14: {  	s2 =	sld [smem:$0x3F95];
	s0 =	simm.s32 @p1 $0x1  }
0x15: {  	[smem:$0x3FB2] =	sst s0;
	s0 =	simm.s32 @!p2 $0x0  }
0x16: {  	s3 =	sld [smem:$0x3FDB];
	s0 =	simm.s32 @p2 $0x1  }
0x17: {  	s4 =	simm.s32 $0x1BF5;
	[smem:$0x3FB4] =	sst s0  }
0x18: {  	s0 =	sld [smem:$0x3F97];
	_ =	swait.ge [sflag:s4], $0x0  }
0x19: {  	s7 =	sld [smem:$0x3F98]  }
0x1a: {  	s8 =	sadd.s32 $0xFFFFE003, lr  }
0x1b: {  	s9 =	sadd.s32 $0xFFFFFEF7, lr;
	s5 =	simm.s32 $0xFFFFFFFF;
	p2 =	slt.u32 s8, $0xFFFFF086  }
0x1c: {  	p1 =	slt.u32 s9, $0xF7A;
	s5 =	simm.s32 @!p2 $0x0  }
0x1d: {  	s5 =	simm.s32 @p1 $0x1;
	p0 =	seq.s32 s7, s2  }
0x1e: {  	s7 =	smul.u32 @!p0 $0xF7A, s2;
	p2 =	seq.s32 @!p0 s5, $0x0  }
0x1f: {  	s9 =	smul.u32 $0xF7A, s1;
	s8 =	simm.s32 @!p0 $0x1BF5;
	p2 =	por !p2, p0  }
0x20: {  	[sflag:s8] =	ssyncset.s32 @!p0 $0xFFFFF086;
	s6 =	sadd.s32 @!p0 s3, s7;
	s7 =	simm.s32 @!p0 $0x108  }
0x21: {  	s3 =	sadd.s32 s3, s9;
	s6 =	sadd.s32 @!p0 $0x88, s6;
	s7 =	simm.s32 @p2 $0x1082  }
0x22: {  	[simem:s7], [sflag:s8] =	dma.local @!p0 [hbm:s6], $0xF7A  }
0x23: {  	s9 =	sor.u32 $0xD0000000, s2;
	s6 =	simm.s32 $0x108;
	_ =	swait.ge @!p0 [sflag:s8], $0x0  }
0x24: {  	s3 =	sadd.s32 $0x88, s3;
	s6 =	simm.s32 @!p1 $0x1082;
	[sflag:s4] =	ssyncset.s32 $0xFFFFF086  }
0x25: {  	[simem:s6], [sflag:s4] =	dma.local [hbm:s3], $0xF7A  }
0x26: {  	[smem:$0x3F98] =	sst s1;
	(tag) =	ssettag s2;
	_ =	strace s9  }
0x27: {  	s1 =	sld [smem:$0x3FA8]  }
0x28: {  	s2 =	sld [smem:$0x3FA9]  }
0x29: {  	s4 =	sld [smem:$0x3FAB]  }
0x2a: {  	p0 =	seq.s32 s5, $0x0;
	s5 =	sld [smem:$0x3FAC]  }
0x2b: {  	s6 =	sld [smem:$0x3FAD]  }
0x2c: {  	s7 =	sld [smem:$0x3FAE]  }
0x2d: {  	s3 =	simm.s32 $0x108;
	s8 =	sld [smem:$0x3FAF]  }
0x2e: {  	s3 =	simm.s32 @!p0 $0x1082;
	s9 =	sld [smem:$0x3FB0]  }
0x2f: {  	lr =	sadd.s32 s0, s3;
	s0 =	sld [smem:$0x3FA7]  }
0x30: {  	s3 =	sld [smem:$0x3FAA]  }
0x31: {  	[smem:$0x3FB3] =	sst s10  }
0x32: {  	s10 =	sld [smem:$0x3FB1];
	_ =	sdelay $0x3  }
0x33: {  	p0 =	seq.s32 s10, $0x1;
	s10 =	sld [smem:$0x3FB3];
	_ =	sdelay $0x3  }
0x34: {  	[smem:$0x3FB3] =	sst s10  }
0x35: {  	s10 =	sld [smem:$0x3FB2];
	_ =	sdelay $0x3  }
0x36: {  	p1 =	seq.s32 s10, $0x1;
	s10 =	sld [smem:$0x3FB3];
	_ =	sdelay $0x3  }
0x37: {  	[smem:$0x3FB3] =	sst s10  }
0x38: {  	s10 =	sld [smem:$0x3FB4]  }
0x39: {  	_ = 	snop;
	(pc) =	sbr.ind lr, $3  }
0x3a: {  	_ = 	snop  }
0x3b: {  	_ = 	snop  }
0x3c: {  	p2 =	seq.s32 s10, $0x1;
	s10 =	sld [smem:$0x3FB3]  }
0x3d: {  	_ =	shalt  }
0x3e: {  	_ =	shalt  }
0x3f: {  	_ =	shalt  }
0x40: {  	_ =	shalt  }
0x41: {  	_ =	shalt  }
0x42: {  	_ =	shalt  }
0x43: {  	_ =	shalt  }
0x44: {  	_ =	shalt  }
0x45: {  	_ =	shalt  }
0x46: {  	_ =	shalt  }
0x47: {  	_ =	shalt  }
0x48: {  	_ =	shalt  }
0x49: {  	_ =	shalt  }
0x4a: {  	_ =	shalt  }
0x4b: {  	_ =	shalt  }
0x4c: {  	_ =	shalt  }
0x4d: {  	_ =	shalt  }
0x4e: {  	_ =	shalt  }
0x4f: {  	_ =	shalt  }
0x50: {  	_ =	shalt  }
0x51: {  	_ =	shalt  }
0x52: {  	_ =	shalt  }
0x53: {  	_ =	shalt  }
0x54: {  	_ =	shalt  }
0x55: {  	_ =	shalt  }
0x56: {  	_ =	shalt  }
0x57: {  	_ =	shalt  }
0x58: {  	_ =	shalt  }
0x59: {  	_ =	shalt  }
0x5a: {  	_ =	shalt  }
0x5b: {  	_ =	shalt  }
0x5c: {  	_ =	shalt  }
0x5d: {  	_ =	shalt  }
0x5e: {  	_ =	shalt  }
0x5f: {  	_ =	shalt  }
0x60: {  	_ =	shalt  }
0x61: {  	_ =	shalt  }
0x62: {  	_ =	shalt  }
0x63: {  	_ =	shalt  }
0x64: {  	_ =	shalt  }
0x65: {  	_ =	shalt  }
0x66: {  	_ =	shalt  }
0x67: {  	_ =	shalt  }
0x68: {  	_ =	shalt  }
0x69: {  	_ =	shalt  }
0x6a: {  	_ =	shalt  }
0x6b: {  	_ =	shalt  }
0x6c: {  	_ =	shalt  }
0x6d: {  	_ =	shalt  }
0x6e: {  	_ =	shalt  }
0x6f: {  	_ =	shalt  }
0x70: {  	_ =	shalt  }
0x71: {  	_ =	shalt  }
0x72: {  	_ =	shalt  }
0x73: {  	_ =	shalt  }
0x74: {  	_ =	shalt  }
0x75: {  	_ =	shalt  }
0x76: {  	_ =	shalt  }
0x77: {  	_ =	shalt  }
0x78: {  	_ =	shalt  }
0x79: {  	_ =	shalt  }
0x7a: {  	_ =	shalt  }
0x7b: {  	_ =	shalt  }
0x7c: {  	_ =	shalt  }
0x7d: {  	_ =	shalt  }
0x7e: {  	_ =	shalt  }
0x7f: {  	_ =	shalt  }
0x80: {  	_ =	shalt  }
0x81: {  	_ =	shalt  }
0x82: {  	_ =	shalt  }
0x83: {  	_ =	shalt  }
0x84: {  	_ =	shalt  }
0x85: {  	_ =	shalt  }
0x86: {  	_ =	shalt  }
0x87: {  	_ =	shalt  }
.Lfunc_end0:
.L_simem_size_0:
called_computation.2_lowered:
.L_overlay_start_0:
0x88: {  	s2 =	sld [smem:$0x3FD9]  }
0x89: {  	s3 =	sld [smem:$0x3FFE];
	_ =	sdelay $0x1  }
0x8a: {  	s1 =	srdreg.scid  }
0x8b: {  	s0 =	sand.u32 $0x1, s1  }
0x8c: {  	s16 =	sshll.u32 s0, $0xA;
	s2 =	sadd.s32 s3, s2  }
0x8d: {  	s2 =	sadd.s32 s2, s16  }
0x8e: {  	[smem:$0x3FBF] =	sst s2  }
0x8f: {  	_ = 	snop  }
0x90: {  	(tm) =	ssettm $0x1  }
0x91: {  	s17 =	sld [smem:$0x3FFB];
	_ =	sdelay $0x3  }
0x92: {  	_ =	strace s17  }
0x93: {  	s2 =	sld [smem:$0x3FFC];
	_ =	sdelay $0x3  }
0x94: {  	_ =	strace s2  }
0x95: {  	s2 =	sld [smem:$0x3FFD];
	_ =	sdelay $0x3  }
0x96: {  	_ =	strace s2  }
0x97: {  	_ =	strace $0x8FFFFFFF  }
0x98: {  	s18 =	sld [smem:$0x3FDB];
	_ =	sdelay $0x1  }
0x99: {  	s19 =	simm.s32 $_scs_section_size  }
0x9a: {  	s4 =	simm.s32 $_size__tile_overlayer_lowered;
	s5 =	simm.s32 $_tile_overlayer_lowered  }
0x9b: {  	s22 =	simm.s32 $0x1BFF;
	s21 =	sshll.u32 s5, $0x1;
	s2 =	sadd.s32 s19, s18  }
0x9c: {  	s6 =	simm.s32 $0x0;
	s20 =	sshll.u32 s4, $0x1;
	s4 =	sadd.s32 s21, s2  }
0x9d: {  	[timem:s6], [sflag:s22] =	dma.local [hbm:s4], s20  }
0x9e: {  	_ =	swait.ge [sflag:s22], s20  }
0x9f: {  	s3 =	ssub.s32 $0x0, s20;
	[sflag:s22] =	ssyncset.done $0x0  }
0xa0: {  	[sflag:s22] =	ssyncadd.s32 s3;
	_ =	sdelay $0x1  }
0xa1: {  	s23 =	simm.s32 $0x1B8B  }
0xa2: {  	_ =	swait.ge [sflag:s23], $0x1  }
0xa3: {  	[sflag:s23] =	ssyncset.done $0x0  }
0xa4: {  	s25 =	simm.s32 $0x1B8E;
	s24 =	sld [smem:$0x3FFE];
	[sflag:s23] =	ssyncadd.s32 $0xFFFFFFFF  }
0xa5: {  	s26 =	simm.s32 $execute0_lowered;
	[smem:$0x3FD2] =	sst s25  }
0xa6: {  	s4 =	sshll.u32 s26, $0x1;
	_ =	strace $0x8000004C;
	[dreg:$0x1] =	wrdreg $0xFFFFFFFF  }
0xa7: {  	s28 =	simm.s32 $_size_execute0_lowered;
	s2 =	sadd.s32 s2, s4;
	[dreg:$0x0] =	wrdreg $0x0  }
0xa8: {  	s4 =	sshll.u32 s28, $0x1;
	[dreg:$0x2] =	wrdreg s2  }
0xa9: {  	[dreg:$0x3] =	wrdreg s4  }
0xaa: {  	[dreg:$0x4] =	wrdreg $0xC0  }
0xab: {  	_ =	task [dreg:s6], $0x5FFFF  }
0xac: {  	[dreg:$0x1] =	wrdreg $0xFFFFFFFF  }
0xad: {  	[dreg:$0x0] =	wrdreg $0x60  }
0xae: {  	[dreg:$0x2] =	wrdreg s24  }
0xaf: {  	[dreg:$0x3] =	wrdreg $0xB8000  }
0xb0: {  	[dreg:$0x4] =	wrdreg $0x9  }
0xb1: {  	_ =	task.clear_ibuf [dreg:s6], $0x5FFFF;
	_ =	strace $0x9000004C  }
0xb2: {  	s29 =	simm.s32 $0x9;
	_ =	strace $0x8000004E  }
0xb3: {  	_ =	swait.ge [sflag:s29], $0x1  }
0xb4: {  	[sflag:s29] =	ssyncadd.s32 $0xFFFFFFFF  }
0xb5: {  	_ =	strace $0x9000004E  }
0xb6: {  	_ =	sfence  }
0xb7: {  	s30 =	sld [smem:$0x0];
	_ =	sdelay $0x2  }
0xb8: {  	s31 =	sshll.u32 s1, $0xD;
	s1 =	sshrl.u32 s1, $0x2  }
0xb9: {  	s3 =	sand.u32 $0x4000, s31;
	s1 =	sadd.s32 s1, s30  }
0xba: {  	s0 =	sor.u32 s3, s0;
	s1 =	sshll.u32 s1, $0x11  }
0xbb: {  	s0 =	sor.u32 s1, s0  }
0xbc: {  	s0 =	sadd.s32 $0x8F2B, s0  }
0xbd: {  	[sflag:s0] =	ssyncadd.remote.s32 $0x1  }
0xbe: {  	_ =	sfence.sel $0xFFFF  }
0xbf: {  	[dreg:$0x0] =	wrdreg $0xFFFFFFFF;
	(pc) =	sbr.abs _section_cstart, $3  }
0xc0: {  	[dreg:$0x1] =	wrdreg $0xFFFFFFFF  }
0xc1: {  	_ =	task.clear_ibuf [dreg:s6], $0x2FFFF;
	_ =	strace $0x9FFFFFFF  }
0xc2: {  	(tm) =	ssettm $0x7FFFFFFF  }
0xc3: {  	_ =	shalt  }
tec
execute0_lowered:
.L_overlay_start_1:
0x0: {  	(tag) =	ssettag $0x1  }
0x1: {  	s2 =	srdreg.scid;
	s10 =	stileid.u32  }
0x2: {  	s2 =	sand.u32 $0x1, s2;
	s6 =	smul.u32 $0x14000, s10  }
0x3: {  	s0 =	rddreg [dreg:$0x0];
	s5 =	smul.u32 $0x140000, s2  }
0x4: {  	s1 =	rddreg [dreg:$0x1];
	s26 =	smul.u32 $0x50000, s10  }
0x5: {  	s3 =	simm.s32 $0x0;
	s4 =	sadd.s32 $0x67200, s0;
	s5 =	sadd.s32 s6, s5  }
0x6: {  	s7 =	sadd.s32 $0x5D200, s0;
	s6 =	sshrl.u32 s26, $0x2;
	s5 =	sshrl.u32 s5, $0x3  }
0x7: {  	s8 =	sadd.s32 $0x3200, s0;
	s0 =	sadd.s32 s5, s0;
	s5 =	sadd.s32 s6, s1  }
0x8: {  	[smem:$0x7FF] =	sst s3;
	s12 =	sadd.s32 $0x1000, s5  }
0x9: {  	_ =	strace $0x8000004D;
	s13 =	sadd.s32 $0x2000, s5;
	[dreg:$0x3] =	wrdreg s12  }
0xa: {  	s9 =	ssub.s32 $0x2, s2;
	s14 =	sadd.s32 $0x3000, s5;
	[dreg:$0x4] =	wrdreg s13  }
0xb: {  	s2 =	sshll.u32 s2, $0x4;
	s15 =	sadd.s32 $0x4000, s5;
	[dreg:$0x5] =	wrdreg s14  }
0xc: {  	s11 =	sshrl.u32 s9, $0x1;
	s16 =	sadd.s32 $0x5000, s5;
	[dreg:$0x6] =	wrdreg s15  }
0xd: {  	s2 =	sor.u32 s10, s2;
	s17 =	sadd.s32 $0x6000, s5;
	[dreg:$0x7] =	wrdreg s16  }
0xe: {  	s10 =	simm.s32 $0x2800;
	s18 =	sadd.s32 $0x7000, s5;
	[dreg:$0x8] =	wrdreg s17  }
0xf: {  	s2 =	smul.u32 $0x2800, s2;
	s19 =	sadd.s32 $0x8000, s5;
	[dreg:$0x9] =	wrdreg s18  }
0x10: {  	s6 =	ssub.s32 s9, s11;
	s20 =	sadd.s32 $0x9000, s5;
	[dreg:$0xa] =	wrdreg s19  }
0x11: {  	s2 =	sshrl.u32 s2, $0x3;
	s21 =	sadd.s32 $0xA000, s5;
	[dreg:$0xb] =	wrdreg s20  }
0x12: {  	s9 =	simm.s32 $0x7D;
	s22 =	sadd.s32 $0xB000, s5;
	[dreg:$0xc] =	wrdreg s21  }
0x13: {  	s11 =	simm.s32 $0x6800;
	s23 =	sadd.s32 $0xC000, s5;
	[dreg:$0xd] =	wrdreg s22  }
0x14: {  	s24 =	sadd.s32 $0xD000, s5;
	s25 =	sadd.s32 $0x280, s2;
	[dreg:$0xe] =	wrdreg s23  }
0x15: {  	s26 =	sadd.s32 s7, s2;
	s2 =	sadd.s32 s8, s2;
	[dreg:$0xf] =	wrdreg s24  }
0x16: {  	s28 =	sadd.s32 $0x10000, s5;
	s29 =	sadd.s32 $0x11000, s5;
	[dreg:$0x10] =	wrdreg s26  }
0x17: {  	s30 =	sadd.s32 $0x12000, s5;
	s31 =	sadd.s32 $0x13000, s5;
	[dreg:$0x11] =	wrdreg s2  }
0x18: {  	s21 =	sadd.s32 s7, s25;
	s22 =	sadd.s32 s8, s25;
	s23 =	sadd.s32 $0xE000, s5  }
0x19: {  	s24 =	sadd.s32 $0x8E400, s0;
	s25 =	smax.u32 s6, $0x1;
	s26 =	sadd.s32 $0xF000, s5  }
0x1a: {  	s0 =	simm.s32 $0xA800;
	s2 =	simm.s32 $0x3;
	s6 =	simm.s32 $0x1400  }
0x1b: {  	s7 =	simm.s32 $0x1;
	s8 =	simm.s32 $0x2;
	s12 =	simm.s32 $0x4  }
0x1c: {  	v0 =	vimm.f32 $0.0e+00;
	s13 =	simm.s32 $0x1380;
	s14 =	simm.s32 $0x2700;
	s15 =	simm.s32 $0x2780  }
.LBB2_1:
0x1d: {  	s16 =	simm.s32 $0x0;
	s17 =	simm.s32 $0x200  }
.LBB2_2:
0x1e: {  	p0 =	sne.s32 s17, $0x3E00;
	[tilespmem:s16+$0xA870] =	vst v0  }
0x1f: {  	[tilespmem:s16+$0xA800] =	vst v0  }
0x20: {  	[tilespmem:s16+$0xA810] =	vst v0  }
.Ltmp0:
0x21: {  	[tilespmem:s16+$0xA820] =	vst v0;
	(pc) =	sbr.rel @p0 .LBB2_2-.Ltmp0, $4  }
0x22: {  	[tilespmem:s16+$0xA830] =	vst v0  }
0x23: {  	[tilespmem:s16+$0xA840] =	vst v0  }
0x24: {  	[tilespmem:s16+$0xA850] =	vst v0  }
0x25: {  	[tilespmem:s16+$0xA860] =	vst v0;
	s16 =	sshra.s32 s17, $0x2;
	s17 =	sadd.s32 $0x200, s17  }
0x26: {  	[tilespmem:s16+$0xA870] =	vst v0  }
0x27: {  	[tilespmem:s16+$0xA800] =	vst v0  }
0x28: {  	[tilespmem:s16+$0xA810] =	vst v0  }
0x29: {  	[tilespmem:s16+$0xA820] =	vst v0  }
0x2a: {  	[tilespmem:s16+$0xA830] =	vst v0  }
0x2b: {  	[tilespmem:s16+$0xA840] =	vst v0  }
0x2c: {  	[tilespmem:s16+$0xA850] =	vst v0  }
0x2d: {  	[tilespmem:s16+$0xA860] =	vst v0  }
0x2e: {  	[spmem:s5] =	stream.linear.scatter [tilespmem:s0], [sflag:$0x3], $0x1000, $0x38;
	[tilespmem:$0x1F800] =	vst v63  }
0x2f: {  	s18 =	rddreg [dreg:$0x3]  }
0x30: {  	[spmem:s18] =	stream.linear.scatter [tilespmem:s0], [sflag:$0x3], $0x1000, $0x38;
	[tilespmem:$0x1F800] =	vst v63  }
0x31: {  	s19 =	rddreg [dreg:$0x4]  }
0x32: {  	[spmem:s19] =	stream.linear.scatter [tilespmem:s0], [sflag:$0x3], $0x1000, $0x38;
	[tilespmem:$0x1F800] =	vst v63  }
0x33: {  	s20 =	rddreg [dreg:$0x5]  }
0x34: {  	[spmem:s20] =	stream.linear.scatter [tilespmem:s0], [sflag:$0x3], $0x1000, $0x38;
	[tilespmem:$0x1F800] =	vst v63  }
0x35: {  	s17 =	rddreg [dreg:$0x6]  }
0x36: {  	[spmem:s17] =	stream.linear.scatter [tilespmem:s0], [sflag:$0x3], $0x1000, $0x38;
	[tilespmem:$0x1F800] =	vst v63  }
0x37: {  	s18 =	rddreg [dreg:$0x7]  }
0x38: {  	[spmem:s18] =	stream.linear.scatter [tilespmem:s0], [sflag:$0x3], $0x1000, $0x38;
	[tilespmem:$0x1F800] =	vst v63  }
0x39: {  	s19 =	rddreg [dreg:$0x8]  }
0x3a: {  	[spmem:s19] =	stream.linear.scatter [tilespmem:s0], [sflag:$0x3], $0x1000, $0x38;
	[tilespmem:$0x1F800] =	vst v63  }
0x3b: {  	s20 =	rddreg [dreg:$0x9]  }
0x3c: {  	[spmem:s20] =	stream.linear.scatter [tilespmem:s0], [sflag:$0x3], $0x1000, $0x38;
	[tilespmem:$0x1F800] =	vst v63  }
0x3d: {  	s17 =	rddreg [dreg:$0xa]  }
0x3e: {  	[spmem:s17] =	stream.linear.scatter [tilespmem:s0], [sflag:$0x3], $0x1000, $0x38;
	[tilespmem:$0x1F800] =	vst v63  }
0x3f: {  	s18 =	rddreg [dreg:$0xb]  }
0x40: {  	[spmem:s18] =	stream.linear.scatter [tilespmem:s0], [sflag:$0x3], $0x1000, $0x38;
	[tilespmem:$0x1F800] =	vst v63  }
0x41: {  	s19 =	rddreg [dreg:$0xc]  }
0x42: {  	[spmem:s19] =	stream.linear.scatter [tilespmem:s0], [sflag:$0x3], $0x1000, $0x38;
	[tilespmem:$0x1F800] =	vst v63  }
0x43: {  	s20 =	rddreg [dreg:$0xd]  }
0x44: {  	[spmem:s20] =	stream.linear.scatter [tilespmem:s0], [sflag:$0x3], $0x1000, $0x38;
	[tilespmem:$0x1F800] =	vst v63  }
0x45: {  	s17 =	rddreg [dreg:$0xe]  }
0x46: {  	[spmem:s17] =	stream.linear.scatter [tilespmem:s0], [sflag:$0x3], $0x1000, $0x38;
	[tilespmem:$0x1F800] =	vst v63  }
0x47: {  	s18 =	rddreg [dreg:$0xf]  }
0x48: {  	[spmem:s18] =	stream.linear.scatter [tilespmem:s0], [sflag:$0x3], $0x1000, $0x38;
	[tilespmem:$0x1F800] =	vst v63  }
0x49: {  	_ = 	snop  }
0x4a: {  	[spmem:s23] =	stream.linear.scatter [tilespmem:s0], [sflag:$0x3], $0x1000, $0x38;
	[tilespmem:$0x1F800] =	vst v63  }
0x4b: {  	_ = 	snop  }
0x4c: {  	[spmem:s26] =	stream.linear.scatter [tilespmem:s0], [sflag:$0x3], $0x1000, $0x38;
	[tilespmem:$0x1F800] =	vst v63  }
0x4d: {  	_ = 	snop  }
0x4e: {  	[spmem:s28] =	stream.linear.scatter [tilespmem:s0], [sflag:$0x3], $0x1000, $0x38;
	[tilespmem:$0x1F800] =	vst v63  }
0x4f: {  	_ = 	snop  }
0x50: {  	[spmem:s29] =	stream.linear.scatter [tilespmem:s0], [sflag:$0x3], $0x1000, $0x38;
	[tilespmem:$0x1F800] =	vst v63  }
0x51: {  	_ = 	snop  }
0x52: {  	[spmem:s30] =	stream.linear.scatter [tilespmem:s0], [sflag:$0x3], $0x1000, $0x38;
	[tilespmem:$0x1F800] =	vst v63  }
0x53: {  	_ = 	snop  }
0x54: {  	[spmem:s31] =	stream.linear.scatter [tilespmem:s0], [sflag:$0x3], $0x1000, $0x38;
	[tilespmem:$0x1F800] =	vst v63  }
0x55: {  	_ =	swait.ge [sflag:s2], $0x1000  }
0x56: {  	[sflag:s2] =	ssyncset.done $0x0  }
0x57: {  	[sflag:s2] =	ssyncadd.s32 $0xFFFFF000  }
0x58: {  	_ =	swait.ge [sflag:s2], $0x1000  }
0x59: {  	[sflag:s2] =	ssyncset.done $0x0  }
0x5a: {  	[sflag:s2] =	ssyncadd.s32 $0xFFFFF000  }
0x5b: {  	_ =	swait.ge [sflag:s2], $0x1000  }
0x5c: {  	[sflag:s2] =	ssyncset.done $0x0  }
0x5d: {  	[sflag:s2] =	ssyncadd.s32 $0xFFFFF000  }
0x5e: {  	_ =	swait.ge [sflag:s2], $0x1000  }
0x5f: {  	[sflag:s2] =	ssyncset.done $0x0  }
0x60: {  	[sflag:s2] =	ssyncadd.s32 $0xFFFFF000  }
0x61: {  	_ =	swait.ge [sflag:s2], $0x1000  }
0x62: {  	[sflag:s2] =	ssyncset.done $0x0  }
0x63: {  	[sflag:s2] =	ssyncadd.s32 $0xFFFFF000  }
0x64: {  	_ =	swait.ge [sflag:s2], $0x1000  }
0x65: {  	[sflag:s2] =	ssyncset.done $0x0  }
0x66: {  	[sflag:s2] =	ssyncadd.s32 $0xFFFFF000  }
0x67: {  	_ =	swait.ge [sflag:s2], $0x1000  }
0x68: {  	[sflag:s2] =	ssyncset.done $0x0  }
0x69: {  	[sflag:s2] =	ssyncadd.s32 $0xFFFFF000  }
0x6a: {  	_ =	swait.ge [sflag:s2], $0x1000  }
0x6b: {  	[sflag:s2] =	ssyncset.done $0x0  }
0x6c: {  	[sflag:s2] =	ssyncadd.s32 $0xFFFFF000  }
0x6d: {  	_ =	swait.ge [sflag:s2], $0x1000  }
0x6e: {  	[sflag:s2] =	ssyncset.done $0x0  }
0x6f: {  	[sflag:s2] =	ssyncadd.s32 $0xFFFFF000  }
0x70: {  	_ =	swait.ge [sflag:s2], $0x1000  }
0x71: {  	[sflag:s2] =	ssyncset.done $0x0  }
0x72: {  	[sflag:s2] =	ssyncadd.s32 $0xFFFFF000  }
0x73: {  	_ =	swait.ge [sflag:s2], $0x1000  }
0x74: {  	[sflag:s2] =	ssyncset.done $0x0  }
0x75: {  	[sflag:s2] =	ssyncadd.s32 $0xFFFFF000  }
0x76: {  	_ =	swait.ge [sflag:s2], $0x1000  }
0x77: {  	[sflag:s2] =	ssyncset.done $0x0  }
0x78: {  	[sflag:s2] =	ssyncadd.s32 $0xFFFFF000  }
0x79: {  	_ =	swait.ge [sflag:s2], $0x1000  }
0x7a: {  	[sflag:s2] =	ssyncset.done $0x0  }
0x7b: {  	[sflag:s2] =	ssyncadd.s32 $0xFFFFF000  }
0x7c: {  	_ =	swait.ge [sflag:s2], $0x1000  }
0x7d: {  	[sflag:s2] =	ssyncset.done $0x0  }
0x7e: {  	[sflag:s2] =	ssyncadd.s32 $0xFFFFF000  }
0x7f: {  	_ =	swait.ge [sflag:s2], $0x1000  }
0x80: {  	[sflag:s2] =	ssyncset.done $0x0  }
0x81: {  	[sflag:s2] =	ssyncadd.s32 $0xFFFFF000  }
0x82: {  	_ =	swait.ge [sflag:s2], $0x1000  }
0x83: {  	[sflag:s2] =	ssyncset.done $0x0  }
0x84: {  	[sflag:s2] =	ssyncadd.s32 $0xFFFFF000  }
0x85: {  	_ =	swait.ge [sflag:s2], $0x1000  }
0x86: {  	[sflag:s2] =	ssyncset.done $0x0  }
0x87: {  	[sflag:s2] =	ssyncadd.s32 $0xFFFFF000  }
0x88: {  	_ =	swait.ge [sflag:s2], $0x1000  }
0x89: {  	[sflag:s2] =	ssyncset.done $0x0  }
0x8a: {  	[sflag:s2] =	ssyncadd.s32 $0xFFFFF000  }
0x8b: {  	_ =	swait.ge [sflag:s2], $0x1000  }
0x8c: {  	[sflag:s2] =	ssyncset.done $0x0  }
0x8d: {  	[sflag:s2] =	ssyncadd.s32 $0xFFFFF000  }
0x8e: {  	_ =	swait.ge [sflag:s2], $0x1000  }
0x8f: {  	[sflag:s2] =	ssyncset.done $0x0  }
0x90: {  	[sflag:s2] =	ssyncadd.s32 $0xFFFFF000  }
0x91: {  	[bflag:$0x0] =	sbarrier.arrive $0xFFFF  }
0x92: {  	s19 =	simm.s32 $0x0;
	s17 =	rddreg [dreg:$0x10]  }
0x93: {  	[tilespmem:s19], [sflag:$0x1] =	stream.linear.gather [hbm4b:s17+s19], $0x1400, $0x38;
	[tilespmem:$0x1F800] =	vst v63  }
0x94: {  	s20 =	rddreg [dreg:$0x11]  }
0x95: {  	[tilespmem:s6], [sflag:$0x2] =	stream.linear.gather [hbm4b:s20+s19], $0x1400, $0x38;
	[tilespmem:$0x1F800] =	vst v63  }
0x96: {  	_ =	swait.ge [sflag:s7], $0x1400  }
0x97: {  	[sflag:s7] =	ssyncset.done $0x0  }
0x98: {  	[sflag:s7] =	ssyncadd.s32 $0xFFFFEC00  }
0x99: {  	_ =	swait.ge [sflag:s8], $0x1400  }
0x9a: {  	[sflag:s8] =	ssyncset.done $0x0  }
0x9b: {  	[sflag:s8] =	ssyncadd.s32 $0xFFFFEC00  }
0x9c: {  	[tilespmem:s10], [sflag:$0x1] =	stream.indirect.gather [hbm4b:s4+s9], $0x80, s19, s9, $0xb8;
	[tilespmem:$0x1F800] =	vst v63  }
0x9d: {  	s17 =	simm.s32 $0x80  }
0x9e: {  	[tilespmem:s11], [sflag:$0x2] =	stream.indirect.gather [hbm4b:s4+s9], $0x80, s17, s9, $0xb8;
	[tilespmem:$0x1F800] =	vst v63  }
0x9f: {  	_ =	swait.ge [sflag:s7], $0x3E80  }
0xa0: {  	[sflag:s7] =	ssyncset.done $0x0  }
0xa1: {  	s18 =	simm.s32 $0x1400;
	[sflag:s7] =	ssyncadd.s32 $0xFFFFC180  }
0xa2: {  	[spmem:s1] =	stream.indirect.scatter.add.f32 [tilespmem:s10], [sflag:$0x4], $0x80, s18, s9, $0xb8;
	[tilespmem:$0x1F800] =	vst v63  }
0xa3: {  	_ =	swait.ge [sflag:s12], $0x3E80  }
0xa4: {  	[sflag:s12] =	ssyncset.done $0x0  }
0xa5: {  	s19 =	simm.s32 $0x100;
	[sflag:s12] =	ssyncadd.s32 $0xFFFFC180  }
0xa6: {  	[tilespmem:s10], [sflag:$0x1] =	stream.indirect.gather [hbm4b:s4+s9], $0x80, s19, s9, $0xb8;
	[tilespmem:$0x1F800] =	vst v63  }
0xa7: {  	_ =	swait.ge [sflag:s8], $0x3E80  }
0xa8: {  	[sflag:s8] =	ssyncset.done $0x0  }
0xa9: {  	s20 =	simm.s32 $0x1480;
	[sflag:s8] =	ssyncadd.s32 $0xFFFFC180  }
0xaa: {  	[spmem:s1] =	stream.indirect.scatter.add.f32 [tilespmem:s11], [sflag:$0x4], $0x80, s20, s9, $0xb8;
	[tilespmem:$0x1F800] =	vst v63  }
0xab: {  	_ =	swait.ge [sflag:s12], $0x3E80  }
0xac: {  	s16 =	simm.s32 $0x100;
	s17 =	simm.s32 $0x800;
	[sflag:s12] =	ssyncset.done $0x0  }
.LBB2_4:
0xad: {  	s18 =	sadd.s32 $0x80, s16  }
0xae: {  	[sflag:s12] =	ssyncadd.s32 $0xFFFFC180;
	s19 =	smov.u32 s17;
	s20 =	sadd.s32 $0x400, s17  }
0xaf: {  	[tilespmem:s11], [sflag:$0x2] =	stream.indirect.gather [hbm4b:s4+s9], $0x80, s18, s9, $0xb8;
	[tilespmem:$0x1F800] =	vst v63  }
0xb0: {  	p0 =	sne.s32 s17, $0x4800;
	_ =	swait.ge [sflag:s7], $0x3E80  }
0xb1: {  	[sflag:s7] =	ssyncset.done $0x0  }
0xb2: {  	s17 =	sadd.s32 $0x1400, s16;
	[sflag:s7] =	ssyncadd.s32 $0xFFFFC180  }
0xb3: {  	[spmem:s1] =	stream.indirect.scatter.add.f32 [tilespmem:s10], [sflag:$0x4], $0x80, s17, s9, $0xb8;
	[tilespmem:$0x1F800] =	vst v63  }
0xb4: {  	_ =	swait.ge [sflag:s12], $0x3E80  }
0xb5: {  	[sflag:s12] =	ssyncset.done $0x0  }
0xb6: {  	s17 =	sadd.s32 $0x100, s16;
	[sflag:s12] =	ssyncadd.s32 $0xFFFFC180  }
0xb7: {  	[tilespmem:s10], [sflag:$0x1] =	stream.indirect.gather [hbm4b:s4+s9], $0x80, s17, s9, $0xb8;
	[tilespmem:$0x1F800] =	vst v63  }
0xb8: {  	_ =	swait.ge [sflag:s8], $0x3E80  }
.Ltmp1:
0xb9: {  	[sflag:s8] =	ssyncset.done $0x0;
	(pc) =	sbr.rel @p0 .LBB2_4-.Ltmp1, $4  }
0xba: {  	s16 =	sadd.s32 $0x1480, s16;
	[sflag:s8] =	ssyncadd.s32 $0xFFFFC180  }
0xbb: {  	[spmem:s1] =	stream.indirect.scatter.add.f32 [tilespmem:s11], [sflag:$0x4], $0x80, s16, s9, $0xb8;
	[tilespmem:$0x1F800] =	vst v63  }
0xbc: {  	_ =	swait.ge [sflag:s12], $0x3E80  }
0xbd: {  	s17 =	smov.u32 s20;
	s16 =	sshra.s32 s19, $0x2;
	[sflag:s12] =	ssyncset.done $0x0  }
0xbe: {  	s17 =	sadd.s32 $0x80, s16;
	[sflag:s12] =	ssyncadd.s32 $0xFFFFC180  }
0xbf: {  	[tilespmem:s11], [sflag:$0x2] =	stream.indirect.gather [hbm4b:s4+s9], $0x80, s17, s9, $0xb8;
	[tilespmem:$0x1F800] =	vst v63  }
0xc0: {  	_ =	swait.ge [sflag:s7], $0x3E80  }
0xc1: {  	[sflag:s7] =	ssyncset.done $0x0  }
0xc2: {  	s20 =	sadd.s32 $0x1400, s16;
	[sflag:s7] =	ssyncadd.s32 $0xFFFFC180  }
0xc3: {  	[spmem:s1] =	stream.indirect.scatter.add.f32 [tilespmem:s10], [sflag:$0x4], $0x80, s20, s9, $0xb8;
	[tilespmem:$0x1F800] =	vst v63  }
0xc4: {  	_ =	swait.ge [sflag:s12], $0x3E80  }
0xc5: {  	[sflag:s12] =	ssyncset.done $0x0  }
0xc6: {  	s18 =	sadd.s32 $0x100, s16;
	[sflag:s12] =	ssyncadd.s32 $0xFFFFC180  }
0xc7: {  	[tilespmem:s10], [sflag:$0x1] =	stream.indirect.gather [hbm4b:s4+s9], $0x80, s18, s9, $0xb8;
	[tilespmem:$0x1F800] =	vst v63  }
0xc8: {  	_ =	swait.ge [sflag:s8], $0x3E80  }
0xc9: {  	[sflag:s8] =	ssyncset.done $0x0  }
0xca: {  	s19 =	sadd.s32 $0x1480, s16;
	[sflag:s8] =	ssyncadd.s32 $0xFFFFC180  }
0xcb: {  	[spmem:s1] =	stream.indirect.scatter.add.f32 [tilespmem:s11], [sflag:$0x4], $0x80, s19, s9, $0xb8;
	[tilespmem:$0x1F800] =	vst v63  }
0xcc: {  	_ =	swait.ge [sflag:s12], $0x3E80  }
0xcd: {  	[sflag:s12] =	ssyncset.done $0x0  }
0xce: {  	[sflag:s12] =	ssyncadd.s32 $0xFFFFC180  }
0xcf: {  	[tilespmem:s11], [sflag:$0x2] =	stream.indirect.gather [hbm4b:s4+s9], $0x80, s13, s9, $0xb8;
	[tilespmem:$0x1F800] =	vst v63  }
0xd0: {  	_ =	swait.ge [sflag:s7], $0x3E80  }
0xd1: {  	[sflag:s7] =	ssyncset.done $0x0  }
0xd2: {  	[sflag:s7] =	ssyncadd.s32 $0xFFFFC180  }
0xd3: {  	[spmem:s1] =	stream.indirect.scatter.add.f32 [tilespmem:s10], [sflag:$0x4], $0x80, s14, s9, $0xb8;
	[tilespmem:$0x1F800] =	vst v63  }
0xd4: {  	_ =	swait.ge [sflag:s12], $0x3E80  }
0xd5: {  	[sflag:s12] =	ssyncset.done $0x0  }
0xd6: {  	[sflag:s12] =	ssyncadd.s32 $0xFFFFC180  }
0xd7: {  	_ =	swait.ge [sflag:s8], $0x3E80  }
0xd8: {  	[sflag:s8] =	ssyncset.done $0x0  }
0xd9: {  	[sflag:s8] =	ssyncadd.s32 $0xFFFFC180  }
0xda: {  	[spmem:s1] =	stream.indirect.scatter.add.f32 [tilespmem:s11], [sflag:$0x4], $0x80, s15, s9, $0xb8;
	[tilespmem:$0x1F800] =	vst v63  }
0xdb: {  	_ =	swait.ge [sflag:s12], $0x3E80  }
0xdc: {  	[sflag:s12] =	ssyncset.done $0x0  }
0xdd: {  	s20 =	simm.s32 $0x0;
	[sflag:s12] =	ssyncadd.s32 $0xFFFFC180  }
0xde: {  	[tilespmem:s20], [sflag:$0x1] =	stream.linear.gather [hbm4b:s21+s20], $0x1400, $0x38;
	[tilespmem:$0x1F800] =	vst v63  }
0xdf: {  	_ = 	snop  }
0xe0: {  	[tilespmem:s6], [sflag:$0x2] =	stream.linear.gather [hbm4b:s22+s20], $0x1400, $0x38;
	[tilespmem:$0x1F800] =	vst v63  }
0xe1: {  	_ =	swait.ge [sflag:s7], $0x1400  }
0xe2: {  	[sflag:s7] =	ssyncset.done $0x0  }
0xe3: {  	[sflag:s7] =	ssyncadd.s32 $0xFFFFEC00  }
0xe4: {  	_ =	swait.ge [sflag:s8], $0x1400  }
0xe5: {  	[sflag:s8] =	ssyncset.done $0x0  }
0xe6: {  	[sflag:s8] =	ssyncadd.s32 $0xFFFFEC00  }
0xe7: {  	[tilespmem:s10], [sflag:$0x1] =	stream.indirect.gather [hbm4b:s4+s9], $0x80, s20, s9, $0xb8;
	[tilespmem:$0x1F800] =	vst v63  }
0xe8: {  	s17 =	simm.s32 $0x80  }
0xe9: {  	[tilespmem:s11], [sflag:$0x2] =	stream.indirect.gather [hbm4b:s4+s9], $0x80, s17, s9, $0xb8;
	[tilespmem:$0x1F800] =	vst v63  }
0xea: {  	_ =	swait.ge [sflag:s7], $0x3E80  }
0xeb: {  	[sflag:s7] =	ssyncset.done $0x0  }
0xec: {  	s18 =	simm.s32 $0x1400;
	[sflag:s7] =	ssyncadd.s32 $0xFFFFC180  }
0xed: {  	[spmem:s1] =	stream.indirect.scatter.add.f32 [tilespmem:s10], [sflag:$0x4], $0x80, s18, s9, $0xb8;
	[tilespmem:$0x1F800] =	vst v63  }
0xee: {  	_ =	swait.ge [sflag:s12], $0x3E80  }
0xef: {  	[sflag:s12] =	ssyncset.done $0x0  }
0xf0: {  	s19 =	simm.s32 $0x100;
	[sflag:s12] =	ssyncadd.s32 $0xFFFFC180  }
0xf1: {  	[tilespmem:s10], [sflag:$0x1] =	stream.indirect.gather [hbm4b:s4+s9], $0x80, s19, s9, $0xb8;
	[tilespmem:$0x1F800] =	vst v63  }
0xf2: {  	_ =	swait.ge [sflag:s8], $0x3E80  }
0xf3: {  	[sflag:s8] =	ssyncset.done $0x0  }
0xf4: {  	s20 =	simm.s32 $0x1480;
	[sflag:s8] =	ssyncadd.s32 $0xFFFFC180  }
0xf5: {  	[spmem:s1] =	stream.indirect.scatter.add.f32 [tilespmem:s11], [sflag:$0x4], $0x80, s20, s9, $0xb8;
	[tilespmem:$0x1F800] =	vst v63  }
0xf6: {  	_ =	swait.ge [sflag:s12], $0x3E80  }
0xf7: {  	s16 =	simm.s32 $0x100;
	s17 =	simm.s32 $0x800;
	[sflag:s12] =	ssyncset.done $0x0  }
.LBB2_6:
0xf8: {  	s18 =	sadd.s32 $0x80, s16  }
0xf9: {  	[sflag:s12] =	ssyncadd.s32 $0xFFFFC180;
	s19 =	smov.u32 s17;
	s20 =	sadd.s32 $0x400, s17  }
0xfa: {  	[tilespmem:s11], [sflag:$0x2] =	stream.indirect.gather [hbm4b:s4+s9], $0x80, s18, s9, $0xb8;
	[tilespmem:$0x1F800] =	vst v63  }
0xfb: {  	p0 =	sne.s32 s17, $0x4800;
	_ =	swait.ge [sflag:s7], $0x3E80  }
0xfc: {  	[sflag:s7] =	ssyncset.done $0x0  }
0xfd: {  	s17 =	sadd.s32 $0x1400, s16;
	[sflag:s7] =	ssyncadd.s32 $0xFFFFC180  }
0xfe: {  	[spmem:s1] =	stream.indirect.scatter.add.f32 [tilespmem:s10], [sflag:$0x4], $0x80, s17, s9, $0xb8;
	[tilespmem:$0x1F800] =	vst v63  }
0xff: {  	_ =	swait.ge [sflag:s12], $0x3E80  }
0x100: {  	[sflag:s12] =	ssyncset.done $0x0  }
0x101: {  	s17 =	sadd.s32 $0x100, s16;
	[sflag:s12] =	ssyncadd.s32 $0xFFFFC180  }
0x102: {  	[tilespmem:s10], [sflag:$0x1] =	stream.indirect.gather [hbm4b:s4+s9], $0x80, s17, s9, $0xb8;
	[tilespmem:$0x1F800] =	vst v63  }
0x103: {  	_ =	swait.ge [sflag:s8], $0x3E80  }
.Ltmp2:
0x104: {  	[sflag:s8] =	ssyncset.done $0x0;
	(pc) =	sbr.rel @p0 .LBB2_6-.Ltmp2, $4  }
0x105: {  	s16 =	sadd.s32 $0x1480, s16;
	[sflag:s8] =	ssyncadd.s32 $0xFFFFC180  }
0x106: {  	[spmem:s1] =	stream.indirect.scatter.add.f32 [tilespmem:s11], [sflag:$0x4], $0x80, s16, s9, $0xb8;
	[tilespmem:$0x1F800] =	vst v63  }
0x107: {  	_ =	swait.ge [sflag:s12], $0x3E80  }
0x108: {  	s17 =	smov.u32 s20;
	s16 =	sshra.s32 s19, $0x2;
	[sflag:s12] =	ssyncset.done $0x0  }
0x109: {  	s17 =	sadd.s32 $0x80, s16;
	[sflag:s12] =	ssyncadd.s32 $0xFFFFC180  }
0x10a: {  	[tilespmem:s11], [sflag:$0x2] =	stream.indirect.gather [hbm4b:s4+s9], $0x80, s17, s9, $0xb8;
	[tilespmem:$0x1F800] =	vst v63  }
0x10b: {  	_ =	swait.ge [sflag:s7], $0x3E80  }
0x10c: {  	[sflag:s7] =	ssyncset.done $0x0  }
0x10d: {  	s19 =	sadd.s32 $0x1400, s16;
	[sflag:s7] =	ssyncadd.s32 $0xFFFFC180  }
0x10e: {  	[spmem:s1] =	stream.indirect.scatter.add.f32 [tilespmem:s10], [sflag:$0x4], $0x80, s19, s9, $0xb8;
	[tilespmem:$0x1F800] =	vst v63  }
0x10f: {  	_ =	swait.ge [sflag:s12], $0x3E80  }
0x110: {  	[sflag:s12] =	ssyncset.done $0x0  }
0x111: {  	s20 =	sadd.s32 $0x100, s16;
	[sflag:s12] =	ssyncadd.s32 $0xFFFFC180  }
0x112: {  	[tilespmem:s10], [sflag:$0x1] =	stream.indirect.gather [hbm4b:s4+s9], $0x80, s20, s9, $0xb8;
	[tilespmem:$0x1F800] =	vst v63  }
0x113: {  	_ =	swait.ge [sflag:s8], $0x3E80  }
0x114: {  	[sflag:s8] =	ssyncset.done $0x0  }
0x115: {  	s18 =	sadd.s32 $0x1480, s16;
	[sflag:s8] =	ssyncadd.s32 $0xFFFFC180  }
0x116: {  	[spmem:s1] =	stream.indirect.scatter.add.f32 [tilespmem:s11], [sflag:$0x4], $0x80, s18, s9, $0xb8;
	[tilespmem:$0x1F800] =	vst v63  }
0x117: {  	_ =	swait.ge [sflag:s12], $0x3E80  }
0x118: {  	[sflag:s12] =	ssyncset.done $0x0  }
0x119: {  	[sflag:s12] =	ssyncadd.s32 $0xFFFFC180  }
0x11a: {  	[tilespmem:s11], [sflag:$0x2] =	stream.indirect.gather [hbm4b:s4+s9], $0x80, s13, s9, $0xb8;
	[tilespmem:$0x1F800] =	vst v63  }
0x11b: {  	_ =	swait.ge [sflag:s7], $0x3E80  }
0x11c: {  	[sflag:s7] =	ssyncset.done $0x0  }
0x11d: {  	[sflag:s7] =	ssyncadd.s32 $0xFFFFC180  }
0x11e: {  	[spmem:s1] =	stream.indirect.scatter.add.f32 [tilespmem:s10], [sflag:$0x4], $0x80, s14, s9, $0xb8;
	[tilespmem:$0x1F800] =	vst v63  }
0x11f: {  	_ =	swait.ge [sflag:s12], $0x3E80  }
0x120: {  	[sflag:s12] =	ssyncset.done $0x0  }
0x121: {  	[sflag:s12] =	ssyncadd.s32 $0xFFFFC180  }
0x122: {  	_ =	swait.ge [sflag:s8], $0x3E80  }
0x123: {  	[sflag:s8] =	ssyncset.done $0x0  }
0x124: {  	[sflag:s8] =	ssyncadd.s32 $0xFFFFC180  }
0x125: {  	[spmem:s1] =	stream.indirect.scatter.add.f32 [tilespmem:s11], [sflag:$0x4], $0x80, s15, s9, $0xb8;
	[tilespmem:$0x1F800] =	vst v63  }
0x126: {  	s19 =	stileid.u32;
	_ =	swait.ge [sflag:s12], $0x3E80  }
0x127: {  	s3 =	sadd.s32 $0x1, s3;
	s16 =	sshll.u32 s19, $0x6;
	[sflag:s12] =	ssyncset.done $0x0  }
0x128: {  	p0 =	sne.s32 s3, s25;
	s16 =	sor.u32 $0x1C04, s16;
	[sflag:s12] =	ssyncadd.s32 $0xFFFFC180  }
.Ltmp3:
0x129: {  	s20 =	sshrl.u32 s5, $0x3;
	[bflag:$0x0] =	sbarrier.arrive $0xFFFF;
	(pc) =	sbr.rel @p0 .LBB2_1-.Ltmp3, $4  }
0x12a: {  	[hbm:s24], [sflag:s16] =	dma.local [spmem:s20], $0x2800  }
0x12b: {  	_ =	swait.ge [sflag:s12], $0x2800  }
0x12c: {  	[sflag:s12] =	ssyncset.done $0x0  }
0x12d: {  	[sflag:s12] =	ssyncadd.s32 $0xFFFFD800  }
0x12e: {  	_ =	sfence.sel $0x180000  }
0x12f: {  	[bflag:$0x0] =	sbarrier.arrive $0xFFFF  }
0x130: {  	_ =	strace $0x9000004D  }
0x131: {  	s0 =	stileid.u32;
	[bflag:$0x2] =	sbarrier.arrive $0xFFFF  }
0x132: {  	p0 =	sne.s32 s0, $0x0;
	s0 =	rddreg [dreg:$0x2]  }
0x133: {  	s0 =	sadd.s32 @!p0 $0x100000, s0  }
0x134: {  	[sflag:s0] =	ssyncadd.tile.s32 @!p0 $0x1;
	_ =	shalt  }
.Lfunc_end2:
_tile_overlayer_lowered:
.L_overlay_start_2:
0x135: {  	(tag) =	ssettag $0x2  }
0x136: {  	s0 =	rddreg [dreg:$0x0];
	s2 =	stileid.u32  }
0x137: {  	s1 =	rddreg [dreg:$0x1];
	p0 =	sne.s32 s2, $0x0  }
0x138: {  	s3 =	rddreg [dreg:$0x2];
	[bflag:$0x3] =	sbarrier.arrive $0xFFFF;
	s2 =	simm.s32 @!p0 $0x1C04  }
0x139: {  	[timem:s3], [sflag:s2] =	dma.local @!p0 [hbm:s0], s1  }
0x13a: {  	s0 =	simm.s32 @!p0 $0x4  }
0x13b: {  	_ =	swait.ge @!p0 [sflag:s0], s1  }
0x13c: {  	s1 =	ssub.s32 @!p0 $0x0, s1;
	[sflag:s0] =	ssyncset.done @!p0 $0x0  }
0x13d: {  	[sflag:s0] =	ssyncadd.s32 @!p0 s1  }
0x13e: {  	[bflag:$0x3] =	sbarrier.arrive $0xFFFF  }
0x13f: {  	_ =	shalt  }

// kernel: kernel.19.cloned.1.call-start
scs
__scs_entry_jumppad:
0x0: {  	(pc) =	sbr.rel $0x88, $3  }
0x1: {  	(tag) =	ssettag $0x0;
	lr =	simm.s32 $0x1  }
0x2: {  	[smem:$0x3F98] =	sst lr;
	_ =	strace $0xD0000000  }
0x3: {  	_ = 	snop  }
0x4: {  	_ = 	snop  }
0x5: {  	_ = 	snop  }
0x6: {  	_ = 	snop  }
0x7: {  	_ = 	snop  }
__scs_overlays_trampoline_lowered:
0x8: {  	[smem:$0x3FA7] =	sst s0  }
0x9: {  	[smem:$0x3FA8] =	sst s1  }
0xa: {  	[smem:$0x3FA9] =	sst s2  }
0xb: {  	[smem:$0x3FAA] =	sst s3  }
0xc: {  	[smem:$0x3FAB] =	sst s4  }
0xd: {  	[smem:$0x3FAC] =	sst s5  }
0xe: {  	[smem:$0x3FAD] =	sst s6  }
0xf: {  	[smem:$0x3FAE] =	sst s7  }
0x10: {  	[smem:$0x3FAF] =	sst s8  }
0x11: {  	[smem:$0x3FB0] =	sst s9;
	s0 =	simm.s32 @!p0 $0x0  }
0x12: {  	s1 =	sld [smem:$0x3F96];
	s0 =	simm.s32 @p0 $0x1  }
0x13: {  	[smem:$0x3FB1] =	sst s0;
	s0 =	simm.s32 @!p1 $0x0  }
0x14: {  	s2 =	sld [smem:$0x3F95];
	s0 =	simm.s32 @p1 $0x1  }
0x15: {  	[smem:$0x3FB2] =	sst s0;
	s0 =	simm.s32 @!p2 $0x0  }
0x16: {  	s3 =	sld [smem:$0x3FDB];
	s0 =	simm.s32 @p2 $0x1  }
0x17: {  	s4 =	simm.s32 $0x1BF5;
	[smem:$0x3FB4] =	sst s0  }
0x18: {  	s0 =	sld [smem:$0x3F97];
	_ =	swait.ge [sflag:s4], $0x0  }
0x19: {  	s7 =	sld [smem:$0x3F98]  }
0x1a: {  	s8 =	sadd.s32 $0xFFFFE003, lr  }
0x1b: {  	s9 =	sadd.s32 $0xFFFFFEF7, lr;
	s5 =	simm.s32 $0xFFFFFFFF;
	p2 =	slt.u32 s8, $0xFFFFF086  }
0x1c: {  	p1 =	slt.u32 s9, $0xF7A;
	s5 =	simm.s32 @!p2 $0x0  }
0x1d: {  	s5 =	simm.s32 @p1 $0x1;
	p0 =	seq.s32 s7, s2  }
0x1e: {  	s7 =	smul.u32 @!p0 $0xF7A, s2;
	p2 =	seq.s32 @!p0 s5, $0x0  }
0x1f: {  	s9 =	smul.u32 $0xF7A, s1;
	s8 =	simm.s32 @!p0 $0x1BF5;
	p2 =	por !p2, p0  }
0x20: {  	[sflag:s8] =	ssyncset.s32 @!p0 $0xFFFFF086;
	s6 =	sadd.s32 @!p0 s3, s7;
	s7 =	simm.s32 @!p0 $0x108  }
0x21: {  	s3 =	sadd.s32 s3, s9;
	s6 =	sadd.s32 @!p0 $0x88, s6;
	s7 =	simm.s32 @p2 $0x1082  }
0x22: {  	[simem:s7], [sflag:s8] =	dma.local @!p0 [hbm:s6], $0xF7A  }
0x23: {  	s9 =	sor.u32 $0xD0000000, s2;
	s6 =	simm.s32 $0x108;
	_ =	swait.ge @!p0 [sflag:s8], $0x0  }
0x24: {  	s3 =	sadd.s32 $0x88, s3;
	s6 =	simm.s32 @!p1 $0x1082;
	[sflag:s4] =	ssyncset.s32 $0xFFFFF086  }
0x25: {  	[simem:s6], [sflag:s4] =	dma.local [hbm:s3], $0xF7A  }
0x26: {  	[smem:$0x3F98] =	sst s1;
	(tag) =	ssettag s2;
	_ =	strace s9  }
0x27: {  	s1 =	sld [smem:$0x3FA8]  }
0x28: {  	s2 =	sld [smem:$0x3FA9]  }
0x29: {  	s4 =	sld [smem:$0x3FAB]  }
0x2a: {  	p0 =	seq.s32 s5, $0x0;
	s5 =	sld [smem:$0x3FAC]  }
0x2b: {  	s6 =	sld [smem:$0x3FAD]  }
0x2c: {  	s7 =	sld [smem:$0x3FAE]  }
0x2d: {  	s3 =	simm.s32 $0x108;
	s8 =	sld [smem:$0x3FAF]  }
0x2e: {  	s3 =	simm.s32 @!p0 $0x1082;
	s9 =	sld [smem:$0x3FB0]  }
0x2f: {  	lr =	sadd.s32 s0, s3;
	s0 =	sld [smem:$0x3FA7]  }
0x30: {  	s3 =	sld [smem:$0x3FAA]  }
0x31: {  	[smem:$0x3FB3] =	sst s10  }
0x32: {  	s10 =	sld [smem:$0x3FB1];
	_ =	sdelay $0x3  }
0x33: {  	p0 =	seq.s32 s10, $0x1;
	s10 =	sld [smem:$0x3FB3];
	_ =	sdelay $0x3  }
0x34: {  	[smem:$0x3FB3] =	sst s10  }
0x35: {  	s10 =	sld [smem:$0x3FB2];
	_ =	sdelay $0x3  }
0x36: {  	p1 =	seq.s32 s10, $0x1;
	s10 =	sld [smem:$0x3FB3];
	_ =	sdelay $0x3  }
0x37: {  	[smem:$0x3FB3] =	sst s10  }
0x38: {  	s10 =	sld [smem:$0x3FB4]  }
0x39: {  	_ = 	snop;
	(pc) =	sbr.ind lr, $3  }
0x3a: {  	_ = 	snop  }
0x3b: {  	_ = 	snop  }
0x3c: {  	p2 =	seq.s32 s10, $0x1;
	s10 =	sld [smem:$0x3FB3]  }
0x3d: {  	_ =	shalt  }
0x3e: {  	_ =	shalt  }
0x3f: {  	_ =	shalt  }
0x40: {  	_ =	shalt  }
0x41: {  	_ =	shalt  }
0x42: {  	_ =	shalt  }
0x43: {  	_ =	shalt  }
0x44: {  	_ =	shalt  }
0x45: {  	_ =	shalt  }
0x46: {  	_ =	shalt  }
0x47: {  	_ =	shalt  }
0x48: {  	_ =	shalt  }
0x49: {  	_ =	shalt  }
0x4a: {  	_ =	shalt  }
0x4b: {  	_ =	shalt  }
0x4c: {  	_ =	shalt  }
0x4d: {  	_ =	shalt  }
0x4e: {  	_ =	shalt  }
0x4f: {  	_ =	shalt  }
0x50: {  	_ =	shalt  }
0x51: {  	_ =	shalt  }
0x52: {  	_ =	shalt  }
0x53: {  	_ =	shalt  }
0x54: {  	_ =	shalt  }
0x55: {  	_ =	shalt  }
0x56: {  	_ =	shalt  }
0x57: {  	_ =	shalt  }
0x58: {  	_ =	shalt  }
0x59: {  	_ =	shalt  }
0x5a: {  	_ =	shalt  }
0x5b: {  	_ =	shalt  }
0x5c: {  	_ =	shalt  }
0x5d: {  	_ =	shalt  }
0x5e: {  	_ =	shalt  }
0x5f: {  	_ =	shalt  }
0x60: {  	_ =	shalt  }
0x61: {  	_ =	shalt  }
0x62: {  	_ =	shalt  }
0x63: {  	_ =	shalt  }
0x64: {  	_ =	shalt  }
0x65: {  	_ =	shalt  }
0x66: {  	_ =	shalt  }
0x67: {  	_ =	shalt  }
0x68: {  	_ =	shalt  }
0x69: {  	_ =	shalt  }
0x6a: {  	_ =	shalt  }
0x6b: {  	_ =	shalt  }
0x6c: {  	_ =	shalt  }
0x6d: {  	_ =	shalt  }
0x6e: {  	_ =	shalt  }
0x6f: {  	_ =	shalt  }
0x70: {  	_ =	shalt  }
0x71: {  	_ =	shalt  }
0x72: {  	_ =	shalt  }
0x73: {  	_ =	shalt  }
0x74: {  	_ =	shalt  }
0x75: {  	_ =	shalt  }
0x76: {  	_ =	shalt  }
0x77: {  	_ =	shalt  }
0x78: {  	_ =	shalt  }
0x79: {  	_ =	shalt  }
0x7a: {  	_ =	shalt  }
0x7b: {  	_ =	shalt  }
0x7c: {  	_ =	shalt  }
0x7d: {  	_ =	shalt  }
0x7e: {  	_ =	shalt  }
0x7f: {  	_ =	shalt  }
0x80: {  	_ =	shalt  }
0x81: {  	_ =	shalt  }
0x82: {  	_ =	shalt  }
0x83: {  	_ =	shalt  }
0x84: {  	_ =	shalt  }
0x85: {  	_ =	shalt  }
0x86: {  	_ =	shalt  }
0x87: {  	_ =	shalt  }
.Lfunc_end0:
.L_simem_size_0:
called_computation.3_lowered:
.L_overlay_start_0:
0x88: {  	s2 =	sld [smem:$0x3FD9]  }
0x89: {  	s3 =	sld [smem:$0x3FFE];
	_ =	sdelay $0x1  }
0x8a: {  	s1 =	srdreg.scid  }
0x8b: {  	s0 =	sand.u32 $0x1, s1  }
0x8c: {  	s16 =	sshll.u32 s0, $0xA;
	s2 =	sadd.s32 s3, s2  }
0x8d: {  	s2 =	sadd.s32 s2, s16  }
0x8e: {  	[smem:$0x3FBF] =	sst s2  }
0x8f: {  	_ = 	snop  }
0x90: {  	(tm) =	ssettm $0x1  }
0x91: {  	s17 =	sld [smem:$0x3FFB];
	_ =	sdelay $0x3  }
0x92: {  	_ =	strace s17  }
0x93: {  	s2 =	sld [smem:$0x3FFC];
	_ =	sdelay $0x3  }
0x94: {  	_ =	strace s2  }
0x95: {  	s2 =	sld [smem:$0x3FFD];
	_ =	sdelay $0x3  }
0x96: {  	_ =	strace s2  }
0x97: {  	_ =	strace $0x8FFFFFFF  }
0x98: {  	s18 =	sld [smem:$0x3FDB];
	_ =	sdelay $0x1  }
0x99: {  	s19 =	simm.s32 $_scs_section_size  }
0x9a: {  	s4 =	simm.s32 $_size__tile_overlayer_lowered;
	s5 =	simm.s32 $_tile_overlayer_lowered  }
0x9b: {  	s22 =	simm.s32 $0x1BFF;
	s21 =	sshll.u32 s5, $0x1;
	s2 =	sadd.s32 s19, s18  }
0x9c: {  	s6 =	simm.s32 $0x0;
	s20 =	sshll.u32 s4, $0x1;
	s4 =	sadd.s32 s21, s2  }
0x9d: {  	[timem:s6], [sflag:s22] =	dma.local [hbm:s4], s20  }
0x9e: {  	_ =	swait.ge [sflag:s22], s20  }
0x9f: {  	s3 =	ssub.s32 $0x0, s20;
	[sflag:s22] =	ssyncset.done $0x0  }
0xa0: {  	[sflag:s22] =	ssyncadd.s32 s3;
	_ =	sdelay $0x1  }
0xa1: {  	s23 =	simm.s32 $0x1B8B  }
0xa2: {  	_ =	swait.ge [sflag:s23], $0x1  }
0xa3: {  	[sflag:s23] =	ssyncset.done $0x0  }
0xa4: {  	s25 =	simm.s32 $0x1B8E;
	s24 =	sld [smem:$0x3FFE];
	[sflag:s23] =	ssyncadd.s32 $0xFFFFFFFF  }
0xa5: {  	s26 =	simm.s32 $execute0_lowered;
	[smem:$0x3FD2] =	sst s25  }
0xa6: {  	s4 =	sshll.u32 s26, $0x1;
	_ =	strace $0x8000004F;
	[dreg:$0x1] =	wrdreg $0xFFFFFFFF  }
0xa7: {  	s28 =	simm.s32 $_size_execute0_lowered;
	s2 =	sadd.s32 s2, s4;
	[dreg:$0x0] =	wrdreg $0x0  }
0xa8: {  	s4 =	sshll.u32 s28, $0x1;
	[dreg:$0x2] =	wrdreg s2  }
0xa9: {  	[dreg:$0x3] =	wrdreg s4  }
0xaa: {  	[dreg:$0x4] =	wrdreg $0xC0  }
0xab: {  	_ =	task [dreg:s6], $0x5FFFF  }
0xac: {  	[dreg:$0x1] =	wrdreg $0xFFFFFFFF  }
0xad: {  	[dreg:$0x0] =	wrdreg $0x60  }
0xae: {  	[dreg:$0x2] =	wrdreg s24  }
0xaf: {  	[dreg:$0x3] =	wrdreg $0xB8000  }
0xb0: {  	[dreg:$0x4] =	wrdreg $0x9  }
0xb1: {  	_ =	task.clear_ibuf [dreg:s6], $0x5FFFF;
	_ =	strace $0x9000004F  }
0xb2: {  	s29 =	simm.s32 $0x9;
	_ =	strace $0x80000051  }
0xb3: {  	_ =	swait.ge [sflag:s29], $0x1  }
0xb4: {  	[sflag:s29] =	ssyncadd.s32 $0xFFFFFFFF  }
0xb5: {  	_ =	strace $0x90000051  }
0xb6: {  	_ =	sfence  }
0xb7: {  	s30 =	sld [smem:$0x0];
	_ =	sdelay $0x2  }
0xb8: {  	s31 =	sshll.u32 s1, $0xD;
	s1 =	sshrl.u32 s1, $0x2  }
0xb9: {  	s3 =	sand.u32 $0x4000, s31;
	s1 =	sadd.s32 s1, s30  }
0xba: {  	s0 =	sor.u32 s3, s0;
	s1 =	sshll.u32 s1, $0x11  }
0xbb: {  	s0 =	sor.u32 s1, s0  }
0xbc: {  	s0 =	sadd.s32 $0x8F2B, s0  }
0xbd: {  	[sflag:s0] =	ssyncadd.remote.s32 $0x1  }
0xbe: {  	_ =	sfence.sel $0xFFFF  }
0xbf: {  	[dreg:$0x0] =	wrdreg $0xFFFFFFFF;
	(pc) =	sbr.abs _section_cstart, $3  }
0xc0: {  	[dreg:$0x1] =	wrdreg $0xFFFFFFFF  }
0xc1: {  	_ =	task.clear_ibuf [dreg:s6], $0x2FFFF;
	_ =	strace $0x9FFFFFFF  }
0xc2: {  	(tm) =	ssettm $0x7FFFFFFF  }
0xc3: {  	_ =	shalt  }
tec
execute0_lowered:
.L_overlay_start_1:
0x0: {  	(tag) =	ssettag $0x1  }
0x1: {  	s2 =	srdreg.scid;
	s10 =	stileid.u32  }
0x2: {  	s2 =	sand.u32 $0x1, s2;
	s6 =	smul.u32 $0x14000, s10  }
0x3: {  	s0 =	rddreg [dreg:$0x0];
	s5 =	smul.u32 $0x140000, s2  }
0x4: {  	s1 =	rddreg [dreg:$0x1];
	s26 =	smul.u32 $0x50000, s10  }
0x5: {  	s3 =	simm.s32 $0x0;
	s4 =	sadd.s32 $0x67200, s0;
	s5 =	sadd.s32 s6, s5  }
0x6: {  	s7 =	sadd.s32 $0x5D200, s0;
	s6 =	sshrl.u32 s26, $0x2;
	s5 =	sshrl.u32 s5, $0x3  }
0x7: {  	s8 =	sadd.s32 $0x3200, s0;
	s0 =	sadd.s32 s5, s0;
	s5 =	sadd.s32 s6, s1  }
0x8: {  	[smem:$0x7FF] =	sst s3;
	s12 =	sadd.s32 $0x1000, s5  }
0x9: {  	_ =	strace $0x80000050;
	s13 =	sadd.s32 $0x2000, s5;
	[dreg:$0x3] =	wrdreg s12  }
0xa: {  	s9 =	ssub.s32 $0x2, s2;
	s14 =	sadd.s32 $0x3000, s5;
	[dreg:$0x4] =	wrdreg s13  }
0xb: {  	s2 =	sshll.u32 s2, $0x4;
	s15 =	sadd.s32 $0x4000, s5;
	[dreg:$0x5] =	wrdreg s14  }
0xc: {  	s11 =	sshrl.u32 s9, $0x1;
	s16 =	sadd.s32 $0x5000, s5;
	[dreg:$0x6] =	wrdreg s15  }
0xd: {  	s2 =	sor.u32 s10, s2;
	s17 =	sadd.s32 $0x6000, s5;
	[dreg:$0x7] =	wrdreg s16  }
0xe: {  	s10 =	simm.s32 $0x2800;
	s18 =	sadd.s32 $0x7000, s5;
	[dreg:$0x8] =	wrdreg s17  }
0xf: {  	s2 =	smul.u32 $0x2800, s2;
	s19 =	sadd.s32 $0x8000, s5;
	[dreg:$0x9] =	wrdreg s18  }
0x10: {  	s6 =	ssub.s32 s9, s11;
	s20 =	sadd.s32 $0x9000, s5;
	[dreg:$0xa] =	wrdreg s19  }
0x11: {  	s2 =	sshrl.u32 s2, $0x3;
	s21 =	sadd.s32 $0xA000, s5;
	[dreg:$0xb] =	wrdreg s20  }
0x12: {  	s9 =	simm.s32 $0x7D;
	s22 =	sadd.s32 $0xB000, s5;
	[dreg:$0xc] =	wrdreg s21  }
0x13: {  	s11 =	simm.s32 $0x6800;
	s23 =	sadd.s32 $0xC000, s5;
	[dreg:$0xd] =	wrdreg s22  }
0x14: {  	s24 =	sadd.s32 $0xD000, s5;
	s25 =	sadd.s32 $0x280, s2;
	[dreg:$0xe] =	wrdreg s23  }
0x15: {  	s26 =	sadd.s32 s7, s2;
	s2 =	sadd.s32 s8, s2;
	[dreg:$0xf] =	wrdreg s24  }
0x16: {  	s28 =	sadd.s32 $0x10000, s5;
	s29 =	sadd.s32 $0x11000, s5;
	[dreg:$0x10] =	wrdreg s26  }
0x17: {  	s30 =	sadd.s32 $0x12000, s5;
	s31 =	sadd.s32 $0x13000, s5;
	[dreg:$0x11] =	wrdreg s2  }
0x18: {  	s21 =	sadd.s32 s7, s25;
	s22 =	sadd.s32 s8, s25;
	s23 =	sadd.s32 $0xE000, s5  }
0x19: {  	s24 =	sadd.s32 $0x8E400, s0;
	s25 =	smax.u32 s6, $0x1;
	s26 =	sadd.s32 $0xF000, s5  }
0x1a: {  	s0 =	simm.s32 $0xA800;
	s2 =	simm.s32 $0x3;
	s6 =	simm.s32 $0x1400  }
0x1b: {  	s7 =	simm.s32 $0x1;
	s8 =	simm.s32 $0x2;
	s12 =	simm.s32 $0x4  }
0x1c: {  	v0 =	vimm.f32 $0.0e+00;
	s13 =	simm.s32 $0x1380;
	s14 =	simm.s32 $0x2700;
	s15 =	simm.s32 $0x2780  }
.LBB2_1:
0x1d: {  	s16 =	simm.s32 $0x0;
	s17 =	simm.s32 $0x200  }
.LBB2_2:
0x1e: {  	p0 =	sne.s32 s17, $0x3E00;
	[tilespmem:s16+$0xA870] =	vst v0  }
0x1f: {  	[tilespmem:s16+$0xA800] =	vst v0  }
0x20: {  	[tilespmem:s16+$0xA810] =	vst v0  }
.Ltmp0:
0x21: {  	[tilespmem:s16+$0xA820] =	vst v0;
	(pc) =	sbr.rel @p0 .LBB2_2-.Ltmp0, $4  }
0x22: {  	[tilespmem:s16+$0xA830] =	vst v0  }
0x23: {  	[tilespmem:s16+$0xA840] =	vst v0  }
0x24: {  	[tilespmem:s16+$0xA850] =	vst v0  }
0x25: {  	[tilespmem:s16+$0xA860] =	vst v0;
	s16 =	sshra.s32 s17, $0x2;
	s17 =	sadd.s32 $0x200, s17  }
0x26: {  	[tilespmem:s16+$0xA870] =	vst v0  }
0x27: {  	[tilespmem:s16+$0xA800] =	vst v0  }
0x28: {  	[tilespmem:s16+$0xA810] =	vst v0  }
0x29: {  	[tilespmem:s16+$0xA820] =	vst v0  }
0x2a: {  	[tilespmem:s16+$0xA830] =	vst v0  }
0x2b: {  	[tilespmem:s16+$0xA840] =	vst v0  }
0x2c: {  	[tilespmem:s16+$0xA850] =	vst v0  }
0x2d: {  	[tilespmem:s16+$0xA860] =	vst v0  }
0x2e: {  	[spmem:s5] =	stream.linear.scatter [tilespmem:s0], [sflag:$0x3], $0x1000, $0x38;
	[tilespmem:$0x1F800] =	vst v63  }
0x2f: {  	s18 =	rddreg [dreg:$0x3]  }
0x30: {  	[spmem:s18] =	stream.linear.scatter [tilespmem:s0], [sflag:$0x3], $0x1000, $0x38;
	[tilespmem:$0x1F800] =	vst v63  }
0x31: {  	s19 =	rddreg [dreg:$0x4]  }
0x32: {  	[spmem:s19] =	stream.linear.scatter [tilespmem:s0], [sflag:$0x3], $0x1000, $0x38;
	[tilespmem:$0x1F800] =	vst v63  }
0x33: {  	s20 =	rddreg [dreg:$0x5]  }
0x34: {  	[spmem:s20] =	stream.linear.scatter [tilespmem:s0], [sflag:$0x3], $0x1000, $0x38;
	[tilespmem:$0x1F800] =	vst v63  }
0x35: {  	s17 =	rddreg [dreg:$0x6]  }
0x36: {  	[spmem:s17] =	stream.linear.scatter [tilespmem:s0], [sflag:$0x3], $0x1000, $0x38;
	[tilespmem:$0x1F800] =	vst v63  }
0x37: {  	s18 =	rddreg [dreg:$0x7]  }
0x38: {  	[spmem:s18] =	stream.linear.scatter [tilespmem:s0], [sflag:$0x3], $0x1000, $0x38;
	[tilespmem:$0x1F800] =	vst v63  }
0x39: {  	s19 =	rddreg [dreg:$0x8]  }
0x3a: {  	[spmem:s19] =	stream.linear.scatter [tilespmem:s0], [sflag:$0x3], $0x1000, $0x38;
	[tilespmem:$0x1F800] =	vst v63  }
0x3b: {  	s20 =	rddreg [dreg:$0x9]  }
0x3c: {  	[spmem:s20] =	stream.linear.scatter [tilespmem:s0], [sflag:$0x3], $0x1000, $0x38;
	[tilespmem:$0x1F800] =	vst v63  }
0x3d: {  	s17 =	rddreg [dreg:$0xa]  }
0x3e: {  	[spmem:s17] =	stream.linear.scatter [tilespmem:s0], [sflag:$0x3], $0x1000, $0x38;
	[tilespmem:$0x1F800] =	vst v63  }
0x3f: {  	s18 =	rddreg [dreg:$0xb]  }
0x40: {  	[spmem:s18] =	stream.linear.scatter [tilespmem:s0], [sflag:$0x3], $0x1000, $0x38;
	[tilespmem:$0x1F800] =	vst v63  }
0x41: {  	s19 =	rddreg [dreg:$0xc]  }
0x42: {  	[spmem:s19] =	stream.linear.scatter [tilespmem:s0], [sflag:$0x3], $0x1000, $0x38;
	[tilespmem:$0x1F800] =	vst v63  }
0x43: {  	s20 =	rddreg [dreg:$0xd]  }
0x44: {  	[spmem:s20] =	stream.linear.scatter [tilespmem:s0], [sflag:$0x3], $0x1000, $0x38;
	[tilespmem:$0x1F800] =	vst v63  }
0x45: {  	s17 =	rddreg [dreg:$0xe]  }
0x46: {  	[spmem:s17] =	stream.linear.scatter [tilespmem:s0], [sflag:$0x3], $0x1000, $0x38;
	[tilespmem:$0x1F800] =	vst v63  }
0x47: {  	s18 =	rddreg [dreg:$0xf]  }
0x48: {  	[spmem:s18] =	stream.linear.scatter [tilespmem:s0], [sflag:$0x3], $0x1000, $0x38;
	[tilespmem:$0x1F800] =	vst v63  }
0x49: {  	_ = 	snop  }
0x4a: {  	[spmem:s23] =	stream.linear.scatter [tilespmem:s0], [sflag:$0x3], $0x1000, $0x38;
	[tilespmem:$0x1F800] =	vst v63  }
0x4b: {  	_ = 	snop  }
0x4c: {  	[spmem:s26] =	stream.linear.scatter [tilespmem:s0], [sflag:$0x3], $0x1000, $0x38;
	[tilespmem:$0x1F800] =	vst v63  }
0x4d: {  	_ = 	snop  }
0x4e: {  	[spmem:s28] =	stream.linear.scatter [tilespmem:s0], [sflag:$0x3], $0x1000, $0x38;
	[tilespmem:$0x1F800] =	vst v63  }
0x4f: {  	_ = 	snop  }
0x50: {  	[spmem:s29] =	stream.linear.scatter [tilespmem:s0], [sflag:$0x3], $0x1000, $0x38;
	[tilespmem:$0x1F800] =	vst v63  }
0x51: {  	_ = 	snop  }
0x52: {  	[spmem:s30] =	stream.linear.scatter [tilespmem:s0], [sflag:$0x3], $0x1000, $0x38;
	[tilespmem:$0x1F800] =	vst v63  }
0x53: {  	_ = 	snop  }
0x54: {  	[spmem:s31] =	stream.linear.scatter [tilespmem:s0], [sflag:$0x3], $0x1000, $0x38;
	[tilespmem:$0x1F800] =	vst v63  }
0x55: {  	_ =	swait.ge [sflag:s2], $0x1000  }
0x56: {  	[sflag:s2] =	ssyncset.done $0x0  }
0x57: {  	[sflag:s2] =	ssyncadd.s32 $0xFFFFF000  }
0x58: {  	_ =	swait.ge [sflag:s2], $0x1000  }
0x59: {  	[sflag:s2] =	ssyncset.done $0x0  }
0x5a: {  	[sflag:s2] =	ssyncadd.s32 $0xFFFFF000  }
0x5b: {  	_ =	swait.ge [sflag:s2], $0x1000  }
0x5c: {  	[sflag:s2] =	ssyncset.done $0x0  }
0x5d: {  	[sflag:s2] =	ssyncadd.s32 $0xFFFFF000  }
0x5e: {  	_ =	swait.ge [sflag:s2], $0x1000  }
0x5f: {  	[sflag:s2] =	ssyncset.done $0x0  }
0x60: {  	[sflag:s2] =	ssyncadd.s32 $0xFFFFF000  }
0x61: {  	_ =	swait.ge [sflag:s2], $0x1000  }
0x62: {  	[sflag:s2] =	ssyncset.done $0x0  }
0x63: {  	[sflag:s2] =	ssyncadd.s32 $0xFFFFF000  }
0x64: {  	_ =	swait.ge [sflag:s2], $0x1000  }
0x65: {  	[sflag:s2] =	ssyncset.done $0x0  }
0x66: {  	[sflag:s2] =	ssyncadd.s32 $0xFFFFF000  }
0x67: {  	_ =	swait.ge [sflag:s2], $0x1000  }
0x68: {  	[sflag:s2] =	ssyncset.done $0x0  }
0x69: {  	[sflag:s2] =	ssyncadd.s32 $0xFFFFF000  }
0x6a: {  	_ =	swait.ge [sflag:s2], $0x1000  }
0x6b: {  	[sflag:s2] =	ssyncset.done $0x0  }
0x6c: {  	[sflag:s2] =	ssyncadd.s32 $0xFFFFF000  }
0x6d: {  	_ =	swait.ge [sflag:s2], $0x1000  }
0x6e: {  	[sflag:s2] =	ssyncset.done $0x0  }
0x6f: {  	[sflag:s2] =	ssyncadd.s32 $0xFFFFF000  }
0x70: {  	_ =	swait.ge [sflag:s2], $0x1000  }
0x71: {  	[sflag:s2] =	ssyncset.done $0x0  }
0x72: {  	[sflag:s2] =	ssyncadd.s32 $0xFFFFF000  }
0x73: {  	_ =	swait.ge [sflag:s2], $0x1000  }
0x74: {  	[sflag:s2] =	ssyncset.done $0x0  }
0x75: {  	[sflag:s2] =	ssyncadd.s32 $0xFFFFF000  }
0x76: {  	_ =	swait.ge [sflag:s2], $0x1000  }
0x77: {  	[sflag:s2] =	ssyncset.done $0x0  }
0x78: {  	[sflag:s2] =	ssyncadd.s32 $0xFFFFF000  }
0x79: {  	_ =	swait.ge [sflag:s2], $0x1000  }
0x7a: {  	[sflag:s2] =	ssyncset.done $0x0  }
0x7b: {  	[sflag:s2] =	ssyncadd.s32 $0xFFFFF000  }
0x7c: {  	_ =	swait.ge [sflag:s2], $0x1000  }
0x7d: {  	[sflag:s2] =	ssyncset.done $0x0  }
0x7e: {  	[sflag:s2] =	ssyncadd.s32 $0xFFFFF000  }
0x7f: {  	_ =	swait.ge [sflag:s2], $0x1000  }
0x80: {  	[sflag:s2] =	ssyncset.done $0x0  }
0x81: {  	[sflag:s2] =	ssyncadd.s32 $0xFFFFF000  }
0x82: {  	_ =	swait.ge [sflag:s2], $0x1000  }
0x83: {  	[sflag:s2] =	ssyncset.done $0x0  }
0x84: {  	[sflag:s2] =	ssyncadd.s32 $0xFFFFF000  }
0x85: {  	_ =	swait.ge [sflag:s2], $0x1000  }
0x86: {  	[sflag:s2] =	ssyncset.done $0x0  }
0x87: {  	[sflag:s2] =	ssyncadd.s32 $0xFFFFF000  }
0x88: {  	_ =	swait.ge [sflag:s2], $0x1000  }
0x89: {  	[sflag:s2] =	ssyncset.done $0x0  }
0x8a: {  	[sflag:s2] =	ssyncadd.s32 $0xFFFFF000  }
0x8b: {  	_ =	swait.ge [sflag:s2], $0x1000  }
0x8c: {  	[sflag:s2] =	ssyncset.done $0x0  }
0x8d: {  	[sflag:s2] =	ssyncadd.s32 $0xFFFFF000  }
0x8e: {  	_ =	swait.ge [sflag:s2], $0x1000  }
0x8f: {  	[sflag:s2] =	ssyncset.done $0x0  }
0x90: {  	[sflag:s2] =	ssyncadd.s32 $0xFFFFF000  }
0x91: {  	[bflag:$0x0] =	sbarrier.arrive $0xFFFF  }
0x92: {  	s19 =	simm.s32 $0x0;
	s17 =	rddreg [dreg:$0x10]  }
0x93: {  	[tilespmem:s19], [sflag:$0x1] =	stream.linear.gather [hbm4b:s17+s19], $0x1400, $0x38;
	[tilespmem:$0x1F800] =	vst v63  }
0x94: {  	s20 =	rddreg [dreg:$0x11]  }
0x95: {  	[tilespmem:s6], [sflag:$0x2] =	stream.linear.gather [hbm4b:s20+s19], $0x1400, $0x38;
	[tilespmem:$0x1F800] =	vst v63  }
0x96: {  	_ =	swait.ge [sflag:s7], $0x1400  }
0x97: {  	[sflag:s7] =	ssyncset.done $0x0  }
0x98: {  	[sflag:s7] =	ssyncadd.s32 $0xFFFFEC00  }
0x99: {  	_ =	swait.ge [sflag:s8], $0x1400  }
0x9a: {  	[sflag:s8] =	ssyncset.done $0x0  }
0x9b: {  	[sflag:s8] =	ssyncadd.s32 $0xFFFFEC00  }
0x9c: {  	[tilespmem:s10], [sflag:$0x1] =	stream.indirect.gather [hbm4b:s4+s9], $0x80, s19, s9, $0xb8;
	[tilespmem:$0x1F800] =	vst v63  }
0x9d: {  	s17 =	simm.s32 $0x80  }
0x9e: {  	[tilespmem:s11], [sflag:$0x2] =	stream.indirect.gather [hbm4b:s4+s9], $0x80, s17, s9, $0xb8;
	[tilespmem:$0x1F800] =	vst v63  }
0x9f: {  	_ =	swait.ge [sflag:s7], $0x3E80  }
0xa0: {  	[sflag:s7] =	ssyncset.done $0x0  }
0xa1: {  	s18 =	simm.s32 $0x1400;
	[sflag:s7] =	ssyncadd.s32 $0xFFFFC180  }
0xa2: {  	[spmem:s1] =	stream.indirect.scatter.add.f32 [tilespmem:s10], [sflag:$0x4], $0x80, s18, s9, $0xb8;
	[tilespmem:$0x1F800] =	vst v63  }
0xa3: {  	_ =	swait.ge [sflag:s12], $0x3E80  }
0xa4: {  	[sflag:s12] =	ssyncset.done $0x0  }
0xa5: {  	s19 =	simm.s32 $0x100;
	[sflag:s12] =	ssyncadd.s32 $0xFFFFC180  }
0xa6: {  	[tilespmem:s10], [sflag:$0x1] =	stream.indirect.gather [hbm4b:s4+s9], $0x80, s19, s9, $0xb8;
	[tilespmem:$0x1F800] =	vst v63  }
0xa7: {  	_ =	swait.ge [sflag:s8], $0x3E80  }
0xa8: {  	[sflag:s8] =	ssyncset.done $0x0  }
0xa9: {  	s20 =	simm.s32 $0x1480;
	[sflag:s8] =	ssyncadd.s32 $0xFFFFC180  }
0xaa: {  	[spmem:s1] =	stream.indirect.scatter.add.f32 [tilespmem:s11], [sflag:$0x4], $0x80, s20, s9, $0xb8;
	[tilespmem:$0x1F800] =	vst v63  }
0xab: {  	_ =	swait.ge [sflag:s12], $0x3E80  }
0xac: {  	s16 =	simm.s32 $0x100;
	s17 =	simm.s32 $0x800;
	[sflag:s12] =	ssyncset.done $0x0  }
.LBB2_4:
0xad: {  	s18 =	sadd.s32 $0x80, s16  }
0xae: {  	[sflag:s12] =	ssyncadd.s32 $0xFFFFC180;
	s19 =	smov.u32 s17;
	s20 =	sadd.s32 $0x400, s17  }
0xaf: {  	[tilespmem:s11], [sflag:$0x2] =	stream.indirect.gather [hbm4b:s4+s9], $0x80, s18, s9, $0xb8;
	[tilespmem:$0x1F800] =	vst v63  }
0xb0: {  	p0 =	sne.s32 s17, $0x4800;
	_ =	swait.ge [sflag:s7], $0x3E80  }
0xb1: {  	[sflag:s7] =	ssyncset.done $0x0  }
0xb2: {  	s17 =	sadd.s32 $0x1400, s16;
	[sflag:s7] =	ssyncadd.s32 $0xFFFFC180  }
0xb3: {  	[spmem:s1] =	stream.indirect.scatter.add.f32 [tilespmem:s10], [sflag:$0x4], $0x80, s17, s9, $0xb8;
	[tilespmem:$0x1F800] =	vst v63  }
0xb4: {  	_ =	swait.ge [sflag:s12], $0x3E80  }
0xb5: {  	[sflag:s12] =	ssyncset.done $0x0  }
0xb6: {  	s17 =	sadd.s32 $0x100, s16;
	[sflag:s12] =	ssyncadd.s32 $0xFFFFC180  }
0xb7: {  	[tilespmem:s10], [sflag:$0x1] =	stream.indirect.gather [hbm4b:s4+s9], $0x80, s17, s9, $0xb8;
	[tilespmem:$0x1F800] =	vst v63  }
0xb8: {  	_ =	swait.ge [sflag:s8], $0x3E80  }
.Ltmp1:
0xb9: {  	[sflag:s8] =	ssyncset.done $0x0;
	(pc) =	sbr.rel @p0 .LBB2_4-.Ltmp1, $4  }
0xba: {  	s16 =	sadd.s32 $0x1480, s16;
	[sflag:s8] =	ssyncadd.s32 $0xFFFFC180  }
0xbb: {  	[spmem:s1] =	stream.indirect.scatter.add.f32 [tilespmem:s11], [sflag:$0x4], $0x80, s16, s9, $0xb8;
	[tilespmem:$0x1F800] =	vst v63  }
0xbc: {  	_ =	swait.ge [sflag:s12], $0x3E80  }
0xbd: {  	s17 =	smov.u32 s20;
	s16 =	sshra.s32 s19, $0x2;
	[sflag:s12] =	ssyncset.done $0x0  }
0xbe: {  	s17 =	sadd.s32 $0x80, s16;
	[sflag:s12] =	ssyncadd.s32 $0xFFFFC180  }
0xbf: {  	[tilespmem:s11], [sflag:$0x2] =	stream.indirect.gather [hbm4b:s4+s9], $0x80, s17, s9, $0xb8;
	[tilespmem:$0x1F800] =	vst v63  }
0xc0: {  	_ =	swait.ge [sflag:s7], $0x3E80  }
0xc1: {  	[sflag:s7] =	ssyncset.done $0x0  }
0xc2: {  	s20 =	sadd.s32 $0x1400, s16;
	[sflag:s7] =	ssyncadd.s32 $0xFFFFC180  }
0xc3: {  	[spmem:s1] =	stream.indirect.scatter.add.f32 [tilespmem:s10], [sflag:$0x4], $0x80, s20, s9, $0xb8;
	[tilespmem:$0x1F800] =	vst v63  }
0xc4: {  	_ =	swait.ge [sflag:s12], $0x3E80  }
0xc5: {  	[sflag:s12] =	ssyncset.done $0x0  }
0xc6: {  	s18 =	sadd.s32 $0x100, s16;
	[sflag:s12] =	ssyncadd.s32 $0xFFFFC180  }
0xc7: {  	[tilespmem:s10], [sflag:$0x1] =	stream.indirect.gather [hbm4b:s4+s9], $0x80, s18, s9, $0xb8;
	[tilespmem:$0x1F800] =	vst v63  }
0xc8: {  	_ =	swait.ge [sflag:s8], $0x3E80  }
0xc9: {  	[sflag:s8] =	ssyncset.done $0x0  }
0xca: {  	s19 =	sadd.s32 $0x1480, s16;
	[sflag:s8] =	ssyncadd.s32 $0xFFFFC180  }
0xcb: {  	[spmem:s1] =	stream.indirect.scatter.add.f32 [tilespmem:s11], [sflag:$0x4], $0x80, s19, s9, $0xb8;
	[tilespmem:$0x1F800] =	vst v63  }
0xcc: {  	_ =	swait.ge [sflag:s12], $0x3E80  }
0xcd: {  	[sflag:s12] =	ssyncset.done $0x0  }
0xce: {  	[sflag:s12] =	ssyncadd.s32 $0xFFFFC180  }
0xcf: {  	[tilespmem:s11], [sflag:$0x2] =	stream.indirect.gather [hbm4b:s4+s9], $0x80, s13, s9, $0xb8;
	[tilespmem:$0x1F800] =	vst v63  }
0xd0: {  	_ =	swait.ge [sflag:s7], $0x3E80  }
0xd1: {  	[sflag:s7] =	ssyncset.done $0x0  }
0xd2: {  	[sflag:s7] =	ssyncadd.s32 $0xFFFFC180  }
0xd3: {  	[spmem:s1] =	stream.indirect.scatter.add.f32 [tilespmem:s10], [sflag:$0x4], $0x80, s14, s9, $0xb8;
	[tilespmem:$0x1F800] =	vst v63  }
0xd4: {  	_ =	swait.ge [sflag:s12], $0x3E80  }
0xd5: {  	[sflag:s12] =	ssyncset.done $0x0  }
0xd6: {  	[sflag:s12] =	ssyncadd.s32 $0xFFFFC180  }
0xd7: {  	_ =	swait.ge [sflag:s8], $0x3E80  }
0xd8: {  	[sflag:s8] =	ssyncset.done $0x0  }
0xd9: {  	[sflag:s8] =	ssyncadd.s32 $0xFFFFC180  }
0xda: {  	[spmem:s1] =	stream.indirect.scatter.add.f32 [tilespmem:s11], [sflag:$0x4], $0x80, s15, s9, $0xb8;
	[tilespmem:$0x1F800] =	vst v63  }
0xdb: {  	_ =	swait.ge [sflag:s12], $0x3E80  }
0xdc: {  	[sflag:s12] =	ssyncset.done $0x0  }
0xdd: {  	s20 =	simm.s32 $0x0;
	[sflag:s12] =	ssyncadd.s32 $0xFFFFC180  }
0xde: {  	[tilespmem:s20], [sflag:$0x1] =	stream.linear.gather [hbm4b:s21+s20], $0x1400, $0x38;
	[tilespmem:$0x1F800] =	vst v63  }
0xdf: {  	_ = 	snop  }
0xe0: {  	[tilespmem:s6], [sflag:$0x2] =	stream.linear.gather [hbm4b:s22+s20], $0x1400, $0x38;
	[tilespmem:$0x1F800] =	vst v63  }
0xe1: {  	_ =	swait.ge [sflag:s7], $0x1400  }
0xe2: {  	[sflag:s7] =	ssyncset.done $0x0  }
0xe3: {  	[sflag:s7] =	ssyncadd.s32 $0xFFFFEC00  }
0xe4: {  	_ =	swait.ge [sflag:s8], $0x1400  }
0xe5: {  	[sflag:s8] =	ssyncset.done $0x0  }
0xe6: {  	[sflag:s8] =	ssyncadd.s32 $0xFFFFEC00  }
0xe7: {  	[tilespmem:s10], [sflag:$0x1] =	stream.indirect.gather [hbm4b:s4+s9], $0x80, s20, s9, $0xb8;
	[tilespmem:$0x1F800] =	vst v63  }
0xe8: {  	s17 =	simm.s32 $0x80  }
0xe9: {  	[tilespmem:s11], [sflag:$0x2] =	stream.indirect.gather [hbm4b:s4+s9], $0x80, s17, s9, $0xb8;
	[tilespmem:$0x1F800] =	vst v63  }
0xea: {  	_ =	swait.ge [sflag:s7], $0x3E80  }
0xeb: {  	[sflag:s7] =	ssyncset.done $0x0  }
0xec: {  	s18 =	simm.s32 $0x1400;
	[sflag:s7] =	ssyncadd.s32 $0xFFFFC180  }
0xed: {  	[spmem:s1] =	stream.indirect.scatter.add.f32 [tilespmem:s10], [sflag:$0x4], $0x80, s18, s9, $0xb8;
	[tilespmem:$0x1F800] =	vst v63  }
0xee: {  	_ =	swait.ge [sflag:s12], $0x3E80  }
0xef: {  	[sflag:s12] =	ssyncset.done $0x0  }
0xf0: {  	s19 =	simm.s32 $0x100;
	[sflag:s12] =	ssyncadd.s32 $0xFFFFC180  }
0xf1: {  	[tilespmem:s10], [sflag:$0x1] =	stream.indirect.gather [hbm4b:s4+s9], $0x80, s19, s9, $0xb8;
	[tilespmem:$0x1F800] =	vst v63  }
0xf2: {  	_ =	swait.ge [sflag:s8], $0x3E80  }
0xf3: {  	[sflag:s8] =	ssyncset.done $0x0  }
0xf4: {  	s20 =	simm.s32 $0x1480;
	[sflag:s8] =	ssyncadd.s32 $0xFFFFC180  }
0xf5: {  	[spmem:s1] =	stream.indirect.scatter.add.f32 [tilespmem:s11], [sflag:$0x4], $0x80, s20, s9, $0xb8;
	[tilespmem:$0x1F800] =	vst v63  }
0xf6: {  	_ =	swait.ge [sflag:s12], $0x3E80  }
0xf7: {  	s16 =	simm.s32 $0x100;
	s17 =	simm.s32 $0x800;
	[sflag:s12] =	ssyncset.done $0x0  }
.LBB2_6:
0xf8: {  	s18 =	sadd.s32 $0x80, s16  }
0xf9: {  	[sflag:s12] =	ssyncadd.s32 $0xFFFFC180;
	s19 =	smov.u32 s17;
	s20 =	sadd.s32 $0x400, s17  }
0xfa: {  	[tilespmem:s11], [sflag:$0x2] =	stream.indirect.gather [hbm4b:s4+s9], $0x80, s18, s9, $0xb8;
	[tilespmem:$0x1F800] =	vst v63  }
0xfb: {  	p0 =	sne.s32 s17, $0x4800;
	_ =	swait.ge [sflag:s7], $0x3E80  }
0xfc: {  	[sflag:s7] =	ssyncset.done $0x0  }
0xfd: {  	s17 =	sadd.s32 $0x1400, s16;
	[sflag:s7] =	ssyncadd.s32 $0xFFFFC180  }
0xfe: {  	[spmem:s1] =	stream.indirect.scatter.add.f32 [tilespmem:s10], [sflag:$0x4], $0x80, s17, s9, $0xb8;
	[tilespmem:$0x1F800] =	vst v63  }
0xff: {  	_ =	swait.ge [sflag:s12], $0x3E80  }
0x100: {  	[sflag:s12] =	ssyncset.done $0x0  }
0x101: {  	s17 =	sadd.s32 $0x100, s16;
	[sflag:s12] =	ssyncadd.s32 $0xFFFFC180  }
0x102: {  	[tilespmem:s10], [sflag:$0x1] =	stream.indirect.gather [hbm4b:s4+s9], $0x80, s17, s9, $0xb8;
	[tilespmem:$0x1F800] =	vst v63  }
0x103: {  	_ =	swait.ge [sflag:s8], $0x3E80  }
.Ltmp2:
0x104: {  	[sflag:s8] =	ssyncset.done $0x0;
	(pc) =	sbr.rel @p0 .LBB2_6-.Ltmp2, $4  }
0x105: {  	s16 =	sadd.s32 $0x1480, s16;
	[sflag:s8] =	ssyncadd.s32 $0xFFFFC180  }
0x106: {  	[spmem:s1] =	stream.indirect.scatter.add.f32 [tilespmem:s11], [sflag:$0x4], $0x80, s16, s9, $0xb8;
	[tilespmem:$0x1F800] =	vst v63  }
0x107: {  	_ =	swait.ge [sflag:s12], $0x3E80  }
0x108: {  	s17 =	smov.u32 s20;
	s16 =	sshra.s32 s19, $0x2;
	[sflag:s12] =	ssyncset.done $0x0  }
0x109: {  	s17 =	sadd.s32 $0x80, s16;
	[sflag:s12] =	ssyncadd.s32 $0xFFFFC180  }
0x10a: {  	[tilespmem:s11], [sflag:$0x2] =	stream.indirect.gather [hbm4b:s4+s9], $0x80, s17, s9, $0xb8;
	[tilespmem:$0x1F800] =	vst v63  }
0x10b: {  	_ =	swait.ge [sflag:s7], $0x3E80  }
0x10c: {  	[sflag:s7] =	ssyncset.done $0x0  }
0x10d: {  	s19 =	sadd.s32 $0x1400, s16;
	[sflag:s7] =	ssyncadd.s32 $0xFFFFC180  }
0x10e: {  	[spmem:s1] =	stream.indirect.scatter.add.f32 [tilespmem:s10], [sflag:$0x4], $0x80, s19, s9, $0xb8;
	[tilespmem:$0x1F800] =	vst v63  }
0x10f: {  	_ =	swait.ge [sflag:s12], $0x3E80  }
0x110: {  	[sflag:s12] =	ssyncset.done $0x0  }
0x111: {  	s20 =	sadd.s32 $0x100, s16;
	[sflag:s12] =	ssyncadd.s32 $0xFFFFC180  }
0x112: {  	[tilespmem:s10], [sflag:$0x1] =	stream.indirect.gather [hbm4b:s4+s9], $0x80, s20, s9, $0xb8;
	[tilespmem:$0x1F800] =	vst v63  }
0x113: {  	_ =	swait.ge [sflag:s8], $0x3E80  }
0x114: {  	[sflag:s8] =	ssyncset.done $0x0  }
0x115: {  	s18 =	sadd.s32 $0x1480, s16;
	[sflag:s8] =	ssyncadd.s32 $0xFFFFC180  }
0x116: {  	[spmem:s1] =	stream.indirect.scatter.add.f32 [tilespmem:s11], [sflag:$0x4], $0x80, s18, s9, $0xb8;
	[tilespmem:$0x1F800] =	vst v63  }
0x117: {  	_ =	swait.ge [sflag:s12], $0x3E80  }
0x118: {  	[sflag:s12] =	ssyncset.done $0x0  }
0x119: {  	[sflag:s12] =	ssyncadd.s32 $0xFFFFC180  }
0x11a: {  	[tilespmem:s11], [sflag:$0x2] =	stream.indirect.gather [hbm4b:s4+s9], $0x80, s13, s9, $0xb8;
	[tilespmem:$0x1F800] =	vst v63  }
0x11b: {  	_ =	swait.ge [sflag:s7], $0x3E80  }
0x11c: {  	[sflag:s7] =	ssyncset.done $0x0  }
0x11d: {  	[sflag:s7] =	ssyncadd.s32 $0xFFFFC180  }
0x11e: {  	[spmem:s1] =	stream.indirect.scatter.add.f32 [tilespmem:s10], [sflag:$0x4], $0x80, s14, s9, $0xb8;
	[tilespmem:$0x1F800] =	vst v63  }
0x11f: {  	_ =	swait.ge [sflag:s12], $0x3E80  }
0x120: {  	[sflag:s12] =	ssyncset.done $0x0  }
0x121: {  	[sflag:s12] =	ssyncadd.s32 $0xFFFFC180  }
0x122: {  	_ =	swait.ge [sflag:s8], $0x3E80  }
0x123: {  	[sflag:s8] =	ssyncset.done $0x0  }
0x124: {  	[sflag:s8] =	ssyncadd.s32 $0xFFFFC180  }
0x125: {  	[spmem:s1] =	stream.indirect.scatter.add.f32 [tilespmem:s11], [sflag:$0x4], $0x80, s15, s9, $0xb8;
	[tilespmem:$0x1F800] =	vst v63  }
0x126: {  	s19 =	stileid.u32;
	_ =	swait.ge [sflag:s12], $0x3E80  }
0x127: {  	s3 =	sadd.s32 $0x1, s3;
	s16 =	sshll.u32 s19, $0x6;
	[sflag:s12] =	ssyncset.done $0x0  }
0x128: {  	p0 =	sne.s32 s3, s25;
	s16 =	sor.u32 $0x1C04, s16;
	[sflag:s12] =	ssyncadd.s32 $0xFFFFC180  }
.Ltmp3:
0x129: {  	s20 =	sshrl.u32 s5, $0x3;
	[bflag:$0x0] =	sbarrier.arrive $0xFFFF;
	(pc) =	sbr.rel @p0 .LBB2_1-.Ltmp3, $4  }
0x12a: {  	[hbm:s24], [sflag:s16] =	dma.local [spmem:s20], $0x2800  }
0x12b: {  	_ =	swait.ge [sflag:s12], $0x2800  }
0x12c: {  	[sflag:s12] =	ssyncset.done $0x0  }
0x12d: {  	[sflag:s12] =	ssyncadd.s32 $0xFFFFD800  }
0x12e: {  	_ =	sfence.sel $0x180000  }
0x12f: {  	[bflag:$0x0] =	sbarrier.arrive $0xFFFF  }
0x130: {  	_ =	strace $0x90000050  }
0x131: {  	s0 =	stileid.u32;
	[bflag:$0x2] =	sbarrier.arrive $0xFFFF  }
0x132: {  	p0 =	sne.s32 s0, $0x0;
	s0 =	rddreg [dreg:$0x2]  }
0x133: {  	s0 =	sadd.s32 @!p0 $0x100000, s0  }
0x134: {  	[sflag:s0] =	ssyncadd.tile.s32 @!p0 $0x1;
	_ =	shalt  }
.Lfunc_end2:
_tile_overlayer_lowered:
.L_overlay_start_2:
0x135: {  	(tag) =	ssettag $0x2  }
0x136: {  	s0 =	rddreg [dreg:$0x0];
	s2 =	stileid.u32  }
0x137: {  	s1 =	rddreg [dreg:$0x1];
	p0 =	sne.s32 s2, $0x0  }
0x138: {  	s3 =	rddreg [dreg:$0x2];
	[bflag:$0x3] =	sbarrier.arrive $0xFFFF;
	s2 =	simm.s32 @!p0 $0x1C04  }
0x139: {  	[timem:s3], [sflag:s2] =	dma.local @!p0 [hbm:s0], s1  }
0x13a: {  	s0 =	simm.s32 @!p0 $0x4  }
0x13b: {  	_ =	swait.ge @!p0 [sflag:s0], s1  }
0x13c: {  	s1 =	ssub.s32 @!p0 $0x0, s1;
	[sflag:s0] =	ssyncset.done @!p0 $0x0  }
0x13d: {  	[sflag:s0] =	ssyncadd.s32 @!p0 s1  }
0x13e: {  	[bflag:$0x3] =	sbarrier.arrive $0xFFFF  }
0x13f: {  	_ =	shalt  }

</sc_bundles>
